<compile_context>
chip_gen: v7x
topology: tpu7x:2x2x1
jax: 0.10.2.dev20260603
libtpu: 0.0.44.dev20260713+nightly
codegen_flags: <defaults>
</compile_context>

<pallas_src>
import functools

import jax
import jax.numpy as jnp
from jax import lax
from jax.experimental import pallas as pl
from jax.experimental.pallas import tpu as pltpu
from jax.experimental.pallas import tpu_sc as plsc

NODE_DIM = 64
EDGE_DIM = 32
NC = 2
NS = 16
NW = NC * NS
B = 16384
S = 50
CBW = B // 128 // NW


CQ = 2


def _phase(idxT_hbm, tab_hbm, out_hbm, gsem, ssem, wid, dim):
    nrb = dim // 8
    cb_lo = wid * CBW
    ntask = S * CBW // CQ
    iota = lax.broadcasted_iota(jnp.int32, (16,), 0)

    def scoped(idx_all, rows, trows):
        pltpu.sync_copy(idxT_hbm.at[:, pl.ds(cb_lo * 128, CBW * 128)],
                        idx_all)

        def fire(t, b):
            s = t // (CBW // CQ)
            q = t % (CBW // CQ)
            pltpu.async_copy(
                tab_hbm.at[idx_all.at[s, pl.ds(q * CQ * 128, CQ * 128)]],
                rows.at[b], gsem.at[b])

        def drain_gather(b):
            pltpu.make_async_copy(tab_hbm.at[pl.ds(0, CQ * 128)],
                                  rows.at[b], gsem.at[b]).wait()

        def process(t, b):
            drain_gather(b)

            def d_body(d, carry):
                dv = d + iota
                dv = jnp.where(dv >= dim, dv - dim, dv)
                rbv = dv // 8
                riv = dv - rbv * 8
                for cq in range(CQ):
                    cqv = jnp.full((16,), 0, jnp.int32) + cq
                    for g in range(8):
                        rv = iota + g * 16
                        v = plsc.load_gather(rows.at[b],
                                             [rv + cq * 128, dv])
                        plsc.store_scatter(trows.at[b],
                                           [rbv, cqv, riv, rv], v)
                return carry

            lax.fori_loop(0, dim, d_body, 0)
            s = t // (CBW // CQ)
            q = t % (CBW // CQ)
            pltpu.async_copy(
                trows.at[b],
                out_hbm.at[s, :, pl.ds(cb_lo + q * CQ, CQ)], ssem.at[b])

        def drain_store(b):
            pltpu.make_async_copy(trows.at[b],
                                  out_hbm.at[0, :, pl.ds(cb_lo, CQ)],
                                  ssem.at[b]).wait()

        fire(0, 0)

        def body(j, carry):
            @pl.when(j >= 1)
            def _():
                drain_store(1)
            fire(2 * j + 1, 1)
            process(2 * j, 0)

            @pl.when(j + 1 < ntask // 2)
            def _():
                drain_store(0)
                fire(2 * j + 2, 0)
            process(2 * j + 1, 1)
            return carry

        lax.fori_loop(0, ntask // 2, body, 0)
        drain_store(0)
        drain_store(1)

    pl.run_scoped(
        scoped,
        idx_all=pltpu.VMEM((S, CBW * 128), jnp.int32),
        rows=pltpu.VMEM((2, CQ * 128, dim), jnp.float32),
        trows=pltpu.VMEM((2, nrb, CQ, 8, 128), jnp.float32),
    )


def _gather_body(idxT_hbm, tab_hbm, out_hbm, gsem, ssem, dim):
    wid = lax.axis_index("s") * NC + lax.axis_index("c")
    _phase(idxT_hbm, tab_hbm, out_hbm, gsem, ssem, wid, dim)


def _sc_call(idx_t, tab, dim):
    mesh = plsc.VectorSubcoreMesh(core_axis_name="c", subcore_axis_name="s")
    run = pl.kernel(
        functools.partial(_gather_body, dim=dim),
        out_type=jax.ShapeDtypeStruct((S, dim // 8, B // 128, 8, 128),
                                      jnp.float32),
        mesh=mesh,
        scratch_types=[
            pltpu.SemaphoreType.DMA((2,)),
            pltpu.SemaphoreType.DMA((2,)),
        ],
        compiler_params=pltpu.CompilerParams(use_tc_tiling_on_sc=False,
                                             needs_layout_passes=False),
    )
    return run(idx_t, tab)


@jax.jit
def _run(nodes, edges, node_table, edge_table):
    nodes_t = jnp.transpose(nodes)
    edges_t = jnp.transpose(edges)

    o4n = _sc_call(nodes_t, node_table, NODE_DIM)
    o4e = _sc_call(edges_t, edge_table, EDGE_DIM)

    out_n = jnp.transpose(o4n, (2, 4, 0, 1, 3)).reshape(B, S, NODE_DIM)
    out_e = jnp.transpose(o4e, (2, 4, 0, 1, 3)).reshape(B, S, EDGE_DIM)
    return out_n, out_e


def kernel(nodes, edges, node_table, edge_table):
    return _run(nodes, edges, node_table, edge_table)

# --- scband reference (transcript-rebuilt; emitter-appended) ---
"""Pipeline reference for scband-naive-embedding-73710228734671 (READ-ONLY COPY).

The authoritative reference and input builder live on the scoring server;
editing this copy changes nothing except your own understanding.
"""

import jax, jax.numpy as jnp
import numpy as np

NUM_NODES = 100000
NUM_EDGES = 1000000
NODE_DIM = 64
EDGE_DIM = 32


def setup_inputs(seed: int = 0) -> dict:
    key = jax.random.key(seed)
    k1, k2, k3, k4 = jax.random.split(key, 4)
    nodes = jax.random.randint(k1, (16384, 50), 0, NUM_NODES, dtype=jnp.int64 if jax.config.jax_enable_x64 else jnp.int32)
    edges = jax.random.randint(k2, (16384, 50), 0, NUM_EDGES, dtype=jnp.int64 if jax.config.jax_enable_x64 else jnp.int32)
    # nn.Embedding default init: N(0, 1)
    node_table = jax.random.normal(k3, (NUM_NODES, NODE_DIM), dtype=jnp.float32)
    edge_table = jax.random.normal(k4, (NUM_EDGES, EDGE_DIM), dtype=jnp.float32)
    return {"nodes": nodes, "edges": edges, "node_table": node_table, "edge_table": edge_table}


def reference(nodes, edges, node_table, edge_table):
    nodes_embeddings = jnp.take(node_table, nodes, axis=0)
    edges_embeddings = jnp.take(edge_table, edges, axis=0)
    return (nodes_embeddings, edges_embeddings)

if __name__ == "__main__":
    import jax
    _d = setup_inputs()
    print(jax.jit(kernel)(*tuple(_d.values())))

</pallas_src>

<mosaic_0001>
#map = affine_map<(d0, d1) -> (0, 0)>
#map1 = affine_map<(d0, d1) -> (0, 0, 0, 0, 0)>
module attributes {stable_mosaic.version = 14 : i64} {
  func.func @_gather_body(%arg0: i32, %arg1: i32, %arg2: memref<50x16384xi32, #tpu.memory_space<hbm>>, %arg3: memref<1000000x32xf32, #tpu.memory_space<hbm>>, %arg4: memref<50x4x128x8x128xf32, #tpu.memory_space<hbm>>, %arg5: memref<2x!tpu.dma_semaphore, #tpu.memory_space<semaphore_mem>>, %arg6: memref<2x!tpu.dma_semaphore, #tpu.memory_space<semaphore_mem>>) attributes {dimension_semantics = [#tpu.dimension_semantics<core_parallel>, #tpu.dimension_semantics<subcore_parallel>], iteration_bounds = array<i64: 2, 16>, scalar_prefetch = 0 : i64, scratch_operands = 2 : i64, tpu.core_type = #tpu.core_type<sc_vector_subcore>, window_params = [{transform_indices = #map}, {transform_indices = #map}, {transform_indices = #map1}]} {
    %mul3A = arith.constant 2 : i32
    %mul3A_0 = arith.muli %arg1, %mul3A : i32
    %add3A = arith.addi %mul3A_0, %arg0 : i32
    %mul3A_1 = arith.constant 4 : i32
    %mul3A_2 = arith.muli %add3A, %mul3A_1 : i32
    %iota3A = tpu.iota {dimensions = array<i32: 0>} : vector<16xi32>
    "tpu.region"() ({
      %run_scoped3A = memref.alloca() : memref<50x512xi32, #tpu.memory_space<vmem>>
      %run_scoped3A_3 = memref.alloca() : memref<2x256x32xf32, #tpu.memory_space<vmem>>
      %run_scoped3A_4 = memref.alloca() : memref<2x4x2x8x128xf32, #tpu.memory_space<vmem>>
      %mul3A_5 = arith.constant 128 : i32
      %mul3A_6 = arith.muli %mul3A_2, %mul3A_5 : i32
      "tpu.region"() ({
        %run_scoped3A_79 = tpu.sem_alloc : memref<!tpu.dma_semaphore, #tpu.memory_space<semaphore_mem>>
        %dma_start3A_80 = arith.constant 0 : i32
        %dma_start3A_81 = tpu.memref_slice %arg2[%dma_start3A_80, %mul3A_6] : memref<50x16384xi32, #tpu.memory_space<hbm>> -> memref<50x512xi32, #tpu.memory_space<hbm>>
        %dma_start3A_82 = arith.constant 0 : i32
        %dma_start3A_83 = tpu.memref_slice %arg2[%dma_start3A_82, %mul3A_6] : memref<50x16384xi32, #tpu.memory_space<hbm>> -> memref<50x512xi32, #tpu.memory_space<hbm>>
        tpu.enqueue_dma source(%dma_start3A_83 : memref<50x512xi32, #tpu.memory_space<hbm>>) target(%run_scoped3A : memref<50x512xi32, #tpu.memory_space<vmem>>) target_semaphore(%run_scoped3A_79 : memref<!tpu.dma_semaphore, #tpu.memory_space<semaphore_mem>>)
        %dma_wait3A_84 = arith.constant 0 : i32
        %dma_wait3A_85 = tpu.memref_slice %arg2[%dma_wait3A_84, %mul3A_6] : memref<50x16384xi32, #tpu.memory_space<hbm>> -> memref<50x512xi32, #tpu.memory_space<hbm>>
        %dma_wait3A_86 = arith.constant 0 : i32
        %dma_wait3A_87 = tpu.memref_slice %arg2[%dma_wait3A_86, %mul3A_6] : memref<50x16384xi32, #tpu.memory_space<hbm>> -> memref<50x512xi32, #tpu.memory_space<hbm>>
        tpu.wait_dma2 semaphore(%run_scoped3A_79 : memref<!tpu.dma_semaphore, #tpu.memory_space<semaphore_mem>>) src(%dma_wait3A_87 : memref<50x512xi32, #tpu.memory_space<hbm>>) dst(%run_scoped3A : memref<50x512xi32, #tpu.memory_space<vmem>>)
        tpu.yield
      }) : () -> ()
      %dma_start3A = arith.constant 0 : i32
      %dma_start3A_7 = arith.constant 0 : i32
      %dma_start3A_8 = arith.constant 0 : i32
      %dma_start3A_9 = arith.constant 0 : i32
      %dma_start3A_10 = arith.constant 0 : i32
      %dma_start3A_11 = tpu.memref_slice %run_scoped3A_3[%dma_start3A_7, %dma_start3A_9, %dma_start3A_10] : memref<2x256x32xf32, #tpu.memory_space<vmem>> -> memref<1x256x32xf32, #tpu.memory_space<vmem>>
      %dma_start3A_12 = tpu.memref_squeeze %dma_start3A_11 : memref<1x256x32xf32, #tpu.memory_space<vmem>> -> memref<256x32xf32, #tpu.memory_space<vmem>>
      %dma_start3A_13 = arith.constant 0 : i32
      %dma_start3A_14 = tpu.memref_slice %run_scoped3A[%dma_start3A, %dma_start3A_13] : memref<50x512xi32, #tpu.memory_space<vmem>> -> memref<1x256xi32, #tpu.memory_space<vmem>>
      %dma_start3A_15 = tpu.memref_squeeze %dma_start3A_14 : memref<1x256xi32, #tpu.memory_space<vmem>> -> memref<256xi32, #tpu.memory_space<vmem>>
      %dma_start3A_16 = arith.constant 0 : i32
      %dma_start3A_17 = arith.constant 0 : i32
      %dma_start3A_18 = tpu.memref_slice %arg3[%dma_start3A_16, %dma_start3A_17] : memref<1000000x32xf32, #tpu.memory_space<hbm>> -> memref<1000000x32xf32, #tpu.memory_space<hbm>>
      %dma_start3A_19 = tpu.memref_slice %arg5[%dma_start3A_8] : memref<2x!tpu.dma_semaphore, #tpu.memory_space<semaphore_mem>> -> memref<1x!tpu.dma_semaphore, #tpu.memory_space<semaphore_mem>>
      %dma_start3A_20 = tpu.memref_squeeze %dma_start3A_19 : memref<1x!tpu.dma_semaphore, #tpu.memory_space<semaphore_mem>> -> memref<!tpu.dma_semaphore, #tpu.memory_space<semaphore_mem>>
      tpu.enqueue_indirect_dma source(%dma_start3A_18 : memref<1000000x32xf32, #tpu.memory_space<hbm>>) target(%dma_start3A_12 : memref<256x32xf32, #tpu.memory_space<vmem>>) offsets(%dma_start3A_15 : memref<256xi32, #tpu.memory_space<vmem>>) semaphore(%dma_start3A_20 : memref<!tpu.dma_semaphore, #tpu.memory_space<semaphore_mem>>)
      %scan3A = arith.constant 0 : i32
      %scan3A_21 = arith.constant 0 : i32
      %scan3A_22 = arith.constant 50 : i32
      %scan3A_23 = arith.addi %scan3A_21, %scan3A_22 : i32
      %scan3A_24 = arith.constant 1 : i32
      scf.for %scan3A_79 = %scan3A_21 to %scan3A_23 step %scan3A_24  : i32 {
        %ge3A = arith.constant 1 : i32
        %ge3A_80 = arith.cmpi sge, %scan3A_79, %ge3A : i32
        %convert_element_type3A = arith.extui %ge3A_80 : i1 to i32
        %cond3A = arith.constant 0 : i32
        %cond3A_81 = arith.cmpi ne, %convert_element_type3A, %cond3A : i32
        scf.if %cond3A_81 {
          %dma_wait3A_332 = arith.constant 1 : i32
          %dma_wait3A_333 = arith.constant 0 : i32
          %dma_wait3A_334 = arith.constant 1 : i32
          %dma_wait3A_335 = arith.constant 0 : i32
          %dma_wait3A_336 = arith.constant 0 : i32
          %dma_wait3A_337 = arith.constant 0 : i32
          %dma_wait3A_338 = arith.constant 0 : i32
          %dma_wait3A_339 = tpu.memref_slice %run_scoped3A_4[%dma_wait3A_332, %dma_wait3A_335, %dma_wait3A_336, %dma_wait3A_337, %dma_wait3A_338] : memref<2x4x2x8x128xf32, #tpu.memory_space<vmem>> -> memref<1x4x2x8x128xf32, #tpu.memory_space<vmem>>
          %dma_wait3A_340 = tpu.memref_squeeze %dma_wait3A_339 : memref<1x4x2x8x128xf32, #tpu.memory_space<vmem>> -> memref<4x2x8x128xf32, #tpu.memory_space<vmem>>
          %dma_wait3A_341 = arith.constant 0 : i32
          %dma_wait3A_342 = arith.constant 0 : i32
          %dma_wait3A_343 = arith.constant 0 : i32
          %dma_wait3A_344 = tpu.memref_slice %arg4[%dma_wait3A_333, %dma_wait3A_341, %mul3A_2, %dma_wait3A_342, %dma_wait3A_343] : memref<50x4x128x8x128xf32, #tpu.memory_space<hbm>> -> memref<1x4x2x8x128xf32, #tpu.memory_space<hbm>>
          %dma_wait3A_345 = tpu.memref_squeeze %dma_wait3A_344 : memref<1x4x2x8x128xf32, #tpu.memory_space<hbm>> -> memref<4x2x8x128xf32, #tpu.memory_space<hbm>>
          %dma_wait3A_346 = tpu.memref_slice %arg6[%dma_wait3A_334] : memref<2x!tpu.dma_semaphore, #tpu.memory_space<semaphore_mem>> -> memref<1x!tpu.dma_semaphore, #tpu.memory_space<semaphore_mem>>
          %dma_wait3A_347 = tpu.memref_squeeze %dma_wait3A_346 : memref<1x!tpu.dma_semaphore, #tpu.memory_space<semaphore_mem>> -> memref<!tpu.dma_semaphore, #tpu.memory_space<semaphore_mem>>
          %dma_wait3A_348 = arith.constant 0 : i32
          %dma_wait3A_349 = arith.constant 0 : i32
          %dma_wait3A_350 = arith.constant 0 : i32
          %dma_wait3A_351 = tpu.memref_slice %arg4[%dma_wait3A_333, %dma_wait3A_348, %mul3A_2, %dma_wait3A_349, %dma_wait3A_350] : memref<50x4x128x8x128xf32, #tpu.memory_space<hbm>> -> memref<1x4x2x8x128xf32, #tpu.memory_space<hbm>>
          %dma_wait3A_352 = tpu.memref_squeeze %dma_wait3A_351 : memref<1x4x2x8x128xf32, #tpu.memory_space<hbm>> -> memref<4x2x8x128xf32, #tpu.memory_space<hbm>>
          %dma_wait3A_353 = arith.constant 0 : i32
          %dma_wait3A_354 = arith.constant 0 : i32
          %dma_wait3A_355 = arith.constant 0 : i32
          %dma_wait3A_356 = arith.constant 0 : i32
          %dma_wait3A_357 = tpu.memref_slice %run_scoped3A_4[%dma_wait3A_332, %dma_wait3A_353, %dma_wait3A_354, %dma_wait3A_355, %dma_wait3A_356] : memref<2x4x2x8x128xf32, #tpu.memory_space<vmem>> -> memref<1x4x2x8x128xf32, #tpu.memory_space<vmem>>
          %dma_wait3A_358 = tpu.memref_squeeze %dma_wait3A_357 : memref<1x4x2x8x128xf32, #tpu.memory_space<vmem>> -> memref<4x2x8x128xf32, #tpu.memory_space<vmem>>
          tpu.wait_dma2 semaphore(%dma_wait3A_347 : memref<!tpu.dma_semaphore, #tpu.memory_space<semaphore_mem>>) src(%dma_wait3A_358 : memref<4x2x8x128xf32, #tpu.memory_space<vmem>>) dst(%dma_wait3A_352 : memref<4x2x8x128xf32, #tpu.memory_space<hbm>>)
        } else {
        }
        %mul3A_82 = arith.constant 2 : i32
        %mul3A_83 = arith.muli %mul3A_82, %scan3A_79 : i32
        %add3A_84 = arith.constant 1 : i32
        %add3A_85 = arith.addi %mul3A_83, %add3A_84 : i32
        %jit3A = arith.constant 2 : i32
        %div3A = arith.divsi %add3A_85, %jit3A : i32
        %sign3A = arith.constant 0 : i32
        %sign3A_86 = arith.cmpi sgt, %add3A_85, %sign3A : i32
        %sign3A_87 = arith.extui %sign3A_86 : i1 to i32
        %sign3A_88 = arith.constant 0 : i32
        %sign3A_89 = arith.cmpi slt, %add3A_85, %sign3A_88 : i32
        %sign3A_90 = arith.extui %sign3A_89 : i1 to i32
        %sign3A_91 = arith.subi %sign3A_87, %sign3A_90 : i32
        %sign3A_92 = arith.constant 0 : i32
        %sign3A_93 = arith.cmpi sgt, %jit3A, %sign3A_92 : i32
        %sign3A_94 = arith.extui %sign3A_93 : i1 to i32
        %sign3A_95 = arith.constant 0 : i32
        %sign3A_96 = arith.cmpi slt, %jit3A, %sign3A_95 : i32
        %sign3A_97 = arith.extui %sign3A_96 : i1 to i32
        %sign3A_98 = arith.subi %sign3A_94, %sign3A_97 : i32
        %ne3A = arith.cmpi ne, %sign3A_91, %sign3A_98 : i32
        %rem3A = arith.remsi %add3A_85, %jit3A : i32
        %ne3A_99 = arith.constant 0 : i32
        %ne3A_100 = arith.cmpi ne, %rem3A, %ne3A_99 : i32
        %and3A = arith.andi %ne3A, %ne3A_100 : i1
        %sub3A = arith.constant 1 : i32
        %sub3A_101 = arith.subi %div3A, %sub3A : i32
        %select_n3A = arith.select %and3A, %sub3A_101, %div3A : i32
        %jit3A_102 = arith.constant 2 : i32
        %eq3A = arith.constant 0 : i32
        %eq3A_103 = arith.cmpi eq, %jit3A_102, %eq3A : i32
        %jit3A_104 = arith.constant 1 : i32
        %select_n3A_105 = arith.select %eq3A_103, %jit3A_104, %jit3A_102 : i32
        %rem3A_106 = arith.remsi %add3A_85, %select_n3A_105 : i32
        %ne3A_107 = arith.constant 0 : i32
        %ne3A_108 = arith.cmpi ne, %rem3A_106, %ne3A_107 : i32
        %lt3A = arith.constant 0 : i32
        %lt3A_109 = arith.cmpi slt, %rem3A_106, %lt3A : i32
        %lt3A_110 = arith.constant 0 : i32
        %lt3A_111 = arith.cmpi slt, %select_n3A_105, %lt3A_110 : i32
        %ne3A_112 = arith.xori %lt3A_109, %lt3A_111 : i1
        %and3A_113 = arith.andi %ne3A_112, %ne3A_108 : i1
        %add3A_114 = arith.addi %rem3A_106, %select_n3A_105 : i32
        %select_n3A_115 = arith.select %and3A_113, %add3A_114, %rem3A_106 : i32
        %mul3A_116 = arith.constant 2 : i32
        %mul3A_117 = arith.muli %select_n3A_115, %mul3A_116 : i32
        %mul3A_118 = arith.constant 128 : i32
        %mul3A_119 = arith.muli %mul3A_117, %mul3A_118 : i32
        %dma_start3A_120 = arith.constant 1 : i32
        %dma_start3A_121 = arith.constant 1 : i32
        %dma_start3A_122 = arith.constant 0 : i32
        %dma_start3A_123 = arith.constant 0 : i32
        %dma_start3A_124 = tpu.memref_slice %run_scoped3A_3[%dma_start3A_120, %dma_start3A_122, %dma_start3A_123] : memref<2x256x32xf32, #tpu.memory_space<vmem>> -> memref<1x256x32xf32, #tpu.memory_space<vmem>>
        %dma_start3A_125 = tpu.memref_squeeze %dma_start3A_124 : memref<1x256x32xf32, #tpu.memory_space<vmem>> -> memref<256x32xf32, #tpu.memory_space<vmem>>
        %dma_start3A_126 = tpu.memref_slice %run_scoped3A[%select_n3A, %mul3A_119] : memref<50x512xi32, #tpu.memory_space<vmem>> -> memref<1x256xi32, #tpu.memory_space<vmem>>
        %dma_start3A_127 = tpu.memref_squeeze %dma_start3A_126 : memref<1x256xi32, #tpu.memory_space<vmem>> -> memref<256xi32, #tpu.memory_space<vmem>>
        %dma_start3A_128 = arith.constant 0 : i32
        %dma_start3A_129 = arith.constant 0 : i32
        %dma_start3A_130 = tpu.memref_slice %arg3[%dma_start3A_128, %dma_start3A_129] : memref<1000000x32xf32, #tpu.memory_space<hbm>> -> memref<1000000x32xf32, #tpu.memory_space<hbm>>
        %dma_start3A_131 = tpu.memref_slice %arg5[%dma_start3A_121] : memref<2x!tpu.dma_semaphore, #tpu.memory_space<semaphore_mem>> -> memref<1x!tpu.dma_semaphore, #tpu.memory_space<semaphore_mem>>
        %dma_start3A_132 = tpu.memref_squeeze %dma_start3A_131 : memref<1x!tpu.dma_semaphore, #tpu.memory_space<semaphore_mem>> -> memref<!tpu.dma_semaphore, #tpu.memory_space<semaphore_mem>>
        tpu.enqueue_indirect_dma source(%dma_start3A_130 : memref<1000000x32xf32, #tpu.memory_space<hbm>>) target(%dma_start3A_125 : memref<256x32xf32, #tpu.memory_space<vmem>>) offsets(%dma_start3A_127 : memref<256xi32, #tpu.memory_space<vmem>>) semaphore(%dma_start3A_132 : memref<!tpu.dma_semaphore, #tpu.memory_space<semaphore_mem>>)
        %mul3A_133 = arith.constant 2 : i32
        %mul3A_134 = arith.muli %mul3A_133, %scan3A_79 : i32
        %dma_wait3A_135 = arith.constant 0 : i32
        %dma_wait3A_136 = arith.constant 0 : i32
        %dma_wait3A_137 = arith.constant 0 : i32
        %dma_wait3A_138 = arith.constant 0 : i32
        %dma_wait3A_139 = tpu.memref_slice %run_scoped3A_3[%dma_wait3A_135, %dma_wait3A_137, %dma_wait3A_138] : memref<2x256x32xf32, #tpu.memory_space<vmem>> -> memref<1x256x32xf32, #tpu.memory_space<vmem>>
        %dma_wait3A_140 = tpu.memref_squeeze %dma_wait3A_139 : memref<1x256x32xf32, #tpu.memory_space<vmem>> -> memref<256x32xf32, #tpu.memory_space<vmem>>
        %dma_wait3A_141 = arith.constant 0 : i32
        %dma_wait3A_142 = arith.constant 0 : i32
        %dma_wait3A_143 = tpu.memref_slice %arg3[%dma_wait3A_141, %dma_wait3A_142] : memref<1000000x32xf32, #tpu.memory_space<hbm>> -> memref<256x32xf32, #tpu.memory_space<hbm>>
        %dma_wait3A_144 = tpu.memref_slice %arg5[%dma_wait3A_136] : memref<2x!tpu.dma_semaphore, #tpu.memory_space<semaphore_mem>> -> memref<1x!tpu.dma_semaphore, #tpu.memory_space<semaphore_mem>>
        %dma_wait3A_145 = tpu.memref_squeeze %dma_wait3A_144 : memref<1x!tpu.dma_semaphore, #tpu.memory_space<semaphore_mem>> -> memref<!tpu.dma_semaphore, #tpu.memory_space<semaphore_mem>>
        %dma_wait3A_146 = arith.constant 0 : i32
        %dma_wait3A_147 = arith.constant 0 : i32
        %dma_wait3A_148 = tpu.memref_slice %run_scoped3A_3[%dma_wait3A_135, %dma_wait3A_146, %dma_wait3A_147] : memref<2x256x32xf32, #tpu.memory_space<vmem>> -> memref<1x256x32xf32, #tpu.memory_space<vmem>>
        %dma_wait3A_149 = tpu.memref_squeeze %dma_wait3A_148 : memref<1x256x32xf32, #tpu.memory_space<vmem>> -> memref<256x32xf32, #tpu.memory_space<vmem>>
        %dma_wait3A_150 = arith.constant 0 : i32
        %dma_wait3A_151 = arith.constant 0 : i32
        %dma_wait3A_152 = tpu.memref_slice %arg3[%dma_wait3A_150, %dma_wait3A_151] : memref<1000000x32xf32, #tpu.memory_space<hbm>> -> memref<256x32xf32, #tpu.memory_space<hbm>>
        tpu.wait_dma2 semaphore(%dma_wait3A_145 : memref<!tpu.dma_semaphore, #tpu.memory_space<semaphore_mem>>) src(%dma_wait3A_152 : memref<256x32xf32, #tpu.memory_space<hbm>>) dst(%dma_wait3A_149 : memref<256x32xf32, #tpu.memory_space<vmem>>)
        %scan3A_153 = arith.constant 0 : i32
        %scan3A_154 = arith.constant 0 : i32
        %scan3A_155 = arith.constant 32 : i32
        %scan3A_156 = arith.addi %scan3A_154, %scan3A_155 : i32
        %scan3A_157 = arith.constant 1 : i32
        scf.for %scan3A_332 = %scan3A_154 to %scan3A_156 step %scan3A_157  : i32 {
          %add3A_333 = vector.broadcast %scan3A_332 : i32 to vector<16xi32>
          %add3A_334 = arith.addi %add3A_333, %iota3A : vector<16xi32>
          %ge3A_335 = arith.constant 32 : i32
          %ge3A_336 = vector.broadcast %ge3A_335 : i32 to vector<16xi32>
          %ge3A_337 = arith.cmpi sge, %add3A_334, %ge3A_336 : vector<16xi32>
          %sub3A_338 = arith.constant 32 : i32
          %sub3A_339 = vector.broadcast %sub3A_338 : i32 to vector<16xi32>
          %sub3A_340 = arith.subi %add3A_334, %sub3A_339 : vector<16xi32>
          %select_n3A_341 = arith.select %ge3A_337, %sub3A_340, %add3A_334 : vector<16xi1>, vector<16xi32>
          %jit3A_342 = arith.constant 8 : i32
          %div3A_343 = vector.broadcast %jit3A_342 : i32 to vector<16xi32>
          %div3A_344 = arith.divsi %select_n3A_341, %div3A_343 : vector<16xi32>
          %sign3A_345 = arith.constant 0 : i32
          %sign3A_346 = vector.broadcast %sign3A_345 : i32 to vector<16xi32>
          %sign3A_347 = arith.cmpi sgt, %select_n3A_341, %sign3A_346 : vector<16xi32>
          %sign3A_348 = arith.extui %sign3A_347 : vector<16xi1> to vector<16xi32>
          %sign3A_349 = arith.constant 0 : i32
          %sign3A_350 = vector.broadcast %sign3A_349 : i32 to vector<16xi32>
          %sign3A_351 = arith.cmpi slt, %select_n3A_341, %sign3A_350 : vector<16xi32>
          %sign3A_352 = arith.extui %sign3A_351 : vector<16xi1> to vector<16xi32>
          %sign3A_353 = arith.subi %sign3A_348, %sign3A_352 : vector<16xi32>
          %sign3A_354 = arith.constant 0 : i32
          %sign3A_355 = arith.cmpi sgt, %jit3A_342, %sign3A_354 : i32
          %sign3A_356 = arith.extui %sign3A_355 : i1 to i32
          %sign3A_357 = arith.constant 0 : i32
          %sign3A_358 = arith.cmpi slt, %jit3A_342, %sign3A_357 : i32
          %sign3A_359 = arith.extui %sign3A_358 : i1 to i32
          %sign3A_360 = arith.subi %sign3A_356, %sign3A_359 : i32
          %ne3A_361 = vector.broadcast %sign3A_360 : i32 to vector<16xi32>
          %ne3A_362 = arith.cmpi ne, %sign3A_353, %ne3A_361 : vector<16xi32>
          %rem3A_363 = vector.broadcast %jit3A_342 : i32 to vector<16xi32>
          %rem3A_364 = arith.remsi %select_n3A_341, %rem3A_363 : vector<16xi32>
          %ne3A_365 = arith.constant 0 : i32
          %ne3A_366 = vector.broadcast %ne3A_365 : i32 to vector<16xi32>
          %ne3A_367 = arith.cmpi ne, %rem3A_364, %ne3A_366 : vector<16xi32>
          %and3A_368 = arith.andi %ne3A_362, %ne3A_367 : vector<16xi1>
          %sub3A_369 = arith.constant 1 : i32
          %sub3A_370 = vector.broadcast %sub3A_369 : i32 to vector<16xi32>
          %sub3A_371 = arith.subi %div3A_344, %sub3A_370 : vector<16xi32>
          %select_n3A_372 = arith.select %and3A_368, %sub3A_371, %div3A_344 : vector<16xi1>, vector<16xi32>
          %mul3A_373 = arith.constant 8 : i32
          %mul3A_374 = vector.broadcast %mul3A_373 : i32 to vector<16xi32>
          %mul3A_375 = arith.muli %select_n3A_372, %mul3A_374 : vector<16xi32>
          %sub3A_376 = arith.subi %select_n3A_341, %mul3A_375 : vector<16xi32>
          %broadcast_in_dim3A = arith.constant 0 : i32
          %broadcast_in_dim3A_377 = vector.broadcast %broadcast_in_dim3A : i32 to vector<16xi32>
          %add3A_378 = arith.constant 0 : i32
          %add3A_379 = vector.broadcast %add3A_378 : i32 to vector<16xi32>
          %add3A_380 = arith.addi %broadcast_in_dim3A_377, %add3A_379 : vector<16xi32>
          %add3A_381 = arith.constant 0 : i32
          %add3A_382 = vector.broadcast %add3A_381 : i32 to vector<16xi32>
          %add3A_383 = arith.addi %iota3A, %add3A_382 : vector<16xi32>
          %add3A_384 = arith.constant 0 : i32
          %add3A_385 = vector.broadcast %add3A_384 : i32 to vector<16xi32>
          %add3A_386 = arith.addi %add3A_383, %add3A_385 : vector<16xi32>
          %gather3A = arith.constant 0 : i32
          %gather3A_387 = arith.constant 0 : i32
          %gather3A_388 = arith.constant 0 : i32
          %gather3A_389 = tpu.memref_slice %run_scoped3A_3[%gather3A, %gather3A_387, %gather3A_388] : memref<2x256x32xf32, #tpu.memory_space<vmem>> -> memref<1x256x32xf32, #tpu.memory_space<vmem>>
          %gather3A_390 = tpu.memref_squeeze %gather3A_389 : memref<1x256x32xf32, #tpu.memory_space<vmem>> -> memref<256x32xf32, #tpu.memory_space<vmem>>
          %gather3A_391 = tpu.vector_load_idx %gather3A_390[%add3A_386, %select_n3A_341] : memref<256x32xf32, #tpu.memory_space<vmem>>[vector<16xi32>, vector<16xi32>], vector<16xf32>,
          %scatter3A = arith.constant 0 : i32
          %scatter3A_392 = arith.constant 0 : i32
          %scatter3A_393 = arith.constant 0 : i32
          %scatter3A_394 = arith.constant 0 : i32
          %scatter3A_395 = arith.constant 0 : i32
          %scatter3A_396 = tpu.memref_slice %run_scoped3A_4[%scatter3A, %scatter3A_392, %scatter3A_393, %scatter3A_394, %scatter3A_395] : memref<2x4x2x8x128xf32, #tpu.memory_space<vmem>> -> memref<1x4x2x8x128xf32, #tpu.memory_space<vmem>>
          %scatter3A_397 = tpu.memref_squeeze %scatter3A_396 : memref<1x4x2x8x128xf32, #tpu.memory_space<vmem>> -> memref<4x2x8x128xf32, #tpu.memory_space<vmem>>
          tpu.vector_store_idx %scatter3A_397[%select_n3A_372, %add3A_380, %sub3A_376, %add3A_383], %gather3A_391 : memref<4x2x8x128xf32, #tpu.memory_space<vmem>>[vector<16xi32>, vector<16xi32>, vector<16xi32>, vector<16xi32>], vector<16xf32>,
          %add3A_398 = arith.constant 16 : i32
          %add3A_399 = vector.broadcast %add3A_398 : i32 to vector<16xi32>
          %add3A_400 = arith.addi %iota3A, %add3A_399 : vector<16xi32>
          %add3A_401 = arith.constant 0 : i32
          %add3A_402 = vector.broadcast %add3A_401 : i32 to vector<16xi32>
          %add3A_403 = arith.addi %add3A_400, %add3A_402 : vector<16xi32>
          %gather3A_404 = arith.constant 0 : i32
          %gather3A_405 = arith.constant 0 : i32
          %gather3A_406 = arith.constant 0 : i32
          %gather3A_407 = tpu.memref_slice %run_scoped3A_3[%gather3A_404, %gather3A_405, %gather3A_406] : memref<2x256x32xf32, #tpu.memory_space<vmem>> -> memref<1x256x32xf32, #tpu.memory_space<vmem>>
          %gather3A_408 = tpu.memref_squeeze %gather3A_407 : memref<1x256x32xf32, #tpu.memory_space<vmem>> -> memref<256x32xf32, #tpu.memory_space<vmem>>
          %gather3A_409 = tpu.vector_load_idx %gather3A_408[%add3A_403, %select_n3A_341] : memref<256x32xf32, #tpu.memory_space<vmem>>[vector<16xi32>, vector<16xi32>], vector<16xf32>,
          %scatter3A_410 = arith.constant 0 : i32
          %scatter3A_411 = arith.constant 0 : i32
          %scatter3A_412 = arith.constant 0 : i32
          %scatter3A_413 = arith.constant 0 : i32
          %scatter3A_414 = arith.constant 0 : i32
          %scatter3A_415 = tpu.memref_slice %run_scoped3A_4[%scatter3A_410, %scatter3A_411, %scatter3A_412, %scatter3A_413, %scatter3A_414] : memref<2x4x2x8x128xf32, #tpu.memory_space<vmem>> -> memref<1x4x2x8x128xf32, #tpu.memory_space<vmem>>
          %scatter3A_416 = tpu.memref_squeeze %scatter3A_415 : memref<1x4x2x8x128xf32, #tpu.memory_space<vmem>> -> memref<4x2x8x128xf32, #tpu.memory_space<vmem>>
          tpu.vector_store_idx %scatter3A_416[%select_n3A_372, %add3A_380, %sub3A_376, %add3A_400], %gather3A_409 : memref<4x2x8x128xf32, #tpu.memory_space<vmem>>[vector<16xi32>, vector<16xi32>, vector<16xi32>, vector<16xi32>], vector<16xf32>,
          %add3A_417 = arith.constant 32 : i32
          %add3A_418 = vector.broadcast %add3A_417 : i32 to vector<16xi32>
          %add3A_419 = arith.addi %iota3A, %add3A_418 : vector<16xi32>
          %add3A_420 = arith.constant 0 : i32
          %add3A_421 = vector.broadcast %add3A_420 : i32 to vector<16xi32>
          %add3A_422 = arith.addi %add3A_419, %add3A_421 : vector<16xi32>
          %gather3A_423 = arith.constant 0 : i32
          %gather3A_424 = arith.constant 0 : i32
          %gather3A_425 = arith.constant 0 : i32
          %gather3A_426 = tpu.memref_slice %run_scoped3A_3[%gather3A_423, %gather3A_424, %gather3A_425] : memref<2x256x32xf32, #tpu.memory_space<vmem>> -> memref<1x256x32xf32, #tpu.memory_space<vmem>>
          %gather3A_427 = tpu.memref_squeeze %gather3A_426 : memref<1x256x32xf32, #tpu.memory_space<vmem>> -> memref<256x32xf32, #tpu.memory_space<vmem>>
          %gather3A_428 = tpu.vector_load_idx %gather3A_427[%add3A_422, %select_n3A_341] : memref<256x32xf32, #tpu.memory_space<vmem>>[vector<16xi32>, vector<16xi32>], vector<16xf32>,
          %scatter3A_429 = arith.constant 0 : i32
          %scatter3A_430 = arith.constant 0 : i32
          %scatter3A_431 = arith.constant 0 : i32
          %scatter3A_432 = arith.constant 0 : i32
          %scatter3A_433 = arith.constant 0 : i32
          %scatter3A_434 = tpu.memref_slice %run_scoped3A_4[%scatter3A_429, %scatter3A_430, %scatter3A_431, %scatter3A_432, %scatter3A_433] : memref<2x4x2x8x128xf32, #tpu.memory_space<vmem>> -> memref<1x4x2x8x128xf32, #tpu.memory_space<vmem>>
          %scatter3A_435 = tpu.memref_squeeze %scatter3A_434 : memref<1x4x2x8x128xf32, #tpu.memory_space<vmem>> -> memref<4x2x8x128xf32, #tpu.memory_space<vmem>>
          tpu.vector_store_idx %scatter3A_435[%select_n3A_372, %add3A_380, %sub3A_376, %add3A_419], %gather3A_428 : memref<4x2x8x128xf32, #tpu.memory_space<vmem>>[vector<16xi32>, vector<16xi32>, vector<16xi32>, vector<16xi32>], vector<16xf32>,
          %add3A_436 = arith.constant 48 : i32
          %add3A_437 = vector.broadcast %add3A_436 : i32 to vector<16xi32>
          %add3A_438 = arith.addi %iota3A, %add3A_437 : vector<16xi32>
          %add3A_439 = arith.constant 0 : i32
          %add3A_440 = vector.broadcast %add3A_439 : i32 to vector<16xi32>
          %add3A_441 = arith.addi %add3A_438, %add3A_440 : vector<16xi32>
          %gather3A_442 = arith.constant 0 : i32
          %gather3A_443 = arith.constant 0 : i32
          %gather3A_444 = arith.constant 0 : i32
          %gather3A_445 = tpu.memref_slice %run_scoped3A_3[%gather3A_442, %gather3A_443, %gather3A_444] : memref<2x256x32xf32, #tpu.memory_space<vmem>> -> memref<1x256x32xf32, #tpu.memory_space<vmem>>
          %gather3A_446 = tpu.memref_squeeze %gather3A_445 : memref<1x256x32xf32, #tpu.memory_space<vmem>> -> memref<256x32xf32, #tpu.memory_space<vmem>>
          %gather3A_447 = tpu.vector_load_idx %gather3A_446[%add3A_441, %select_n3A_341] : memref<256x32xf32, #tpu.memory_space<vmem>>[vector<16xi32>, vector<16xi32>], vector<16xf32>,
          %scatter3A_448 = arith.constant 0 : i32
          %scatter3A_449 = arith.constant 0 : i32
          %scatter3A_450 = arith.constant 0 : i32
          %scatter3A_451 = arith.constant 0 : i32
          %scatter3A_452 = arith.constant 0 : i32
          %scatter3A_453 = tpu.memref_slice %run_scoped3A_4[%scatter3A_448, %scatter3A_449, %scatter3A_450, %scatter3A_451, %scatter3A_452] : memref<2x4x2x8x128xf32, #tpu.memory_space<vmem>> -> memref<1x4x2x8x128xf32, #tpu.memory_space<vmem>>
          %scatter3A_454 = tpu.memref_squeeze %scatter3A_453 : memref<1x4x2x8x128xf32, #tpu.memory_space<vmem>> -> memref<4x2x8x128xf32, #tpu.memory_space<vmem>>
          tpu.vector_store_idx %scatter3A_454[%select_n3A_372, %add3A_380, %sub3A_376, %add3A_438], %gather3A_447 : memref<4x2x8x128xf32, #tpu.memory_space<vmem>>[vector<16xi32>, vector<16xi32>, vector<16xi32>, vector<16xi32>], vector<16xf32>,
          %add3A_455 = arith.constant 64 : i32
          %add3A_456 = vector.broadcast %add3A_455 : i32 to vector<16xi32>
          %add3A_457 = arith.addi %iota3A, %add3A_456 : vector<16xi32>
          %add3A_458 = arith.constant 0 : i32
          %add3A_459 = vector.broadcast %add3A_458 : i32 to vector<16xi32>
          %add3A_460 = arith.addi %add3A_457, %add3A_459 : vector<16xi32>
          %gather3A_461 = arith.constant 0 : i32
          %gather3A_462 = arith.constant 0 : i32
          %gather3A_463 = arith.constant 0 : i32
          %gather3A_464 = tpu.memref_slice %run_scoped3A_3[%gather3A_461, %gather3A_462, %gather3A_463] : memref<2x256x32xf32, #tpu.memory_space<vmem>> -> memref<1x256x32xf32, #tpu.memory_space<vmem>>
          %gather3A_465 = tpu.memref_squeeze %gather3A_464 : memref<1x256x32xf32, #tpu.memory_space<vmem>> -> memref<256x32xf32, #tpu.memory_space<vmem>>
          %gather3A_466 = tpu.vector_load_idx %gather3A_465[%add3A_460, %select_n3A_341] : memref<256x32xf32, #tpu.memory_space<vmem>>[vector<16xi32>, vector<16xi32>], vector<16xf32>,
          %scatter3A_467 = arith.constant 0 : i32
          %scatter3A_468 = arith.constant 0 : i32
          %scatter3A_469 = arith.constant 0 : i32
          %scatter3A_470 = arith.constant 0 : i32
          %scatter3A_471 = arith.constant 0 : i32
          %scatter3A_472 = tpu.memref_slice %run_scoped3A_4[%scatter3A_467, %scatter3A_468, %scatter3A_469, %scatter3A_470, %scatter3A_471] : memref<2x4x2x8x128xf32, #tpu.memory_space<vmem>> -> memref<1x4x2x8x128xf32, #tpu.memory_space<vmem>>
          %scatter3A_473 = tpu.memref_squeeze %scatter3A_472 : memref<1x4x2x8x128xf32, #tpu.memory_space<vmem>> -> memref<4x2x8x128xf32, #tpu.memory_space<vmem>>
          tpu.vector_store_idx %scatter3A_473[%select_n3A_372, %add3A_380, %sub3A_376, %add3A_457], %gather3A_466 : memref<4x2x8x128xf32, #tpu.memory_space<vmem>>[vector<16xi32>, vector<16xi32>, vector<16xi32>, vector<16xi32>], vector<16xf32>,
          %add3A_474 = arith.constant 80 : i32
          %add3A_475 = vector.broadcast %add3A_474 : i32 to vector<16xi32>
          %add3A_476 = arith.addi %iota3A, %add3A_475 : vector<16xi32>
          %add3A_477 = arith.constant 0 : i32
          %add3A_478 = vector.broadcast %add3A_477 : i32 to vector<16xi32>
          %add3A_479 = arith.addi %add3A_476, %add3A_478 : vector<16xi32>
          %gather3A_480 = arith.constant 0 : i32
          %gather3A_481 = arith.constant 0 : i32
          %gather3A_482 = arith.constant 0 : i32
          %gather3A_483 = tpu.memref_slice %run_scoped3A_3[%gather3A_480, %gather3A_481, %gather3A_482] : memref<2x256x32xf32, #tpu.memory_space<vmem>> -> memref<1x256x32xf32, #tpu.memory_space<vmem>>
          %gather3A_484 = tpu.memref_squeeze %gather3A_483 : memref<1x256x32xf32, #tpu.memory_space<vmem>> -> memref<256x32xf32, #tpu.memory_space<vmem>>
          %gather3A_485 = tpu.vector_load_idx %gather3A_484[%add3A_479, %select_n3A_341] : memref<256x32xf32, #tpu.memory_space<vmem>>[vector<16xi32>, vector<16xi32>], vector<16xf32>,
          %scatter3A_486 = arith.constant 0 : i32
          %scatter3A_487 = arith.constant 0 : i32
          %scatter3A_488 = arith.constant 0 : i32
          %scatter3A_489 = arith.constant 0 : i32
          %scatter3A_490 = arith.constant 0 : i32
          %scatter3A_491 = tpu.memref_slice %run_scoped3A_4[%scatter3A_486, %scatter3A_487, %scatter3A_488, %scatter3A_489, %scatter3A_490] : memref<2x4x2x8x128xf32, #tpu.memory_space<vmem>> -> memref<1x4x2x8x128xf32, #tpu.memory_space<vmem>>
          %scatter3A_492 = tpu.memref_squeeze %scatter3A_491 : memref<1x4x2x8x128xf32, #tpu.memory_space<vmem>> -> memref<4x2x8x128xf32, #tpu.memory_space<vmem>>
          tpu.vector_store_idx %scatter3A_492[%select_n3A_372, %add3A_380, %sub3A_376, %add3A_476], %gather3A_485 : memref<4x2x8x128xf32, #tpu.memory_space<vmem>>[vector<16xi32>, vector<16xi32>, vector<16xi32>, vector<16xi32>], vector<16xf32>,
          %add3A_493 = arith.constant 96 : i32
          %add3A_494 = vector.broadcast %add3A_493 : i32 to vector<16xi32>
          %add3A_495 = arith.addi %iota3A, %add3A_494 : vector<16xi32>
          %add3A_496 = arith.constant 0 : i32
          %add3A_497 = vector.broadcast %add3A_496 : i32 to vector<16xi32>
          %add3A_498 = arith.addi %add3A_495, %add3A_497 : vector<16xi32>
          %gather3A_499 = arith.constant 0 : i32
          %gather3A_500 = arith.constant 0 : i32
          %gather3A_501 = arith.constant 0 : i32
          %gather3A_502 = tpu.memref_slice %run_scoped3A_3[%gather3A_499, %gather3A_500, %gather3A_501] : memref<2x256x32xf32, #tpu.memory_space<vmem>> -> memref<1x256x32xf32, #tpu.memory_space<vmem>>
          %gather3A_503 = tpu.memref_squeeze %gather3A_502 : memref<1x256x32xf32, #tpu.memory_space<vmem>> -> memref<256x32xf32, #tpu.memory_space<vmem>>
          %gather3A_504 = tpu.vector_load_idx %gather3A_503[%add3A_498, %select_n3A_341] : memref<256x32xf32, #tpu.memory_space<vmem>>[vector<16xi32>, vector<16xi32>], vector<16xf32>,
          %scatter3A_505 = arith.constant 0 : i32
          %scatter3A_506 = arith.constant 0 : i32
          %scatter3A_507 = arith.constant 0 : i32
          %scatter3A_508 = arith.constant 0 : i32
          %scatter3A_509 = arith.constant 0 : i32
          %scatter3A_510 = tpu.memref_slice %run_scoped3A_4[%scatter3A_505, %scatter3A_506, %scatter3A_507, %scatter3A_508, %scatter3A_509] : memref<2x4x2x8x128xf32, #tpu.memory_space<vmem>> -> memref<1x4x2x8x128xf32, #tpu.memory_space<vmem>>
          %scatter3A_511 = tpu.memref_squeeze %scatter3A_510 : memref<1x4x2x8x128xf32, #tpu.memory_space<vmem>> -> memref<4x2x8x128xf32, #tpu.memory_space<vmem>>
          tpu.vector_store_idx %scatter3A_511[%select_n3A_372, %add3A_380, %sub3A_376, %add3A_495], %gather3A_504 : memref<4x2x8x128xf32, #tpu.memory_space<vmem>>[vector<16xi32>, vector<16xi32>, vector<16xi32>, vector<16xi32>], vector<16xf32>,
          %add3A_512 = arith.constant 112 : i32
          %add3A_513 = vector.broadcast %add3A_512 : i32 to vector<16xi32>
          %add3A_514 = arith.addi %iota3A, %add3A_513 : vector<16xi32>
          %add3A_515 = arith.constant 0 : i32
          %add3A_516 = vector.broadcast %add3A_515 : i32 to vector<16xi32>
          %add3A_517 = arith.addi %add3A_514, %add3A_516 : vector<16xi32>
          %gather3A_518 = arith.constant 0 : i32
          %gather3A_519 = arith.constant 0 : i32
          %gather3A_520 = arith.constant 0 : i32
          %gather3A_521 = tpu.memref_slice %run_scoped3A_3[%gather3A_518, %gather3A_519, %gather3A_520] : memref<2x256x32xf32, #tpu.memory_space<vmem>> -> memref<1x256x32xf32, #tpu.memory_space<vmem>>
          %gather3A_522 = tpu.memref_squeeze %gather3A_521 : memref<1x256x32xf32, #tpu.memory_space<vmem>> -> memref<256x32xf32, #tpu.memory_space<vmem>>
          %gather3A_523 = tpu.vector_load_idx %gather3A_522[%add3A_517, %select_n3A_341] : memref<256x32xf32, #tpu.memory_space<vmem>>[vector<16xi32>, vector<16xi32>], vector<16xf32>,
          %scatter3A_524 = arith.constant 0 : i32
          %scatter3A_525 = arith.constant 0 : i32
          %scatter3A_526 = arith.constant 0 : i32
          %scatter3A_527 = arith.constant 0 : i32
          %scatter3A_528 = arith.constant 0 : i32
          %scatter3A_529 = tpu.memref_slice %run_scoped3A_4[%scatter3A_524, %scatter3A_525, %scatter3A_526, %scatter3A_527, %scatter3A_528] : memref<2x4x2x8x128xf32, #tpu.memory_space<vmem>> -> memref<1x4x2x8x128xf32, #tpu.memory_space<vmem>>
          %scatter3A_530 = tpu.memref_squeeze %scatter3A_529 : memref<1x4x2x8x128xf32, #tpu.memory_space<vmem>> -> memref<4x2x8x128xf32, #tpu.memory_space<vmem>>
          tpu.vector_store_idx %scatter3A_530[%select_n3A_372, %add3A_380, %sub3A_376, %add3A_514], %gather3A_523 : memref<4x2x8x128xf32, #tpu.memory_space<vmem>>[vector<16xi32>, vector<16xi32>, vector<16xi32>, vector<16xi32>], vector<16xf32>,
          %broadcast_in_dim3A_531 = arith.constant 0 : i32
          %broadcast_in_dim3A_532 = vector.broadcast %broadcast_in_dim3A_531 : i32 to vector<16xi32>
          %add3A_533 = arith.constant 1 : i32
          %add3A_534 = vector.broadcast %add3A_533 : i32 to vector<16xi32>
          %add3A_535 = arith.addi %broadcast_in_dim3A_532, %add3A_534 : vector<16xi32>
          %add3A_536 = arith.constant 0 : i32
          %add3A_537 = vector.broadcast %add3A_536 : i32 to vector<16xi32>
          %add3A_538 = arith.addi %iota3A, %add3A_537 : vector<16xi32>
          %add3A_539 = arith.constant 128 : i32
          %add3A_540 = vector.broadcast %add3A_539 : i32 to vector<16xi32>
          %add3A_541 = arith.addi %add3A_538, %add3A_540 : vector<16xi32>
          %gather3A_542 = arith.constant 0 : i32
          %gather3A_543 = arith.constant 0 : i32
          %gather3A_544 = arith.constant 0 : i32
          %gather3A_545 = tpu.memref_slice %run_scoped3A_3[%gather3A_542, %gather3A_543, %gather3A_544] : memref<2x256x32xf32, #tpu.memory_space<vmem>> -> memref<1x256x32xf32, #tpu.memory_space<vmem>>
          %gather3A_546 = tpu.memref_squeeze %gather3A_545 : memref<1x256x32xf32, #tpu.memory_space<vmem>> -> memref<256x32xf32, #tpu.memory_space<vmem>>
          %gather3A_547 = tpu.vector_load_idx %gather3A_546[%add3A_541, %select_n3A_341] : memref<256x32xf32, #tpu.memory_space<vmem>>[vector<16xi32>, vector<16xi32>], vector<16xf32>,
          %scatter3A_548 = arith.constant 0 : i32
          %scatter3A_549 = arith.constant 0 : i32
          %scatter3A_550 = arith.constant 0 : i32
          %scatter3A_551 = arith.constant 0 : i32
          %scatter3A_552 = arith.constant 0 : i32
          %scatter3A_553 = tpu.memref_slice %run_scoped3A_4[%scatter3A_548, %scatter3A_549, %scatter3A_550, %scatter3A_551, %scatter3A_552] : memref<2x4x2x8x128xf32, #tpu.memory_space<vmem>> -> memref<1x4x2x8x128xf32, #tpu.memory_space<vmem>>
          %scatter3A_554 = tpu.memref_squeeze %scatter3A_553 : memref<1x4x2x8x128xf32, #tpu.memory_space<vmem>> -> memref<4x2x8x128xf32, #tpu.memory_space<vmem>>
          tpu.vector_store_idx %scatter3A_554[%select_n3A_372, %add3A_535, %sub3A_376, %add3A_538], %gather3A_547 : memref<4x2x8x128xf32, #tpu.memory_space<vmem>>[vector<16xi32>, vector<16xi32>, vector<16xi32>, vector<16xi32>], vector<16xf32>,
          %add3A_555 = arith.constant 16 : i32
          %add3A_556 = vector.broadcast %add3A_555 : i32 to vector<16xi32>
          %add3A_557 = arith.addi %iota3A, %add3A_556 : vector<16xi32>
          %add3A_558 = arith.constant 128 : i32
          %add3A_559 = vector.broadcast %add3A_558 : i32 to vector<16xi32>
          %add3A_560 = arith.addi %add3A_557, %add3A_559 : vector<16xi32>
          %gather3A_561 = arith.constant 0 : i32
          %gather3A_562 = arith.constant 0 : i32
          %gather3A_563 = arith.constant 0 : i32
          %gather3A_564 = tpu.memref_slice %run_scoped3A_3[%gather3A_561, %gather3A_562, %gather3A_563] : memref<2x256x32xf32, #tpu.memory_space<vmem>> -> memref<1x256x32xf32, #tpu.memory_space<vmem>>
          %gather3A_565 = tpu.memref_squeeze %gather3A_564 : memref<1x256x32xf32, #tpu.memory_space<vmem>> -> memref<256x32xf32, #tpu.memory_space<vmem>>
          %gather3A_566 = tpu.vector_load_idx %gather3A_565[%add3A_560, %select_n3A_341] : memref<256x32xf32, #tpu.memory_space<vmem>>[vector<16xi32>, vector<16xi32>], vector<16xf32>,
          %scatter3A_567 = arith.constant 0 : i32
          %scatter3A_568 = arith.constant 0 : i32
          %scatter3A_569 = arith.constant 0 : i32
          %scatter3A_570 = arith.constant 0 : i32
          %scatter3A_571 = arith.constant 0 : i32
          %scatter3A_572 = tpu.memref_slice %run_scoped3A_4[%scatter3A_567, %scatter3A_568, %scatter3A_569, %scatter3A_570, %scatter3A_571] : memref<2x4x2x8x128xf32, #tpu.memory_space<vmem>> -> memref<1x4x2x8x128xf32, #tpu.memory_space<vmem>>
          %scatter3A_573 = tpu.memref_squeeze %scatter3A_572 : memref<1x4x2x8x128xf32, #tpu.memory_space<vmem>> -> memref<4x2x8x128xf32, #tpu.memory_space<vmem>>
          tpu.vector_store_idx %scatter3A_573[%select_n3A_372, %add3A_535, %sub3A_376, %add3A_557], %gather3A_566 : memref<4x2x8x128xf32, #tpu.memory_space<vmem>>[vector<16xi32>, vector<16xi32>, vector<16xi32>, vector<16xi32>], vector<16xf32>,
          %add3A_574 = arith.constant 32 : i32
          %add3A_575 = vector.broadcast %add3A_574 : i32 to vector<16xi32>
          %add3A_576 = arith.addi %iota3A, %add3A_575 : vector<16xi32>
          %add3A_577 = arith.constant 128 : i32
          %add3A_578 = vector.broadcast %add3A_577 : i32 to vector<16xi32>
          %add3A_579 = arith.addi %add3A_576, %add3A_578 : vector<16xi32>
          %gather3A_580 = arith.constant 0 : i32
          %gather3A_581 = arith.constant 0 : i32
          %gather3A_582 = arith.constant 0 : i32
          %gather3A_583 = tpu.memref_slice %run_scoped3A_3[%gather3A_580, %gather3A_581, %gather3A_582] : memref<2x256x32xf32, #tpu.memory_space<vmem>> -> memref<1x256x32xf32, #tpu.memory_space<vmem>>
          %gather3A_584 = tpu.memref_squeeze %gather3A_583 : memref<1x256x32xf32, #tpu.memory_space<vmem>> -> memref<256x32xf32, #tpu.memory_space<vmem>>
          %gather3A_585 = tpu.vector_load_idx %gather3A_584[%add3A_579, %select_n3A_341] : memref<256x32xf32, #tpu.memory_space<vmem>>[vector<16xi32>, vector<16xi32>], vector<16xf32>,
          %scatter3A_586 = arith.constant 0 : i32
          %scatter3A_587 = arith.constant 0 : i32
          %scatter3A_588 = arith.constant 0 : i32
          %scatter3A_589 = arith.constant 0 : i32
          %scatter3A_590 = arith.constant 0 : i32
          %scatter3A_591 = tpu.memref_slice %run_scoped3A_4[%scatter3A_586, %scatter3A_587, %scatter3A_588, %scatter3A_589, %scatter3A_590] : memref<2x4x2x8x128xf32, #tpu.memory_space<vmem>> -> memref<1x4x2x8x128xf32, #tpu.memory_space<vmem>>
          %scatter3A_592 = tpu.memref_squeeze %scatter3A_591 : memref<1x4x2x8x128xf32, #tpu.memory_space<vmem>> -> memref<4x2x8x128xf32, #tpu.memory_space<vmem>>
          tpu.vector_store_idx %scatter3A_592[%select_n3A_372, %add3A_535, %sub3A_376, %add3A_576], %gather3A_585 : memref<4x2x8x128xf32, #tpu.memory_space<vmem>>[vector<16xi32>, vector<16xi32>, vector<16xi32>, vector<16xi32>], vector<16xf32>,
          %add3A_593 = arith.constant 48 : i32
          %add3A_594 = vector.broadcast %add3A_593 : i32 to vector<16xi32>
          %add3A_595 = arith.addi %iota3A, %add3A_594 : vector<16xi32>
          %add3A_596 = arith.constant 128 : i32
          %add3A_597 = vector.broadcast %add3A_596 : i32 to vector<16xi32>
          %add3A_598 = arith.addi %add3A_595, %add3A_597 : vector<16xi32>
          %gather3A_599 = arith.constant 0 : i32
          %gather3A_600 = arith.constant 0 : i32
          %gather3A_601 = arith.constant 0 : i32
          %gather3A_602 = tpu.memref_slice %run_scoped3A_3[%gather3A_599, %gather3A_600, %gather3A_601] : memref<2x256x32xf32, #tpu.memory_space<vmem>> -> memref<1x256x32xf32, #tpu.memory_space<vmem>>
          %gather3A_603 = tpu.memref_squeeze %gather3A_602 : memref<1x256x32xf32, #tpu.memory_space<vmem>> -> memref<256x32xf32, #tpu.memory_space<vmem>>
          %gather3A_604 = tpu.vector_load_idx %gather3A_603[%add3A_598, %select_n3A_341] : memref<256x32xf32, #tpu.memory_space<vmem>>[vector<16xi32>, vector<16xi32>], vector<16xf32>,
          %scatter3A_605 = arith.constant 0 : i32
          %scatter3A_606 = arith.constant 0 : i32
          %scatter3A_607 = arith.constant 0 : i32
          %scatter3A_608 = arith.constant 0 : i32
          %scatter3A_609 = arith.constant 0 : i32
          %scatter3A_610 = tpu.memref_slice %run_scoped3A_4[%scatter3A_605, %scatter3A_606, %scatter3A_607, %scatter3A_608, %scatter3A_609] : memref<2x4x2x8x128xf32, #tpu.memory_space<vmem>> -> memref<1x4x2x8x128xf32, #tpu.memory_space<vmem>>
          %scatter3A_611 = tpu.memref_squeeze %scatter3A_610 : memref<1x4x2x8x128xf32, #tpu.memory_space<vmem>> -> memref<4x2x8x128xf32, #tpu.memory_space<vmem>>
          tpu.vector_store_idx %scatter3A_611[%select_n3A_372, %add3A_535, %sub3A_376, %add3A_595], %gather3A_604 : memref<4x2x8x128xf32, #tpu.memory_space<vmem>>[vector<16xi32>, vector<16xi32>, vector<16xi32>, vector<16xi32>], vector<16xf32>,
          %add3A_612 = arith.constant 64 : i32
          %add3A_613 = vector.broadcast %add3A_612 : i32 to vector<16xi32>
          %add3A_614 = arith.addi %iota3A, %add3A_613 : vector<16xi32>
          %add3A_615 = arith.constant 128 : i32
          %add3A_616 = vector.broadcast %add3A_615 : i32 to vector<16xi32>
          %add3A_617 = arith.addi %add3A_614, %add3A_616 : vector<16xi32>
          %gather3A_618 = arith.constant 0 : i32
          %gather3A_619 = arith.constant 0 : i32
          %gather3A_620 = arith.constant 0 : i32
          %gather3A_621 = tpu.memref_slice %run_scoped3A_3[%gather3A_618, %gather3A_619, %gather3A_620] : memref<2x256x32xf32, #tpu.memory_space<vmem>> -> memref<1x256x32xf32, #tpu.memory_space<vmem>>
          %gather3A_622 = tpu.memref_squeeze %gather3A_621 : memref<1x256x32xf32, #tpu.memory_space<vmem>> -> memref<256x32xf32, #tpu.memory_space<vmem>>
          %gather3A_623 = tpu.vector_load_idx %gather3A_622[%add3A_617, %select_n3A_341] : memref<256x32xf32, #tpu.memory_space<vmem>>[vector<16xi32>, vector<16xi32>], vector<16xf32>,
          %scatter3A_624 = arith.constant 0 : i32
          %scatter3A_625 = arith.constant 0 : i32
          %scatter3A_626 = arith.constant 0 : i32
          %scatter3A_627 = arith.constant 0 : i32
          %scatter3A_628 = arith.constant 0 : i32
          %scatter3A_629 = tpu.memref_slice %run_scoped3A_4[%scatter3A_624, %scatter3A_625, %scatter3A_626, %scatter3A_627, %scatter3A_628] : memref<2x4x2x8x128xf32, #tpu.memory_space<vmem>> -> memref<1x4x2x8x128xf32, #tpu.memory_space<vmem>>
          %scatter3A_630 = tpu.memref_squeeze %scatter3A_629 : memref<1x4x2x8x128xf32, #tpu.memory_space<vmem>> -> memref<4x2x8x128xf32, #tpu.memory_space<vmem>>
          tpu.vector_store_idx %scatter3A_630[%select_n3A_372, %add3A_535, %sub3A_376, %add3A_614], %gather3A_623 : memref<4x2x8x128xf32, #tpu.memory_space<vmem>>[vector<16xi32>, vector<16xi32>, vector<16xi32>, vector<16xi32>], vector<16xf32>,
          %add3A_631 = arith.constant 80 : i32
          %add3A_632 = vector.broadcast %add3A_631 : i32 to vector<16xi32>
          %add3A_633 = arith.addi %iota3A, %add3A_632 : vector<16xi32>
          %add3A_634 = arith.constant 128 : i32
          %add3A_635 = vector.broadcast %add3A_634 : i32 to vector<16xi32>
          %add3A_636 = arith.addi %add3A_633, %add3A_635 : vector<16xi32>
          %gather3A_637 = arith.constant 0 : i32
          %gather3A_638 = arith.constant 0 : i32
          %gather3A_639 = arith.constant 0 : i32
          %gather3A_640 = tpu.memref_slice %run_scoped3A_3[%gather3A_637, %gather3A_638, %gather3A_639] : memref<2x256x32xf32, #tpu.memory_space<vmem>> -> memref<1x256x32xf32, #tpu.memory_space<vmem>>
          %gather3A_641 = tpu.memref_squeeze %gather3A_640 : memref<1x256x32xf32, #tpu.memory_space<vmem>> -> memref<256x32xf32, #tpu.memory_space<vmem>>
          %gather3A_642 = tpu.vector_load_idx %gather3A_641[%add3A_636, %select_n3A_341] : memref<256x32xf32, #tpu.memory_space<vmem>>[vector<16xi32>, vector<16xi32>], vector<16xf32>,
          %scatter3A_643 = arith.constant 0 : i32
          %scatter3A_644 = arith.constant 0 : i32
          %scatter3A_645 = arith.constant 0 : i32
          %scatter3A_646 = arith.constant 0 : i32
          %scatter3A_647 = arith.constant 0 : i32
          %scatter3A_648 = tpu.memref_slice %run_scoped3A_4[%scatter3A_643, %scatter3A_644, %scatter3A_645, %scatter3A_646, %scatter3A_647] : memref<2x4x2x8x128xf32, #tpu.memory_space<vmem>> -> memref<1x4x2x8x128xf32, #tpu.memory_space<vmem>>
          %scatter3A_649 = tpu.memref_squeeze %scatter3A_648 : memref<1x4x2x8x128xf32, #tpu.memory_space<vmem>> -> memref<4x2x8x128xf32, #tpu.memory_space<vmem>>
          tpu.vector_store_idx %scatter3A_649[%select_n3A_372, %add3A_535, %sub3A_376, %add3A_633], %gather3A_642 : memref<4x2x8x128xf32, #tpu.memory_space<vmem>>[vector<16xi32>, vector<16xi32>, vector<16xi32>, vector<16xi32>], vector<16xf32>,
          %add3A_650 = arith.constant 96 : i32
          %add3A_651 = vector.broadcast %add3A_650 : i32 to vector<16xi32>
          %add3A_652 = arith.addi %iota3A, %add3A_651 : vector<16xi32>
          %add3A_653 = arith.constant 128 : i32
          %add3A_654 = vector.broadcast %add3A_653 : i32 to vector<16xi32>
          %add3A_655 = arith.addi %add3A_652, %add3A_654 : vector<16xi32>
          %gather3A_656 = arith.constant 0 : i32
          %gather3A_657 = arith.constant 0 : i32
          %gather3A_658 = arith.constant 0 : i32
          %gather3A_659 = tpu.memref_slice %run_scoped3A_3[%gather3A_656, %gather3A_657, %gather3A_658] : memref<2x256x32xf32, #tpu.memory_space<vmem>> -> memref<1x256x32xf32, #tpu.memory_space<vmem>>
          %gather3A_660 = tpu.memref_squeeze %gather3A_659 : memref<1x256x32xf32, #tpu.memory_space<vmem>> -> memref<256x32xf32, #tpu.memory_space<vmem>>
          %gather3A_661 = tpu.vector_load_idx %gather3A_660[%add3A_655, %select_n3A_341] : memref<256x32xf32, #tpu.memory_space<vmem>>[vector<16xi32>, vector<16xi32>], vector<16xf32>,
          %scatter3A_662 = arith.constant 0 : i32
          %scatter3A_663 = arith.constant 0 : i32
          %scatter3A_664 = arith.constant 0 : i32
          %scatter3A_665 = arith.constant 0 : i32
          %scatter3A_666 = arith.constant 0 : i32
          %scatter3A_667 = tpu.memref_slice %run_scoped3A_4[%scatter3A_662, %scatter3A_663, %scatter3A_664, %scatter3A_665, %scatter3A_666] : memref<2x4x2x8x128xf32, #tpu.memory_space<vmem>> -> memref<1x4x2x8x128xf32, #tpu.memory_space<vmem>>
          %scatter3A_668 = tpu.memref_squeeze %scatter3A_667 : memref<1x4x2x8x128xf32, #tpu.memory_space<vmem>> -> memref<4x2x8x128xf32, #tpu.memory_space<vmem>>
          tpu.vector_store_idx %scatter3A_668[%select_n3A_372, %add3A_535, %sub3A_376, %add3A_652], %gather3A_661 : memref<4x2x8x128xf32, #tpu.memory_space<vmem>>[vector<16xi32>, vector<16xi32>, vector<16xi32>, vector<16xi32>], vector<16xf32>,
          %add3A_669 = arith.constant 112 : i32
          %add3A_670 = vector.broadcast %add3A_669 : i32 to vector<16xi32>
          %add3A_671 = arith.addi %iota3A, %add3A_670 : vector<16xi32>
          %add3A_672 = arith.constant 128 : i32
          %add3A_673 = vector.broadcast %add3A_672 : i32 to vector<16xi32>
          %add3A_674 = arith.addi %add3A_671, %add3A_673 : vector<16xi32>
          %gather3A_675 = arith.constant 0 : i32
          %gather3A_676 = arith.constant 0 : i32
          %gather3A_677 = arith.constant 0 : i32
          %gather3A_678 = tpu.memref_slice %run_scoped3A_3[%gather3A_675, %gather3A_676, %gather3A_677] : memref<2x256x32xf32, #tpu.memory_space<vmem>> -> memref<1x256x32xf32, #tpu.memory_space<vmem>>
          %gather3A_679 = tpu.memref_squeeze %gather3A_678 : memref<1x256x32xf32, #tpu.memory_space<vmem>> -> memref<256x32xf32, #tpu.memory_space<vmem>>
          %gather3A_680 = tpu.vector_load_idx %gather3A_679[%add3A_674, %select_n3A_341] : memref<256x32xf32, #tpu.memory_space<vmem>>[vector<16xi32>, vector<16xi32>], vector<16xf32>,
          %scatter3A_681 = arith.constant 0 : i32
          %scatter3A_682 = arith.constant 0 : i32
          %scatter3A_683 = arith.constant 0 : i32
          %scatter3A_684 = arith.constant 0 : i32
          %scatter3A_685 = arith.constant 0 : i32
          %scatter3A_686 = tpu.memref_slice %run_scoped3A_4[%scatter3A_681, %scatter3A_682, %scatter3A_683, %scatter3A_684, %scatter3A_685] : memref<2x4x2x8x128xf32, #tpu.memory_space<vmem>> -> memref<1x4x2x8x128xf32, #tpu.memory_space<vmem>>
          %scatter3A_687 = tpu.memref_squeeze %scatter3A_686 : memref<1x4x2x8x128xf32, #tpu.memory_space<vmem>> -> memref<4x2x8x128xf32, #tpu.memory_space<vmem>>
          tpu.vector_store_idx %scatter3A_687[%select_n3A_372, %add3A_535, %sub3A_376, %add3A_671], %gather3A_680 : memref<4x2x8x128xf32, #tpu.memory_space<vmem>>[vector<16xi32>, vector<16xi32>, vector<16xi32>, vector<16xi32>], vector<16xf32>,
        }
        %scan3A_158 = arith.constant 32 : i32
        %jit3A_159 = arith.constant 2 : i32
        %div3A_160 = arith.divsi %mul3A_134, %jit3A_159 : i32
        %sign3A_161 = arith.constant 0 : i32
        %sign3A_162 = arith.cmpi sgt, %mul3A_134, %sign3A_161 : i32
        %sign3A_163 = arith.extui %sign3A_162 : i1 to i32
        %sign3A_164 = arith.constant 0 : i32
        %sign3A_165 = arith.cmpi slt, %mul3A_134, %sign3A_164 : i32
        %sign3A_166 = arith.extui %sign3A_165 : i1 to i32
        %sign3A_167 = arith.subi %sign3A_163, %sign3A_166 : i32
        %sign3A_168 = arith.constant 0 : i32
        %sign3A_169 = arith.cmpi sgt, %jit3A_159, %sign3A_168 : i32
        %sign3A_170 = arith.extui %sign3A_169 : i1 to i32
        %sign3A_171 = arith.constant 0 : i32
        %sign3A_172 = arith.cmpi slt, %jit3A_159, %sign3A_171 : i32
        %sign3A_173 = arith.extui %sign3A_172 : i1 to i32
        %sign3A_174 = arith.subi %sign3A_170, %sign3A_173 : i32
        %ne3A_175 = arith.cmpi ne, %sign3A_167, %sign3A_174 : i32
        %rem3A_176 = arith.remsi %mul3A_134, %jit3A_159 : i32
        %ne3A_177 = arith.constant 0 : i32
        %ne3A_178 = arith.cmpi ne, %rem3A_176, %ne3A_177 : i32
        %and3A_179 = arith.andi %ne3A_175, %ne3A_178 : i1
        %sub3A_180 = arith.constant 1 : i32
        %sub3A_181 = arith.subi %div3A_160, %sub3A_180 : i32
        %select_n3A_182 = arith.select %and3A_179, %sub3A_181, %div3A_160 : i32
        %jit3A_183 = arith.constant 2 : i32
        %eq3A_184 = arith.constant 0 : i32
        %eq3A_185 = arith.cmpi eq, %jit3A_183, %eq3A_184 : i32
        %jit3A_186 = arith.constant 1 : i32
        %select_n3A_187 = arith.select %eq3A_185, %jit3A_186, %jit3A_183 : i32
        %rem3A_188 = arith.remsi %mul3A_134, %select_n3A_187 : i32
        %ne3A_189 = arith.constant 0 : i32
        %ne3A_190 = arith.cmpi ne, %rem3A_188, %ne3A_189 : i32
        %lt3A_191 = arith.constant 0 : i32
        %lt3A_192 = arith.cmpi slt, %rem3A_188, %lt3A_191 : i32
        %lt3A_193 = arith.constant 0 : i32
        %lt3A_194 = arith.cmpi slt, %select_n3A_187, %lt3A_193 : i32
        %ne3A_195 = arith.xori %lt3A_192, %lt3A_194 : i1
        %and3A_196 = arith.andi %ne3A_195, %ne3A_190 : i1
        %add3A_197 = arith.addi %rem3A_188, %select_n3A_187 : i32
        %select_n3A_198 = arith.select %and3A_196, %add3A_197, %rem3A_188 : i32
        %mul3A_199 = arith.constant 2 : i32
        %mul3A_200 = arith.muli %select_n3A_198, %mul3A_199 : i32
        %add3A_201 = arith.addi %mul3A_2, %mul3A_200 : i32
        %dma_start3A_202 = arith.constant 0 : i32
        %dma_start3A_203 = arith.constant 0 : i32
        %dma_start3A_204 = arith.constant 0 : i32
        %dma_start3A_205 = arith.constant 0 : i32
        %dma_start3A_206 = arith.constant 0 : i32
        %dma_start3A_207 = arith.constant 0 : i32
        %dma_start3A_208 = tpu.memref_slice %run_scoped3A_4[%dma_start3A_202, %dma_start3A_204, %dma_start3A_205, %dma_start3A_206, %dma_start3A_207] : memref<2x4x2x8x128xf32, #tpu.memory_space<vmem>> -> memref<1x4x2x8x128xf32, #tpu.memory_space<vmem>>
        %dma_start3A_209 = tpu.memref_squeeze %dma_start3A_208 : memref<1x4x2x8x128xf32, #tpu.memory_space<vmem>> -> memref<4x2x8x128xf32, #tpu.memory_space<vmem>>
        %dma_start3A_210 = arith.constant 0 : i32
        %dma_start3A_211 = arith.constant 0 : i32
        %dma_start3A_212 = arith.constant 0 : i32
        %dma_start3A_213 = tpu.memref_slice %arg4[%select_n3A_182, %dma_start3A_210, %add3A_201, %dma_start3A_211, %dma_start3A_212] : memref<50x4x128x8x128xf32, #tpu.memory_space<hbm>> -> memref<1x4x2x8x128xf32, #tpu.memory_space<hbm>>
        %dma_start3A_214 = tpu.memref_squeeze %dma_start3A_213 : memref<1x4x2x8x128xf32, #tpu.memory_space<hbm>> -> memref<4x2x8x128xf32, #tpu.memory_space<hbm>>
        %dma_start3A_215 = tpu.memref_slice %arg6[%dma_start3A_203] : memref<2x!tpu.dma_semaphore, #tpu.memory_space<semaphore_mem>> -> memref<1x!tpu.dma_semaphore, #tpu.memory_space<semaphore_mem>>
        %dma_start3A_216 = tpu.memref_squeeze %dma_start3A_215 : memref<1x!tpu.dma_semaphore, #tpu.memory_space<semaphore_mem>> -> memref<!tpu.dma_semaphore, #tpu.memory_space<semaphore_mem>>
        %dma_start3A_217 = arith.constant 0 : i32
        %dma_start3A_218 = arith.constant 0 : i32
        %dma_start3A_219 = arith.constant 0 : i32
        %dma_start3A_220 = tpu.memref_slice %arg4[%select_n3A_182, %dma_start3A_217, %add3A_201, %dma_start3A_218, %dma_start3A_219] : memref<50x4x128x8x128xf32, #tpu.memory_space<hbm>> -> memref<1x4x2x8x128xf32, #tpu.memory_space<hbm>>
        %dma_start3A_221 = tpu.memref_squeeze %dma_start3A_220 : memref<1x4x2x8x128xf32, #tpu.memory_space<hbm>> -> memref<4x2x8x128xf32, #tpu.memory_space<hbm>>
        %dma_start3A_222 = arith.constant 0 : i32
        %dma_start3A_223 = arith.constant 0 : i32
        %dma_start3A_224 = arith.constant 0 : i32
        %dma_start3A_225 = arith.constant 0 : i32
        %dma_start3A_226 = tpu.memref_slice %run_scoped3A_4[%dma_start3A_202, %dma_start3A_222, %dma_start3A_223, %dma_start3A_224, %dma_start3A_225] : memref<2x4x2x8x128xf32, #tpu.memory_space<vmem>> -> memref<1x4x2x8x128xf32, #tpu.memory_space<vmem>>
        %dma_start3A_227 = tpu.memref_squeeze %dma_start3A_226 : memref<1x4x2x8x128xf32, #tpu.memory_space<vmem>> -> memref<4x2x8x128xf32, #tpu.memory_space<vmem>>
        tpu.enqueue_dma source(%dma_start3A_227 : memref<4x2x8x128xf32, #tpu.memory_space<vmem>>) target(%dma_start3A_221 : memref<4x2x8x128xf32, #tpu.memory_space<hbm>>) target_semaphore(%dma_start3A_216 : memref<!tpu.dma_semaphore, #tpu.memory_space<semaphore_mem>>)
        %add3A_228 = arith.constant 1 : i32
        %add3A_229 = arith.addi %scan3A_79, %add3A_228 : i32
        %lt3A_230 = arith.constant 50 : i32
        %lt3A_231 = arith.cmpi slt, %add3A_229, %lt3A_230 : i32
        %convert_element_type3A_232 = arith.extui %lt3A_231 : i1 to i32
        %cond3A_233 = arith.constant 0 : i32
        %cond3A_234 = arith.cmpi ne, %convert_element_type3A_232, %cond3A_233 : i32
        scf.if %cond3A_234 {
          %dma_wait3A_332 = arith.constant 0 : i32
          %dma_wait3A_333 = arith.constant 0 : i32
          %dma_wait3A_334 = arith.constant 0 : i32
          %dma_wait3A_335 = arith.constant 0 : i32
          %dma_wait3A_336 = arith.constant 0 : i32
          %dma_wait3A_337 = arith.constant 0 : i32
          %dma_wait3A_338 = arith.constant 0 : i32
          %dma_wait3A_339 = tpu.memref_slice %run_scoped3A_4[%dma_wait3A_332, %dma_wait3A_335, %dma_wait3A_336, %dma_wait3A_337, %dma_wait3A_338] : memref<2x4x2x8x128xf32, #tpu.memory_space<vmem>> -> memref<1x4x2x8x128xf32, #tpu.memory_space<vmem>>
          %dma_wait3A_340 = tpu.memref_squeeze %dma_wait3A_339 : memref<1x4x2x8x128xf32, #tpu.memory_space<vmem>> -> memref<4x2x8x128xf32, #tpu.memory_space<vmem>>
          %dma_wait3A_341 = arith.constant 0 : i32
          %dma_wait3A_342 = arith.constant 0 : i32
          %dma_wait3A_343 = arith.constant 0 : i32
          %dma_wait3A_344 = tpu.memref_slice %arg4[%dma_wait3A_333, %dma_wait3A_341, %mul3A_2, %dma_wait3A_342, %dma_wait3A_343] : memref<50x4x128x8x128xf32, #tpu.memory_space<hbm>> -> memref<1x4x2x8x128xf32, #tpu.memory_space<hbm>>
          %dma_wait3A_345 = tpu.memref_squeeze %dma_wait3A_344 : memref<1x4x2x8x128xf32, #tpu.memory_space<hbm>> -> memref<4x2x8x128xf32, #tpu.memory_space<hbm>>
          %dma_wait3A_346 = tpu.memref_slice %arg6[%dma_wait3A_334] : memref<2x!tpu.dma_semaphore, #tpu.memory_space<semaphore_mem>> -> memref<1x!tpu.dma_semaphore, #tpu.memory_space<semaphore_mem>>
          %dma_wait3A_347 = tpu.memref_squeeze %dma_wait3A_346 : memref<1x!tpu.dma_semaphore, #tpu.memory_space<semaphore_mem>> -> memref<!tpu.dma_semaphore, #tpu.memory_space<semaphore_mem>>
          %dma_wait3A_348 = arith.constant 0 : i32
          %dma_wait3A_349 = arith.constant 0 : i32
          %dma_wait3A_350 = arith.constant 0 : i32
          %dma_wait3A_351 = tpu.memref_slice %arg4[%dma_wait3A_333, %dma_wait3A_348, %mul3A_2, %dma_wait3A_349, %dma_wait3A_350] : memref<50x4x128x8x128xf32, #tpu.memory_space<hbm>> -> memref<1x4x2x8x128xf32, #tpu.memory_space<hbm>>
          %dma_wait3A_352 = tpu.memref_squeeze %dma_wait3A_351 : memref<1x4x2x8x128xf32, #tpu.memory_space<hbm>> -> memref<4x2x8x128xf32, #tpu.memory_space<hbm>>
          %dma_wait3A_353 = arith.constant 0 : i32
          %dma_wait3A_354 = arith.constant 0 : i32
          %dma_wait3A_355 = arith.constant 0 : i32
          %dma_wait3A_356 = arith.constant 0 : i32
          %dma_wait3A_357 = tpu.memref_slice %run_scoped3A_4[%dma_wait3A_332, %dma_wait3A_353, %dma_wait3A_354, %dma_wait3A_355, %dma_wait3A_356] : memref<2x4x2x8x128xf32, #tpu.memory_space<vmem>> -> memref<1x4x2x8x128xf32, #tpu.memory_space<vmem>>
          %dma_wait3A_358 = tpu.memref_squeeze %dma_wait3A_357 : memref<1x4x2x8x128xf32, #tpu.memory_space<vmem>> -> memref<4x2x8x128xf32, #tpu.memory_space<vmem>>
          tpu.wait_dma2 semaphore(%dma_wait3A_347 : memref<!tpu.dma_semaphore, #tpu.memory_space<semaphore_mem>>) src(%dma_wait3A_358 : memref<4x2x8x128xf32, #tpu.memory_space<vmem>>) dst(%dma_wait3A_352 : memref<4x2x8x128xf32, #tpu.memory_space<hbm>>)
          %mul3A_359 = arith.constant 2 : i32
          %mul3A_360 = arith.muli %mul3A_359, %scan3A_79 : i32
          %add3A_361 = arith.constant 2 : i32
          %add3A_362 = arith.addi %mul3A_360, %add3A_361 : i32
          %jit3A_363 = arith.constant 2 : i32
          %div3A_364 = arith.divsi %add3A_362, %jit3A_363 : i32
          %sign3A_365 = arith.constant 0 : i32
          %sign3A_366 = arith.cmpi sgt, %add3A_362, %sign3A_365 : i32
          %sign3A_367 = arith.extui %sign3A_366 : i1 to i32
          %sign3A_368 = arith.constant 0 : i32
          %sign3A_369 = arith.cmpi slt, %add3A_362, %sign3A_368 : i32
          %sign3A_370 = arith.extui %sign3A_369 : i1 to i32
          %sign3A_371 = arith.subi %sign3A_367, %sign3A_370 : i32
          %sign3A_372 = arith.constant 0 : i32
          %sign3A_373 = arith.cmpi sgt, %jit3A_363, %sign3A_372 : i32
          %sign3A_374 = arith.extui %sign3A_373 : i1 to i32
          %sign3A_375 = arith.constant 0 : i32
          %sign3A_376 = arith.cmpi slt, %jit3A_363, %sign3A_375 : i32
          %sign3A_377 = arith.extui %sign3A_376 : i1 to i32
          %sign3A_378 = arith.subi %sign3A_374, %sign3A_377 : i32
          %ne3A_379 = arith.cmpi ne, %sign3A_371, %sign3A_378 : i32
          %rem3A_380 = arith.remsi %add3A_362, %jit3A_363 : i32
          %ne3A_381 = arith.constant 0 : i32
          %ne3A_382 = arith.cmpi ne, %rem3A_380, %ne3A_381 : i32
          %and3A_383 = arith.andi %ne3A_379, %ne3A_382 : i1
          %sub3A_384 = arith.constant 1 : i32
          %sub3A_385 = arith.subi %div3A_364, %sub3A_384 : i32
          %select_n3A_386 = arith.select %and3A_383, %sub3A_385, %div3A_364 : i32
          %jit3A_387 = arith.constant 2 : i32
          %eq3A_388 = arith.constant 0 : i32
          %eq3A_389 = arith.cmpi eq, %jit3A_387, %eq3A_388 : i32
          %jit3A_390 = arith.constant 1 : i32
          %select_n3A_391 = arith.select %eq3A_389, %jit3A_390, %jit3A_387 : i32
          %rem3A_392 = arith.remsi %add3A_362, %select_n3A_391 : i32
          %ne3A_393 = arith.constant 0 : i32
          %ne3A_394 = arith.cmpi ne, %rem3A_392, %ne3A_393 : i32
          %lt3A_395 = arith.constant 0 : i32
          %lt3A_396 = arith.cmpi slt, %rem3A_392, %lt3A_395 : i32
          %lt3A_397 = arith.constant 0 : i32
          %lt3A_398 = arith.cmpi slt, %select_n3A_391, %lt3A_397 : i32
          %ne3A_399 = arith.xori %lt3A_396, %lt3A_398 : i1
          %and3A_400 = arith.andi %ne3A_399, %ne3A_394 : i1
          %add3A_401 = arith.addi %rem3A_392, %select_n3A_391 : i32
          %select_n3A_402 = arith.select %and3A_400, %add3A_401, %rem3A_392 : i32
          %mul3A_403 = arith.constant 2 : i32
          %mul3A_404 = arith.muli %select_n3A_402, %mul3A_403 : i32
          %mul3A_405 = arith.constant 128 : i32
          %mul3A_406 = arith.muli %mul3A_404, %mul3A_405 : i32
          %dma_start3A_407 = arith.constant 0 : i32
          %dma_start3A_408 = arith.constant 0 : i32
          %dma_start3A_409 = arith.constant 0 : i32
          %dma_start3A_410 = arith.constant 0 : i32
          %dma_start3A_411 = tpu.memref_slice %run_scoped3A_3[%dma_start3A_407, %dma_start3A_409, %dma_start3A_410] : memref<2x256x32xf32, #tpu.memory_space<vmem>> -> memref<1x256x32xf32, #tpu.memory_space<vmem>>
          %dma_start3A_412 = tpu.memref_squeeze %dma_start3A_411 : memref<1x256x32xf32, #tpu.memory_space<vmem>> -> memref<256x32xf32, #tpu.memory_space<vmem>>
          %dma_start3A_413 = tpu.memref_slice %run_scoped3A[%select_n3A_386, %mul3A_406] : memref<50x512xi32, #tpu.memory_space<vmem>> -> memref<1x256xi32, #tpu.memory_space<vmem>>
          %dma_start3A_414 = tpu.memref_squeeze %dma_start3A_413 : memref<1x256xi32, #tpu.memory_space<vmem>> -> memref<256xi32, #tpu.memory_space<vmem>>
          %dma_start3A_415 = arith.constant 0 : i32
          %dma_start3A_416 = arith.constant 0 : i32
          %dma_start3A_417 = tpu.memref_slice %arg3[%dma_start3A_415, %dma_start3A_416] : memref<1000000x32xf32, #tpu.memory_space<hbm>> -> memref<1000000x32xf32, #tpu.memory_space<hbm>>
          %dma_start3A_418 = tpu.memref_slice %arg5[%dma_start3A_408] : memref<2x!tpu.dma_semaphore, #tpu.memory_space<semaphore_mem>> -> memref<1x!tpu.dma_semaphore, #tpu.memory_space<semaphore_mem>>
          %dma_start3A_419 = tpu.memref_squeeze %dma_start3A_418 : memref<1x!tpu.dma_semaphore, #tpu.memory_space<semaphore_mem>> -> memref<!tpu.dma_semaphore, #tpu.memory_space<semaphore_mem>>
          tpu.enqueue_indirect_dma source(%dma_start3A_417 : memref<1000000x32xf32, #tpu.memory_space<hbm>>) target(%dma_start3A_412 : memref<256x32xf32, #tpu.memory_space<vmem>>) offsets(%dma_start3A_414 : memref<256xi32, #tpu.memory_space<vmem>>) semaphore(%dma_start3A_419 : memref<!tpu.dma_semaphore, #tpu.memory_space<semaphore_mem>>)
        } else {
        }
        %mul3A_235 = arith.constant 2 : i32
        %mul3A_236 = arith.muli %mul3A_235, %scan3A_79 : i32
        %add3A_237 = arith.constant 1 : i32
        %add3A_238 = arith.addi %mul3A_236, %add3A_237 : i32
        %dma_wait3A_239 = arith.constant 1 : i32
        %dma_wait3A_240 = arith.constant 1 : i32
        %dma_wait3A_241 = arith.constant 0 : i32
        %dma_wait3A_242 = arith.constant 0 : i32
        %dma_wait3A_243 = tpu.memref_slice %run_scoped3A_3[%dma_wait3A_239, %dma_wait3A_241, %dma_wait3A_242] : memref<2x256x32xf32, #tpu.memory_space<vmem>> -> memref<1x256x32xf32, #tpu.memory_space<vmem>>
        %dma_wait3A_244 = tpu.memref_squeeze %dma_wait3A_243 : memref<1x256x32xf32, #tpu.memory_space<vmem>> -> memref<256x32xf32, #tpu.memory_space<vmem>>
        %dma_wait3A_245 = arith.constant 0 : i32
        %dma_wait3A_246 = arith.constant 0 : i32
        %dma_wait3A_247 = tpu.memref_slice %arg3[%dma_wait3A_245, %dma_wait3A_246] : memref<1000000x32xf32, #tpu.memory_space<hbm>> -> memref<256x32xf32, #tpu.memory_space<hbm>>
        %dma_wait3A_248 = tpu.memref_slice %arg5[%dma_wait3A_240] : memref<2x!tpu.dma_semaphore, #tpu.memory_space<semaphore_mem>> -> memref<1x!tpu.dma_semaphore, #tpu.memory_space<semaphore_mem>>
        %dma_wait3A_249 = tpu.memref_squeeze %dma_wait3A_248 : memref<1x!tpu.dma_semaphore, #tpu.memory_space<semaphore_mem>> -> memref<!tpu.dma_semaphore, #tpu.memory_space<semaphore_mem>>
        %dma_wait3A_250 = arith.constant 0 : i32
        %dma_wait3A_251 = arith.constant 0 : i32
        %dma_wait3A_252 = tpu.memref_slice %run_scoped3A_3[%dma_wait3A_239, %dma_wait3A_250, %dma_wait3A_251] : memref<2x256x32xf32, #tpu.memory_space<vmem>> -> memref<1x256x32xf32, #tpu.memory_space<vmem>>
        %dma_wait3A_253 = tpu.memref_squeeze %dma_wait3A_252 : memref<1x256x32xf32, #tpu.memory_space<vmem>> -> memref<256x32xf32, #tpu.memory_space<vmem>>
        %dma_wait3A_254 = arith.constant 0 : i32
        %dma_wait3A_255 = arith.constant 0 : i32
        %dma_wait3A_256 = tpu.memref_slice %arg3[%dma_wait3A_254, %dma_wait3A_255] : memref<1000000x32xf32, #tpu.memory_space<hbm>> -> memref<256x32xf32, #tpu.memory_space<hbm>>
        tpu.wait_dma2 semaphore(%dma_wait3A_249 : memref<!tpu.dma_semaphore, #tpu.memory_space<semaphore_mem>>) src(%dma_wait3A_256 : memref<256x32xf32, #tpu.memory_space<hbm>>) dst(%dma_wait3A_253 : memref<256x32xf32, #tpu.memory_space<vmem>>)
        %scan3A_257 = arith.constant 0 : i32
        %scan3A_258 = arith.constant 0 : i32
        %scan3A_259 = arith.constant 32 : i32
        %scan3A_260 = arith.addi %scan3A_258, %scan3A_259 : i32
        %scan3A_261 = arith.constant 1 : i32
        scf.for %scan3A_332 = %scan3A_258 to %scan3A_260 step %scan3A_261  : i32 {
          %add3A_333 = vector.broadcast %scan3A_332 : i32 to vector<16xi32>
          %add3A_334 = arith.addi %add3A_333, %iota3A : vector<16xi32>
          %ge3A_335 = arith.constant 32 : i32
          %ge3A_336 = vector.broadcast %ge3A_335 : i32 to vector<16xi32>
          %ge3A_337 = arith.cmpi sge, %add3A_334, %ge3A_336 : vector<16xi32>
          %sub3A_338 = arith.constant 32 : i32
          %sub3A_339 = vector.broadcast %sub3A_338 : i32 to vector<16xi32>
          %sub3A_340 = arith.subi %add3A_334, %sub3A_339 : vector<16xi32>
          %select_n3A_341 = arith.select %ge3A_337, %sub3A_340, %add3A_334 : vector<16xi1>, vector<16xi32>
          %jit3A_342 = arith.constant 8 : i32
          %div3A_343 = vector.broadcast %jit3A_342 : i32 to vector<16xi32>
          %div3A_344 = arith.divsi %select_n3A_341, %div3A_343 : vector<16xi32>
          %sign3A_345 = arith.constant 0 : i32
          %sign3A_346 = vector.broadcast %sign3A_345 : i32 to vector<16xi32>
          %sign3A_347 = arith.cmpi sgt, %select_n3A_341, %sign3A_346 : vector<16xi32>
          %sign3A_348 = arith.extui %sign3A_347 : vector<16xi1> to vector<16xi32>
          %sign3A_349 = arith.constant 0 : i32
          %sign3A_350 = vector.broadcast %sign3A_349 : i32 to vector<16xi32>
          %sign3A_351 = arith.cmpi slt, %select_n3A_341, %sign3A_350 : vector<16xi32>
          %sign3A_352 = arith.extui %sign3A_351 : vector<16xi1> to vector<16xi32>
          %sign3A_353 = arith.subi %sign3A_348, %sign3A_352 : vector<16xi32>
          %sign3A_354 = arith.constant 0 : i32
          %sign3A_355 = arith.cmpi sgt, %jit3A_342, %sign3A_354 : i32
          %sign3A_356 = arith.extui %sign3A_355 : i1 to i32
          %sign3A_357 = arith.constant 0 : i32
          %sign3A_358 = arith.cmpi slt, %jit3A_342, %sign3A_357 : i32
          %sign3A_359 = arith.extui %sign3A_358 : i1 to i32
          %sign3A_360 = arith.subi %sign3A_356, %sign3A_359 : i32
          %ne3A_361 = vector.broadcast %sign3A_360 : i32 to vector<16xi32>
          %ne3A_362 = arith.cmpi ne, %sign3A_353, %ne3A_361 : vector<16xi32>
          %rem3A_363 = vector.broadcast %jit3A_342 : i32 to vector<16xi32>
          %rem3A_364 = arith.remsi %select_n3A_341, %rem3A_363 : vector<16xi32>
          %ne3A_365 = arith.constant 0 : i32
          %ne3A_366 = vector.broadcast %ne3A_365 : i32 to vector<16xi32>
          %ne3A_367 = arith.cmpi ne, %rem3A_364, %ne3A_366 : vector<16xi32>
          %and3A_368 = arith.andi %ne3A_362, %ne3A_367 : vector<16xi1>
          %sub3A_369 = arith.constant 1 : i32
          %sub3A_370 = vector.broadcast %sub3A_369 : i32 to vector<16xi32>
          %sub3A_371 = arith.subi %div3A_344, %sub3A_370 : vector<16xi32>
          %select_n3A_372 = arith.select %and3A_368, %sub3A_371, %div3A_344 : vector<16xi1>, vector<16xi32>
          %mul3A_373 = arith.constant 8 : i32
          %mul3A_374 = vector.broadcast %mul3A_373 : i32 to vector<16xi32>
          %mul3A_375 = arith.muli %select_n3A_372, %mul3A_374 : vector<16xi32>
          %sub3A_376 = arith.subi %select_n3A_341, %mul3A_375 : vector<16xi32>
          %broadcast_in_dim3A = arith.constant 0 : i32
          %broadcast_in_dim3A_377 = vector.broadcast %broadcast_in_dim3A : i32 to vector<16xi32>
          %add3A_378 = arith.constant 0 : i32
          %add3A_379 = vector.broadcast %add3A_378 : i32 to vector<16xi32>
          %add3A_380 = arith.addi %broadcast_in_dim3A_377, %add3A_379 : vector<16xi32>
          %add3A_381 = arith.constant 0 : i32
          %add3A_382 = vector.broadcast %add3A_381 : i32 to vector<16xi32>
          %add3A_383 = arith.addi %iota3A, %add3A_382 : vector<16xi32>
          %add3A_384 = arith.constant 0 : i32
          %add3A_385 = vector.broadcast %add3A_384 : i32 to vector<16xi32>
          %add3A_386 = arith.addi %add3A_383, %add3A_385 : vector<16xi32>
          %gather3A = arith.constant 1 : i32
          %gather3A_387 = arith.constant 0 : i32
          %gather3A_388 = arith.constant 0 : i32
          %gather3A_389 = tpu.memref_slice %run_scoped3A_3[%gather3A, %gather3A_387, %gather3A_388] : memref<2x256x32xf32, #tpu.memory_space<vmem>> -> memref<1x256x32xf32, #tpu.memory_space<vmem>>
          %gather3A_390 = tpu.memref_squeeze %gather3A_389 : memref<1x256x32xf32, #tpu.memory_space<vmem>> -> memref<256x32xf32, #tpu.memory_space<vmem>>
          %gather3A_391 = tpu.vector_load_idx %gather3A_390[%add3A_386, %select_n3A_341] : memref<256x32xf32, #tpu.memory_space<vmem>>[vector<16xi32>, vector<16xi32>], vector<16xf32>,
          %scatter3A = arith.constant 1 : i32
          %scatter3A_392 = arith.constant 0 : i32
          %scatter3A_393 = arith.constant 0 : i32
          %scatter3A_394 = arith.constant 0 : i32
          %scatter3A_395 = arith.constant 0 : i32
          %scatter3A_396 = tpu.memref_slice %run_scoped3A_4[%scatter3A, %scatter3A_392, %scatter3A_393, %scatter3A_394, %scatter3A_395] : memref<2x4x2x8x128xf32, #tpu.memory_space<vmem>> -> memref<1x4x2x8x128xf32, #tpu.memory_space<vmem>>
          %scatter3A_397 = tpu.memref_squeeze %scatter3A_396 : memref<1x4x2x8x128xf32, #tpu.memory_space<vmem>> -> memref<4x2x8x128xf32, #tpu.memory_space<vmem>>
          tpu.vector_store_idx %scatter3A_397[%select_n3A_372, %add3A_380, %sub3A_376, %add3A_383], %gather3A_391 : memref<4x2x8x128xf32, #tpu.memory_space<vmem>>[vector<16xi32>, vector<16xi32>, vector<16xi32>, vector<16xi32>], vector<16xf32>,
          %add3A_398 = arith.constant 16 : i32
          %add3A_399 = vector.broadcast %add3A_398 : i32 to vector<16xi32>
          %add3A_400 = arith.addi %iota3A, %add3A_399 : vector<16xi32>
          %add3A_401 = arith.constant 0 : i32
          %add3A_402 = vector.broadcast %add3A_401 : i32 to vector<16xi32>
          %add3A_403 = arith.addi %add3A_400, %add3A_402 : vector<16xi32>
          %gather3A_404 = arith.constant 1 : i32
          %gather3A_405 = arith.constant 0 : i32
          %gather3A_406 = arith.constant 0 : i32
          %gather3A_407 = tpu.memref_slice %run_scoped3A_3[%gather3A_404, %gather3A_405, %gather3A_406] : memref<2x256x32xf32, #tpu.memory_space<vmem>> -> memref<1x256x32xf32, #tpu.memory_space<vmem>>
          %gather3A_408 = tpu.memref_squeeze %gather3A_407 : memref<1x256x32xf32, #tpu.memory_space<vmem>> -> memref<256x32xf32, #tpu.memory_space<vmem>>
          %gather3A_409 = tpu.vector_load_idx %gather3A_408[%add3A_403, %select_n3A_341] : memref<256x32xf32, #tpu.memory_space<vmem>>[vector<16xi32>, vector<16xi32>], vector<16xf32>,
          %scatter3A_410 = arith.constant 1 : i32
          %scatter3A_411 = arith.constant 0 : i32
          %scatter3A_412 = arith.constant 0 : i32
          %scatter3A_413 = arith.constant 0 : i32
          %scatter3A_414 = arith.constant 0 : i32
          %scatter3A_415 = tpu.memref_slice %run_scoped3A_4[%scatter3A_410, %scatter3A_411, %scatter3A_412, %scatter3A_413, %scatter3A_414] : memref<2x4x2x8x128xf32, #tpu.memory_space<vmem>> -> memref<1x4x2x8x128xf32, #tpu.memory_space<vmem>>
          %scatter3A_416 = tpu.memref_squeeze %scatter3A_415 : memref<1x4x2x8x128xf32, #tpu.memory_space<vmem>> -> memref<4x2x8x128xf32, #tpu.memory_space<vmem>>
          tpu.vector_store_idx %scatter3A_416[%select_n3A_372, %add3A_380, %sub3A_376, %add3A_400], %gather3A_409 : memref<4x2x8x128xf32, #tpu.memory_space<vmem>>[vector<16xi32>, vector<16xi32>, vector<16xi32>, vector<16xi32>], vector<16xf32>,
          %add3A_417 = arith.constant 32 : i32
          %add3A_418 = vector.broadcast %add3A_417 : i32 to vector<16xi32>
          %add3A_419 = arith.addi %iota3A, %add3A_418 : vector<16xi32>
          %add3A_420 = arith.constant 0 : i32
          %add3A_421 = vector.broadcast %add3A_420 : i32 to vector<16xi32>
          %add3A_422 = arith.addi %add3A_419, %add3A_421 : vector<16xi32>
          %gather3A_423 = arith.constant 1 : i32
          %gather3A_424 = arith.constant 0 : i32
          %gather3A_425 = arith.constant 0 : i32
          %gather3A_426 = tpu.memref_slice %run_scoped3A_3[%gather3A_423, %gather3A_424, %gather3A_425] : memref<2x256x32xf32, #tpu.memory_space<vmem>> -> memref<1x256x32xf32, #tpu.memory_space<vmem>>
          %gather3A_427 = tpu.memref_squeeze %gather3A_426 : memref<1x256x32xf32, #tpu.memory_space<vmem>> -> memref<256x32xf32, #tpu.memory_space<vmem>>
          %gather3A_428 = tpu.vector_load_idx %gather3A_427[%add3A_422, %select_n3A_341] : memref<256x32xf32, #tpu.memory_space<vmem>>[vector<16xi32>, vector<16xi32>], vector<16xf32>,
          %scatter3A_429 = arith.constant 1 : i32
          %scatter3A_430 = arith.constant 0 : i32
          %scatter3A_431 = arith.constant 0 : i32
          %scatter3A_432 = arith.constant 0 : i32
          %scatter3A_433 = arith.constant 0 : i32
          %scatter3A_434 = tpu.memref_slice %run_scoped3A_4[%scatter3A_429, %scatter3A_430, %scatter3A_431, %scatter3A_432, %scatter3A_433] : memref<2x4x2x8x128xf32, #tpu.memory_space<vmem>> -> memref<1x4x2x8x128xf32, #tpu.memory_space<vmem>>
          %scatter3A_435 = tpu.memref_squeeze %scatter3A_434 : memref<1x4x2x8x128xf32, #tpu.memory_space<vmem>> -> memref<4x2x8x128xf32, #tpu.memory_space<vmem>>
          tpu.vector_store_idx %scatter3A_435[%select_n3A_372, %add3A_380, %sub3A_376, %add3A_419], %gather3A_428 : memref<4x2x8x128xf32, #tpu.memory_space<vmem>>[vector<16xi32>, vector<16xi32>, vector<16xi32>, vector<16xi32>], vector<16xf32>,
          %add3A_436 = arith.constant 48 : i32
          %add3A_437 = vector.broadcast %add3A_436 : i32 to vector<16xi32>
          %add3A_438 = arith.addi %iota3A, %add3A_437 : vector<16xi32>
          %add3A_439 = arith.constant 0 : i32
          %add3A_440 = vector.broadcast %add3A_439 : i32 to vector<16xi32>
          %add3A_441 = arith.addi %add3A_438, %add3A_440 : vector<16xi32>
          %gather3A_442 = arith.constant 1 : i32
          %gather3A_443 = arith.constant 0 : i32
          %gather3A_444 = arith.constant 0 : i32
          %gather3A_445 = tpu.memref_slice %run_scoped3A_3[%gather3A_442, %gather3A_443, %gather3A_444] : memref<2x256x32xf32, #tpu.memory_space<vmem>> -> memref<1x256x32xf32, #tpu.memory_space<vmem>>
          %gather3A_446 = tpu.memref_squeeze %gather3A_445 : memref<1x256x32xf32, #tpu.memory_space<vmem>> -> memref<256x32xf32, #tpu.memory_space<vmem>>
          %gather3A_447 = tpu.vector_load_idx %gather3A_446[%add3A_441, %select_n3A_341] : memref<256x32xf32, #tpu.memory_space<vmem>>[vector<16xi32>, vector<16xi32>], vector<16xf32>,
          %scatter3A_448 = arith.constant 1 : i32
          %scatter3A_449 = arith.constant 0 : i32
          %scatter3A_450 = arith.constant 0 : i32
          %scatter3A_451 = arith.constant 0 : i32
          %scatter3A_452 = arith.constant 0 : i32
          %scatter3A_453 = tpu.memref_slice %run_scoped3A_4[%scatter3A_448, %scatter3A_449, %scatter3A_450, %scatter3A_451, %scatter3A_452] : memref<2x4x2x8x128xf32, #tpu.memory_space<vmem>> -> memref<1x4x2x8x128xf32, #tpu.memory_space<vmem>>
          %scatter3A_454 = tpu.memref_squeeze %scatter3A_453 : memref<1x4x2x8x128xf32, #tpu.memory_space<vmem>> -> memref<4x2x8x128xf32, #tpu.memory_space<vmem>>
          tpu.vector_store_idx %scatter3A_454[%select_n3A_372, %add3A_380, %sub3A_376, %add3A_438], %gather3A_447 : memref<4x2x8x128xf32, #tpu.memory_space<vmem>>[vector<16xi32>, vector<16xi32>, vector<16xi32>, vector<16xi32>], vector<16xf32>,
          %add3A_455 = arith.constant 64 : i32
          %add3A_456 = vector.broadcast %add3A_455 : i32 to vector<16xi32>
          %add3A_457 = arith.addi %iota3A, %add3A_456 : vector<16xi32>
          %add3A_458 = arith.constant 0 : i32
          %add3A_459 = vector.broadcast %add3A_458 : i32 to vector<16xi32>
          %add3A_460 = arith.addi %add3A_457, %add3A_459 : vector<16xi32>
          %gather3A_461 = arith.constant 1 : i32
          %gather3A_462 = arith.constant 0 : i32
          %gather3A_463 = arith.constant 0 : i32
          %gather3A_464 = tpu.memref_slice %run_scoped3A_3[%gather3A_461, %gather3A_462, %gather3A_463] : memref<2x256x32xf32, #tpu.memory_space<vmem>> -> memref<1x256x32xf32, #tpu.memory_space<vmem>>
          %gather3A_465 = tpu.memref_squeeze %gather3A_464 : memref<1x256x32xf32, #tpu.memory_space<vmem>> -> memref<256x32xf32, #tpu.memory_space<vmem>>
          %gather3A_466 = tpu.vector_load_idx %gather3A_465[%add3A_460, %select_n3A_341] : memref<256x32xf32, #tpu.memory_space<vmem>>[vector<16xi32>, vector<16xi32>], vector<16xf32>,
          %scatter3A_467 = arith.constant 1 : i32
          %scatter3A_468 = arith.constant 0 : i32
          %scatter3A_469 = arith.constant 0 : i32
          %scatter3A_470 = arith.constant 0 : i32
          %scatter3A_471 = arith.constant 0 : i32
          %scatter3A_472 = tpu.memref_slice %run_scoped3A_4[%scatter3A_467, %scatter3A_468, %scatter3A_469, %scatter3A_470, %scatter3A_471] : memref<2x4x2x8x128xf32, #tpu.memory_space<vmem>> -> memref<1x4x2x8x128xf32, #tpu.memory_space<vmem>>
          %scatter3A_473 = tpu.memref_squeeze %scatter3A_472 : memref<1x4x2x8x128xf32, #tpu.memory_space<vmem>> -> memref<4x2x8x128xf32, #tpu.memory_space<vmem>>
          tpu.vector_store_idx %scatter3A_473[%select_n3A_372, %add3A_380, %sub3A_376, %add3A_457], %gather3A_466 : memref<4x2x8x128xf32, #tpu.memory_space<vmem>>[vector<16xi32>, vector<16xi32>, vector<16xi32>, vector<16xi32>], vector<16xf32>,
          %add3A_474 = arith.constant 80 : i32
          %add3A_475 = vector.broadcast %add3A_474 : i32 to vector<16xi32>
          %add3A_476 = arith.addi %iota3A, %add3A_475 : vector<16xi32>
          %add3A_477 = arith.constant 0 : i32
          %add3A_478 = vector.broadcast %add3A_477 : i32 to vector<16xi32>
          %add3A_479 = arith.addi %add3A_476, %add3A_478 : vector<16xi32>
          %gather3A_480 = arith.constant 1 : i32
          %gather3A_481 = arith.constant 0 : i32
          %gather3A_482 = arith.constant 0 : i32
          %gather3A_483 = tpu.memref_slice %run_scoped3A_3[%gather3A_480, %gather3A_481, %gather3A_482] : memref<2x256x32xf32, #tpu.memory_space<vmem>> -> memref<1x256x32xf32, #tpu.memory_space<vmem>>
          %gather3A_484 = tpu.memref_squeeze %gather3A_483 : memref<1x256x32xf32, #tpu.memory_space<vmem>> -> memref<256x32xf32, #tpu.memory_space<vmem>>
          %gather3A_485 = tpu.vector_load_idx %gather3A_484[%add3A_479, %select_n3A_341] : memref<256x32xf32, #tpu.memory_space<vmem>>[vector<16xi32>, vector<16xi32>], vector<16xf32>,
          %scatter3A_486 = arith.constant 1 : i32
          %scatter3A_487 = arith.constant 0 : i32
          %scatter3A_488 = arith.constant 0 : i32
          %scatter3A_489 = arith.constant 0 : i32
          %scatter3A_490 = arith.constant 0 : i32
          %scatter3A_491 = tpu.memref_slice %run_scoped3A_4[%scatter3A_486, %scatter3A_487, %scatter3A_488, %scatter3A_489, %scatter3A_490] : memref<2x4x2x8x128xf32, #tpu.memory_space<vmem>> -> memref<1x4x2x8x128xf32, #tpu.memory_space<vmem>>
          %scatter3A_492 = tpu.memref_squeeze %scatter3A_491 : memref<1x4x2x8x128xf32, #tpu.memory_space<vmem>> -> memref<4x2x8x128xf32, #tpu.memory_space<vmem>>
          tpu.vector_store_idx %scatter3A_492[%select_n3A_372, %add3A_380, %sub3A_376, %add3A_476], %gather3A_485 : memref<4x2x8x128xf32, #tpu.memory_space<vmem>>[vector<16xi32>, vector<16xi32>, vector<16xi32>, vector<16xi32>], vector<16xf32>,
          %add3A_493 = arith.constant 96 : i32
          %add3A_494 = vector.broadcast %add3A_493 : i32 to vector<16xi32>
          %add3A_495 = arith.addi %iota3A, %add3A_494 : vector<16xi32>
          %add3A_496 = arith.constant 0 : i32
          %add3A_497 = vector.broadcast %add3A_496 : i32 to vector<16xi32>
          %add3A_498 = arith.addi %add3A_495, %add3A_497 : vector<16xi32>
          %gather3A_499 = arith.constant 1 : i32
          %gather3A_500 = arith.constant 0 : i32
          %gather3A_501 = arith.constant 0 : i32
          %gather3A_502 = tpu.memref_slice %run_scoped3A_3[%gather3A_499, %gather3A_500, %gather3A_501] : memref<2x256x32xf32, #tpu.memory_space<vmem>> -> memref<1x256x32xf32, #tpu.memory_space<vmem>>
          %gather3A_503 = tpu.memref_squeeze %gather3A_502 : memref<1x256x32xf32, #tpu.memory_space<vmem>> -> memref<256x32xf32, #tpu.memory_space<vmem>>
          %gather3A_504 = tpu.vector_load_idx %gather3A_503[%add3A_498, %select_n3A_341] : memref<256x32xf32, #tpu.memory_space<vmem>>[vector<16xi32>, vector<16xi32>], vector<16xf32>,
          %scatter3A_505 = arith.constant 1 : i32
          %scatter3A_506 = arith.constant 0 : i32
          %scatter3A_507 = arith.constant 0 : i32
          %scatter3A_508 = arith.constant 0 : i32
          %scatter3A_509 = arith.constant 0 : i32
          %scatter3A_510 = tpu.memref_slice %run_scoped3A_4[%scatter3A_505, %scatter3A_506, %scatter3A_507, %scatter3A_508, %scatter3A_509] : memref<2x4x2x8x128xf32, #tpu.memory_space<vmem>> -> memref<1x4x2x8x128xf32, #tpu.memory_space<vmem>>
          %scatter3A_511 = tpu.memref_squeeze %scatter3A_510 : memref<1x4x2x8x128xf32, #tpu.memory_space<vmem>> -> memref<4x2x8x128xf32, #tpu.memory_space<vmem>>
          tpu.vector_store_idx %scatter3A_511[%select_n3A_372, %add3A_380, %sub3A_376, %add3A_495], %gather3A_504 : memref<4x2x8x128xf32, #tpu.memory_space<vmem>>[vector<16xi32>, vector<16xi32>, vector<16xi32>, vector<16xi32>], vector<16xf32>,
          %add3A_512 = arith.constant 112 : i32
          %add3A_513 = vector.broadcast %add3A_512 : i32 to vector<16xi32>
          %add3A_514 = arith.addi %iota3A, %add3A_513 : vector<16xi32>
          %add3A_515 = arith.constant 0 : i32
          %add3A_516 = vector.broadcast %add3A_515 : i32 to vector<16xi32>
          %add3A_517 = arith.addi %add3A_514, %add3A_516 : vector<16xi32>
          %gather3A_518 = arith.constant 1 : i32
          %gather3A_519 = arith.constant 0 : i32
          %gather3A_520 = arith.constant 0 : i32
          %gather3A_521 = tpu.memref_slice %run_scoped3A_3[%gather3A_518, %gather3A_519, %gather3A_520] : memref<2x256x32xf32, #tpu.memory_space<vmem>> -> memref<1x256x32xf32, #tpu.memory_space<vmem>>
          %gather3A_522 = tpu.memref_squeeze %gather3A_521 : memref<1x256x32xf32, #tpu.memory_space<vmem>> -> memref<256x32xf32, #tpu.memory_space<vmem>>
          %gather3A_523 = tpu.vector_load_idx %gather3A_522[%add3A_517, %select_n3A_341] : memref<256x32xf32, #tpu.memory_space<vmem>>[vector<16xi32>, vector<16xi32>], vector<16xf32>,
          %scatter3A_524 = arith.constant 1 : i32
          %scatter3A_525 = arith.constant 0 : i32
          %scatter3A_526 = arith.constant 0 : i32
          %scatter3A_527 = arith.constant 0 : i32
          %scatter3A_528 = arith.constant 0 : i32
          %scatter3A_529 = tpu.memref_slice %run_scoped3A_4[%scatter3A_524, %scatter3A_525, %scatter3A_526, %scatter3A_527, %scatter3A_528] : memref<2x4x2x8x128xf32, #tpu.memory_space<vmem>> -> memref<1x4x2x8x128xf32, #tpu.memory_space<vmem>>
          %scatter3A_530 = tpu.memref_squeeze %scatter3A_529 : memref<1x4x2x8x128xf32, #tpu.memory_space<vmem>> -> memref<4x2x8x128xf32, #tpu.memory_space<vmem>>
          tpu.vector_store_idx %scatter3A_530[%select_n3A_372, %add3A_380, %sub3A_376, %add3A_514], %gather3A_523 : memref<4x2x8x128xf32, #tpu.memory_space<vmem>>[vector<16xi32>, vector<16xi32>, vector<16xi32>, vector<16xi32>], vector<16xf32>,
          %broadcast_in_dim3A_531 = arith.constant 0 : i32
          %broadcast_in_dim3A_532 = vector.broadcast %broadcast_in_dim3A_531 : i32 to vector<16xi32>
          %add3A_533 = arith.constant 1 : i32
          %add3A_534 = vector.broadcast %add3A_533 : i32 to vector<16xi32>
          %add3A_535 = arith.addi %broadcast_in_dim3A_532, %add3A_534 : vector<16xi32>
          %add3A_536 = arith.constant 0 : i32
          %add3A_537 = vector.broadcast %add3A_536 : i32 to vector<16xi32>
          %add3A_538 = arith.addi %iota3A, %add3A_537 : vector<16xi32>
          %add3A_539 = arith.constant 128 : i32
          %add3A_540 = vector.broadcast %add3A_539 : i32 to vector<16xi32>
          %add3A_541 = arith.addi %add3A_538, %add3A_540 : vector<16xi32>
          %gather3A_542 = arith.constant 1 : i32
          %gather3A_543 = arith.constant 0 : i32
          %gather3A_544 = arith.constant 0 : i32
          %gather3A_545 = tpu.memref_slice %run_scoped3A_3[%gather3A_542, %gather3A_543, %gather3A_544] : memref<2x256x32xf32, #tpu.memory_space<vmem>> -> memref<1x256x32xf32, #tpu.memory_space<vmem>>
          %gather3A_546 = tpu.memref_squeeze %gather3A_545 : memref<1x256x32xf32, #tpu.memory_space<vmem>> -> memref<256x32xf32, #tpu.memory_space<vmem>>
          %gather3A_547 = tpu.vector_load_idx %gather3A_546[%add3A_541, %select_n3A_341] : memref<256x32xf32, #tpu.memory_space<vmem>>[vector<16xi32>, vector<16xi32>], vector<16xf32>,
          %scatter3A_548 = arith.constant 1 : i32
          %scatter3A_549 = arith.constant 0 : i32
          %scatter3A_550 = arith.constant 0 : i32
          %scatter3A_551 = arith.constant 0 : i32
          %scatter3A_552 = arith.constant 0 : i32
          %scatter3A_553 = tpu.memref_slice %run_scoped3A_4[%scatter3A_548, %scatter3A_549, %scatter3A_550, %scatter3A_551, %scatter3A_552] : memref<2x4x2x8x128xf32, #tpu.memory_space<vmem>> -> memref<1x4x2x8x128xf32, #tpu.memory_space<vmem>>
          %scatter3A_554 = tpu.memref_squeeze %scatter3A_553 : memref<1x4x2x8x128xf32, #tpu.memory_space<vmem>> -> memref<4x2x8x128xf32, #tpu.memory_space<vmem>>
          tpu.vector_store_idx %scatter3A_554[%select_n3A_372, %add3A_535, %sub3A_376, %add3A_538], %gather3A_547 : memref<4x2x8x128xf32, #tpu.memory_space<vmem>>[vector<16xi32>, vector<16xi32>, vector<16xi32>, vector<16xi32>], vector<16xf32>,
          %add3A_555 = arith.constant 16 : i32
          %add3A_556 = vector.broadcast %add3A_555 : i32 to vector<16xi32>
          %add3A_557 = arith.addi %iota3A, %add3A_556 : vector<16xi32>
          %add3A_558 = arith.constant 128 : i32
          %add3A_559 = vector.broadcast %add3A_558 : i32 to vector<16xi32>
          %add3A_560 = arith.addi %add3A_557, %add3A_559 : vector<16xi32>
          %gather3A_561 = arith.constant 1 : i32
          %gather3A_562 = arith.constant 0 : i32
          %gather3A_563 = arith.constant 0 : i32
          %gather3A_564 = tpu.memref_slice %run_scoped3A_3[%gather3A_561, %gather3A_562, %gather3A_563] : memref<2x256x32xf32, #tpu.memory_space<vmem>> -> memref<1x256x32xf32, #tpu.memory_space<vmem>>
          %gather3A_565 = tpu.memref_squeeze %gather3A_564 : memref<1x256x32xf32, #tpu.memory_space<vmem>> -> memref<256x32xf32, #tpu.memory_space<vmem>>
          %gather3A_566 = tpu.vector_load_idx %gather3A_565[%add3A_560, %select_n3A_341] : memref<256x32xf32, #tpu.memory_space<vmem>>[vector<16xi32>, vector<16xi32>], vector<16xf32>,
          %scatter3A_567 = arith.constant 1 : i32
          %scatter3A_568 = arith.constant 0 : i32
          %scatter3A_569 = arith.constant 0 : i32
          %scatter3A_570 = arith.constant 0 : i32
          %scatter3A_571 = arith.constant 0 : i32
          %scatter3A_572 = tpu.memref_slice %run_scoped3A_4[%scatter3A_567, %scatter3A_568, %scatter3A_569, %scatter3A_570, %scatter3A_571] : memref<2x4x2x8x128xf32, #tpu.memory_space<vmem>> -> memref<1x4x2x8x128xf32, #tpu.memory_space<vmem>>
          %scatter3A_573 = tpu.memref_squeeze %scatter3A_572 : memref<1x4x2x8x128xf32, #tpu.memory_space<vmem>> -> memref<4x2x8x128xf32, #tpu.memory_space<vmem>>
          tpu.vector_store_idx %scatter3A_573[%select_n3A_372, %add3A_535, %sub3A_376, %add3A_557], %gather3A_566 : memref<4x2x8x128xf32, #tpu.memory_space<vmem>>[vector<16xi32>, vector<16xi32>, vector<16xi32>, vector<16xi32>], vector<16xf32>,
          %add3A_574 = arith.constant 32 : i32
          %add3A_575 = vector.broadcast %add3A_574 : i32 to vector<16xi32>
          %add3A_576 = arith.addi %iota3A, %add3A_575 : vector<16xi32>
          %add3A_577 = arith.constant 128 : i32
          %add3A_578 = vector.broadcast %add3A_577 : i32 to vector<16xi32>
          %add3A_579 = arith.addi %add3A_576, %add3A_578 : vector<16xi32>
          %gather3A_580 = arith.constant 1 : i32
          %gather3A_581 = arith.constant 0 : i32
          %gather3A_582 = arith.constant 0 : i32
          %gather3A_583 = tpu.memref_slice %run_scoped3A_3[%gather3A_580, %gather3A_581, %gather3A_582] : memref<2x256x32xf32, #tpu.memory_space<vmem>> -> memref<1x256x32xf32, #tpu.memory_space<vmem>>
          %gather3A_584 = tpu.memref_squeeze %gather3A_583 : memref<1x256x32xf32, #tpu.memory_space<vmem>> -> memref<256x32xf32, #tpu.memory_space<vmem>>
          %gather3A_585 = tpu.vector_load_idx %gather3A_584[%add3A_579, %select_n3A_341] : memref<256x32xf32, #tpu.memory_space<vmem>>[vector<16xi32>, vector<16xi32>], vector<16xf32>,
          %scatter3A_586 = arith.constant 1 : i32
          %scatter3A_587 = arith.constant 0 : i32
          %scatter3A_588 = arith.constant 0 : i32
          %scatter3A_589 = arith.constant 0 : i32
          %scatter3A_590 = arith.constant 0 : i32
          %scatter3A_591 = tpu.memref_slice %run_scoped3A_4[%scatter3A_586, %scatter3A_587, %scatter3A_588, %scatter3A_589, %scatter3A_590] : memref<2x4x2x8x128xf32, #tpu.memory_space<vmem>> -> memref<1x4x2x8x128xf32, #tpu.memory_space<vmem>>
          %scatter3A_592 = tpu.memref_squeeze %scatter3A_591 : memref<1x4x2x8x128xf32, #tpu.memory_space<vmem>> -> memref<4x2x8x128xf32, #tpu.memory_space<vmem>>
          tpu.vector_store_idx %scatter3A_592[%select_n3A_372, %add3A_535, %sub3A_376, %add3A_576], %gather3A_585 : memref<4x2x8x128xf32, #tpu.memory_space<vmem>>[vector<16xi32>, vector<16xi32>, vector<16xi32>, vector<16xi32>], vector<16xf32>,
          %add3A_593 = arith.constant 48 : i32
          %add3A_594 = vector.broadcast %add3A_593 : i32 to vector<16xi32>
          %add3A_595 = arith.addi %iota3A, %add3A_594 : vector<16xi32>
          %add3A_596 = arith.constant 128 : i32
          %add3A_597 = vector.broadcast %add3A_596 : i32 to vector<16xi32>
          %add3A_598 = arith.addi %add3A_595, %add3A_597 : vector<16xi32>
          %gather3A_599 = arith.constant 1 : i32
          %gather3A_600 = arith.constant 0 : i32
          %gather3A_601 = arith.constant 0 : i32
          %gather3A_602 = tpu.memref_slice %run_scoped3A_3[%gather3A_599, %gather3A_600, %gather3A_601] : memref<2x256x32xf32, #tpu.memory_space<vmem>> -> memref<1x256x32xf32, #tpu.memory_space<vmem>>
          %gather3A_603 = tpu.memref_squeeze %gather3A_602 : memref<1x256x32xf32, #tpu.memory_space<vmem>> -> memref<256x32xf32, #tpu.memory_space<vmem>>
          %gather3A_604 = tpu.vector_load_idx %gather3A_603[%add3A_598, %select_n3A_341] : memref<256x32xf32, #tpu.memory_space<vmem>>[vector<16xi32>, vector<16xi32>], vector<16xf32>,
          %scatter3A_605 = arith.constant 1 : i32
          %scatter3A_606 = arith.constant 0 : i32
          %scatter3A_607 = arith.constant 0 : i32
          %scatter3A_608 = arith.constant 0 : i32
          %scatter3A_609 = arith.constant 0 : i32
          %scatter3A_610 = tpu.memref_slice %run_scoped3A_4[%scatter3A_605, %scatter3A_606, %scatter3A_607, %scatter3A_608, %scatter3A_609] : memref<2x4x2x8x128xf32, #tpu.memory_space<vmem>> -> memref<1x4x2x8x128xf32, #tpu.memory_space<vmem>>
          %scatter3A_611 = tpu.memref_squeeze %scatter3A_610 : memref<1x4x2x8x128xf32, #tpu.memory_space<vmem>> -> memref<4x2x8x128xf32, #tpu.memory_space<vmem>>
          tpu.vector_store_idx %scatter3A_611[%select_n3A_372, %add3A_535, %sub3A_376, %add3A_595], %gather3A_604 : memref<4x2x8x128xf32, #tpu.memory_space<vmem>>[vector<16xi32>, vector<16xi32>, vector<16xi32>, vector<16xi32>], vector<16xf32>,
          %add3A_612 = arith.constant 64 : i32
          %add3A_613 = vector.broadcast %add3A_612 : i32 to vector<16xi32>
          %add3A_614 = arith.addi %iota3A, %add3A_613 : vector<16xi32>
          %add3A_615 = arith.constant 128 : i32
          %add3A_616 = vector.broadcast %add3A_615 : i32 to vector<16xi32>
          %add3A_617 = arith.addi %add3A_614, %add3A_616 : vector<16xi32>
          %gather3A_618 = arith.constant 1 : i32
          %gather3A_619 = arith.constant 0 : i32
          %gather3A_620 = arith.constant 0 : i32
          %gather3A_621 = tpu.memref_slice %run_scoped3A_3[%gather3A_618, %gather3A_619, %gather3A_620] : memref<2x256x32xf32, #tpu.memory_space<vmem>> -> memref<1x256x32xf32, #tpu.memory_space<vmem>>
          %gather3A_622 = tpu.memref_squeeze %gather3A_621 : memref<1x256x32xf32, #tpu.memory_space<vmem>> -> memref<256x32xf32, #tpu.memory_space<vmem>>
          %gather3A_623 = tpu.vector_load_idx %gather3A_622[%add3A_617, %select_n3A_341] : memref<256x32xf32, #tpu.memory_space<vmem>>[vector<16xi32>, vector<16xi32>], vector<16xf32>,
          %scatter3A_624 = arith.constant 1 : i32
          %scatter3A_625 = arith.constant 0 : i32
          %scatter3A_626 = arith.constant 0 : i32
          %scatter3A_627 = arith.constant 0 : i32
          %scatter3A_628 = arith.constant 0 : i32
          %scatter3A_629 = tpu.memref_slice %run_scoped3A_4[%scatter3A_624, %scatter3A_625, %scatter3A_626, %scatter3A_627, %scatter3A_628] : memref<2x4x2x8x128xf32, #tpu.memory_space<vmem>> -> memref<1x4x2x8x128xf32, #tpu.memory_space<vmem>>
          %scatter3A_630 = tpu.memref_squeeze %scatter3A_629 : memref<1x4x2x8x128xf32, #tpu.memory_space<vmem>> -> memref<4x2x8x128xf32, #tpu.memory_space<vmem>>
          tpu.vector_store_idx %scatter3A_630[%select_n3A_372, %add3A_535, %sub3A_376, %add3A_614], %gather3A_623 : memref<4x2x8x128xf32, #tpu.memory_space<vmem>>[vector<16xi32>, vector<16xi32>, vector<16xi32>, vector<16xi32>], vector<16xf32>,
          %add3A_631 = arith.constant 80 : i32
          %add3A_632 = vector.broadcast %add3A_631 : i32 to vector<16xi32>
          %add3A_633 = arith.addi %iota3A, %add3A_632 : vector<16xi32>
          %add3A_634 = arith.constant 128 : i32
          %add3A_635 = vector.broadcast %add3A_634 : i32 to vector<16xi32>
          %add3A_636 = arith.addi %add3A_633, %add3A_635 : vector<16xi32>
          %gather3A_637 = arith.constant 1 : i32
          %gather3A_638 = arith.constant 0 : i32
          %gather3A_639 = arith.constant 0 : i32
          %gather3A_640 = tpu.memref_slice %run_scoped3A_3[%gather3A_637, %gather3A_638, %gather3A_639] : memref<2x256x32xf32, #tpu.memory_space<vmem>> -> memref<1x256x32xf32, #tpu.memory_space<vmem>>
          %gather3A_641 = tpu.memref_squeeze %gather3A_640 : memref<1x256x32xf32, #tpu.memory_space<vmem>> -> memref<256x32xf32, #tpu.memory_space<vmem>>
          %gather3A_642 = tpu.vector_load_idx %gather3A_641[%add3A_636, %select_n3A_341] : memref<256x32xf32, #tpu.memory_space<vmem>>[vector<16xi32>, vector<16xi32>], vector<16xf32>,
          %scatter3A_643 = arith.constant 1 : i32
          %scatter3A_644 = arith.constant 0 : i32
          %scatter3A_645 = arith.constant 0 : i32
          %scatter3A_646 = arith.constant 0 : i32
          %scatter3A_647 = arith.constant 0 : i32
          %scatter3A_648 = tpu.memref_slice %run_scoped3A_4[%scatter3A_643, %scatter3A_644, %scatter3A_645, %scatter3A_646, %scatter3A_647] : memref<2x4x2x8x128xf32, #tpu.memory_space<vmem>> -> memref<1x4x2x8x128xf32, #tpu.memory_space<vmem>>
          %scatter3A_649 = tpu.memref_squeeze %scatter3A_648 : memref<1x4x2x8x128xf32, #tpu.memory_space<vmem>> -> memref<4x2x8x128xf32, #tpu.memory_space<vmem>>
          tpu.vector_store_idx %scatter3A_649[%select_n3A_372, %add3A_535, %sub3A_376, %add3A_633], %gather3A_642 : memref<4x2x8x128xf32, #tpu.memory_space<vmem>>[vector<16xi32>, vector<16xi32>, vector<16xi32>, vector<16xi32>], vector<16xf32>,
          %add3A_650 = arith.constant 96 : i32
          %add3A_651 = vector.broadcast %add3A_650 : i32 to vector<16xi32>
          %add3A_652 = arith.addi %iota3A, %add3A_651 : vector<16xi32>
          %add3A_653 = arith.constant 128 : i32
          %add3A_654 = vector.broadcast %add3A_653 : i32 to vector<16xi32>
          %add3A_655 = arith.addi %add3A_652, %add3A_654 : vector<16xi32>
          %gather3A_656 = arith.constant 1 : i32
          %gather3A_657 = arith.constant 0 : i32
          %gather3A_658 = arith.constant 0 : i32
          %gather3A_659 = tpu.memref_slice %run_scoped3A_3[%gather3A_656, %gather3A_657, %gather3A_658] : memref<2x256x32xf32, #tpu.memory_space<vmem>> -> memref<1x256x32xf32, #tpu.memory_space<vmem>>
          %gather3A_660 = tpu.memref_squeeze %gather3A_659 : memref<1x256x32xf32, #tpu.memory_space<vmem>> -> memref<256x32xf32, #tpu.memory_space<vmem>>
          %gather3A_661 = tpu.vector_load_idx %gather3A_660[%add3A_655, %select_n3A_341] : memref<256x32xf32, #tpu.memory_space<vmem>>[vector<16xi32>, vector<16xi32>], vector<16xf32>,
          %scatter3A_662 = arith.constant 1 : i32
          %scatter3A_663 = arith.constant 0 : i32
          %scatter3A_664 = arith.constant 0 : i32
          %scatter3A_665 = arith.constant 0 : i32
          %scatter3A_666 = arith.constant 0 : i32
          %scatter3A_667 = tpu.memref_slice %run_scoped3A_4[%scatter3A_662, %scatter3A_663, %scatter3A_664, %scatter3A_665, %scatter3A_666] : memref<2x4x2x8x128xf32, #tpu.memory_space<vmem>> -> memref<1x4x2x8x128xf32, #tpu.memory_space<vmem>>
          %scatter3A_668 = tpu.memref_squeeze %scatter3A_667 : memref<1x4x2x8x128xf32, #tpu.memory_space<vmem>> -> memref<4x2x8x128xf32, #tpu.memory_space<vmem>>
          tpu.vector_store_idx %scatter3A_668[%select_n3A_372, %add3A_535, %sub3A_376, %add3A_652], %gather3A_661 : memref<4x2x8x128xf32, #tpu.memory_space<vmem>>[vector<16xi32>, vector<16xi32>, vector<16xi32>, vector<16xi32>], vector<16xf32>,
          %add3A_669 = arith.constant 112 : i32
          %add3A_670 = vector.broadcast %add3A_669 : i32 to vector<16xi32>
          %add3A_671 = arith.addi %iota3A, %add3A_670 : vector<16xi32>
          %add3A_672 = arith.constant 128 : i32
          %add3A_673 = vector.broadcast %add3A_672 : i32 to vector<16xi32>
          %add3A_674 = arith.addi %add3A_671, %add3A_673 : vector<16xi32>
          %gather3A_675 = arith.constant 1 : i32
          %gather3A_676 = arith.constant 0 : i32
          %gather3A_677 = arith.constant 0 : i32
          %gather3A_678 = tpu.memref_slice %run_scoped3A_3[%gather3A_675, %gather3A_676, %gather3A_677] : memref<2x256x32xf32, #tpu.memory_space<vmem>> -> memref<1x256x32xf32, #tpu.memory_space<vmem>>
          %gather3A_679 = tpu.memref_squeeze %gather3A_678 : memref<1x256x32xf32, #tpu.memory_space<vmem>> -> memref<256x32xf32, #tpu.memory_space<vmem>>
          %gather3A_680 = tpu.vector_load_idx %gather3A_679[%add3A_674, %select_n3A_341] : memref<256x32xf32, #tpu.memory_space<vmem>>[vector<16xi32>, vector<16xi32>], vector<16xf32>,
          %scatter3A_681 = arith.constant 1 : i32
          %scatter3A_682 = arith.constant 0 : i32
          %scatter3A_683 = arith.constant 0 : i32
          %scatter3A_684 = arith.constant 0 : i32
          %scatter3A_685 = arith.constant 0 : i32
          %scatter3A_686 = tpu.memref_slice %run_scoped3A_4[%scatter3A_681, %scatter3A_682, %scatter3A_683, %scatter3A_684, %scatter3A_685] : memref<2x4x2x8x128xf32, #tpu.memory_space<vmem>> -> memref<1x4x2x8x128xf32, #tpu.memory_space<vmem>>
          %scatter3A_687 = tpu.memref_squeeze %scatter3A_686 : memref<1x4x2x8x128xf32, #tpu.memory_space<vmem>> -> memref<4x2x8x128xf32, #tpu.memory_space<vmem>>
          tpu.vector_store_idx %scatter3A_687[%select_n3A_372, %add3A_535, %sub3A_376, %add3A_671], %gather3A_680 : memref<4x2x8x128xf32, #tpu.memory_space<vmem>>[vector<16xi32>, vector<16xi32>, vector<16xi32>, vector<16xi32>], vector<16xf32>,
        }
        %scan3A_262 = arith.constant 32 : i32
        %jit3A_263 = arith.constant 2 : i32
        %div3A_264 = arith.divsi %add3A_238, %jit3A_263 : i32
        %sign3A_265 = arith.constant 0 : i32
        %sign3A_266 = arith.cmpi sgt, %add3A_238, %sign3A_265 : i32
        %sign3A_267 = arith.extui %sign3A_266 : i1 to i32
        %sign3A_268 = arith.constant 0 : i32
        %sign3A_269 = arith.cmpi slt, %add3A_238, %sign3A_268 : i32
        %sign3A_270 = arith.extui %sign3A_269 : i1 to i32
        %sign3A_271 = arith.subi %sign3A_267, %sign3A_270 : i32
        %sign3A_272 = arith.constant 0 : i32
        %sign3A_273 = arith.cmpi sgt, %jit3A_263, %sign3A_272 : i32
        %sign3A_274 = arith.extui %sign3A_273 : i1 to i32
        %sign3A_275 = arith.constant 0 : i32
        %sign3A_276 = arith.cmpi slt, %jit3A_263, %sign3A_275 : i32
        %sign3A_277 = arith.extui %sign3A_276 : i1 to i32
        %sign3A_278 = arith.subi %sign3A_274, %sign3A_277 : i32
        %ne3A_279 = arith.cmpi ne, %sign3A_271, %sign3A_278 : i32
        %rem3A_280 = arith.remsi %add3A_238, %jit3A_263 : i32
        %ne3A_281 = arith.constant 0 : i32
        %ne3A_282 = arith.cmpi ne, %rem3A_280, %ne3A_281 : i32
        %and3A_283 = arith.andi %ne3A_279, %ne3A_282 : i1
        %sub3A_284 = arith.constant 1 : i32
        %sub3A_285 = arith.subi %div3A_264, %sub3A_284 : i32
        %select_n3A_286 = arith.select %and3A_283, %sub3A_285, %div3A_264 : i32
        %jit3A_287 = arith.constant 2 : i32
        %eq3A_288 = arith.constant 0 : i32
        %eq3A_289 = arith.cmpi eq, %jit3A_287, %eq3A_288 : i32
        %jit3A_290 = arith.constant 1 : i32
        %select_n3A_291 = arith.select %eq3A_289, %jit3A_290, %jit3A_287 : i32
        %rem3A_292 = arith.remsi %add3A_238, %select_n3A_291 : i32
        %ne3A_293 = arith.constant 0 : i32
        %ne3A_294 = arith.cmpi ne, %rem3A_292, %ne3A_293 : i32
        %lt3A_295 = arith.constant 0 : i32
        %lt3A_296 = arith.cmpi slt, %rem3A_292, %lt3A_295 : i32
        %lt3A_297 = arith.constant 0 : i32
        %lt3A_298 = arith.cmpi slt, %select_n3A_291, %lt3A_297 : i32
        %ne3A_299 = arith.xori %lt3A_296, %lt3A_298 : i1
        %and3A_300 = arith.andi %ne3A_299, %ne3A_294 : i1
        %add3A_301 = arith.addi %rem3A_292, %select_n3A_291 : i32
        %select_n3A_302 = arith.select %and3A_300, %add3A_301, %rem3A_292 : i32
        %mul3A_303 = arith.constant 2 : i32
        %mul3A_304 = arith.muli %select_n3A_302, %mul3A_303 : i32
        %add3A_305 = arith.addi %mul3A_2, %mul3A_304 : i32
        %dma_start3A_306 = arith.constant 1 : i32
        %dma_start3A_307 = arith.constant 1 : i32
        %dma_start3A_308 = arith.constant 0 : i32
        %dma_start3A_309 = arith.constant 0 : i32
        %dma_start3A_310 = arith.constant 0 : i32
        %dma_start3A_311 = arith.constant 0 : i32
        %dma_start3A_312 = tpu.memref_slice %run_scoped3A_4[%dma_start3A_306, %dma_start3A_308, %dma_start3A_309, %dma_start3A_310, %dma_start3A_311] : memref<2x4x2x8x128xf32, #tpu.memory_space<vmem>> -> memref<1x4x2x8x128xf32, #tpu.memory_space<vmem>>
        %dma_start3A_313 = tpu.memref_squeeze %dma_start3A_312 : memref<1x4x2x8x128xf32, #tpu.memory_space<vmem>> -> memref<4x2x8x128xf32, #tpu.memory_space<vmem>>
        %dma_start3A_314 = arith.constant 0 : i32
        %dma_start3A_315 = arith.constant 0 : i32
        %dma_start3A_316 = arith.constant 0 : i32
        %dma_start3A_317 = tpu.memref_slice %arg4[%select_n3A_286, %dma_start3A_314, %add3A_305, %dma_start3A_315, %dma_start3A_316] : memref<50x4x128x8x128xf32, #tpu.memory_space<hbm>> -> memref<1x4x2x8x128xf32, #tpu.memory_space<hbm>>
        %dma_start3A_318 = tpu.memref_squeeze %dma_start3A_317 : memref<1x4x2x8x128xf32, #tpu.memory_space<hbm>> -> memref<4x2x8x128xf32, #tpu.memory_space<hbm>>
        %dma_start3A_319 = tpu.memref_slice %arg6[%dma_start3A_307] : memref<2x!tpu.dma_semaphore, #tpu.memory_space<semaphore_mem>> -> memref<1x!tpu.dma_semaphore, #tpu.memory_space<semaphore_mem>>
        %dma_start3A_320 = tpu.memref_squeeze %dma_start3A_319 : memref<1x!tpu.dma_semaphore, #tpu.memory_space<semaphore_mem>> -> memref<!tpu.dma_semaphore, #tpu.memory_space<semaphore_mem>>
        %dma_start3A_321 = arith.constant 0 : i32
        %dma_start3A_322 = arith.constant 0 : i32
        %dma_start3A_323 = arith.constant 0 : i32
        %dma_start3A_324 = tpu.memref_slice %arg4[%select_n3A_286, %dma_start3A_321, %add3A_305, %dma_start3A_322, %dma_start3A_323] : memref<50x4x128x8x128xf32, #tpu.memory_space<hbm>> -> memref<1x4x2x8x128xf32, #tpu.memory_space<hbm>>
        %dma_start3A_325 = tpu.memref_squeeze %dma_start3A_324 : memref<1x4x2x8x128xf32, #tpu.memory_space<hbm>> -> memref<4x2x8x128xf32, #tpu.memory_space<hbm>>
        %dma_start3A_326 = arith.constant 0 : i32
        %dma_start3A_327 = arith.constant 0 : i32
        %dma_start3A_328 = arith.constant 0 : i32
        %dma_start3A_329 = arith.constant 0 : i32
        %dma_start3A_330 = tpu.memref_slice %run_scoped3A_4[%dma_start3A_306, %dma_start3A_326, %dma_start3A_327, %dma_start3A_328, %dma_start3A_329] : memref<2x4x2x8x128xf32, #tpu.memory_space<vmem>> -> memref<1x4x2x8x128xf32, #tpu.memory_space<vmem>>
        %dma_start3A_331 = tpu.memref_squeeze %dma_start3A_330 : memref<1x4x2x8x128xf32, #tpu.memory_space<vmem>> -> memref<4x2x8x128xf32, #tpu.memory_space<vmem>>
        tpu.enqueue_dma source(%dma_start3A_331 : memref<4x2x8x128xf32, #tpu.memory_space<vmem>>) target(%dma_start3A_325 : memref<4x2x8x128xf32, #tpu.memory_space<hbm>>) target_semaphore(%dma_start3A_320 : memref<!tpu.dma_semaphore, #tpu.memory_space<semaphore_mem>>)
      }
      %scan3A_25 = arith.constant 50 : i32
      %dma_wait3A = arith.constant 0 : i32
      %dma_wait3A_26 = arith.constant 0 : i32
      %dma_wait3A_27 = arith.constant 0 : i32
      %dma_wait3A_28 = arith.constant 0 : i32
      %dma_wait3A_29 = arith.constant 0 : i32
      %dma_wait3A_30 = arith.constant 0 : i32
      %dma_wait3A_31 = arith.constant 0 : i32
      %dma_wait3A_32 = tpu.memref_slice %run_scoped3A_4[%dma_wait3A, %dma_wait3A_28, %dma_wait3A_29, %dma_wait3A_30, %dma_wait3A_31] : memref<2x4x2x8x128xf32, #tpu.memory_space<vmem>> -> memref<1x4x2x8x128xf32, #tpu.memory_space<vmem>>
      %dma_wait3A_33 = tpu.memref_squeeze %dma_wait3A_32 : memref<1x4x2x8x128xf32, #tpu.memory_space<vmem>> -> memref<4x2x8x128xf32, #tpu.memory_space<vmem>>
      %dma_wait3A_34 = arith.constant 0 : i32
      %dma_wait3A_35 = arith.constant 0 : i32
      %dma_wait3A_36 = arith.constant 0 : i32
      %dma_wait3A_37 = tpu.memref_slice %arg4[%dma_wait3A_26, %dma_wait3A_34, %mul3A_2, %dma_wait3A_35, %dma_wait3A_36] : memref<50x4x128x8x128xf32, #tpu.memory_space<hbm>> -> memref<1x4x2x8x128xf32, #tpu.memory_space<hbm>>
      %dma_wait3A_38 = tpu.memref_squeeze %dma_wait3A_37 : memref<1x4x2x8x128xf32, #tpu.memory_space<hbm>> -> memref<4x2x8x128xf32, #tpu.memory_space<hbm>>
      %dma_wait3A_39 = tpu.memref_slice %arg6[%dma_wait3A_27] : memref<2x!tpu.dma_semaphore, #tpu.memory_space<semaphore_mem>> -> memref<1x!tpu.dma_semaphore, #tpu.memory_space<semaphore_mem>>
      %dma_wait3A_40 = tpu.memref_squeeze %dma_wait3A_39 : memref<1x!tpu.dma_semaphore, #tpu.memory_space<semaphore_mem>> -> memref<!tpu.dma_semaphore, #tpu.memory_space<semaphore_mem>>
      %dma_wait3A_41 = arith.constant 0 : i32
      %dma_wait3A_42 = arith.constant 0 : i32
      %dma_wait3A_43 = arith.constant 0 : i32
      %dma_wait3A_44 = tpu.memref_slice %arg4[%dma_wait3A_26, %dma_wait3A_41, %mul3A_2, %dma_wait3A_42, %dma_wait3A_43] : memref<50x4x128x8x128xf32, #tpu.memory_space<hbm>> -> memref<1x4x2x8x128xf32, #tpu.memory_space<hbm>>
      %dma_wait3A_45 = tpu.memref_squeeze %dma_wait3A_44 : memref<1x4x2x8x128xf32, #tpu.memory_space<hbm>> -> memref<4x2x8x128xf32, #tpu.memory_space<hbm>>
      %dma_wait3A_46 = arith.constant 0 : i32
      %dma_wait3A_47 = arith.constant 0 : i32
      %dma_wait3A_48 = arith.constant 0 : i32
      %dma_wait3A_49 = arith.constant 0 : i32
      %dma_wait3A_50 = tpu.memref_slice %run_scoped3A_4[%dma_wait3A, %dma_wait3A_46, %dma_wait3A_47, %dma_wait3A_48, %dma_wait3A_49] : memref<2x4x2x8x128xf32, #tpu.memory_space<vmem>> -> memref<1x4x2x8x128xf32, #tpu.memory_space<vmem>>
      %dma_wait3A_51 = tpu.memref_squeeze %dma_wait3A_50 : memref<1x4x2x8x128xf32, #tpu.memory_space<vmem>> -> memref<4x2x8x128xf32, #tpu.memory_space<vmem>>
      tpu.wait_dma2 semaphore(%dma_wait3A_40 : memref<!tpu.dma_semaphore, #tpu.memory_space<semaphore_mem>>) src(%dma_wait3A_51 : memref<4x2x8x128xf32, #tpu.memory_space<vmem>>) dst(%dma_wait3A_45 : memref<4x2x8x128xf32, #tpu.memory_space<hbm>>)
      %dma_wait3A_52 = arith.constant 1 : i32
      %dma_wait3A_53 = arith.constant 0 : i32
      %dma_wait3A_54 = arith.constant 1 : i32
      %dma_wait3A_55 = arith.constant 0 : i32
      %dma_wait3A_56 = arith.constant 0 : i32
      %dma_wait3A_57 = arith.constant 0 : i32
      %dma_wait3A_58 = arith.constant 0 : i32
      %dma_wait3A_59 = tpu.memref_slice %run_scoped3A_4[%dma_wait3A_52, %dma_wait3A_55, %dma_wait3A_56, %dma_wait3A_57, %dma_wait3A_58] : memref<2x4x2x8x128xf32, #tpu.memory_space<vmem>> -> memref<1x4x2x8x128xf32, #tpu.memory_space<vmem>>
      %dma_wait3A_60 = tpu.memref_squeeze %dma_wait3A_59 : memref<1x4x2x8x128xf32, #tpu.memory_space<vmem>> -> memref<4x2x8x128xf32, #tpu.memory_space<vmem>>
      %dma_wait3A_61 = arith.constant 0 : i32
      %dma_wait3A_62 = arith.constant 0 : i32
      %dma_wait3A_63 = arith.constant 0 : i32
      %dma_wait3A_64 = tpu.memref_slice %arg4[%dma_wait3A_53, %dma_wait3A_61, %mul3A_2, %dma_wait3A_62, %dma_wait3A_63] : memref<50x4x128x8x128xf32, #tpu.memory_space<hbm>> -> memref<1x4x2x8x128xf32, #tpu.memory_space<hbm>>
      %dma_wait3A_65 = tpu.memref_squeeze %dma_wait3A_64 : memref<1x4x2x8x128xf32, #tpu.memory_space<hbm>> -> memref<4x2x8x128xf32, #tpu.memory_space<hbm>>
      %dma_wait3A_66 = tpu.memref_slice %arg6[%dma_wait3A_54] : memref<2x!tpu.dma_semaphore, #tpu.memory_space<semaphore_mem>> -> memref<1x!tpu.dma_semaphore, #tpu.memory_space<semaphore_mem>>
      %dma_wait3A_67 = tpu.memref_squeeze %dma_wait3A_66 : memref<1x!tpu.dma_semaphore, #tpu.memory_space<semaphore_mem>> -> memref<!tpu.dma_semaphore, #tpu.memory_space<semaphore_mem>>
      %dma_wait3A_68 = arith.constant 0 : i32
      %dma_wait3A_69 = arith.constant 0 : i32
      %dma_wait3A_70 = arith.constant 0 : i32
      %dma_wait3A_71 = tpu.memref_slice %arg4[%dma_wait3A_53, %dma_wait3A_68, %mul3A_2, %dma_wait3A_69, %dma_wait3A_70] : memref<50x4x128x8x128xf32, #tpu.memory_space<hbm>> -> memref<1x4x2x8x128xf32, #tpu.memory_space<hbm>>
      %dma_wait3A_72 = tpu.memref_squeeze %dma_wait3A_71 : memref<1x4x2x8x128xf32, #tpu.memory_space<hbm>> -> memref<4x2x8x128xf32, #tpu.memory_space<hbm>>
      %dma_wait3A_73 = arith.constant 0 : i32
      %dma_wait3A_74 = arith.constant 0 : i32
      %dma_wait3A_75 = arith.constant 0 : i32
      %dma_wait3A_76 = arith.constant 0 : i32
      %dma_wait3A_77 = tpu.memref_slice %run_scoped3A_4[%dma_wait3A_52, %dma_wait3A_73, %dma_wait3A_74, %dma_wait3A_75, %dma_wait3A_76] : memref<2x4x2x8x128xf32, #tpu.memory_space<vmem>> -> memref<1x4x2x8x128xf32, #tpu.memory_space<vmem>>
      %dma_wait3A_78 = tpu.memref_squeeze %dma_wait3A_77 : memref<1x4x2x8x128xf32, #tpu.memory_space<vmem>> -> memref<4x2x8x128xf32, #tpu.memory_space<vmem>>
      tpu.wait_dma2 semaphore(%dma_wait3A_67 : memref<!tpu.dma_semaphore, #tpu.memory_space<semaphore_mem>>) src(%dma_wait3A_78 : memref<4x2x8x128xf32, #tpu.memory_space<vmem>>) dst(%dma_wait3A_72 : memref<4x2x8x128xf32, #tpu.memory_space<hbm>>)
      tpu.yield
    }) : () -> ()
    return
  }
}

#map = affine_map<(d0, d1) -> (0, 0)>
#map1 = affine_map<(d0, d1) -> (0, 0, 0, 0, 0)>
module attributes {stable_mosaic.version = 14 : i64} {
  func.func @_gather_body(%arg0: i32, %arg1: i32, %arg2: memref<50x16384xi32, #tpu.memory_space<hbm>>, %arg3: memref<100000x64xf32, #tpu.memory_space<hbm>>, %arg4: memref<50x8x128x8x128xf32, #tpu.memory_space<hbm>>, %arg5: memref<2x!tpu.dma_semaphore, #tpu.memory_space<semaphore_mem>>, %arg6: memref<2x!tpu.dma_semaphore, #tpu.memory_space<semaphore_mem>>) attributes {dimension_semantics = [#tpu.dimension_semantics<core_parallel>, #tpu.dimension_semantics<subcore_parallel>], iteration_bounds = array<i64: 2, 16>, scalar_prefetch = 0 : i64, scratch_operands = 2 : i64, tpu.core_type = #tpu.core_type<sc_vector_subcore>, window_params = [{transform_indices = #map}, {transform_indices = #map}, {transform_indices = #map1}]} {
    %mul3A = arith.constant 2 : i32
    %mul3A_0 = arith.muli %arg1, %mul3A : i32
    %add3A = arith.addi %mul3A_0, %arg0 : i32
    %mul3A_1 = arith.constant 4 : i32
    %mul3A_2 = arith.muli %add3A, %mul3A_1 : i32
    %iota3A = tpu.iota {dimensions = array<i32: 0>} : vector<16xi32>
    "tpu.region"() ({
      %run_scoped3A = memref.alloca() : memref<50x512xi32, #tpu.memory_space<vmem>>
      %run_scoped3A_3 = memref.alloca() : memref<2x256x64xf32, #tpu.memory_space<vmem>>
      %run_scoped3A_4 = memref.alloca() : memref<2x8x2x8x128xf32, #tpu.memory_space<vmem>>
      %mul3A_5 = arith.constant 128 : i32
      %mul3A_6 = arith.muli %mul3A_2, %mul3A_5 : i32
      "tpu.region"() ({
        %run_scoped3A_79 = tpu.sem_alloc : memref<!tpu.dma_semaphore, #tpu.memory_space<semaphore_mem>>
        %dma_start3A_80 = arith.constant 0 : i32
        %dma_start3A_81 = tpu.memref_slice %arg2[%dma_start3A_80, %mul3A_6] : memref<50x16384xi32, #tpu.memory_space<hbm>> -> memref<50x512xi32, #tpu.memory_space<hbm>>
        %dma_start3A_82 = arith.constant 0 : i32
        %dma_start3A_83 = tpu.memref_slice %arg2[%dma_start3A_82, %mul3A_6] : memref<50x16384xi32, #tpu.memory_space<hbm>> -> memref<50x512xi32, #tpu.memory_space<hbm>>
        tpu.enqueue_dma source(%dma_start3A_83 : memref<50x512xi32, #tpu.memory_space<hbm>>) target(%run_scoped3A : memref<50x512xi32, #tpu.memory_space<vmem>>) target_semaphore(%run_scoped3A_79 : memref<!tpu.dma_semaphore, #tpu.memory_space<semaphore_mem>>)
        %dma_wait3A_84 = arith.constant 0 : i32
        %dma_wait3A_85 = tpu.memref_slice %arg2[%dma_wait3A_84, %mul3A_6] : memref<50x16384xi32, #tpu.memory_space<hbm>> -> memref<50x512xi32, #tpu.memory_space<hbm>>
        %dma_wait3A_86 = arith.constant 0 : i32
        %dma_wait3A_87 = tpu.memref_slice %arg2[%dma_wait3A_86, %mul3A_6] : memref<50x16384xi32, #tpu.memory_space<hbm>> -> memref<50x512xi32, #tpu.memory_space<hbm>>
        tpu.wait_dma2 semaphore(%run_scoped3A_79 : memref<!tpu.dma_semaphore, #tpu.memory_space<semaphore_mem>>) src(%dma_wait3A_87 : memref<50x512xi32, #tpu.memory_space<hbm>>) dst(%run_scoped3A : memref<50x512xi32, #tpu.memory_space<vmem>>)
        tpu.yield
      }) : () -> ()
      %dma_start3A = arith.constant 0 : i32
      %dma_start3A_7 = arith.constant 0 : i32
      %dma_start3A_8 = arith.constant 0 : i32
      %dma_start3A_9 = arith.constant 0 : i32
      %dma_start3A_10 = arith.constant 0 : i32
      %dma_start3A_11 = tpu.memref_slice %run_scoped3A_3[%dma_start3A_7, %dma_start3A_9, %dma_start3A_10] : memref<2x256x64xf32, #tpu.memory_space<vmem>> -> memref<1x256x64xf32, #tpu.memory_space<vmem>>
      %dma_start3A_12 = tpu.memref_squeeze %dma_start3A_11 : memref<1x256x64xf32, #tpu.memory_space<vmem>> -> memref<256x64xf32, #tpu.memory_space<vmem>>
      %dma_start3A_13 = arith.constant 0 : i32
      %dma_start3A_14 = tpu.memref_slice %run_scoped3A[%dma_start3A, %dma_start3A_13] : memref<50x512xi32, #tpu.memory_space<vmem>> -> memref<1x256xi32, #tpu.memory_space<vmem>>
      %dma_start3A_15 = tpu.memref_squeeze %dma_start3A_14 : memref<1x256xi32, #tpu.memory_space<vmem>> -> memref<256xi32, #tpu.memory_space<vmem>>
      %dma_start3A_16 = arith.constant 0 : i32
      %dma_start3A_17 = arith.constant 0 : i32
      %dma_start3A_18 = tpu.memref_slice %arg3[%dma_start3A_16, %dma_start3A_17] : memref<100000x64xf32, #tpu.memory_space<hbm>> -> memref<100000x64xf32, #tpu.memory_space<hbm>>
      %dma_start3A_19 = tpu.memref_slice %arg5[%dma_start3A_8] : memref<2x!tpu.dma_semaphore, #tpu.memory_space<semaphore_mem>> -> memref<1x!tpu.dma_semaphore, #tpu.memory_space<semaphore_mem>>
      %dma_start3A_20 = tpu.memref_squeeze %dma_start3A_19 : memref<1x!tpu.dma_semaphore, #tpu.memory_space<semaphore_mem>> -> memref<!tpu.dma_semaphore, #tpu.memory_space<semaphore_mem>>
      tpu.enqueue_indirect_dma source(%dma_start3A_18 : memref<100000x64xf32, #tpu.memory_space<hbm>>) target(%dma_start3A_12 : memref<256x64xf32, #tpu.memory_space<vmem>>) offsets(%dma_start3A_15 : memref<256xi32, #tpu.memory_space<vmem>>) semaphore(%dma_start3A_20 : memref<!tpu.dma_semaphore, #tpu.memory_space<semaphore_mem>>)
      %scan3A = arith.constant 0 : i32
      %scan3A_21 = arith.constant 0 : i32
      %scan3A_22 = arith.constant 50 : i32
      %scan3A_23 = arith.addi %scan3A_21, %scan3A_22 : i32
      %scan3A_24 = arith.constant 1 : i32
      scf.for %scan3A_79 = %scan3A_21 to %scan3A_23 step %scan3A_24  : i32 {
        %ge3A = arith.constant 1 : i32
        %ge3A_80 = arith.cmpi sge, %scan3A_79, %ge3A : i32
        %convert_element_type3A = arith.extui %ge3A_80 : i1 to i32
        %cond3A = arith.constant 0 : i32
        %cond3A_81 = arith.cmpi ne, %convert_element_type3A, %cond3A : i32
        scf.if %cond3A_81 {
          %dma_wait3A_332 = arith.constant 1 : i32
          %dma_wait3A_333 = arith.constant 0 : i32
          %dma_wait3A_334 = arith.constant 1 : i32
          %dma_wait3A_335 = arith.constant 0 : i32
          %dma_wait3A_336 = arith.constant 0 : i32
          %dma_wait3A_337 = arith.constant 0 : i32
          %dma_wait3A_338 = arith.constant 0 : i32
          %dma_wait3A_339 = tpu.memref_slice %run_scoped3A_4[%dma_wait3A_332, %dma_wait3A_335, %dma_wait3A_336, %dma_wait3A_337, %dma_wait3A_338] : memref<2x8x2x8x128xf32, #tpu.memory_space<vmem>> -> memref<1x8x2x8x128xf32, #tpu.memory_space<vmem>>
          %dma_wait3A_340 = tpu.memref_squeeze %dma_wait3A_339 : memref<1x8x2x8x128xf32, #tpu.memory_space<vmem>> -> memref<8x2x8x128xf32, #tpu.memory_space<vmem>>
          %dma_wait3A_341 = arith.constant 0 : i32
          %dma_wait3A_342 = arith.constant 0 : i32
          %dma_wait3A_343 = arith.constant 0 : i32
          %dma_wait3A_344 = tpu.memref_slice %arg4[%dma_wait3A_333, %dma_wait3A_341, %mul3A_2, %dma_wait3A_342, %dma_wait3A_343] : memref<50x8x128x8x128xf32, #tpu.memory_space<hbm>> -> memref<1x8x2x8x128xf32, #tpu.memory_space<hbm>>
          %dma_wait3A_345 = tpu.memref_squeeze %dma_wait3A_344 : memref<1x8x2x8x128xf32, #tpu.memory_space<hbm>> -> memref<8x2x8x128xf32, #tpu.memory_space<hbm>>
          %dma_wait3A_346 = tpu.memref_slice %arg6[%dma_wait3A_334] : memref<2x!tpu.dma_semaphore, #tpu.memory_space<semaphore_mem>> -> memref<1x!tpu.dma_semaphore, #tpu.memory_space<semaphore_mem>>
          %dma_wait3A_347 = tpu.memref_squeeze %dma_wait3A_346 : memref<1x!tpu.dma_semaphore, #tpu.memory_space<semaphore_mem>> -> memref<!tpu.dma_semaphore, #tpu.memory_space<semaphore_mem>>
          %dma_wait3A_348 = arith.constant 0 : i32
          %dma_wait3A_349 = arith.constant 0 : i32
          %dma_wait3A_350 = arith.constant 0 : i32
          %dma_wait3A_351 = tpu.memref_slice %arg4[%dma_wait3A_333, %dma_wait3A_348, %mul3A_2, %dma_wait3A_349, %dma_wait3A_350] : memref<50x8x128x8x128xf32, #tpu.memory_space<hbm>> -> memref<1x8x2x8x128xf32, #tpu.memory_space<hbm>>
          %dma_wait3A_352 = tpu.memref_squeeze %dma_wait3A_351 : memref<1x8x2x8x128xf32, #tpu.memory_space<hbm>> -> memref<8x2x8x128xf32, #tpu.memory_space<hbm>>
          %dma_wait3A_353 = arith.constant 0 : i32
          %dma_wait3A_354 = arith.constant 0 : i32
          %dma_wait3A_355 = arith.constant 0 : i32
          %dma_wait3A_356 = arith.constant 0 : i32
          %dma_wait3A_357 = tpu.memref_slice %run_scoped3A_4[%dma_wait3A_332, %dma_wait3A_353, %dma_wait3A_354, %dma_wait3A_355, %dma_wait3A_356] : memref<2x8x2x8x128xf32, #tpu.memory_space<vmem>> -> memref<1x8x2x8x128xf32, #tpu.memory_space<vmem>>
          %dma_wait3A_358 = tpu.memref_squeeze %dma_wait3A_357 : memref<1x8x2x8x128xf32, #tpu.memory_space<vmem>> -> memref<8x2x8x128xf32, #tpu.memory_space<vmem>>
          tpu.wait_dma2 semaphore(%dma_wait3A_347 : memref<!tpu.dma_semaphore, #tpu.memory_space<semaphore_mem>>) src(%dma_wait3A_358 : memref<8x2x8x128xf32, #tpu.memory_space<vmem>>) dst(%dma_wait3A_352 : memref<8x2x8x128xf32, #tpu.memory_space<hbm>>)
        } else {
        }
        %mul3A_82 = arith.constant 2 : i32
        %mul3A_83 = arith.muli %mul3A_82, %scan3A_79 : i32
        %add3A_84 = arith.constant 1 : i32
        %add3A_85 = arith.addi %mul3A_83, %add3A_84 : i32
        %jit3A = arith.constant 2 : i32
        %div3A = arith.divsi %add3A_85, %jit3A : i32
        %sign3A = arith.constant 0 : i32
        %sign3A_86 = arith.cmpi sgt, %add3A_85, %sign3A : i32
        %sign3A_87 = arith.extui %sign3A_86 : i1 to i32
        %sign3A_88 = arith.constant 0 : i32
        %sign3A_89 = arith.cmpi slt, %add3A_85, %sign3A_88 : i32
        %sign3A_90 = arith.extui %sign3A_89 : i1 to i32
        %sign3A_91 = arith.subi %sign3A_87, %sign3A_90 : i32
        %sign3A_92 = arith.constant 0 : i32
        %sign3A_93 = arith.cmpi sgt, %jit3A, %sign3A_92 : i32
        %sign3A_94 = arith.extui %sign3A_93 : i1 to i32
        %sign3A_95 = arith.constant 0 : i32
        %sign3A_96 = arith.cmpi slt, %jit3A, %sign3A_95 : i32
        %sign3A_97 = arith.extui %sign3A_96 : i1 to i32
        %sign3A_98 = arith.subi %sign3A_94, %sign3A_97 : i32
        %ne3A = arith.cmpi ne, %sign3A_91, %sign3A_98 : i32
        %rem3A = arith.remsi %add3A_85, %jit3A : i32
        %ne3A_99 = arith.constant 0 : i32
        %ne3A_100 = arith.cmpi ne, %rem3A, %ne3A_99 : i32
        %and3A = arith.andi %ne3A, %ne3A_100 : i1
        %sub3A = arith.constant 1 : i32
        %sub3A_101 = arith.subi %div3A, %sub3A : i32
        %select_n3A = arith.select %and3A, %sub3A_101, %div3A : i32
        %jit3A_102 = arith.constant 2 : i32
        %eq3A = arith.constant 0 : i32
        %eq3A_103 = arith.cmpi eq, %jit3A_102, %eq3A : i32
        %jit3A_104 = arith.constant 1 : i32
        %select_n3A_105 = arith.select %eq3A_103, %jit3A_104, %jit3A_102 : i32
        %rem3A_106 = arith.remsi %add3A_85, %select_n3A_105 : i32
        %ne3A_107 = arith.constant 0 : i32
        %ne3A_108 = arith.cmpi ne, %rem3A_106, %ne3A_107 : i32
        %lt3A = arith.constant 0 : i32
        %lt3A_109 = arith.cmpi slt, %rem3A_106, %lt3A : i32
        %lt3A_110 = arith.constant 0 : i32
        %lt3A_111 = arith.cmpi slt, %select_n3A_105, %lt3A_110 : i32
        %ne3A_112 = arith.xori %lt3A_109, %lt3A_111 : i1
        %and3A_113 = arith.andi %ne3A_112, %ne3A_108 : i1
        %add3A_114 = arith.addi %rem3A_106, %select_n3A_105 : i32
        %select_n3A_115 = arith.select %and3A_113, %add3A_114, %rem3A_106 : i32
        %mul3A_116 = arith.constant 2 : i32
        %mul3A_117 = arith.muli %select_n3A_115, %mul3A_116 : i32
        %mul3A_118 = arith.constant 128 : i32
        %mul3A_119 = arith.muli %mul3A_117, %mul3A_118 : i32
        %dma_start3A_120 = arith.constant 1 : i32
        %dma_start3A_121 = arith.constant 1 : i32
        %dma_start3A_122 = arith.constant 0 : i32
        %dma_start3A_123 = arith.constant 0 : i32
        %dma_start3A_124 = tpu.memref_slice %run_scoped3A_3[%dma_start3A_120, %dma_start3A_122, %dma_start3A_123] : memref<2x256x64xf32, #tpu.memory_space<vmem>> -> memref<1x256x64xf32, #tpu.memory_space<vmem>>
        %dma_start3A_125 = tpu.memref_squeeze %dma_start3A_124 : memref<1x256x64xf32, #tpu.memory_space<vmem>> -> memref<256x64xf32, #tpu.memory_space<vmem>>
        %dma_start3A_126 = tpu.memref_slice %run_scoped3A[%select_n3A, %mul3A_119] : memref<50x512xi32, #tpu.memory_space<vmem>> -> memref<1x256xi32, #tpu.memory_space<vmem>>
        %dma_start3A_127 = tpu.memref_squeeze %dma_start3A_126 : memref<1x256xi32, #tpu.memory_space<vmem>> -> memref<256xi32, #tpu.memory_space<vmem>>
        %dma_start3A_128 = arith.constant 0 : i32
        %dma_start3A_129 = arith.constant 0 : i32
        %dma_start3A_130 = tpu.memref_slice %arg3[%dma_start3A_128, %dma_start3A_129] : memref<100000x64xf32, #tpu.memory_space<hbm>> -> memref<100000x64xf32, #tpu.memory_space<hbm>>
        %dma_start3A_131 = tpu.memref_slice %arg5[%dma_start3A_121] : memref<2x!tpu.dma_semaphore, #tpu.memory_space<semaphore_mem>> -> memref<1x!tpu.dma_semaphore, #tpu.memory_space<semaphore_mem>>
        %dma_start3A_132 = tpu.memref_squeeze %dma_start3A_131 : memref<1x!tpu.dma_semaphore, #tpu.memory_space<semaphore_mem>> -> memref<!tpu.dma_semaphore, #tpu.memory_space<semaphore_mem>>
        tpu.enqueue_indirect_dma source(%dma_start3A_130 : memref<100000x64xf32, #tpu.memory_space<hbm>>) target(%dma_start3A_125 : memref<256x64xf32, #tpu.memory_space<vmem>>) offsets(%dma_start3A_127 : memref<256xi32, #tpu.memory_space<vmem>>) semaphore(%dma_start3A_132 : memref<!tpu.dma_semaphore, #tpu.memory_space<semaphore_mem>>)
        %mul3A_133 = arith.constant 2 : i32
        %mul3A_134 = arith.muli %mul3A_133, %scan3A_79 : i32
        %dma_wait3A_135 = arith.constant 0 : i32
        %dma_wait3A_136 = arith.constant 0 : i32
        %dma_wait3A_137 = arith.constant 0 : i32
        %dma_wait3A_138 = arith.constant 0 : i32
        %dma_wait3A_139 = tpu.memref_slice %run_scoped3A_3[%dma_wait3A_135, %dma_wait3A_137, %dma_wait3A_138] : memref<2x256x64xf32, #tpu.memory_space<vmem>> -> memref<1x256x64xf32, #tpu.memory_space<vmem>>
        %dma_wait3A_140 = tpu.memref_squeeze %dma_wait3A_139 : memref<1x256x64xf32, #tpu.memory_space<vmem>> -> memref<256x64xf32, #tpu.memory_space<vmem>>
        %dma_wait3A_141 = arith.constant 0 : i32
        %dma_wait3A_142 = arith.constant 0 : i32
        %dma_wait3A_143 = tpu.memref_slice %arg3[%dma_wait3A_141, %dma_wait3A_142] : memref<100000x64xf32, #tpu.memory_space<hbm>> -> memref<256x64xf32, #tpu.memory_space<hbm>>
        %dma_wait3A_144 = tpu.memref_slice %arg5[%dma_wait3A_136] : memref<2x!tpu.dma_semaphore, #tpu.memory_space<semaphore_mem>> -> memref<1x!tpu.dma_semaphore, #tpu.memory_space<semaphore_mem>>
        %dma_wait3A_145 = tpu.memref_squeeze %dma_wait3A_144 : memref<1x!tpu.dma_semaphore, #tpu.memory_space<semaphore_mem>> -> memref<!tpu.dma_semaphore, #tpu.memory_space<semaphore_mem>>
        %dma_wait3A_146 = arith.constant 0 : i32
        %dma_wait3A_147 = arith.constant 0 : i32
        %dma_wait3A_148 = tpu.memref_slice %run_scoped3A_3[%dma_wait3A_135, %dma_wait3A_146, %dma_wait3A_147] : memref<2x256x64xf32, #tpu.memory_space<vmem>> -> memref<1x256x64xf32, #tpu.memory_space<vmem>>
        %dma_wait3A_149 = tpu.memref_squeeze %dma_wait3A_148 : memref<1x256x64xf32, #tpu.memory_space<vmem>> -> memref<256x64xf32, #tpu.memory_space<vmem>>
        %dma_wait3A_150 = arith.constant 0 : i32
        %dma_wait3A_151 = arith.constant 0 : i32
        %dma_wait3A_152 = tpu.memref_slice %arg3[%dma_wait3A_150, %dma_wait3A_151] : memref<100000x64xf32, #tpu.memory_space<hbm>> -> memref<256x64xf32, #tpu.memory_space<hbm>>
        tpu.wait_dma2 semaphore(%dma_wait3A_145 : memref<!tpu.dma_semaphore, #tpu.memory_space<semaphore_mem>>) src(%dma_wait3A_152 : memref<256x64xf32, #tpu.memory_space<hbm>>) dst(%dma_wait3A_149 : memref<256x64xf32, #tpu.memory_space<vmem>>)
        %scan3A_153 = arith.constant 0 : i32
        %scan3A_154 = arith.constant 0 : i32
        %scan3A_155 = arith.constant 64 : i32
        %scan3A_156 = arith.addi %scan3A_154, %scan3A_155 : i32
        %scan3A_157 = arith.constant 1 : i32
        scf.for %scan3A_332 = %scan3A_154 to %scan3A_156 step %scan3A_157  : i32 {
          %add3A_333 = vector.broadcast %scan3A_332 : i32 to vector<16xi32>
          %add3A_334 = arith.addi %add3A_333, %iota3A : vector<16xi32>
          %ge3A_335 = arith.constant 64 : i32
          %ge3A_336 = vector.broadcast %ge3A_335 : i32 to vector<16xi32>
          %ge3A_337 = arith.cmpi sge, %add3A_334, %ge3A_336 : vector<16xi32>
          %sub3A_338 = arith.constant 64 : i32
          %sub3A_339 = vector.broadcast %sub3A_338 : i32 to vector<16xi32>
          %sub3A_340 = arith.subi %add3A_334, %sub3A_339 : vector<16xi32>
          %select_n3A_341 = arith.select %ge3A_337, %sub3A_340, %add3A_334 : vector<16xi1>, vector<16xi32>
          %jit3A_342 = arith.constant 8 : i32
          %div3A_343 = vector.broadcast %jit3A_342 : i32 to vector<16xi32>
          %div3A_344 = arith.divsi %select_n3A_341, %div3A_343 : vector<16xi32>
          %sign3A_345 = arith.constant 0 : i32
          %sign3A_346 = vector.broadcast %sign3A_345 : i32 to vector<16xi32>
          %sign3A_347 = arith.cmpi sgt, %select_n3A_341, %sign3A_346 : vector<16xi32>
          %sign3A_348 = arith.extui %sign3A_347 : vector<16xi1> to vector<16xi32>
          %sign3A_349 = arith.constant 0 : i32
          %sign3A_350 = vector.broadcast %sign3A_349 : i32 to vector<16xi32>
          %sign3A_351 = arith.cmpi slt, %select_n3A_341, %sign3A_350 : vector<16xi32>
          %sign3A_352 = arith.extui %sign3A_351 : vector<16xi1> to vector<16xi32>
          %sign3A_353 = arith.subi %sign3A_348, %sign3A_352 : vector<16xi32>
          %sign3A_354 = arith.constant 0 : i32
          %sign3A_355 = arith.cmpi sgt, %jit3A_342, %sign3A_354 : i32
          %sign3A_356 = arith.extui %sign3A_355 : i1 to i32
          %sign3A_357 = arith.constant 0 : i32
          %sign3A_358 = arith.cmpi slt, %jit3A_342, %sign3A_357 : i32
          %sign3A_359 = arith.extui %sign3A_358 : i1 to i32
          %sign3A_360 = arith.subi %sign3A_356, %sign3A_359 : i32
          %ne3A_361 = vector.broadcast %sign3A_360 : i32 to vector<16xi32>
          %ne3A_362 = arith.cmpi ne, %sign3A_353, %ne3A_361 : vector<16xi32>
          %rem3A_363 = vector.broadcast %jit3A_342 : i32 to vector<16xi32>
          %rem3A_364 = arith.remsi %select_n3A_341, %rem3A_363 : vector<16xi32>
          %ne3A_365 = arith.constant 0 : i32
          %ne3A_366 = vector.broadcast %ne3A_365 : i32 to vector<16xi32>
          %ne3A_367 = arith.cmpi ne, %rem3A_364, %ne3A_366 : vector<16xi32>
          %and3A_368 = arith.andi %ne3A_362, %ne3A_367 : vector<16xi1>
          %sub3A_369 = arith.constant 1 : i32
          %sub3A_370 = vector.broadcast %sub3A_369 : i32 to vector<16xi32>
          %sub3A_371 = arith.subi %div3A_344, %sub3A_370 : vector<16xi32>
          %select_n3A_372 = arith.select %and3A_368, %sub3A_371, %div3A_344 : vector<16xi1>, vector<16xi32>
          %mul3A_373 = arith.constant 8 : i32
          %mul3A_374 = vector.broadcast %mul3A_373 : i32 to vector<16xi32>
          %mul3A_375 = arith.muli %select_n3A_372, %mul3A_374 : vector<16xi32>
          %sub3A_376 = arith.subi %select_n3A_341, %mul3A_375 : vector<16xi32>
          %broadcast_in_dim3A = arith.constant 0 : i32
          %broadcast_in_dim3A_377 = vector.broadcast %broadcast_in_dim3A : i32 to vector<16xi32>
          %add3A_378 = arith.constant 0 : i32
          %add3A_379 = vector.broadcast %add3A_378 : i32 to vector<16xi32>
          %add3A_380 = arith.addi %broadcast_in_dim3A_377, %add3A_379 : vector<16xi32>
          %add3A_381 = arith.constant 0 : i32
          %add3A_382 = vector.broadcast %add3A_381 : i32 to vector<16xi32>
          %add3A_383 = arith.addi %iota3A, %add3A_382 : vector<16xi32>
          %add3A_384 = arith.constant 0 : i32
          %add3A_385 = vector.broadcast %add3A_384 : i32 to vector<16xi32>
          %add3A_386 = arith.addi %add3A_383, %add3A_385 : vector<16xi32>
          %gather3A = arith.constant 0 : i32
          %gather3A_387 = arith.constant 0 : i32
          %gather3A_388 = arith.constant 0 : i32
          %gather3A_389 = tpu.memref_slice %run_scoped3A_3[%gather3A, %gather3A_387, %gather3A_388] : memref<2x256x64xf32, #tpu.memory_space<vmem>> -> memref<1x256x64xf32, #tpu.memory_space<vmem>>
          %gather3A_390 = tpu.memref_squeeze %gather3A_389 : memref<1x256x64xf32, #tpu.memory_space<vmem>> -> memref<256x64xf32, #tpu.memory_space<vmem>>
          %gather3A_391 = tpu.vector_load_idx %gather3A_390[%add3A_386, %select_n3A_341] : memref<256x64xf32, #tpu.memory_space<vmem>>[vector<16xi32>, vector<16xi32>], vector<16xf32>,
          %scatter3A = arith.constant 0 : i32
          %scatter3A_392 = arith.constant 0 : i32
          %scatter3A_393 = arith.constant 0 : i32
          %scatter3A_394 = arith.constant 0 : i32
          %scatter3A_395 = arith.constant 0 : i32
          %scatter3A_396 = tpu.memref_slice %run_scoped3A_4[%scatter3A, %scatter3A_392, %scatter3A_393, %scatter3A_394, %scatter3A_395] : memref<2x8x2x8x128xf32, #tpu.memory_space<vmem>> -> memref<1x8x2x8x128xf32, #tpu.memory_space<vmem>>
          %scatter3A_397 = tpu.memref_squeeze %scatter3A_396 : memref<1x8x2x8x128xf32, #tpu.memory_space<vmem>> -> memref<8x2x8x128xf32, #tpu.memory_space<vmem>>
          tpu.vector_store_idx %scatter3A_397[%select_n3A_372, %add3A_380, %sub3A_376, %add3A_383], %gather3A_391 : memref<8x2x8x128xf32, #tpu.memory_space<vmem>>[vector<16xi32>, vector<16xi32>, vector<16xi32>, vector<16xi32>], vector<16xf32>,
          %add3A_398 = arith.constant 16 : i32
          %add3A_399 = vector.broadcast %add3A_398 : i32 to vector<16xi32>
          %add3A_400 = arith.addi %iota3A, %add3A_399 : vector<16xi32>
          %add3A_401 = arith.constant 0 : i32
          %add3A_402 = vector.broadcast %add3A_401 : i32 to vector<16xi32>
          %add3A_403 = arith.addi %add3A_400, %add3A_402 : vector<16xi32>
          %gather3A_404 = arith.constant 0 : i32
          %gather3A_405 = arith.constant 0 : i32
          %gather3A_406 = arith.constant 0 : i32
          %gather3A_407 = tpu.memref_slice %run_scoped3A_3[%gather3A_404, %gather3A_405, %gather3A_406] : memref<2x256x64xf32, #tpu.memory_space<vmem>> -> memref<1x256x64xf32, #tpu.memory_space<vmem>>
          %gather3A_408 = tpu.memref_squeeze %gather3A_407 : memref<1x256x64xf32, #tpu.memory_space<vmem>> -> memref<256x64xf32, #tpu.memory_space<vmem>>
          %gather3A_409 = tpu.vector_load_idx %gather3A_408[%add3A_403, %select_n3A_341] : memref<256x64xf32, #tpu.memory_space<vmem>>[vector<16xi32>, vector<16xi32>], vector<16xf32>,
          %scatter3A_410 = arith.constant 0 : i32
          %scatter3A_411 = arith.constant 0 : i32
          %scatter3A_412 = arith.constant 0 : i32
          %scatter3A_413 = arith.constant 0 : i32
          %scatter3A_414 = arith.constant 0 : i32
          %scatter3A_415 = tpu.memref_slice %run_scoped3A_4[%scatter3A_410, %scatter3A_411, %scatter3A_412, %scatter3A_413, %scatter3A_414] : memref<2x8x2x8x128xf32, #tpu.memory_space<vmem>> -> memref<1x8x2x8x128xf32, #tpu.memory_space<vmem>>
          %scatter3A_416 = tpu.memref_squeeze %scatter3A_415 : memref<1x8x2x8x128xf32, #tpu.memory_space<vmem>> -> memref<8x2x8x128xf32, #tpu.memory_space<vmem>>
          tpu.vector_store_idx %scatter3A_416[%select_n3A_372, %add3A_380, %sub3A_376, %add3A_400], %gather3A_409 : memref<8x2x8x128xf32, #tpu.memory_space<vmem>>[vector<16xi32>, vector<16xi32>, vector<16xi32>, vector<16xi32>], vector<16xf32>,
          %add3A_417 = arith.constant 32 : i32
          %add3A_418 = vector.broadcast %add3A_417 : i32 to vector<16xi32>
          %add3A_419 = arith.addi %iota3A, %add3A_418 : vector<16xi32>
          %add3A_420 = arith.constant 0 : i32
          %add3A_421 = vector.broadcast %add3A_420 : i32 to vector<16xi32>
          %add3A_422 = arith.addi %add3A_419, %add3A_421 : vector<16xi32>
          %gather3A_423 = arith.constant 0 : i32
          %gather3A_424 = arith.constant 0 : i32
          %gather3A_425 = arith.constant 0 : i32
          %gather3A_426 = tpu.memref_slice %run_scoped3A_3[%gather3A_423, %gather3A_424, %gather3A_425] : memref<2x256x64xf32, #tpu.memory_space<vmem>> -> memref<1x256x64xf32, #tpu.memory_space<vmem>>
          %gather3A_427 = tpu.memref_squeeze %gather3A_426 : memref<1x256x64xf32, #tpu.memory_space<vmem>> -> memref<256x64xf32, #tpu.memory_space<vmem>>
          %gather3A_428 = tpu.vector_load_idx %gather3A_427[%add3A_422, %select_n3A_341] : memref<256x64xf32, #tpu.memory_space<vmem>>[vector<16xi32>, vector<16xi32>], vector<16xf32>,
          %scatter3A_429 = arith.constant 0 : i32
          %scatter3A_430 = arith.constant 0 : i32
          %scatter3A_431 = arith.constant 0 : i32
          %scatter3A_432 = arith.constant 0 : i32
          %scatter3A_433 = arith.constant 0 : i32
          %scatter3A_434 = tpu.memref_slice %run_scoped3A_4[%scatter3A_429, %scatter3A_430, %scatter3A_431, %scatter3A_432, %scatter3A_433] : memref<2x8x2x8x128xf32, #tpu.memory_space<vmem>> -> memref<1x8x2x8x128xf32, #tpu.memory_space<vmem>>
          %scatter3A_435 = tpu.memref_squeeze %scatter3A_434 : memref<1x8x2x8x128xf32, #tpu.memory_space<vmem>> -> memref<8x2x8x128xf32, #tpu.memory_space<vmem>>
          tpu.vector_store_idx %scatter3A_435[%select_n3A_372, %add3A_380, %sub3A_376, %add3A_419], %gather3A_428 : memref<8x2x8x128xf32, #tpu.memory_space<vmem>>[vector<16xi32>, vector<16xi32>, vector<16xi32>, vector<16xi32>], vector<16xf32>,
          %add3A_436 = arith.constant 48 : i32
          %add3A_437 = vector.broadcast %add3A_436 : i32 to vector<16xi32>
          %add3A_438 = arith.addi %iota3A, %add3A_437 : vector<16xi32>
          %add3A_439 = arith.constant 0 : i32
          %add3A_440 = vector.broadcast %add3A_439 : i32 to vector<16xi32>
          %add3A_441 = arith.addi %add3A_438, %add3A_440 : vector<16xi32>
          %gather3A_442 = arith.constant 0 : i32
          %gather3A_443 = arith.constant 0 : i32
          %gather3A_444 = arith.constant 0 : i32
          %gather3A_445 = tpu.memref_slice %run_scoped3A_3[%gather3A_442, %gather3A_443, %gather3A_444] : memref<2x256x64xf32, #tpu.memory_space<vmem>> -> memref<1x256x64xf32, #tpu.memory_space<vmem>>
          %gather3A_446 = tpu.memref_squeeze %gather3A_445 : memref<1x256x64xf32, #tpu.memory_space<vmem>> -> memref<256x64xf32, #tpu.memory_space<vmem>>
          %gather3A_447 = tpu.vector_load_idx %gather3A_446[%add3A_441, %select_n3A_341] : memref<256x64xf32, #tpu.memory_space<vmem>>[vector<16xi32>, vector<16xi32>], vector<16xf32>,
          %scatter3A_448 = arith.constant 0 : i32
          %scatter3A_449 = arith.constant 0 : i32
          %scatter3A_450 = arith.constant 0 : i32
          %scatter3A_451 = arith.constant 0 : i32
          %scatter3A_452 = arith.constant 0 : i32
          %scatter3A_453 = tpu.memref_slice %run_scoped3A_4[%scatter3A_448, %scatter3A_449, %scatter3A_450, %scatter3A_451, %scatter3A_452] : memref<2x8x2x8x128xf32, #tpu.memory_space<vmem>> -> memref<1x8x2x8x128xf32, #tpu.memory_space<vmem>>
          %scatter3A_454 = tpu.memref_squeeze %scatter3A_453 : memref<1x8x2x8x128xf32, #tpu.memory_space<vmem>> -> memref<8x2x8x128xf32, #tpu.memory_space<vmem>>
          tpu.vector_store_idx %scatter3A_454[%select_n3A_372, %add3A_380, %sub3A_376, %add3A_438], %gather3A_447 : memref<8x2x8x128xf32, #tpu.memory_space<vmem>>[vector<16xi32>, vector<16xi32>, vector<16xi32>, vector<16xi32>], vector<16xf32>,
          %add3A_455 = arith.constant 64 : i32
          %add3A_456 = vector.broadcast %add3A_455 : i32 to vector<16xi32>
          %add3A_457 = arith.addi %iota3A, %add3A_456 : vector<16xi32>
          %add3A_458 = arith.constant 0 : i32
          %add3A_459 = vector.broadcast %add3A_458 : i32 to vector<16xi32>
          %add3A_460 = arith.addi %add3A_457, %add3A_459 : vector<16xi32>
          %gather3A_461 = arith.constant 0 : i32
          %gather3A_462 = arith.constant 0 : i32
          %gather3A_463 = arith.constant 0 : i32
          %gather3A_464 = tpu.memref_slice %run_scoped3A_3[%gather3A_461, %gather3A_462, %gather3A_463] : memref<2x256x64xf32, #tpu.memory_space<vmem>> -> memref<1x256x64xf32, #tpu.memory_space<vmem>>
          %gather3A_465 = tpu.memref_squeeze %gather3A_464 : memref<1x256x64xf32, #tpu.memory_space<vmem>> -> memref<256x64xf32, #tpu.memory_space<vmem>>
          %gather3A_466 = tpu.vector_load_idx %gather3A_465[%add3A_460, %select_n3A_341] : memref<256x64xf32, #tpu.memory_space<vmem>>[vector<16xi32>, vector<16xi32>], vector<16xf32>,
          %scatter3A_467 = arith.constant 0 : i32
          %scatter3A_468 = arith.constant 0 : i32
          %scatter3A_469 = arith.constant 0 : i32
          %scatter3A_470 = arith.constant 0 : i32
          %scatter3A_471 = arith.constant 0 : i32
          %scatter3A_472 = tpu.memref_slice %run_scoped3A_4[%scatter3A_467, %scatter3A_468, %scatter3A_469, %scatter3A_470, %scatter3A_471] : memref<2x8x2x8x128xf32, #tpu.memory_space<vmem>> -> memref<1x8x2x8x128xf32, #tpu.memory_space<vmem>>
          %scatter3A_473 = tpu.memref_squeeze %scatter3A_472 : memref<1x8x2x8x128xf32, #tpu.memory_space<vmem>> -> memref<8x2x8x128xf32, #tpu.memory_space<vmem>>
          tpu.vector_store_idx %scatter3A_473[%select_n3A_372, %add3A_380, %sub3A_376, %add3A_457], %gather3A_466 : memref<8x2x8x128xf32, #tpu.memory_space<vmem>>[vector<16xi32>, vector<16xi32>, vector<16xi32>, vector<16xi32>], vector<16xf32>,
          %add3A_474 = arith.constant 80 : i32
          %add3A_475 = vector.broadcast %add3A_474 : i32 to vector<16xi32>
          %add3A_476 = arith.addi %iota3A, %add3A_475 : vector<16xi32>
          %add3A_477 = arith.constant 0 : i32
          %add3A_478 = vector.broadcast %add3A_477 : i32 to vector<16xi32>
          %add3A_479 = arith.addi %add3A_476, %add3A_478 : vector<16xi32>
          %gather3A_480 = arith.constant 0 : i32
          %gather3A_481 = arith.constant 0 : i32
          %gather3A_482 = arith.constant 0 : i32
          %gather3A_483 = tpu.memref_slice %run_scoped3A_3[%gather3A_480, %gather3A_481, %gather3A_482] : memref<2x256x64xf32, #tpu.memory_space<vmem>> -> memref<1x256x64xf32, #tpu.memory_space<vmem>>
          %gather3A_484 = tpu.memref_squeeze %gather3A_483 : memref<1x256x64xf32, #tpu.memory_space<vmem>> -> memref<256x64xf32, #tpu.memory_space<vmem>>
          %gather3A_485 = tpu.vector_load_idx %gather3A_484[%add3A_479, %select_n3A_341] : memref<256x64xf32, #tpu.memory_space<vmem>>[vector<16xi32>, vector<16xi32>], vector<16xf32>,
          %scatter3A_486 = arith.constant 0 : i32
          %scatter3A_487 = arith.constant 0 : i32
          %scatter3A_488 = arith.constant 0 : i32
          %scatter3A_489 = arith.constant 0 : i32
          %scatter3A_490 = arith.constant 0 : i32
          %scatter3A_491 = tpu.memref_slice %run_scoped3A_4[%scatter3A_486, %scatter3A_487, %scatter3A_488, %scatter3A_489, %scatter3A_490] : memref<2x8x2x8x128xf32, #tpu.memory_space<vmem>> -> memref<1x8x2x8x128xf32, #tpu.memory_space<vmem>>
          %scatter3A_492 = tpu.memref_squeeze %scatter3A_491 : memref<1x8x2x8x128xf32, #tpu.memory_space<vmem>> -> memref<8x2x8x128xf32, #tpu.memory_space<vmem>>
          tpu.vector_store_idx %scatter3A_492[%select_n3A_372, %add3A_380, %sub3A_376, %add3A_476], %gather3A_485 : memref<8x2x8x128xf32, #tpu.memory_space<vmem>>[vector<16xi32>, vector<16xi32>, vector<16xi32>, vector<16xi32>], vector<16xf32>,
          %add3A_493 = arith.constant 96 : i32
          %add3A_494 = vector.broadcast %add3A_493 : i32 to vector<16xi32>
          %add3A_495 = arith.addi %iota3A, %add3A_494 : vector<16xi32>
          %add3A_496 = arith.constant 0 : i32
          %add3A_497 = vector.broadcast %add3A_496 : i32 to vector<16xi32>
          %add3A_498 = arith.addi %add3A_495, %add3A_497 : vector<16xi32>
          %gather3A_499 = arith.constant 0 : i32
          %gather3A_500 = arith.constant 0 : i32
          %gather3A_501 = arith.constant 0 : i32
          %gather3A_502 = tpu.memref_slice %run_scoped3A_3[%gather3A_499, %gather3A_500, %gather3A_501] : memref<2x256x64xf32, #tpu.memory_space<vmem>> -> memref<1x256x64xf32, #tpu.memory_space<vmem>>
          %gather3A_503 = tpu.memref_squeeze %gather3A_502 : memref<1x256x64xf32, #tpu.memory_space<vmem>> -> memref<256x64xf32, #tpu.memory_space<vmem>>
          %gather3A_504 = tpu.vector_load_idx %gather3A_503[%add3A_498, %select_n3A_341] : memref<256x64xf32, #tpu.memory_space<vmem>>[vector<16xi32>, vector<16xi32>], vector<16xf32>,
          %scatter3A_505 = arith.constant 0 : i32
          %scatter3A_506 = arith.constant 0 : i32
          %scatter3A_507 = arith.constant 0 : i32
          %scatter3A_508 = arith.constant 0 : i32
          %scatter3A_509 = arith.constant 0 : i32
          %scatter3A_510 = tpu.memref_slice %run_scoped3A_4[%scatter3A_505, %scatter3A_506, %scatter3A_507, %scatter3A_508, %scatter3A_509] : memref<2x8x2x8x128xf32, #tpu.memory_space<vmem>> -> memref<1x8x2x8x128xf32, #tpu.memory_space<vmem>>
          %scatter3A_511 = tpu.memref_squeeze %scatter3A_510 : memref<1x8x2x8x128xf32, #tpu.memory_space<vmem>> -> memref<8x2x8x128xf32, #tpu.memory_space<vmem>>
          tpu.vector_store_idx %scatter3A_511[%select_n3A_372, %add3A_380, %sub3A_376, %add3A_495], %gather3A_504 : memref<8x2x8x128xf32, #tpu.memory_space<vmem>>[vector<16xi32>, vector<16xi32>, vector<16xi32>, vector<16xi32>], vector<16xf32>,
          %add3A_512 = arith.constant 112 : i32
          %add3A_513 = vector.broadcast %add3A_512 : i32 to vector<16xi32>
          %add3A_514 = arith.addi %iota3A, %add3A_513 : vector<16xi32>
          %add3A_515 = arith.constant 0 : i32
          %add3A_516 = vector.broadcast %add3A_515 : i32 to vector<16xi32>
          %add3A_517 = arith.addi %add3A_514, %add3A_516 : vector<16xi32>
          %gather3A_518 = arith.constant 0 : i32
          %gather3A_519 = arith.constant 0 : i32
          %gather3A_520 = arith.constant 0 : i32
          %gather3A_521 = tpu.memref_slice %run_scoped3A_3[%gather3A_518, %gather3A_519, %gather3A_520] : memref<2x256x64xf32, #tpu.memory_space<vmem>> -> memref<1x256x64xf32, #tpu.memory_space<vmem>>
          %gather3A_522 = tpu.memref_squeeze %gather3A_521 : memref<1x256x64xf32, #tpu.memory_space<vmem>> -> memref<256x64xf32, #tpu.memory_space<vmem>>
          %gather3A_523 = tpu.vector_load_idx %gather3A_522[%add3A_517, %select_n3A_341] : memref<256x64xf32, #tpu.memory_space<vmem>>[vector<16xi32>, vector<16xi32>], vector<16xf32>,
          %scatter3A_524 = arith.constant 0 : i32
          %scatter3A_525 = arith.constant 0 : i32
          %scatter3A_526 = arith.constant 0 : i32
          %scatter3A_527 = arith.constant 0 : i32
          %scatter3A_528 = arith.constant 0 : i32
          %scatter3A_529 = tpu.memref_slice %run_scoped3A_4[%scatter3A_524, %scatter3A_525, %scatter3A_526, %scatter3A_527, %scatter3A_528] : memref<2x8x2x8x128xf32, #tpu.memory_space<vmem>> -> memref<1x8x2x8x128xf32, #tpu.memory_space<vmem>>
          %scatter3A_530 = tpu.memref_squeeze %scatter3A_529 : memref<1x8x2x8x128xf32, #tpu.memory_space<vmem>> -> memref<8x2x8x128xf32, #tpu.memory_space<vmem>>
          tpu.vector_store_idx %scatter3A_530[%select_n3A_372, %add3A_380, %sub3A_376, %add3A_514], %gather3A_523 : memref<8x2x8x128xf32, #tpu.memory_space<vmem>>[vector<16xi32>, vector<16xi32>, vector<16xi32>, vector<16xi32>], vector<16xf32>,
          %broadcast_in_dim3A_531 = arith.constant 0 : i32
          %broadcast_in_dim3A_532 = vector.broadcast %broadcast_in_dim3A_531 : i32 to vector<16xi32>
          %add3A_533 = arith.constant 1 : i32
          %add3A_534 = vector.broadcast %add3A_533 : i32 to vector<16xi32>
          %add3A_535 = arith.addi %broadcast_in_dim3A_532, %add3A_534 : vector<16xi32>
          %add3A_536 = arith.constant 0 : i32
          %add3A_537 = vector.broadcast %add3A_536 : i32 to vector<16xi32>
          %add3A_538 = arith.addi %iota3A, %add3A_537 : vector<16xi32>
          %add3A_539 = arith.constant 128 : i32
          %add3A_540 = vector.broadcast %add3A_539 : i32 to vector<16xi32>
          %add3A_541 = arith.addi %add3A_538, %add3A_540 : vector<16xi32>
          %gather3A_542 = arith.constant 0 : i32
          %gather3A_543 = arith.constant 0 : i32
          %gather3A_544 = arith.constant 0 : i32
          %gather3A_545 = tpu.memref_slice %run_scoped3A_3[%gather3A_542, %gather3A_543, %gather3A_544] : memref<2x256x64xf32, #tpu.memory_space<vmem>> -> memref<1x256x64xf32, #tpu.memory_space<vmem>>
          %gather3A_546 = tpu.memref_squeeze %gather3A_545 : memref<1x256x64xf32, #tpu.memory_space<vmem>> -> memref<256x64xf32, #tpu.memory_space<vmem>>
          %gather3A_547 = tpu.vector_load_idx %gather3A_546[%add3A_541, %select_n3A_341] : memref<256x64xf32, #tpu.memory_space<vmem>>[vector<16xi32>, vector<16xi32>], vector<16xf32>,
          %scatter3A_548 = arith.constant 0 : i32
          %scatter3A_549 = arith.constant 0 : i32
          %scatter3A_550 = arith.constant 0 : i32
          %scatter3A_551 = arith.constant 0 : i32
          %scatter3A_552 = arith.constant 0 : i32
          %scatter3A_553 = tpu.memref_slice %run_scoped3A_4[%scatter3A_548, %scatter3A_549, %scatter3A_550, %scatter3A_551, %scatter3A_552] : memref<2x8x2x8x128xf32, #tpu.memory_space<vmem>> -> memref<1x8x2x8x128xf32, #tpu.memory_space<vmem>>
          %scatter3A_554 = tpu.memref_squeeze %scatter3A_553 : memref<1x8x2x8x128xf32, #tpu.memory_space<vmem>> -> memref<8x2x8x128xf32, #tpu.memory_space<vmem>>
          tpu.vector_store_idx %scatter3A_554[%select_n3A_372, %add3A_535, %sub3A_376, %add3A_538], %gather3A_547 : memref<8x2x8x128xf32, #tpu.memory_space<vmem>>[vector<16xi32>, vector<16xi32>, vector<16xi32>, vector<16xi32>], vector<16xf32>,
          %add3A_555 = arith.constant 16 : i32
          %add3A_556 = vector.broadcast %add3A_555 : i32 to vector<16xi32>
          %add3A_557 = arith.addi %iota3A, %add3A_556 : vector<16xi32>
          %add3A_558 = arith.constant 128 : i32
          %add3A_559 = vector.broadcast %add3A_558 : i32 to vector<16xi32>
          %add3A_560 = arith.addi %add3A_557, %add3A_559 : vector<16xi32>
          %gather3A_561 = arith.constant 0 : i32
          %gather3A_562 = arith.constant 0 : i32
          %gather3A_563 = arith.constant 0 : i32
          %gather3A_564 = tpu.memref_slice %run_scoped3A_3[%gather3A_561, %gather3A_562, %gather3A_563] : memref<2x256x64xf32, #tpu.memory_space<vmem>> -> memref<1x256x64xf32, #tpu.memory_space<vmem>>
          %gather3A_565 = tpu.memref_squeeze %gather3A_564 : memref<1x256x64xf32, #tpu.memory_space<vmem>> -> memref<256x64xf32, #tpu.memory_space<vmem>>
          %gather3A_566 = tpu.vector_load_idx %gather3A_565[%add3A_560, %select_n3A_341] : memref<256x64xf32, #tpu.memory_space<vmem>>[vector<16xi32>, vector<16xi32>], vector<16xf32>,
          %scatter3A_567 = arith.constant 0 : i32
          %scatter3A_568 = arith.constant 0 : i32
          %scatter3A_569 = arith.constant 0 : i32
          %scatter3A_570 = arith.constant 0 : i32
          %scatter3A_571 = arith.constant 0 : i32
          %scatter3A_572 = tpu.memref_slice %run_scoped3A_4[%scatter3A_567, %scatter3A_568, %scatter3A_569, %scatter3A_570, %scatter3A_571] : memref<2x8x2x8x128xf32, #tpu.memory_space<vmem>> -> memref<1x8x2x8x128xf32, #tpu.memory_space<vmem>>
          %scatter3A_573 = tpu.memref_squeeze %scatter3A_572 : memref<1x8x2x8x128xf32, #tpu.memory_space<vmem>> -> memref<8x2x8x128xf32, #tpu.memory_space<vmem>>
          tpu.vector_store_idx %scatter3A_573[%select_n3A_372, %add3A_535, %sub3A_376, %add3A_557], %gather3A_566 : memref<8x2x8x128xf32, #tpu.memory_space<vmem>>[vector<16xi32>, vector<16xi32>, vector<16xi32>, vector<16xi32>], vector<16xf32>,
          %add3A_574 = arith.constant 32 : i32
          %add3A_575 = vector.broadcast %add3A_574 : i32 to vector<16xi32>
          %add3A_576 = arith.addi %iota3A, %add3A_575 : vector<16xi32>
          %add3A_577 = arith.constant 128 : i32
          %add3A_578 = vector.broadcast %add3A_577 : i32 to vector<16xi32>
          %add3A_579 = arith.addi %add3A_576, %add3A_578 : vector<16xi32>
          %gather3A_580 = arith.constant 0 : i32
          %gather3A_581 = arith.constant 0 : i32
          %gather3A_582 = arith.constant 0 : i32
          %gather3A_583 = tpu.memref_slice %run_scoped3A_3[%gather3A_580, %gather3A_581, %gather3A_582] : memref<2x256x64xf32, #tpu.memory_space<vmem>> -> memref<1x256x64xf32, #tpu.memory_space<vmem>>
          %gather3A_584 = tpu.memref_squeeze %gather3A_583 : memref<1x256x64xf32, #tpu.memory_space<vmem>> -> memref<256x64xf32, #tpu.memory_space<vmem>>
          %gather3A_585 = tpu.vector_load_idx %gather3A_584[%add3A_579, %select_n3A_341] : memref<256x64xf32, #tpu.memory_space<vmem>>[vector<16xi32>, vector<16xi32>], vector<16xf32>,
          %scatter3A_586 = arith.constant 0 : i32
          %scatter3A_587 = arith.constant 0 : i32
          %scatter3A_588 = arith.constant 0 : i32
          %scatter3A_589 = arith.constant 0 : i32
          %scatter3A_590 = arith.constant 0 : i32
          %scatter3A_591 = tpu.memref_slice %run_scoped3A_4[%scatter3A_586, %scatter3A_587, %scatter3A_588, %scatter3A_589, %scatter3A_590] : memref<2x8x2x8x128xf32, #tpu.memory_space<vmem>> -> memref<1x8x2x8x128xf32, #tpu.memory_space<vmem>>
          %scatter3A_592 = tpu.memref_squeeze %scatter3A_591 : memref<1x8x2x8x128xf32, #tpu.memory_space<vmem>> -> memref<8x2x8x128xf32, #tpu.memory_space<vmem>>
          tpu.vector_store_idx %scatter3A_592[%select_n3A_372, %add3A_535, %sub3A_376, %add3A_576], %gather3A_585 : memref<8x2x8x128xf32, #tpu.memory_space<vmem>>[vector<16xi32>, vector<16xi32>, vector<16xi32>, vector<16xi32>], vector<16xf32>,
          %add3A_593 = arith.constant 48 : i32
          %add3A_594 = vector.broadcast %add3A_593 : i32 to vector<16xi32>
          %add3A_595 = arith.addi %iota3A, %add3A_594 : vector<16xi32>
          %add3A_596 = arith.constant 128 : i32
          %add3A_597 = vector.broadcast %add3A_596 : i32 to vector<16xi32>
          %add3A_598 = arith.addi %add3A_595, %add3A_597 : vector<16xi32>
          %gather3A_599 = arith.constant 0 : i32
          %gather3A_600 = arith.constant 0 : i32
          %gather3A_601 = arith.constant 0 : i32
          %gather3A_602 = tpu.memref_slice %run_scoped3A_3[%gather3A_599, %gather3A_600, %gather3A_601] : memref<2x256x64xf32, #tpu.memory_space<vmem>> -> memref<1x256x64xf32, #tpu.memory_space<vmem>>
          %gather3A_603 = tpu.memref_squeeze %gather3A_602 : memref<1x256x64xf32, #tpu.memory_space<vmem>> -> memref<256x64xf32, #tpu.memory_space<vmem>>
          %gather3A_604 = tpu.vector_load_idx %gather3A_603[%add3A_598, %select_n3A_341] : memref<256x64xf32, #tpu.memory_space<vmem>>[vector<16xi32>, vector<16xi32>], vector<16xf32>,
          %scatter3A_605 = arith.constant 0 : i32
          %scatter3A_606 = arith.constant 0 : i32
          %scatter3A_607 = arith.constant 0 : i32
          %scatter3A_608 = arith.constant 0 : i32
          %scatter3A_609 = arith.constant 0 : i32
          %scatter3A_610 = tpu.memref_slice %run_scoped3A_4[%scatter3A_605, %scatter3A_606, %scatter3A_607, %scatter3A_608, %scatter3A_609] : memref<2x8x2x8x128xf32, #tpu.memory_space<vmem>> -> memref<1x8x2x8x128xf32, #tpu.memory_space<vmem>>
          %scatter3A_611 = tpu.memref_squeeze %scatter3A_610 : memref<1x8x2x8x128xf32, #tpu.memory_space<vmem>> -> memref<8x2x8x128xf32, #tpu.memory_space<vmem>>
          tpu.vector_store_idx %scatter3A_611[%select_n3A_372, %add3A_535, %sub3A_376, %add3A_595], %gather3A_604 : memref<8x2x8x128xf32, #tpu.memory_space<vmem>>[vector<16xi32>, vector<16xi32>, vector<16xi32>, vector<16xi32>], vector<16xf32>,
          %add3A_612 = arith.constant 64 : i32
          %add3A_613 = vector.broadcast %add3A_612 : i32 to vector<16xi32>
          %add3A_614 = arith.addi %iota3A, %add3A_613 : vector<16xi32>
          %add3A_615 = arith.constant 128 : i32
          %add3A_616 = vector.broadcast %add3A_615 : i32 to vector<16xi32>
          %add3A_617 = arith.addi %add3A_614, %add3A_616 : vector<16xi32>
          %gather3A_618 = arith.constant 0 : i32
          %gather3A_619 = arith.constant 0 : i32
          %gather3A_620 = arith.constant 0 : i32
          %gather3A_621 = tpu.memref_slice %run_scoped3A_3[%gather3A_618, %gather3A_619, %gather3A_620] : memref<2x256x64xf32, #tpu.memory_space<vmem>> -> memref<1x256x64xf32, #tpu.memory_space<vmem>>
          %gather3A_622 = tpu.memref_squeeze %gather3A_621 : memref<1x256x64xf32, #tpu.memory_space<vmem>> -> memref<256x64xf32, #tpu.memory_space<vmem>>
          %gather3A_623 = tpu.vector_load_idx %gather3A_622[%add3A_617, %select_n3A_341] : memref<256x64xf32, #tpu.memory_space<vmem>>[vector<16xi32>, vector<16xi32>], vector<16xf32>,
          %scatter3A_624 = arith.constant 0 : i32
          %scatter3A_625 = arith.constant 0 : i32
          %scatter3A_626 = arith.constant 0 : i32
          %scatter3A_627 = arith.constant 0 : i32
          %scatter3A_628 = arith.constant 0 : i32
          %scatter3A_629 = tpu.memref_slice %run_scoped3A_4[%scatter3A_624, %scatter3A_625, %scatter3A_626, %scatter3A_627, %scatter3A_628] : memref<2x8x2x8x128xf32, #tpu.memory_space<vmem>> -> memref<1x8x2x8x128xf32, #tpu.memory_space<vmem>>
          %scatter3A_630 = tpu.memref_squeeze %scatter3A_629 : memref<1x8x2x8x128xf32, #tpu.memory_space<vmem>> -> memref<8x2x8x128xf32, #tpu.memory_space<vmem>>
          tpu.vector_store_idx %scatter3A_630[%select_n3A_372, %add3A_535, %sub3A_376, %add3A_614], %gather3A_623 : memref<8x2x8x128xf32, #tpu.memory_space<vmem>>[vector<16xi32>, vector<16xi32>, vector<16xi32>, vector<16xi32>], vector<16xf32>,
          %add3A_631 = arith.constant 80 : i32
          %add3A_632 = vector.broadcast %add3A_631 : i32 to vector<16xi32>
          %add3A_633 = arith.addi %iota3A, %add3A_632 : vector<16xi32>
          %add3A_634 = arith.constant 128 : i32
          %add3A_635 = vector.broadcast %add3A_634 : i32 to vector<16xi32>
          %add3A_636 = arith.addi %add3A_633, %add3A_635 : vector<16xi32>
          %gather3A_637 = arith.constant 0 : i32
          %gather3A_638 = arith.constant 0 : i32
          %gather3A_639 = arith.constant 0 : i32
          %gather3A_640 = tpu.memref_slice %run_scoped3A_3[%gather3A_637, %gather3A_638, %gather3A_639] : memref<2x256x64xf32, #tpu.memory_space<vmem>> -> memref<1x256x64xf32, #tpu.memory_space<vmem>>
          %gather3A_641 = tpu.memref_squeeze %gather3A_640 : memref<1x256x64xf32, #tpu.memory_space<vmem>> -> memref<256x64xf32, #tpu.memory_space<vmem>>
          %gather3A_642 = tpu.vector_load_idx %gather3A_641[%add3A_636, %select_n3A_341] : memref<256x64xf32, #tpu.memory_space<vmem>>[vector<16xi32>, vector<16xi32>], vector<16xf32>,
          %scatter3A_643 = arith.constant 0 : i32
          %scatter3A_644 = arith.constant 0 : i32
          %scatter3A_645 = arith.constant 0 : i32
          %scatter3A_646 = arith.constant 0 : i32
          %scatter3A_647 = arith.constant 0 : i32
          %scatter3A_648 = tpu.memref_slice %run_scoped3A_4[%scatter3A_643, %scatter3A_644, %scatter3A_645, %scatter3A_646, %scatter3A_647] : memref<2x8x2x8x128xf32, #tpu.memory_space<vmem>> -> memref<1x8x2x8x128xf32, #tpu.memory_space<vmem>>
          %scatter3A_649 = tpu.memref_squeeze %scatter3A_648 : memref<1x8x2x8x128xf32, #tpu.memory_space<vmem>> -> memref<8x2x8x128xf32, #tpu.memory_space<vmem>>
          tpu.vector_store_idx %scatter3A_649[%select_n3A_372, %add3A_535, %sub3A_376, %add3A_633], %gather3A_642 : memref<8x2x8x128xf32, #tpu.memory_space<vmem>>[vector<16xi32>, vector<16xi32>, vector<16xi32>, vector<16xi32>], vector<16xf32>,
          %add3A_650 = arith.constant 96 : i32
          %add3A_651 = vector.broadcast %add3A_650 : i32 to vector<16xi32>
          %add3A_652 = arith.addi %iota3A, %add3A_651 : vector<16xi32>
          %add3A_653 = arith.constant 128 : i32
          %add3A_654 = vector.broadcast %add3A_653 : i32 to vector<16xi32>
          %add3A_655 = arith.addi %add3A_652, %add3A_654 : vector<16xi32>
          %gather3A_656 = arith.constant 0 : i32
          %gather3A_657 = arith.constant 0 : i32
          %gather3A_658 = arith.constant 0 : i32
          %gather3A_659 = tpu.memref_slice %run_scoped3A_3[%gather3A_656, %gather3A_657, %gather3A_658] : memref<2x256x64xf32, #tpu.memory_space<vmem>> -> memref<1x256x64xf32, #tpu.memory_space<vmem>>
          %gather3A_660 = tpu.memref_squeeze %gather3A_659 : memref<1x256x64xf32, #tpu.memory_space<vmem>> -> memref<256x64xf32, #tpu.memory_space<vmem>>
          %gather3A_661 = tpu.vector_load_idx %gather3A_660[%add3A_655, %select_n3A_341] : memref<256x64xf32, #tpu.memory_space<vmem>>[vector<16xi32>, vector<16xi32>], vector<16xf32>,
          %scatter3A_662 = arith.constant 0 : i32
          %scatter3A_663 = arith.constant 0 : i32
          %scatter3A_664 = arith.constant 0 : i32
          %scatter3A_665 = arith.constant 0 : i32
          %scatter3A_666 = arith.constant 0 : i32
          %scatter3A_667 = tpu.memref_slice %run_scoped3A_4[%scatter3A_662, %scatter3A_663, %scatter3A_664, %scatter3A_665, %scatter3A_666] : memref<2x8x2x8x128xf32, #tpu.memory_space<vmem>> -> memref<1x8x2x8x128xf32, #tpu.memory_space<vmem>>
          %scatter3A_668 = tpu.memref_squeeze %scatter3A_667 : memref<1x8x2x8x128xf32, #tpu.memory_space<vmem>> -> memref<8x2x8x128xf32, #tpu.memory_space<vmem>>
          tpu.vector_store_idx %scatter3A_668[%select_n3A_372, %add3A_535, %sub3A_376, %add3A_652], %gather3A_661 : memref<8x2x8x128xf32, #tpu.memory_space<vmem>>[vector<16xi32>, vector<16xi32>, vector<16xi32>, vector<16xi32>], vector<16xf32>,
          %add3A_669 = arith.constant 112 : i32
          %add3A_670 = vector.broadcast %add3A_669 : i32 to vector<16xi32>
          %add3A_671 = arith.addi %iota3A, %add3A_670 : vector<16xi32>
          %add3A_672 = arith.constant 128 : i32
          %add3A_673 = vector.broadcast %add3A_672 : i32 to vector<16xi32>
          %add3A_674 = arith.addi %add3A_671, %add3A_673 : vector<16xi32>
          %gather3A_675 = arith.constant 0 : i32
          %gather3A_676 = arith.constant 0 : i32
          %gather3A_677 = arith.constant 0 : i32
          %gather3A_678 = tpu.memref_slice %run_scoped3A_3[%gather3A_675, %gather3A_676, %gather3A_677] : memref<2x256x64xf32, #tpu.memory_space<vmem>> -> memref<1x256x64xf32, #tpu.memory_space<vmem>>
          %gather3A_679 = tpu.memref_squeeze %gather3A_678 : memref<1x256x64xf32, #tpu.memory_space<vmem>> -> memref<256x64xf32, #tpu.memory_space<vmem>>
          %gather3A_680 = tpu.vector_load_idx %gather3A_679[%add3A_674, %select_n3A_341] : memref<256x64xf32, #tpu.memory_space<vmem>>[vector<16xi32>, vector<16xi32>], vector<16xf32>,
          %scatter3A_681 = arith.constant 0 : i32
          %scatter3A_682 = arith.constant 0 : i32
          %scatter3A_683 = arith.constant 0 : i32
          %scatter3A_684 = arith.constant 0 : i32
          %scatter3A_685 = arith.constant 0 : i32
          %scatter3A_686 = tpu.memref_slice %run_scoped3A_4[%scatter3A_681, %scatter3A_682, %scatter3A_683, %scatter3A_684, %scatter3A_685] : memref<2x8x2x8x128xf32, #tpu.memory_space<vmem>> -> memref<1x8x2x8x128xf32, #tpu.memory_space<vmem>>
          %scatter3A_687 = tpu.memref_squeeze %scatter3A_686 : memref<1x8x2x8x128xf32, #tpu.memory_space<vmem>> -> memref<8x2x8x128xf32, #tpu.memory_space<vmem>>
          tpu.vector_store_idx %scatter3A_687[%select_n3A_372, %add3A_535, %sub3A_376, %add3A_671], %gather3A_680 : memref<8x2x8x128xf32, #tpu.memory_space<vmem>>[vector<16xi32>, vector<16xi32>, vector<16xi32>, vector<16xi32>], vector<16xf32>,
        }
        %scan3A_158 = arith.constant 64 : i32
        %jit3A_159 = arith.constant 2 : i32
        %div3A_160 = arith.divsi %mul3A_134, %jit3A_159 : i32
        %sign3A_161 = arith.constant 0 : i32
        %sign3A_162 = arith.cmpi sgt, %mul3A_134, %sign3A_161 : i32
        %sign3A_163 = arith.extui %sign3A_162 : i1 to i32
        %sign3A_164 = arith.constant 0 : i32
        %sign3A_165 = arith.cmpi slt, %mul3A_134, %sign3A_164 : i32
        %sign3A_166 = arith.extui %sign3A_165 : i1 to i32
        %sign3A_167 = arith.subi %sign3A_163, %sign3A_166 : i32
        %sign3A_168 = arith.constant 0 : i32
        %sign3A_169 = arith.cmpi sgt, %jit3A_159, %sign3A_168 : i32
        %sign3A_170 = arith.extui %sign3A_169 : i1 to i32
        %sign3A_171 = arith.constant 0 : i32
        %sign3A_172 = arith.cmpi slt, %jit3A_159, %sign3A_171 : i32
        %sign3A_173 = arith.extui %sign3A_172 : i1 to i32
        %sign3A_174 = arith.subi %sign3A_170, %sign3A_173 : i32
        %ne3A_175 = arith.cmpi ne, %sign3A_167, %sign3A_174 : i32
        %rem3A_176 = arith.remsi %mul3A_134, %jit3A_159 : i32
        %ne3A_177 = arith.constant 0 : i32
        %ne3A_178 = arith.cmpi ne, %rem3A_176, %ne3A_177 : i32
        %and3A_179 = arith.andi %ne3A_175, %ne3A_178 : i1
        %sub3A_180 = arith.constant 1 : i32
        %sub3A_181 = arith.subi %div3A_160, %sub3A_180 : i32
        %select_n3A_182 = arith.select %and3A_179, %sub3A_181, %div3A_160 : i32
        %jit3A_183 = arith.constant 2 : i32
        %eq3A_184 = arith.constant 0 : i32
        %eq3A_185 = arith.cmpi eq, %jit3A_183, %eq3A_184 : i32
        %jit3A_186 = arith.constant 1 : i32
        %select_n3A_187 = arith.select %eq3A_185, %jit3A_186, %jit3A_183 : i32
        %rem3A_188 = arith.remsi %mul3A_134, %select_n3A_187 : i32
        %ne3A_189 = arith.constant 0 : i32
        %ne3A_190 = arith.cmpi ne, %rem3A_188, %ne3A_189 : i32
        %lt3A_191 = arith.constant 0 : i32
        %lt3A_192 = arith.cmpi slt, %rem3A_188, %lt3A_191 : i32
        %lt3A_193 = arith.constant 0 : i32
        %lt3A_194 = arith.cmpi slt, %select_n3A_187, %lt3A_193 : i32
        %ne3A_195 = arith.xori %lt3A_192, %lt3A_194 : i1
        %and3A_196 = arith.andi %ne3A_195, %ne3A_190 : i1
        %add3A_197 = arith.addi %rem3A_188, %select_n3A_187 : i32
        %select_n3A_198 = arith.select %and3A_196, %add3A_197, %rem3A_188 : i32
        %mul3A_199 = arith.constant 2 : i32
        %mul3A_200 = arith.muli %select_n3A_198, %mul3A_199 : i32
        %add3A_201 = arith.addi %mul3A_2, %mul3A_200 : i32
        %dma_start3A_202 = arith.constant 0 : i32
        %dma_start3A_203 = arith.constant 0 : i32
        %dma_start3A_204 = arith.constant 0 : i32
        %dma_start3A_205 = arith.constant 0 : i32
        %dma_start3A_206 = arith.constant 0 : i32
        %dma_start3A_207 = arith.constant 0 : i32
        %dma_start3A_208 = tpu.memref_slice %run_scoped3A_4[%dma_start3A_202, %dma_start3A_204, %dma_start3A_205, %dma_start3A_206, %dma_start3A_207] : memref<2x8x2x8x128xf32, #tpu.memory_space<vmem>> -> memref<1x8x2x8x128xf32, #tpu.memory_space<vmem>>
        %dma_start3A_209 = tpu.memref_squeeze %dma_start3A_208 : memref<1x8x2x8x128xf32, #tpu.memory_space<vmem>> -> memref<8x2x8x128xf32, #tpu.memory_space<vmem>>
        %dma_start3A_210 = arith.constant 0 : i32
        %dma_start3A_211 = arith.constant 0 : i32
        %dma_start3A_212 = arith.constant 0 : i32
        %dma_start3A_213 = tpu.memref_slice %arg4[%select_n3A_182, %dma_start3A_210, %add3A_201, %dma_start3A_211, %dma_start3A_212] : memref<50x8x128x8x128xf32, #tpu.memory_space<hbm>> -> memref<1x8x2x8x128xf32, #tpu.memory_space<hbm>>
        %dma_start3A_214 = tpu.memref_squeeze %dma_start3A_213 : memref<1x8x2x8x128xf32, #tpu.memory_space<hbm>> -> memref<8x2x8x128xf32, #tpu.memory_space<hbm>>
        %dma_start3A_215 = tpu.memref_slice %arg6[%dma_start3A_203] : memref<2x!tpu.dma_semaphore, #tpu.memory_space<semaphore_mem>> -> memref<1x!tpu.dma_semaphore, #tpu.memory_space<semaphore_mem>>
        %dma_start3A_216 = tpu.memref_squeeze %dma_start3A_215 : memref<1x!tpu.dma_semaphore, #tpu.memory_space<semaphore_mem>> -> memref<!tpu.dma_semaphore, #tpu.memory_space<semaphore_mem>>
        %dma_start3A_217 = arith.constant 0 : i32
        %dma_start3A_218 = arith.constant 0 : i32
        %dma_start3A_219 = arith.constant 0 : i32
        %dma_start3A_220 = tpu.memref_slice %arg4[%select_n3A_182, %dma_start3A_217, %add3A_201, %dma_start3A_218, %dma_start3A_219] : memref<50x8x128x8x128xf32, #tpu.memory_space<hbm>> -> memref<1x8x2x8x128xf32, #tpu.memory_space<hbm>>
        %dma_start3A_221 = tpu.memref_squeeze %dma_start3A_220 : memref<1x8x2x8x128xf32, #tpu.memory_space<hbm>> -> memref<8x2x8x128xf32, #tpu.memory_space<hbm>>
        %dma_start3A_222 = arith.constant 0 : i32
        %dma_start3A_223 = arith.constant 0 : i32
        %dma_start3A_224 = arith.constant 0 : i32
        %dma_start3A_225 = arith.constant 0 : i32
        %dma_start3A_226 = tpu.memref_slice %run_scoped3A_4[%dma_start3A_202, %dma_start3A_222, %dma_start3A_223, %dma_start3A_224, %dma_start3A_225] : memref<2x8x2x8x128xf32, #tpu.memory_space<vmem>> -> memref<1x8x2x8x128xf32, #tpu.memory_space<vmem>>
        %dma_start3A_227 = tpu.memref_squeeze %dma_start3A_226 : memref<1x8x2x8x128xf32, #tpu.memory_space<vmem>> -> memref<8x2x8x128xf32, #tpu.memory_space<vmem>>
        tpu.enqueue_dma source(%dma_start3A_227 : memref<8x2x8x128xf32, #tpu.memory_space<vmem>>) target(%dma_start3A_221 : memref<8x2x8x128xf32, #tpu.memory_space<hbm>>) target_semaphore(%dma_start3A_216 : memref<!tpu.dma_semaphore, #tpu.memory_space<semaphore_mem>>)
        %add3A_228 = arith.constant 1 : i32
        %add3A_229 = arith.addi %scan3A_79, %add3A_228 : i32
        %lt3A_230 = arith.constant 50 : i32
        %lt3A_231 = arith.cmpi slt, %add3A_229, %lt3A_230 : i32
        %convert_element_type3A_232 = arith.extui %lt3A_231 : i1 to i32
        %cond3A_233 = arith.constant 0 : i32
        %cond3A_234 = arith.cmpi ne, %convert_element_type3A_232, %cond3A_233 : i32
        scf.if %cond3A_234 {
          %dma_wait3A_332 = arith.constant 0 : i32
          %dma_wait3A_333 = arith.constant 0 : i32
          %dma_wait3A_334 = arith.constant 0 : i32
          %dma_wait3A_335 = arith.constant 0 : i32
          %dma_wait3A_336 = arith.constant 0 : i32
          %dma_wait3A_337 = arith.constant 0 : i32
          %dma_wait3A_338 = arith.constant 0 : i32
          %dma_wait3A_339 = tpu.memref_slice %run_scoped3A_4[%dma_wait3A_332, %dma_wait3A_335, %dma_wait3A_336, %dma_wait3A_337, %dma_wait3A_338] : memref<2x8x2x8x128xf32, #tpu.memory_space<vmem>> -> memref<1x8x2x8x128xf32, #tpu.memory_space<vmem>>
          %dma_wait3A_340 = tpu.memref_squeeze %dma_wait3A_339 : memref<1x8x2x8x128xf32, #tpu.memory_space<vmem>> -> memref<8x2x8x128xf32, #tpu.memory_space<vmem>>
          %dma_wait3A_341 = arith.constant 0 : i32
          %dma_wait3A_342 = arith.constant 0 : i32
          %dma_wait3A_343 = arith.constant 0 : i32
          %dma_wait3A_344 = tpu.memref_slice %arg4[%dma_wait3A_333, %dma_wait3A_341, %mul3A_2, %dma_wait3A_342, %dma_wait3A_343] : memref<50x8x128x8x128xf32, #tpu.memory_space<hbm>> -> memref<1x8x2x8x128xf32, #tpu.memory_space<hbm>>
          %dma_wait3A_345 = tpu.memref_squeeze %dma_wait3A_344 : memref<1x8x2x8x128xf32, #tpu.memory_space<hbm>> -> memref<8x2x8x128xf32, #tpu.memory_space<hbm>>
          %dma_wait3A_346 = tpu.memref_slice %arg6[%dma_wait3A_334] : memref<2x!tpu.dma_semaphore, #tpu.memory_space<semaphore_mem>> -> memref<1x!tpu.dma_semaphore, #tpu.memory_space<semaphore_mem>>
          %dma_wait3A_347 = tpu.memref_squeeze %dma_wait3A_346 : memref<1x!tpu.dma_semaphore, #tpu.memory_space<semaphore_mem>> -> memref<!tpu.dma_semaphore, #tpu.memory_space<semaphore_mem>>
          %dma_wait3A_348 = arith.constant 0 : i32
          %dma_wait3A_349 = arith.constant 0 : i32
          %dma_wait3A_350 = arith.constant 0 : i32
          %dma_wait3A_351 = tpu.memref_slice %arg4[%dma_wait3A_333, %dma_wait3A_348, %mul3A_2, %dma_wait3A_349, %dma_wait3A_350] : memref<50x8x128x8x128xf32, #tpu.memory_space<hbm>> -> memref<1x8x2x8x128xf32, #tpu.memory_space<hbm>>
          %dma_wait3A_352 = tpu.memref_squeeze %dma_wait3A_351 : memref<1x8x2x8x128xf32, #tpu.memory_space<hbm>> -> memref<8x2x8x128xf32, #tpu.memory_space<hbm>>
          %dma_wait3A_353 = arith.constant 0 : i32
          %dma_wait3A_354 = arith.constant 0 : i32
          %dma_wait3A_355 = arith.constant 0 : i32
          %dma_wait3A_356 = arith.constant 0 : i32
          %dma_wait3A_357 = tpu.memref_slice %run_scoped3A_4[%dma_wait3A_332, %dma_wait3A_353, %dma_wait3A_354, %dma_wait3A_355, %dma_wait3A_356] : memref<2x8x2x8x128xf32, #tpu.memory_space<vmem>> -> memref<1x8x2x8x128xf32, #tpu.memory_space<vmem>>
          %dma_wait3A_358 = tpu.memref_squeeze %dma_wait3A_357 : memref<1x8x2x8x128xf32, #tpu.memory_space<vmem>> -> memref<8x2x8x128xf32, #tpu.memory_space<vmem>>
          tpu.wait_dma2 semaphore(%dma_wait3A_347 : memref<!tpu.dma_semaphore, #tpu.memory_space<semaphore_mem>>) src(%dma_wait3A_358 : memref<8x2x8x128xf32, #tpu.memory_space<vmem>>) dst(%dma_wait3A_352 : memref<8x2x8x128xf32, #tpu.memory_space<hbm>>)
          %mul3A_359 = arith.constant 2 : i32
          %mul3A_360 = arith.muli %mul3A_359, %scan3A_79 : i32
          %add3A_361 = arith.constant 2 : i32
          %add3A_362 = arith.addi %mul3A_360, %add3A_361 : i32
          %jit3A_363 = arith.constant 2 : i32
          %div3A_364 = arith.divsi %add3A_362, %jit3A_363 : i32
          %sign3A_365 = arith.constant 0 : i32
          %sign3A_366 = arith.cmpi sgt, %add3A_362, %sign3A_365 : i32
          %sign3A_367 = arith.extui %sign3A_366 : i1 to i32
          %sign3A_368 = arith.constant 0 : i32
          %sign3A_369 = arith.cmpi slt, %add3A_362, %sign3A_368 : i32
          %sign3A_370 = arith.extui %sign3A_369 : i1 to i32
          %sign3A_371 = arith.subi %sign3A_367, %sign3A_370 : i32
          %sign3A_372 = arith.constant 0 : i32
          %sign3A_373 = arith.cmpi sgt, %jit3A_363, %sign3A_372 : i32
          %sign3A_374 = arith.extui %sign3A_373 : i1 to i32
          %sign3A_375 = arith.constant 0 : i32
          %sign3A_376 = arith.cmpi slt, %jit3A_363, %sign3A_375 : i32
          %sign3A_377 = arith.extui %sign3A_376 : i1 to i32
          %sign3A_378 = arith.subi %sign3A_374, %sign3A_377 : i32
          %ne3A_379 = arith.cmpi ne, %sign3A_371, %sign3A_378 : i32
          %rem3A_380 = arith.remsi %add3A_362, %jit3A_363 : i32
          %ne3A_381 = arith.constant 0 : i32
          %ne3A_382 = arith.cmpi ne, %rem3A_380, %ne3A_381 : i32
          %and3A_383 = arith.andi %ne3A_379, %ne3A_382 : i1
          %sub3A_384 = arith.constant 1 : i32
          %sub3A_385 = arith.subi %div3A_364, %sub3A_384 : i32
          %select_n3A_386 = arith.select %and3A_383, %sub3A_385, %div3A_364 : i32
          %jit3A_387 = arith.constant 2 : i32
          %eq3A_388 = arith.constant 0 : i32
          %eq3A_389 = arith.cmpi eq, %jit3A_387, %eq3A_388 : i32
          %jit3A_390 = arith.constant 1 : i32
          %select_n3A_391 = arith.select %eq3A_389, %jit3A_390, %jit3A_387 : i32
          %rem3A_392 = arith.remsi %add3A_362, %select_n3A_391 : i32
          %ne3A_393 = arith.constant 0 : i32
          %ne3A_394 = arith.cmpi ne, %rem3A_392, %ne3A_393 : i32
          %lt3A_395 = arith.constant 0 : i32
          %lt3A_396 = arith.cmpi slt, %rem3A_392, %lt3A_395 : i32
          %lt3A_397 = arith.constant 0 : i32
          %lt3A_398 = arith.cmpi slt, %select_n3A_391, %lt3A_397 : i32
          %ne3A_399 = arith.xori %lt3A_396, %lt3A_398 : i1
          %and3A_400 = arith.andi %ne3A_399, %ne3A_394 : i1
          %add3A_401 = arith.addi %rem3A_392, %select_n3A_391 : i32
          %select_n3A_402 = arith.select %and3A_400, %add3A_401, %rem3A_392 : i32
          %mul3A_403 = arith.constant 2 : i32
          %mul3A_404 = arith.muli %select_n3A_402, %mul3A_403 : i32
          %mul3A_405 = arith.constant 128 : i32
          %mul3A_406 = arith.muli %mul3A_404, %mul3A_405 : i32
          %dma_start3A_407 = arith.constant 0 : i32
          %dma_start3A_408 = arith.constant 0 : i32
          %dma_start3A_409 = arith.constant 0 : i32
          %dma_start3A_410 = arith.constant 0 : i32
          %dma_start3A_411 = tpu.memref_slice %run_scoped3A_3[%dma_start3A_407, %dma_start3A_409, %dma_start3A_410] : memref<2x256x64xf32, #tpu.memory_space<vmem>> -> memref<1x256x64xf32, #tpu.memory_space<vmem>>
          %dma_start3A_412 = tpu.memref_squeeze %dma_start3A_411 : memref<1x256x64xf32, #tpu.memory_space<vmem>> -> memref<256x64xf32, #tpu.memory_space<vmem>>
          %dma_start3A_413 = tpu.memref_slice %run_scoped3A[%select_n3A_386, %mul3A_406] : memref<50x512xi32, #tpu.memory_space<vmem>> -> memref<1x256xi32, #tpu.memory_space<vmem>>
          %dma_start3A_414 = tpu.memref_squeeze %dma_start3A_413 : memref<1x256xi32, #tpu.memory_space<vmem>> -> memref<256xi32, #tpu.memory_space<vmem>>
          %dma_start3A_415 = arith.constant 0 : i32
          %dma_start3A_416 = arith.constant 0 : i32
          %dma_start3A_417 = tpu.memref_slice %arg3[%dma_start3A_415, %dma_start3A_416] : memref<100000x64xf32, #tpu.memory_space<hbm>> -> memref<100000x64xf32, #tpu.memory_space<hbm>>
          %dma_start3A_418 = tpu.memref_slice %arg5[%dma_start3A_408] : memref<2x!tpu.dma_semaphore, #tpu.memory_space<semaphore_mem>> -> memref<1x!tpu.dma_semaphore, #tpu.memory_space<semaphore_mem>>
          %dma_start3A_419 = tpu.memref_squeeze %dma_start3A_418 : memref<1x!tpu.dma_semaphore, #tpu.memory_space<semaphore_mem>> -> memref<!tpu.dma_semaphore, #tpu.memory_space<semaphore_mem>>
          tpu.enqueue_indirect_dma source(%dma_start3A_417 : memref<100000x64xf32, #tpu.memory_space<hbm>>) target(%dma_start3A_412 : memref<256x64xf32, #tpu.memory_space<vmem>>) offsets(%dma_start3A_414 : memref<256xi32, #tpu.memory_space<vmem>>) semaphore(%dma_start3A_419 : memref<!tpu.dma_semaphore, #tpu.memory_space<semaphore_mem>>)
        } else {
        }
        %mul3A_235 = arith.constant 2 : i32
        %mul3A_236 = arith.muli %mul3A_235, %scan3A_79 : i32
        %add3A_237 = arith.constant 1 : i32
        %add3A_238 = arith.addi %mul3A_236, %add3A_237 : i32
        %dma_wait3A_239 = arith.constant 1 : i32
        %dma_wait3A_240 = arith.constant 1 : i32
        %dma_wait3A_241 = arith.constant 0 : i32
        %dma_wait3A_242 = arith.constant 0 : i32
        %dma_wait3A_243 = tpu.memref_slice %run_scoped3A_3[%dma_wait3A_239, %dma_wait3A_241, %dma_wait3A_242] : memref<2x256x64xf32, #tpu.memory_space<vmem>> -> memref<1x256x64xf32, #tpu.memory_space<vmem>>
        %dma_wait3A_244 = tpu.memref_squeeze %dma_wait3A_243 : memref<1x256x64xf32, #tpu.memory_space<vmem>> -> memref<256x64xf32, #tpu.memory_space<vmem>>
        %dma_wait3A_245 = arith.constant 0 : i32
        %dma_wait3A_246 = arith.constant 0 : i32
        %dma_wait3A_247 = tpu.memref_slice %arg3[%dma_wait3A_245, %dma_wait3A_246] : memref<100000x64xf32, #tpu.memory_space<hbm>> -> memref<256x64xf32, #tpu.memory_space<hbm>>
        %dma_wait3A_248 = tpu.memref_slice %arg5[%dma_wait3A_240] : memref<2x!tpu.dma_semaphore, #tpu.memory_space<semaphore_mem>> -> memref<1x!tpu.dma_semaphore, #tpu.memory_space<semaphore_mem>>
        %dma_wait3A_249 = tpu.memref_squeeze %dma_wait3A_248 : memref<1x!tpu.dma_semaphore, #tpu.memory_space<semaphore_mem>> -> memref<!tpu.dma_semaphore, #tpu.memory_space<semaphore_mem>>
        %dma_wait3A_250 = arith.constant 0 : i32
        %dma_wait3A_251 = arith.constant 0 : i32
        %dma_wait3A_252 = tpu.memref_slice %run_scoped3A_3[%dma_wait3A_239, %dma_wait3A_250, %dma_wait3A_251] : memref<2x256x64xf32, #tpu.memory_space<vmem>> -> memref<1x256x64xf32, #tpu.memory_space<vmem>>
        %dma_wait3A_253 = tpu.memref_squeeze %dma_wait3A_252 : memref<1x256x64xf32, #tpu.memory_space<vmem>> -> memref<256x64xf32, #tpu.memory_space<vmem>>
        %dma_wait3A_254 = arith.constant 0 : i32
        %dma_wait3A_255 = arith.constant 0 : i32
        %dma_wait3A_256 = tpu.memref_slice %arg3[%dma_wait3A_254, %dma_wait3A_255] : memref<100000x64xf32, #tpu.memory_space<hbm>> -> memref<256x64xf32, #tpu.memory_space<hbm>>
        tpu.wait_dma2 semaphore(%dma_wait3A_249 : memref<!tpu.dma_semaphore, #tpu.memory_space<semaphore_mem>>) src(%dma_wait3A_256 : memref<256x64xf32, #tpu.memory_space<hbm>>) dst(%dma_wait3A_253 : memref<256x64xf32, #tpu.memory_space<vmem>>)
        %scan3A_257 = arith.constant 0 : i32
        %scan3A_258 = arith.constant 0 : i32
        %scan3A_259 = arith.constant 64 : i32
        %scan3A_260 = arith.addi %scan3A_258, %scan3A_259 : i32
        %scan3A_261 = arith.constant 1 : i32
        scf.for %scan3A_332 = %scan3A_258 to %scan3A_260 step %scan3A_261  : i32 {
          %add3A_333 = vector.broadcast %scan3A_332 : i32 to vector<16xi32>
          %add3A_334 = arith.addi %add3A_333, %iota3A : vector<16xi32>
          %ge3A_335 = arith.constant 64 : i32
          %ge3A_336 = vector.broadcast %ge3A_335 : i32 to vector<16xi32>
          %ge3A_337 = arith.cmpi sge, %add3A_334, %ge3A_336 : vector<16xi32>
          %sub3A_338 = arith.constant 64 : i32
          %sub3A_339 = vector.broadcast %sub3A_338 : i32 to vector<16xi32>
          %sub3A_340 = arith.subi %add3A_334, %sub3A_339 : vector<16xi32>
          %select_n3A_341 = arith.select %ge3A_337, %sub3A_340, %add3A_334 : vector<16xi1>, vector<16xi32>
          %jit3A_342 = arith.constant 8 : i32
          %div3A_343 = vector.broadcast %jit3A_342 : i32 to vector<16xi32>
          %div3A_344 = arith.divsi %select_n3A_341, %div3A_343 : vector<16xi32>
          %sign3A_345 = arith.constant 0 : i32
          %sign3A_346 = vector.broadcast %sign3A_345 : i32 to vector<16xi32>
          %sign3A_347 = arith.cmpi sgt, %select_n3A_341, %sign3A_346 : vector<16xi32>
          %sign3A_348 = arith.extui %sign3A_347 : vector<16xi1> to vector<16xi32>
          %sign3A_349 = arith.constant 0 : i32
          %sign3A_350 = vector.broadcast %sign3A_349 : i32 to vector<16xi32>
          %sign3A_351 = arith.cmpi slt, %select_n3A_341, %sign3A_350 : vector<16xi32>
          %sign3A_352 = arith.extui %sign3A_351 : vector<16xi1> to vector<16xi32>
          %sign3A_353 = arith.subi %sign3A_348, %sign3A_352 : vector<16xi32>
          %sign3A_354 = arith.constant 0 : i32
          %sign3A_355 = arith.cmpi sgt, %jit3A_342, %sign3A_354 : i32
          %sign3A_356 = arith.extui %sign3A_355 : i1 to i32
          %sign3A_357 = arith.constant 0 : i32
          %sign3A_358 = arith.cmpi slt, %jit3A_342, %sign3A_357 : i32
          %sign3A_359 = arith.extui %sign3A_358 : i1 to i32
          %sign3A_360 = arith.subi %sign3A_356, %sign3A_359 : i32
          %ne3A_361 = vector.broadcast %sign3A_360 : i32 to vector<16xi32>
          %ne3A_362 = arith.cmpi ne, %sign3A_353, %ne3A_361 : vector<16xi32>
          %rem3A_363 = vector.broadcast %jit3A_342 : i32 to vector<16xi32>
          %rem3A_364 = arith.remsi %select_n3A_341, %rem3A_363 : vector<16xi32>
          %ne3A_365 = arith.constant 0 : i32
          %ne3A_366 = vector.broadcast %ne3A_365 : i32 to vector<16xi32>
          %ne3A_367 = arith.cmpi ne, %rem3A_364, %ne3A_366 : vector<16xi32>
          %and3A_368 = arith.andi %ne3A_362, %ne3A_367 : vector<16xi1>
          %sub3A_369 = arith.constant 1 : i32
          %sub3A_370 = vector.broadcast %sub3A_369 : i32 to vector<16xi32>
          %sub3A_371 = arith.subi %div3A_344, %sub3A_370 : vector<16xi32>
          %select_n3A_372 = arith.select %and3A_368, %sub3A_371, %div3A_344 : vector<16xi1>, vector<16xi32>
          %mul3A_373 = arith.constant 8 : i32
          %mul3A_374 = vector.broadcast %mul3A_373 : i32 to vector<16xi32>
          %mul3A_375 = arith.muli %select_n3A_372, %mul3A_374 : vector<16xi32>
          %sub3A_376 = arith.subi %select_n3A_341, %mul3A_375 : vector<16xi32>
          %broadcast_in_dim3A = arith.constant 0 : i32
          %broadcast_in_dim3A_377 = vector.broadcast %broadcast_in_dim3A : i32 to vector<16xi32>
          %add3A_378 = arith.constant 0 : i32
          %add3A_379 = vector.broadcast %add3A_378 : i32 to vector<16xi32>
          %add3A_380 = arith.addi %broadcast_in_dim3A_377, %add3A_379 : vector<16xi32>
          %add3A_381 = arith.constant 0 : i32
          %add3A_382 = vector.broadcast %add3A_381 : i32 to vector<16xi32>
          %add3A_383 = arith.addi %iota3A, %add3A_382 : vector<16xi32>
          %add3A_384 = arith.constant 0 : i32
          %add3A_385 = vector.broadcast %add3A_384 : i32 to vector<16xi32>
          %add3A_386 = arith.addi %add3A_383, %add3A_385 : vector<16xi32>
          %gather3A = arith.constant 1 : i32
          %gather3A_387 = arith.constant 0 : i32
          %gather3A_388 = arith.constant 0 : i32
          %gather3A_389 = tpu.memref_slice %run_scoped3A_3[%gather3A, %gather3A_387, %gather3A_388] : memref<2x256x64xf32, #tpu.memory_space<vmem>> -> memref<1x256x64xf32, #tpu.memory_space<vmem>>
          %gather3A_390 = tpu.memref_squeeze %gather3A_389 : memref<1x256x64xf32, #tpu.memory_space<vmem>> -> memref<256x64xf32, #tpu.memory_space<vmem>>
          %gather3A_391 = tpu.vector_load_idx %gather3A_390[%add3A_386, %select_n3A_341] : memref<256x64xf32, #tpu.memory_space<vmem>>[vector<16xi32>, vector<16xi32>], vector<16xf32>,
          %scatter3A = arith.constant 1 : i32
          %scatter3A_392 = arith.constant 0 : i32
          %scatter3A_393 = arith.constant 0 : i32
          %scatter3A_394 = arith.constant 0 : i32
          %scatter3A_395 = arith.constant 0 : i32
          %scatter3A_396 = tpu.memref_slice %run_scoped3A_4[%scatter3A, %scatter3A_392, %scatter3A_393, %scatter3A_394, %scatter3A_395] : memref<2x8x2x8x128xf32, #tpu.memory_space<vmem>> -> memref<1x8x2x8x128xf32, #tpu.memory_space<vmem>>
          %scatter3A_397 = tpu.memref_squeeze %scatter3A_396 : memref<1x8x2x8x128xf32, #tpu.memory_space<vmem>> -> memref<8x2x8x128xf32, #tpu.memory_space<vmem>>
          tpu.vector_store_idx %scatter3A_397[%select_n3A_372, %add3A_380, %sub3A_376, %add3A_383], %gather3A_391 : memref<8x2x8x128xf32, #tpu.memory_space<vmem>>[vector<16xi32>, vector<16xi32>, vector<16xi32>, vector<16xi32>], vector<16xf32>,
          %add3A_398 = arith.constant 16 : i32
          %add3A_399 = vector.broadcast %add3A_398 : i32 to vector<16xi32>
          %add3A_400 = arith.addi %iota3A, %add3A_399 : vector<16xi32>
          %add3A_401 = arith.constant 0 : i32
          %add3A_402 = vector.broadcast %add3A_401 : i32 to vector<16xi32>
          %add3A_403 = arith.addi %add3A_400, %add3A_402 : vector<16xi32>
          %gather3A_404 = arith.constant 1 : i32
          %gather3A_405 = arith.constant 0 : i32
          %gather3A_406 = arith.constant 0 : i32
          %gather3A_407 = tpu.memref_slice %run_scoped3A_3[%gather3A_404, %gather3A_405, %gather3A_406] : memref<2x256x64xf32, #tpu.memory_space<vmem>> -> memref<1x256x64xf32, #tpu.memory_space<vmem>>
          %gather3A_408 = tpu.memref_squeeze %gather3A_407 : memref<1x256x64xf32, #tpu.memory_space<vmem>> -> memref<256x64xf32, #tpu.memory_space<vmem>>
          %gather3A_409 = tpu.vector_load_idx %gather3A_408[%add3A_403, %select_n3A_341] : memref<256x64xf32, #tpu.memory_space<vmem>>[vector<16xi32>, vector<16xi32>], vector<16xf32>,
          %scatter3A_410 = arith.constant 1 : i32
          %scatter3A_411 = arith.constant 0 : i32
          %scatter3A_412 = arith.constant 0 : i32
          %scatter3A_413 = arith.constant 0 : i32
          %scatter3A_414 = arith.constant 0 : i32
          %scatter3A_415 = tpu.memref_slice %run_scoped3A_4[%scatter3A_410, %scatter3A_411, %scatter3A_412, %scatter3A_413, %scatter3A_414] : memref<2x8x2x8x128xf32, #tpu.memory_space<vmem>> -> memref<1x8x2x8x128xf32, #tpu.memory_space<vmem>>
          %scatter3A_416 = tpu.memref_squeeze %scatter3A_415 : memref<1x8x2x8x128xf32, #tpu.memory_space<vmem>> -> memref<8x2x8x128xf32, #tpu.memory_space<vmem>>
          tpu.vector_store_idx %scatter3A_416[%select_n3A_372, %add3A_380, %sub3A_376, %add3A_400], %gather3A_409 : memref<8x2x8x128xf32, #tpu.memory_space<vmem>>[vector<16xi32>, vector<16xi32>, vector<16xi32>, vector<16xi32>], vector<16xf32>,
          %add3A_417 = arith.constant 32 : i32
          %add3A_418 = vector.broadcast %add3A_417 : i32 to vector<16xi32>
          %add3A_419 = arith.addi %iota3A, %add3A_418 : vector<16xi32>
          %add3A_420 = arith.constant 0 : i32
          %add3A_421 = vector.broadcast %add3A_420 : i32 to vector<16xi32>
          %add3A_422 = arith.addi %add3A_419, %add3A_421 : vector<16xi32>
          %gather3A_423 = arith.constant 1 : i32
          %gather3A_424 = arith.constant 0 : i32
          %gather3A_425 = arith.constant 0 : i32
          %gather3A_426 = tpu.memref_slice %run_scoped3A_3[%gather3A_423, %gather3A_424, %gather3A_425] : memref<2x256x64xf32, #tpu.memory_space<vmem>> -> memref<1x256x64xf32, #tpu.memory_space<vmem>>
          %gather3A_427 = tpu.memref_squeeze %gather3A_426 : memref<1x256x64xf32, #tpu.memory_space<vmem>> -> memref<256x64xf32, #tpu.memory_space<vmem>>
          %gather3A_428 = tpu.vector_load_idx %gather3A_427[%add3A_422, %select_n3A_341] : memref<256x64xf32, #tpu.memory_space<vmem>>[vector<16xi32>, vector<16xi32>], vector<16xf32>,
          %scatter3A_429 = arith.constant 1 : i32
          %scatter3A_430 = arith.constant 0 : i32
          %scatter3A_431 = arith.constant 0 : i32
          %scatter3A_432 = arith.constant 0 : i32
          %scatter3A_433 = arith.constant 0 : i32
          %scatter3A_434 = tpu.memref_slice %run_scoped3A_4[%scatter3A_429, %scatter3A_430, %scatter3A_431, %scatter3A_432, %scatter3A_433] : memref<2x8x2x8x128xf32, #tpu.memory_space<vmem>> -> memref<1x8x2x8x128xf32, #tpu.memory_space<vmem>>
          %scatter3A_435 = tpu.memref_squeeze %scatter3A_434 : memref<1x8x2x8x128xf32, #tpu.memory_space<vmem>> -> memref<8x2x8x128xf32, #tpu.memory_space<vmem>>
          tpu.vector_store_idx %scatter3A_435[%select_n3A_372, %add3A_380, %sub3A_376, %add3A_419], %gather3A_428 : memref<8x2x8x128xf32, #tpu.memory_space<vmem>>[vector<16xi32>, vector<16xi32>, vector<16xi32>, vector<16xi32>], vector<16xf32>,
          %add3A_436 = arith.constant 48 : i32
          %add3A_437 = vector.broadcast %add3A_436 : i32 to vector<16xi32>
          %add3A_438 = arith.addi %iota3A, %add3A_437 : vector<16xi32>
          %add3A_439 = arith.constant 0 : i32
          %add3A_440 = vector.broadcast %add3A_439 : i32 to vector<16xi32>
          %add3A_441 = arith.addi %add3A_438, %add3A_440 : vector<16xi32>
          %gather3A_442 = arith.constant 1 : i32
          %gather3A_443 = arith.constant 0 : i32
          %gather3A_444 = arith.constant 0 : i32
          %gather3A_445 = tpu.memref_slice %run_scoped3A_3[%gather3A_442, %gather3A_443, %gather3A_444] : memref<2x256x64xf32, #tpu.memory_space<vmem>> -> memref<1x256x64xf32, #tpu.memory_space<vmem>>
          %gather3A_446 = tpu.memref_squeeze %gather3A_445 : memref<1x256x64xf32, #tpu.memory_space<vmem>> -> memref<256x64xf32, #tpu.memory_space<vmem>>
          %gather3A_447 = tpu.vector_load_idx %gather3A_446[%add3A_441, %select_n3A_341] : memref<256x64xf32, #tpu.memory_space<vmem>>[vector<16xi32>, vector<16xi32>], vector<16xf32>,
          %scatter3A_448 = arith.constant 1 : i32
          %scatter3A_449 = arith.constant 0 : i32
          %scatter3A_450 = arith.constant 0 : i32
          %scatter3A_451 = arith.constant 0 : i32
          %scatter3A_452 = arith.constant 0 : i32
          %scatter3A_453 = tpu.memref_slice %run_scoped3A_4[%scatter3A_448, %scatter3A_449, %scatter3A_450, %scatter3A_451, %scatter3A_452] : memref<2x8x2x8x128xf32, #tpu.memory_space<vmem>> -> memref<1x8x2x8x128xf32, #tpu.memory_space<vmem>>
          %scatter3A_454 = tpu.memref_squeeze %scatter3A_453 : memref<1x8x2x8x128xf32, #tpu.memory_space<vmem>> -> memref<8x2x8x128xf32, #tpu.memory_space<vmem>>
          tpu.vector_store_idx %scatter3A_454[%select_n3A_372, %add3A_380, %sub3A_376, %add3A_438], %gather3A_447 : memref<8x2x8x128xf32, #tpu.memory_space<vmem>>[vector<16xi32>, vector<16xi32>, vector<16xi32>, vector<16xi32>], vector<16xf32>,
          %add3A_455 = arith.constant 64 : i32
          %add3A_456 = vector.broadcast %add3A_455 : i32 to vector<16xi32>
          %add3A_457 = arith.addi %iota3A, %add3A_456 : vector<16xi32>
          %add3A_458 = arith.constant 0 : i32
          %add3A_459 = vector.broadcast %add3A_458 : i32 to vector<16xi32>
          %add3A_460 = arith.addi %add3A_457, %add3A_459 : vector<16xi32>
          %gather3A_461 = arith.constant 1 : i32
          %gather3A_462 = arith.constant 0 : i32
          %gather3A_463 = arith.constant 0 : i32
          %gather3A_464 = tpu.memref_slice %run_scoped3A_3[%gather3A_461, %gather3A_462, %gather3A_463] : memref<2x256x64xf32, #tpu.memory_space<vmem>> -> memref<1x256x64xf32, #tpu.memory_space<vmem>>
          %gather3A_465 = tpu.memref_squeeze %gather3A_464 : memref<1x256x64xf32, #tpu.memory_space<vmem>> -> memref<256x64xf32, #tpu.memory_space<vmem>>
          %gather3A_466 = tpu.vector_load_idx %gather3A_465[%add3A_460, %select_n3A_341] : memref<256x64xf32, #tpu.memory_space<vmem>>[vector<16xi32>, vector<16xi32>], vector<16xf32>,
          %scatter3A_467 = arith.constant 1 : i32
          %scatter3A_468 = arith.constant 0 : i32
          %scatter3A_469 = arith.constant 0 : i32
          %scatter3A_470 = arith.constant 0 : i32
          %scatter3A_471 = arith.constant 0 : i32
          %scatter3A_472 = tpu.memref_slice %run_scoped3A_4[%scatter3A_467, %scatter3A_468, %scatter3A_469, %scatter3A_470, %scatter3A_471] : memref<2x8x2x8x128xf32, #tpu.memory_space<vmem>> -> memref<1x8x2x8x128xf32, #tpu.memory_space<vmem>>
          %scatter3A_473 = tpu.memref_squeeze %scatter3A_472 : memref<1x8x2x8x128xf32, #tpu.memory_space<vmem>> -> memref<8x2x8x128xf32, #tpu.memory_space<vmem>>
          tpu.vector_store_idx %scatter3A_473[%select_n3A_372, %add3A_380, %sub3A_376, %add3A_457], %gather3A_466 : memref<8x2x8x128xf32, #tpu.memory_space<vmem>>[vector<16xi32>, vector<16xi32>, vector<16xi32>, vector<16xi32>], vector<16xf32>,
          %add3A_474 = arith.constant 80 : i32
          %add3A_475 = vector.broadcast %add3A_474 : i32 to vector<16xi32>
          %add3A_476 = arith.addi %iota3A, %add3A_475 : vector<16xi32>
          %add3A_477 = arith.constant 0 : i32
          %add3A_478 = vector.broadcast %add3A_477 : i32 to vector<16xi32>
          %add3A_479 = arith.addi %add3A_476, %add3A_478 : vector<16xi32>
          %gather3A_480 = arith.constant 1 : i32
          %gather3A_481 = arith.constant 0 : i32
          %gather3A_482 = arith.constant 0 : i32
          %gather3A_483 = tpu.memref_slice %run_scoped3A_3[%gather3A_480, %gather3A_481, %gather3A_482] : memref<2x256x64xf32, #tpu.memory_space<vmem>> -> memref<1x256x64xf32, #tpu.memory_space<vmem>>
          %gather3A_484 = tpu.memref_squeeze %gather3A_483 : memref<1x256x64xf32, #tpu.memory_space<vmem>> -> memref<256x64xf32, #tpu.memory_space<vmem>>
          %gather3A_485 = tpu.vector_load_idx %gather3A_484[%add3A_479, %select_n3A_341] : memref<256x64xf32, #tpu.memory_space<vmem>>[vector<16xi32>, vector<16xi32>], vector<16xf32>,
          %scatter3A_486 = arith.constant 1 : i32
          %scatter3A_487 = arith.constant 0 : i32
          %scatter3A_488 = arith.constant 0 : i32
          %scatter3A_489 = arith.constant 0 : i32
          %scatter3A_490 = arith.constant 0 : i32
          %scatter3A_491 = tpu.memref_slice %run_scoped3A_4[%scatter3A_486, %scatter3A_487, %scatter3A_488, %scatter3A_489, %scatter3A_490] : memref<2x8x2x8x128xf32, #tpu.memory_space<vmem>> -> memref<1x8x2x8x128xf32, #tpu.memory_space<vmem>>
          %scatter3A_492 = tpu.memref_squeeze %scatter3A_491 : memref<1x8x2x8x128xf32, #tpu.memory_space<vmem>> -> memref<8x2x8x128xf32, #tpu.memory_space<vmem>>
          tpu.vector_store_idx %scatter3A_492[%select_n3A_372, %add3A_380, %sub3A_376, %add3A_476], %gather3A_485 : memref<8x2x8x128xf32, #tpu.memory_space<vmem>>[vector<16xi32>, vector<16xi32>, vector<16xi32>, vector<16xi32>], vector<16xf32>,
          %add3A_493 = arith.constant 96 : i32
          %add3A_494 = vector.broadcast %add3A_493 : i32 to vector<16xi32>
          %add3A_495 = arith.addi %iota3A, %add3A_494 : vector<16xi32>
          %add3A_496 = arith.constant 0 : i32
          %add3A_497 = vector.broadcast %add3A_496 : i32 to vector<16xi32>
          %add3A_498 = arith.addi %add3A_495, %add3A_497 : vector<16xi32>
          %gather3A_499 = arith.constant 1 : i32
          %gather3A_500 = arith.constant 0 : i32
          %gather3A_501 = arith.constant 0 : i32
          %gather3A_502 = tpu.memref_slice %run_scoped3A_3[%gather3A_499, %gather3A_500, %gather3A_501] : memref<2x256x64xf32, #tpu.memory_space<vmem>> -> memref<1x256x64xf32, #tpu.memory_space<vmem>>
          %gather3A_503 = tpu.memref_squeeze %gather3A_502 : memref<1x256x64xf32, #tpu.memory_space<vmem>> -> memref<256x64xf32, #tpu.memory_space<vmem>>
          %gather3A_504 = tpu.vector_load_idx %gather3A_503[%add3A_498, %select_n3A_341] : memref<256x64xf32, #tpu.memory_space<vmem>>[vector<16xi32>, vector<16xi32>], vector<16xf32>,
          %scatter3A_505 = arith.constant 1 : i32
          %scatter3A_506 = arith.constant 0 : i32
          %scatter3A_507 = arith.constant 0 : i32
          %scatter3A_508 = arith.constant 0 : i32
          %scatter3A_509 = arith.constant 0 : i32
          %scatter3A_510 = tpu.memref_slice %run_scoped3A_4[%scatter3A_505, %scatter3A_506, %scatter3A_507, %scatter3A_508, %scatter3A_509] : memref<2x8x2x8x128xf32, #tpu.memory_space<vmem>> -> memref<1x8x2x8x128xf32, #tpu.memory_space<vmem>>
          %scatter3A_511 = tpu.memref_squeeze %scatter3A_510 : memref<1x8x2x8x128xf32, #tpu.memory_space<vmem>> -> memref<8x2x8x128xf32, #tpu.memory_space<vmem>>
          tpu.vector_store_idx %scatter3A_511[%select_n3A_372, %add3A_380, %sub3A_376, %add3A_495], %gather3A_504 : memref<8x2x8x128xf32, #tpu.memory_space<vmem>>[vector<16xi32>, vector<16xi32>, vector<16xi32>, vector<16xi32>], vector<16xf32>,
          %add3A_512 = arith.constant 112 : i32
          %add3A_513 = vector.broadcast %add3A_512 : i32 to vector<16xi32>
          %add3A_514 = arith.addi %iota3A, %add3A_513 : vector<16xi32>
          %add3A_515 = arith.constant 0 : i32
          %add3A_516 = vector.broadcast %add3A_515 : i32 to vector<16xi32>
          %add3A_517 = arith.addi %add3A_514, %add3A_516 : vector<16xi32>
          %gather3A_518 = arith.constant 1 : i32
          %gather3A_519 = arith.constant 0 : i32
          %gather3A_520 = arith.constant 0 : i32
          %gather3A_521 = tpu.memref_slice %run_scoped3A_3[%gather3A_518, %gather3A_519, %gather3A_520] : memref<2x256x64xf32, #tpu.memory_space<vmem>> -> memref<1x256x64xf32, #tpu.memory_space<vmem>>
          %gather3A_522 = tpu.memref_squeeze %gather3A_521 : memref<1x256x64xf32, #tpu.memory_space<vmem>> -> memref<256x64xf32, #tpu.memory_space<vmem>>
          %gather3A_523 = tpu.vector_load_idx %gather3A_522[%add3A_517, %select_n3A_341] : memref<256x64xf32, #tpu.memory_space<vmem>>[vector<16xi32>, vector<16xi32>], vector<16xf32>,
          %scatter3A_524 = arith.constant 1 : i32
          %scatter3A_525 = arith.constant 0 : i32
          %scatter3A_526 = arith.constant 0 : i32
          %scatter3A_527 = arith.constant 0 : i32
          %scatter3A_528 = arith.constant 0 : i32
          %scatter3A_529 = tpu.memref_slice %run_scoped3A_4[%scatter3A_524, %scatter3A_525, %scatter3A_526, %scatter3A_527, %scatter3A_528] : memref<2x8x2x8x128xf32, #tpu.memory_space<vmem>> -> memref<1x8x2x8x128xf32, #tpu.memory_space<vmem>>
          %scatter3A_530 = tpu.memref_squeeze %scatter3A_529 : memref<1x8x2x8x128xf32, #tpu.memory_space<vmem>> -> memref<8x2x8x128xf32, #tpu.memory_space<vmem>>
          tpu.vector_store_idx %scatter3A_530[%select_n3A_372, %add3A_380, %sub3A_376, %add3A_514], %gather3A_523 : memref<8x2x8x128xf32, #tpu.memory_space<vmem>>[vector<16xi32>, vector<16xi32>, vector<16xi32>, vector<16xi32>], vector<16xf32>,
          %broadcast_in_dim3A_531 = arith.constant 0 : i32
          %broadcast_in_dim3A_532 = vector.broadcast %broadcast_in_dim3A_531 : i32 to vector<16xi32>
          %add3A_533 = arith.constant 1 : i32
          %add3A_534 = vector.broadcast %add3A_533 : i32 to vector<16xi32>
          %add3A_535 = arith.addi %broadcast_in_dim3A_532, %add3A_534 : vector<16xi32>
          %add3A_536 = arith.constant 0 : i32
          %add3A_537 = vector.broadcast %add3A_536 : i32 to vector<16xi32>
          %add3A_538 = arith.addi %iota3A, %add3A_537 : vector<16xi32>
          %add3A_539 = arith.constant 128 : i32
          %add3A_540 = vector.broadcast %add3A_539 : i32 to vector<16xi32>
          %add3A_541 = arith.addi %add3A_538, %add3A_540 : vector<16xi32>
          %gather3A_542 = arith.constant 1 : i32
          %gather3A_543 = arith.constant 0 : i32
          %gather3A_544 = arith.constant 0 : i32
          %gather3A_545 = tpu.memref_slice %run_scoped3A_3[%gather3A_542, %gather3A_543, %gather3A_544] : memref<2x256x64xf32, #tpu.memory_space<vmem>> -> memref<1x256x64xf32, #tpu.memory_space<vmem>>
          %gather3A_546 = tpu.memref_squeeze %gather3A_545 : memref<1x256x64xf32, #tpu.memory_space<vmem>> -> memref<256x64xf32, #tpu.memory_space<vmem>>
          %gather3A_547 = tpu.vector_load_idx %gather3A_546[%add3A_541, %select_n3A_341] : memref<256x64xf32, #tpu.memory_space<vmem>>[vector<16xi32>, vector<16xi32>], vector<16xf32>,
          %scatter3A_548 = arith.constant 1 : i32
          %scatter3A_549 = arith.constant 0 : i32
          %scatter3A_550 = arith.constant 0 : i32
          %scatter3A_551 = arith.constant 0 : i32
          %scatter3A_552 = arith.constant 0 : i32
          %scatter3A_553 = tpu.memref_slice %run_scoped3A_4[%scatter3A_548, %scatter3A_549, %scatter3A_550, %scatter3A_551, %scatter3A_552] : memref<2x8x2x8x128xf32, #tpu.memory_space<vmem>> -> memref<1x8x2x8x128xf32, #tpu.memory_space<vmem>>
          %scatter3A_554 = tpu.memref_squeeze %scatter3A_553 : memref<1x8x2x8x128xf32, #tpu.memory_space<vmem>> -> memref<8x2x8x128xf32, #tpu.memory_space<vmem>>
          tpu.vector_store_idx %scatter3A_554[%select_n3A_372, %add3A_535, %sub3A_376, %add3A_538], %gather3A_547 : memref<8x2x8x128xf32, #tpu.memory_space<vmem>>[vector<16xi32>, vector<16xi32>, vector<16xi32>, vector<16xi32>], vector<16xf32>,
          %add3A_555 = arith.constant 16 : i32
          %add3A_556 = vector.broadcast %add3A_555 : i32 to vector<16xi32>
          %add3A_557 = arith.addi %iota3A, %add3A_556 : vector<16xi32>
          %add3A_558 = arith.constant 128 : i32
          %add3A_559 = vector.broadcast %add3A_558 : i32 to vector<16xi32>
          %add3A_560 = arith.addi %add3A_557, %add3A_559 : vector<16xi32>
          %gather3A_561 = arith.constant 1 : i32
          %gather3A_562 = arith.constant 0 : i32
          %gather3A_563 = arith.constant 0 : i32
          %gather3A_564 = tpu.memref_slice %run_scoped3A_3[%gather3A_561, %gather3A_562, %gather3A_563] : memref<2x256x64xf32, #tpu.memory_space<vmem>> -> memref<1x256x64xf32, #tpu.memory_space<vmem>>
          %gather3A_565 = tpu.memref_squeeze %gather3A_564 : memref<1x256x64xf32, #tpu.memory_space<vmem>> -> memref<256x64xf32, #tpu.memory_space<vmem>>
          %gather3A_566 = tpu.vector_load_idx %gather3A_565[%add3A_560, %select_n3A_341] : memref<256x64xf32, #tpu.memory_space<vmem>>[vector<16xi32>, vector<16xi32>], vector<16xf32>,
          %scatter3A_567 = arith.constant 1 : i32
          %scatter3A_568 = arith.constant 0 : i32
          %scatter3A_569 = arith.constant 0 : i32
          %scatter3A_570 = arith.constant 0 : i32
          %scatter3A_571 = arith.constant 0 : i32
          %scatter3A_572 = tpu.memref_slice %run_scoped3A_4[%scatter3A_567, %scatter3A_568, %scatter3A_569, %scatter3A_570, %scatter3A_571] : memref<2x8x2x8x128xf32, #tpu.memory_space<vmem>> -> memref<1x8x2x8x128xf32, #tpu.memory_space<vmem>>
          %scatter3A_573 = tpu.memref_squeeze %scatter3A_572 : memref<1x8x2x8x128xf32, #tpu.memory_space<vmem>> -> memref<8x2x8x128xf32, #tpu.memory_space<vmem>>
          tpu.vector_store_idx %scatter3A_573[%select_n3A_372, %add3A_535, %sub3A_376, %add3A_557], %gather3A_566 : memref<8x2x8x128xf32, #tpu.memory_space<vmem>>[vector<16xi32>, vector<16xi32>, vector<16xi32>, vector<16xi32>], vector<16xf32>,
          %add3A_574 = arith.constant 32 : i32
          %add3A_575 = vector.broadcast %add3A_574 : i32 to vector<16xi32>
          %add3A_576 = arith.addi %iota3A, %add3A_575 : vector<16xi32>
          %add3A_577 = arith.constant 128 : i32
          %add3A_578 = vector.broadcast %add3A_577 : i32 to vector<16xi32>
          %add3A_579 = arith.addi %add3A_576, %add3A_578 : vector<16xi32>
          %gather3A_580 = arith.constant 1 : i32
          %gather3A_581 = arith.constant 0 : i32
          %gather3A_582 = arith.constant 0 : i32
          %gather3A_583 = tpu.memref_slice %run_scoped3A_3[%gather3A_580, %gather3A_581, %gather3A_582] : memref<2x256x64xf32, #tpu.memory_space<vmem>> -> memref<1x256x64xf32, #tpu.memory_space<vmem>>
          %gather3A_584 = tpu.memref_squeeze %gather3A_583 : memref<1x256x64xf32, #tpu.memory_space<vmem>> -> memref<256x64xf32, #tpu.memory_space<vmem>>
          %gather3A_585 = tpu.vector_load_idx %gather3A_584[%add3A_579, %select_n3A_341] : memref<256x64xf32, #tpu.memory_space<vmem>>[vector<16xi32>, vector<16xi32>], vector<16xf32>,
          %scatter3A_586 = arith.constant 1 : i32
          %scatter3A_587 = arith.constant 0 : i32
          %scatter3A_588 = arith.constant 0 : i32
          %scatter3A_589 = arith.constant 0 : i32
          %scatter3A_590 = arith.constant 0 : i32
          %scatter3A_591 = tpu.memref_slice %run_scoped3A_4[%scatter3A_586, %scatter3A_587, %scatter3A_588, %scatter3A_589, %scatter3A_590] : memref<2x8x2x8x128xf32, #tpu.memory_space<vmem>> -> memref<1x8x2x8x128xf32, #tpu.memory_space<vmem>>
          %scatter3A_592 = tpu.memref_squeeze %scatter3A_591 : memref<1x8x2x8x128xf32, #tpu.memory_space<vmem>> -> memref<8x2x8x128xf32, #tpu.memory_space<vmem>>
          tpu.vector_store_idx %scatter3A_592[%select_n3A_372, %add3A_535, %sub3A_376, %add3A_576], %gather3A_585 : memref<8x2x8x128xf32, #tpu.memory_space<vmem>>[vector<16xi32>, vector<16xi32>, vector<16xi32>, vector<16xi32>], vector<16xf32>,
          %add3A_593 = arith.constant 48 : i32
          %add3A_594 = vector.broadcast %add3A_593 : i32 to vector<16xi32>
          %add3A_595 = arith.addi %iota3A, %add3A_594 : vector<16xi32>
          %add3A_596 = arith.constant 128 : i32
          %add3A_597 = vector.broadcast %add3A_596 : i32 to vector<16xi32>
          %add3A_598 = arith.addi %add3A_595, %add3A_597 : vector<16xi32>
          %gather3A_599 = arith.constant 1 : i32
          %gather3A_600 = arith.constant 0 : i32
          %gather3A_601 = arith.constant 0 : i32
          %gather3A_602 = tpu.memref_slice %run_scoped3A_3[%gather3A_599, %gather3A_600, %gather3A_601] : memref<2x256x64xf32, #tpu.memory_space<vmem>> -> memref<1x256x64xf32, #tpu.memory_space<vmem>>
          %gather3A_603 = tpu.memref_squeeze %gather3A_602 : memref<1x256x64xf32, #tpu.memory_space<vmem>> -> memref<256x64xf32, #tpu.memory_space<vmem>>
          %gather3A_604 = tpu.vector_load_idx %gather3A_603[%add3A_598, %select_n3A_341] : memref<256x64xf32, #tpu.memory_space<vmem>>[vector<16xi32>, vector<16xi32>], vector<16xf32>,
          %scatter3A_605 = arith.constant 1 : i32
          %scatter3A_606 = arith.constant 0 : i32
          %scatter3A_607 = arith.constant 0 : i32
          %scatter3A_608 = arith.constant 0 : i32
          %scatter3A_609 = arith.constant 0 : i32
          %scatter3A_610 = tpu.memref_slice %run_scoped3A_4[%scatter3A_605, %scatter3A_606, %scatter3A_607, %scatter3A_608, %scatter3A_609] : memref<2x8x2x8x128xf32, #tpu.memory_space<vmem>> -> memref<1x8x2x8x128xf32, #tpu.memory_space<vmem>>
          %scatter3A_611 = tpu.memref_squeeze %scatter3A_610 : memref<1x8x2x8x128xf32, #tpu.memory_space<vmem>> -> memref<8x2x8x128xf32, #tpu.memory_space<vmem>>
          tpu.vector_store_idx %scatter3A_611[%select_n3A_372, %add3A_535, %sub3A_376, %add3A_595], %gather3A_604 : memref<8x2x8x128xf32, #tpu.memory_space<vmem>>[vector<16xi32>, vector<16xi32>, vector<16xi32>, vector<16xi32>], vector<16xf32>,
          %add3A_612 = arith.constant 64 : i32
          %add3A_613 = vector.broadcast %add3A_612 : i32 to vector<16xi32>
          %add3A_614 = arith.addi %iota3A, %add3A_613 : vector<16xi32>
          %add3A_615 = arith.constant 128 : i32
          %add3A_616 = vector.broadcast %add3A_615 : i32 to vector<16xi32>
          %add3A_617 = arith.addi %add3A_614, %add3A_616 : vector<16xi32>
          %gather3A_618 = arith.constant 1 : i32
          %gather3A_619 = arith.constant 0 : i32
          %gather3A_620 = arith.constant 0 : i32
          %gather3A_621 = tpu.memref_slice %run_scoped3A_3[%gather3A_618, %gather3A_619, %gather3A_620] : memref<2x256x64xf32, #tpu.memory_space<vmem>> -> memref<1x256x64xf32, #tpu.memory_space<vmem>>
          %gather3A_622 = tpu.memref_squeeze %gather3A_621 : memref<1x256x64xf32, #tpu.memory_space<vmem>> -> memref<256x64xf32, #tpu.memory_space<vmem>>
          %gather3A_623 = tpu.vector_load_idx %gather3A_622[%add3A_617, %select_n3A_341] : memref<256x64xf32, #tpu.memory_space<vmem>>[vector<16xi32>, vector<16xi32>], vector<16xf32>,
          %scatter3A_624 = arith.constant 1 : i32
          %scatter3A_625 = arith.constant 0 : i32
          %scatter3A_626 = arith.constant 0 : i32
          %scatter3A_627 = arith.constant 0 : i32
          %scatter3A_628 = arith.constant 0 : i32
          %scatter3A_629 = tpu.memref_slice %run_scoped3A_4[%scatter3A_624, %scatter3A_625, %scatter3A_626, %scatter3A_627, %scatter3A_628] : memref<2x8x2x8x128xf32, #tpu.memory_space<vmem>> -> memref<1x8x2x8x128xf32, #tpu.memory_space<vmem>>
          %scatter3A_630 = tpu.memref_squeeze %scatter3A_629 : memref<1x8x2x8x128xf32, #tpu.memory_space<vmem>> -> memref<8x2x8x128xf32, #tpu.memory_space<vmem>>
          tpu.vector_store_idx %scatter3A_630[%select_n3A_372, %add3A_535, %sub3A_376, %add3A_614], %gather3A_623 : memref<8x2x8x128xf32, #tpu.memory_space<vmem>>[vector<16xi32>, vector<16xi32>, vector<16xi32>, vector<16xi32>], vector<16xf32>,
          %add3A_631 = arith.constant 80 : i32
          %add3A_632 = vector.broadcast %add3A_631 : i32 to vector<16xi32>
          %add3A_633 = arith.addi %iota3A, %add3A_632 : vector<16xi32>
          %add3A_634 = arith.constant 128 : i32
          %add3A_635 = vector.broadcast %add3A_634 : i32 to vector<16xi32>
          %add3A_636 = arith.addi %add3A_633, %add3A_635 : vector<16xi32>
          %gather3A_637 = arith.constant 1 : i32
          %gather3A_638 = arith.constant 0 : i32
          %gather3A_639 = arith.constant 0 : i32
          %gather3A_640 = tpu.memref_slice %run_scoped3A_3[%gather3A_637, %gather3A_638, %gather3A_639] : memref<2x256x64xf32, #tpu.memory_space<vmem>> -> memref<1x256x64xf32, #tpu.memory_space<vmem>>
          %gather3A_641 = tpu.memref_squeeze %gather3A_640 : memref<1x256x64xf32, #tpu.memory_space<vmem>> -> memref<256x64xf32, #tpu.memory_space<vmem>>
          %gather3A_642 = tpu.vector_load_idx %gather3A_641[%add3A_636, %select_n3A_341] : memref<256x64xf32, #tpu.memory_space<vmem>>[vector<16xi32>, vector<16xi32>], vector<16xf32>,
          %scatter3A_643 = arith.constant 1 : i32
          %scatter3A_644 = arith.constant 0 : i32
          %scatter3A_645 = arith.constant 0 : i32
          %scatter3A_646 = arith.constant 0 : i32
          %scatter3A_647 = arith.constant 0 : i32
          %scatter3A_648 = tpu.memref_slice %run_scoped3A_4[%scatter3A_643, %scatter3A_644, %scatter3A_645, %scatter3A_646, %scatter3A_647] : memref<2x8x2x8x128xf32, #tpu.memory_space<vmem>> -> memref<1x8x2x8x128xf32, #tpu.memory_space<vmem>>
          %scatter3A_649 = tpu.memref_squeeze %scatter3A_648 : memref<1x8x2x8x128xf32, #tpu.memory_space<vmem>> -> memref<8x2x8x128xf32, #tpu.memory_space<vmem>>
          tpu.vector_store_idx %scatter3A_649[%select_n3A_372, %add3A_535, %sub3A_376, %add3A_633], %gather3A_642 : memref<8x2x8x128xf32, #tpu.memory_space<vmem>>[vector<16xi32>, vector<16xi32>, vector<16xi32>, vector<16xi32>], vector<16xf32>,
          %add3A_650 = arith.constant 96 : i32
          %add3A_651 = vector.broadcast %add3A_650 : i32 to vector<16xi32>
          %add3A_652 = arith.addi %iota3A, %add3A_651 : vector<16xi32>
          %add3A_653 = arith.constant 128 : i32
          %add3A_654 = vector.broadcast %add3A_653 : i32 to vector<16xi32>
          %add3A_655 = arith.addi %add3A_652, %add3A_654 : vector<16xi32>
          %gather3A_656 = arith.constant 1 : i32
          %gather3A_657 = arith.constant 0 : i32
          %gather3A_658 = arith.constant 0 : i32
          %gather3A_659 = tpu.memref_slice %run_scoped3A_3[%gather3A_656, %gather3A_657, %gather3A_658] : memref<2x256x64xf32, #tpu.memory_space<vmem>> -> memref<1x256x64xf32, #tpu.memory_space<vmem>>
          %gather3A_660 = tpu.memref_squeeze %gather3A_659 : memref<1x256x64xf32, #tpu.memory_space<vmem>> -> memref<256x64xf32, #tpu.memory_space<vmem>>
          %gather3A_661 = tpu.vector_load_idx %gather3A_660[%add3A_655, %select_n3A_341] : memref<256x64xf32, #tpu.memory_space<vmem>>[vector<16xi32>, vector<16xi32>], vector<16xf32>,
          %scatter3A_662 = arith.constant 1 : i32
          %scatter3A_663 = arith.constant 0 : i32
          %scatter3A_664 = arith.constant 0 : i32
          %scatter3A_665 = arith.constant 0 : i32
          %scatter3A_666 = arith.constant 0 : i32
          %scatter3A_667 = tpu.memref_slice %run_scoped3A_4[%scatter3A_662, %scatter3A_663, %scatter3A_664, %scatter3A_665, %scatter3A_666] : memref<2x8x2x8x128xf32, #tpu.memory_space<vmem>> -> memref<1x8x2x8x128xf32, #tpu.memory_space<vmem>>
          %scatter3A_668 = tpu.memref_squeeze %scatter3A_667 : memref<1x8x2x8x128xf32, #tpu.memory_space<vmem>> -> memref<8x2x8x128xf32, #tpu.memory_space<vmem>>
          tpu.vector_store_idx %scatter3A_668[%select_n3A_372, %add3A_535, %sub3A_376, %add3A_652], %gather3A_661 : memref<8x2x8x128xf32, #tpu.memory_space<vmem>>[vector<16xi32>, vector<16xi32>, vector<16xi32>, vector<16xi32>], vector<16xf32>,
          %add3A_669 = arith.constant 112 : i32
          %add3A_670 = vector.broadcast %add3A_669 : i32 to vector<16xi32>
          %add3A_671 = arith.addi %iota3A, %add3A_670 : vector<16xi32>
          %add3A_672 = arith.constant 128 : i32
          %add3A_673 = vector.broadcast %add3A_672 : i32 to vector<16xi32>
          %add3A_674 = arith.addi %add3A_671, %add3A_673 : vector<16xi32>
          %gather3A_675 = arith.constant 1 : i32
          %gather3A_676 = arith.constant 0 : i32
          %gather3A_677 = arith.constant 0 : i32
          %gather3A_678 = tpu.memref_slice %run_scoped3A_3[%gather3A_675, %gather3A_676, %gather3A_677] : memref<2x256x64xf32, #tpu.memory_space<vmem>> -> memref<1x256x64xf32, #tpu.memory_space<vmem>>
          %gather3A_679 = tpu.memref_squeeze %gather3A_678 : memref<1x256x64xf32, #tpu.memory_space<vmem>> -> memref<256x64xf32, #tpu.memory_space<vmem>>
          %gather3A_680 = tpu.vector_load_idx %gather3A_679[%add3A_674, %select_n3A_341] : memref<256x64xf32, #tpu.memory_space<vmem>>[vector<16xi32>, vector<16xi32>], vector<16xf32>,
          %scatter3A_681 = arith.constant 1 : i32
          %scatter3A_682 = arith.constant 0 : i32
          %scatter3A_683 = arith.constant 0 : i32
          %scatter3A_684 = arith.constant 0 : i32
          %scatter3A_685 = arith.constant 0 : i32
          %scatter3A_686 = tpu.memref_slice %run_scoped3A_4[%scatter3A_681, %scatter3A_682, %scatter3A_683, %scatter3A_684, %scatter3A_685] : memref<2x8x2x8x128xf32, #tpu.memory_space<vmem>> -> memref<1x8x2x8x128xf32, #tpu.memory_space<vmem>>
          %scatter3A_687 = tpu.memref_squeeze %scatter3A_686 : memref<1x8x2x8x128xf32, #tpu.memory_space<vmem>> -> memref<8x2x8x128xf32, #tpu.memory_space<vmem>>
          tpu.vector_store_idx %scatter3A_687[%select_n3A_372, %add3A_535, %sub3A_376, %add3A_671], %gather3A_680 : memref<8x2x8x128xf32, #tpu.memory_space<vmem>>[vector<16xi32>, vector<16xi32>, vector<16xi32>, vector<16xi32>], vector<16xf32>,
        }
        %scan3A_262 = arith.constant 64 : i32
        %jit3A_263 = arith.constant 2 : i32
        %div3A_264 = arith.divsi %add3A_238, %jit3A_263 : i32
        %sign3A_265 = arith.constant 0 : i32
        %sign3A_266 = arith.cmpi sgt, %add3A_238, %sign3A_265 : i32
        %sign3A_267 = arith.extui %sign3A_266 : i1 to i32
        %sign3A_268 = arith.constant 0 : i32
        %sign3A_269 = arith.cmpi slt, %add3A_238, %sign3A_268 : i32
        %sign3A_270 = arith.extui %sign3A_269 : i1 to i32
        %sign3A_271 = arith.subi %sign3A_267, %sign3A_270 : i32
        %sign3A_272 = arith.constant 0 : i32
        %sign3A_273 = arith.cmpi sgt, %jit3A_263, %sign3A_272 : i32
        %sign3A_274 = arith.extui %sign3A_273 : i1 to i32
        %sign3A_275 = arith.constant 0 : i32
        %sign3A_276 = arith.cmpi slt, %jit3A_263, %sign3A_275 : i32
        %sign3A_277 = arith.extui %sign3A_276 : i1 to i32
        %sign3A_278 = arith.subi %sign3A_274, %sign3A_277 : i32
        %ne3A_279 = arith.cmpi ne, %sign3A_271, %sign3A_278 : i32
        %rem3A_280 = arith.remsi %add3A_238, %jit3A_263 : i32
        %ne3A_281 = arith.constant 0 : i32
        %ne3A_282 = arith.cmpi ne, %rem3A_280, %ne3A_281 : i32
        %and3A_283 = arith.andi %ne3A_279, %ne3A_282 : i1
        %sub3A_284 = arith.constant 1 : i32
        %sub3A_285 = arith.subi %div3A_264, %sub3A_284 : i32
        %select_n3A_286 = arith.select %and3A_283, %sub3A_285, %div3A_264 : i32
        %jit3A_287 = arith.constant 2 : i32
        %eq3A_288 = arith.constant 0 : i32
        %eq3A_289 = arith.cmpi eq, %jit3A_287, %eq3A_288 : i32
        %jit3A_290 = arith.constant 1 : i32
        %select_n3A_291 = arith.select %eq3A_289, %jit3A_290, %jit3A_287 : i32
        %rem3A_292 = arith.remsi %add3A_238, %select_n3A_291 : i32
        %ne3A_293 = arith.constant 0 : i32
        %ne3A_294 = arith.cmpi ne, %rem3A_292, %ne3A_293 : i32
        %lt3A_295 = arith.constant 0 : i32
        %lt3A_296 = arith.cmpi slt, %rem3A_292, %lt3A_295 : i32
        %lt3A_297 = arith.constant 0 : i32
        %lt3A_298 = arith.cmpi slt, %select_n3A_291, %lt3A_297 : i32
        %ne3A_299 = arith.xori %lt3A_296, %lt3A_298 : i1
        %and3A_300 = arith.andi %ne3A_299, %ne3A_294 : i1
        %add3A_301 = arith.addi %rem3A_292, %select_n3A_291 : i32
        %select_n3A_302 = arith.select %and3A_300, %add3A_301, %rem3A_292 : i32
        %mul3A_303 = arith.constant 2 : i32
        %mul3A_304 = arith.muli %select_n3A_302, %mul3A_303 : i32
        %add3A_305 = arith.addi %mul3A_2, %mul3A_304 : i32
        %dma_start3A_306 = arith.constant 1 : i32
        %dma_start3A_307 = arith.constant 1 : i32
        %dma_start3A_308 = arith.constant 0 : i32
        %dma_start3A_309 = arith.constant 0 : i32
        %dma_start3A_310 = arith.constant 0 : i32
        %dma_start3A_311 = arith.constant 0 : i32
        %dma_start3A_312 = tpu.memref_slice %run_scoped3A_4[%dma_start3A_306, %dma_start3A_308, %dma_start3A_309, %dma_start3A_310, %dma_start3A_311] : memref<2x8x2x8x128xf32, #tpu.memory_space<vmem>> -> memref<1x8x2x8x128xf32, #tpu.memory_space<vmem>>
        %dma_start3A_313 = tpu.memref_squeeze %dma_start3A_312 : memref<1x8x2x8x128xf32, #tpu.memory_space<vmem>> -> memref<8x2x8x128xf32, #tpu.memory_space<vmem>>
        %dma_start3A_314 = arith.constant 0 : i32
        %dma_start3A_315 = arith.constant 0 : i32
        %dma_start3A_316 = arith.constant 0 : i32
        %dma_start3A_317 = tpu.memref_slice %arg4[%select_n3A_286, %dma_start3A_314, %add3A_305, %dma_start3A_315, %dma_start3A_316] : memref<50x8x128x8x128xf32, #tpu.memory_space<hbm>> -> memref<1x8x2x8x128xf32, #tpu.memory_space<hbm>>
        %dma_start3A_318 = tpu.memref_squeeze %dma_start3A_317 : memref<1x8x2x8x128xf32, #tpu.memory_space<hbm>> -> memref<8x2x8x128xf32, #tpu.memory_space<hbm>>
        %dma_start3A_319 = tpu.memref_slice %arg6[%dma_start3A_307] : memref<2x!tpu.dma_semaphore, #tpu.memory_space<semaphore_mem>> -> memref<1x!tpu.dma_semaphore, #tpu.memory_space<semaphore_mem>>
        %dma_start3A_320 = tpu.memref_squeeze %dma_start3A_319 : memref<1x!tpu.dma_semaphore, #tpu.memory_space<semaphore_mem>> -> memref<!tpu.dma_semaphore, #tpu.memory_space<semaphore_mem>>
        %dma_start3A_321 = arith.constant 0 : i32
        %dma_start3A_322 = arith.constant 0 : i32
        %dma_start3A_323 = arith.constant 0 : i32
        %dma_start3A_324 = tpu.memref_slice %arg4[%select_n3A_286, %dma_start3A_321, %add3A_305, %dma_start3A_322, %dma_start3A_323] : memref<50x8x128x8x128xf32, #tpu.memory_space<hbm>> -> memref<1x8x2x8x128xf32, #tpu.memory_space<hbm>>
        %dma_start3A_325 = tpu.memref_squeeze %dma_start3A_324 : memref<1x8x2x8x128xf32, #tpu.memory_space<hbm>> -> memref<8x2x8x128xf32, #tpu.memory_space<hbm>>
        %dma_start3A_326 = arith.constant 0 : i32
        %dma_start3A_327 = arith.constant 0 : i32
        %dma_start3A_328 = arith.constant 0 : i32
        %dma_start3A_329 = arith.constant 0 : i32
        %dma_start3A_330 = tpu.memref_slice %run_scoped3A_4[%dma_start3A_306, %dma_start3A_326, %dma_start3A_327, %dma_start3A_328, %dma_start3A_329] : memref<2x8x2x8x128xf32, #tpu.memory_space<vmem>> -> memref<1x8x2x8x128xf32, #tpu.memory_space<vmem>>
        %dma_start3A_331 = tpu.memref_squeeze %dma_start3A_330 : memref<1x8x2x8x128xf32, #tpu.memory_space<vmem>> -> memref<8x2x8x128xf32, #tpu.memory_space<vmem>>
        tpu.enqueue_dma source(%dma_start3A_331 : memref<8x2x8x128xf32, #tpu.memory_space<vmem>>) target(%dma_start3A_325 : memref<8x2x8x128xf32, #tpu.memory_space<hbm>>) target_semaphore(%dma_start3A_320 : memref<!tpu.dma_semaphore, #tpu.memory_space<semaphore_mem>>)
      }
      %scan3A_25 = arith.constant 50 : i32
      %dma_wait3A = arith.constant 0 : i32
      %dma_wait3A_26 = arith.constant 0 : i32
      %dma_wait3A_27 = arith.constant 0 : i32
      %dma_wait3A_28 = arith.constant 0 : i32
      %dma_wait3A_29 = arith.constant 0 : i32
      %dma_wait3A_30 = arith.constant 0 : i32
      %dma_wait3A_31 = arith.constant 0 : i32
      %dma_wait3A_32 = tpu.memref_slice %run_scoped3A_4[%dma_wait3A, %dma_wait3A_28, %dma_wait3A_29, %dma_wait3A_30, %dma_wait3A_31] : memref<2x8x2x8x128xf32, #tpu.memory_space<vmem>> -> memref<1x8x2x8x128xf32, #tpu.memory_space<vmem>>
      %dma_wait3A_33 = tpu.memref_squeeze %dma_wait3A_32 : memref<1x8x2x8x128xf32, #tpu.memory_space<vmem>> -> memref<8x2x8x128xf32, #tpu.memory_space<vmem>>
      %dma_wait3A_34 = arith.constant 0 : i32
      %dma_wait3A_35 = arith.constant 0 : i32
      %dma_wait3A_36 = arith.constant 0 : i32
      %dma_wait3A_37 = tpu.memref_slice %arg4[%dma_wait3A_26, %dma_wait3A_34, %mul3A_2, %dma_wait3A_35, %dma_wait3A_36] : memref<50x8x128x8x128xf32, #tpu.memory_space<hbm>> -> memref<1x8x2x8x128xf32, #tpu.memory_space<hbm>>
      %dma_wait3A_38 = tpu.memref_squeeze %dma_wait3A_37 : memref<1x8x2x8x128xf32, #tpu.memory_space<hbm>> -> memref<8x2x8x128xf32, #tpu.memory_space<hbm>>
      %dma_wait3A_39 = tpu.memref_slice %arg6[%dma_wait3A_27] : memref<2x!tpu.dma_semaphore, #tpu.memory_space<semaphore_mem>> -> memref<1x!tpu.dma_semaphore, #tpu.memory_space<semaphore_mem>>
      %dma_wait3A_40 = tpu.memref_squeeze %dma_wait3A_39 : memref<1x!tpu.dma_semaphore, #tpu.memory_space<semaphore_mem>> -> memref<!tpu.dma_semaphore, #tpu.memory_space<semaphore_mem>>
      %dma_wait3A_41 = arith.constant 0 : i32
      %dma_wait3A_42 = arith.constant 0 : i32
      %dma_wait3A_43 = arith.constant 0 : i32
      %dma_wait3A_44 = tpu.memref_slice %arg4[%dma_wait3A_26, %dma_wait3A_41, %mul3A_2, %dma_wait3A_42, %dma_wait3A_43] : memref<50x8x128x8x128xf32, #tpu.memory_space<hbm>> -> memref<1x8x2x8x128xf32, #tpu.memory_space<hbm>>
      %dma_wait3A_45 = tpu.memref_squeeze %dma_wait3A_44 : memref<1x8x2x8x128xf32, #tpu.memory_space<hbm>> -> memref<8x2x8x128xf32, #tpu.memory_space<hbm>>
      %dma_wait3A_46 = arith.constant 0 : i32
      %dma_wait3A_47 = arith.constant 0 : i32
      %dma_wait3A_48 = arith.constant 0 : i32
      %dma_wait3A_49 = arith.constant 0 : i32
      %dma_wait3A_50 = tpu.memref_slice %run_scoped3A_4[%dma_wait3A, %dma_wait3A_46, %dma_wait3A_47, %dma_wait3A_48, %dma_wait3A_49] : memref<2x8x2x8x128xf32, #tpu.memory_space<vmem>> -> memref<1x8x2x8x128xf32, #tpu.memory_space<vmem>>
      %dma_wait3A_51 = tpu.memref_squeeze %dma_wait3A_50 : memref<1x8x2x8x128xf32, #tpu.memory_space<vmem>> -> memref<8x2x8x128xf32, #tpu.memory_space<vmem>>
      tpu.wait_dma2 semaphore(%dma_wait3A_40 : memref<!tpu.dma_semaphore, #tpu.memory_space<semaphore_mem>>) src(%dma_wait3A_51 : memref<8x2x8x128xf32, #tpu.memory_space<vmem>>) dst(%dma_wait3A_45 : memref<8x2x8x128xf32, #tpu.memory_space<hbm>>)
      %dma_wait3A_52 = arith.constant 1 : i32
      %dma_wait3A_53 = arith.constant 0 : i32
      %dma_wait3A_54 = arith.constant 1 : i32
      %dma_wait3A_55 = arith.constant 0 : i32
      %dma_wait3A_56 = arith.constant 0 : i32
      %dma_wait3A_57 = arith.constant 0 : i32
      %dma_wait3A_58 = arith.constant 0 : i32
      %dma_wait3A_59 = tpu.memref_slice %run_scoped3A_4[%dma_wait3A_52, %dma_wait3A_55, %dma_wait3A_56, %dma_wait3A_57, %dma_wait3A_58] : memref<2x8x2x8x128xf32, #tpu.memory_space<vmem>> -> memref<1x8x2x8x128xf32, #tpu.memory_space<vmem>>
      %dma_wait3A_60 = tpu.memref_squeeze %dma_wait3A_59 : memref<1x8x2x8x128xf32, #tpu.memory_space<vmem>> -> memref<8x2x8x128xf32, #tpu.memory_space<vmem>>
      %dma_wait3A_61 = arith.constant 0 : i32
      %dma_wait3A_62 = arith.constant 0 : i32
      %dma_wait3A_63 = arith.constant 0 : i32
      %dma_wait3A_64 = tpu.memref_slice %arg4[%dma_wait3A_53, %dma_wait3A_61, %mul3A_2, %dma_wait3A_62, %dma_wait3A_63] : memref<50x8x128x8x128xf32, #tpu.memory_space<hbm>> -> memref<1x8x2x8x128xf32, #tpu.memory_space<hbm>>
      %dma_wait3A_65 = tpu.memref_squeeze %dma_wait3A_64 : memref<1x8x2x8x128xf32, #tpu.memory_space<hbm>> -> memref<8x2x8x128xf32, #tpu.memory_space<hbm>>
      %dma_wait3A_66 = tpu.memref_slice %arg6[%dma_wait3A_54] : memref<2x!tpu.dma_semaphore, #tpu.memory_space<semaphore_mem>> -> memref<1x!tpu.dma_semaphore, #tpu.memory_space<semaphore_mem>>
      %dma_wait3A_67 = tpu.memref_squeeze %dma_wait3A_66 : memref<1x!tpu.dma_semaphore, #tpu.memory_space<semaphore_mem>> -> memref<!tpu.dma_semaphore, #tpu.memory_space<semaphore_mem>>
      %dma_wait3A_68 = arith.constant 0 : i32
      %dma_wait3A_69 = arith.constant 0 : i32
      %dma_wait3A_70 = arith.constant 0 : i32
      %dma_wait3A_71 = tpu.memref_slice %arg4[%dma_wait3A_53, %dma_wait3A_68, %mul3A_2, %dma_wait3A_69, %dma_wait3A_70] : memref<50x8x128x8x128xf32, #tpu.memory_space<hbm>> -> memref<1x8x2x8x128xf32, #tpu.memory_space<hbm>>
      %dma_wait3A_72 = tpu.memref_squeeze %dma_wait3A_71 : memref<1x8x2x8x128xf32, #tpu.memory_space<hbm>> -> memref<8x2x8x128xf32, #tpu.memory_space<hbm>>
      %dma_wait3A_73 = arith.constant 0 : i32
      %dma_wait3A_74 = arith.constant 0 : i32
      %dma_wait3A_75 = arith.constant 0 : i32
      %dma_wait3A_76 = arith.constant 0 : i32
      %dma_wait3A_77 = tpu.memref_slice %run_scoped3A_4[%dma_wait3A_52, %dma_wait3A_73, %dma_wait3A_74, %dma_wait3A_75, %dma_wait3A_76] : memref<2x8x2x8x128xf32, #tpu.memory_space<vmem>> -> memref<1x8x2x8x128xf32, #tpu.memory_space<vmem>>
      %dma_wait3A_78 = tpu.memref_squeeze %dma_wait3A_77 : memref<1x8x2x8x128xf32, #tpu.memory_space<vmem>> -> memref<8x2x8x128xf32, #tpu.memory_space<vmem>>
      tpu.wait_dma2 semaphore(%dma_wait3A_67 : memref<!tpu.dma_semaphore, #tpu.memory_space<semaphore_mem>>) src(%dma_wait3A_78 : memref<8x2x8x128xf32, #tpu.memory_space<vmem>>) dst(%dma_wait3A_72 : memref<8x2x8x128xf32, #tpu.memory_space<hbm>>)
      tpu.yield
    }) : () -> ()
    return
  }
}

</mosaic_0001>

<sc_bundles>
// kernel: _run.4.cloned.1.call-start
scs
__scs_entry_jumppad:
0x0: {  	(pc) =	sbr.rel $0x88, $3  }
0x1: {  	(tag) =	ssettag $0x0;
	lr =	simm.s32 $0x1  }
0x2: {  	[smem:$0x3F9D] =	sst lr;
	_ =	strace $0xD0000000  }
0x3: {  	_ = 	snop  }
0x4: {  	_ = 	snop  }
0x5: {  	_ = 	snop  }
0x6: {  	_ = 	snop  }
0x7: {  	_ = 	snop  }
__scs_overlays_trampoline_lowered:
0x8: {  	[smem:$0x3FAC] =	sst s0  }
0x9: {  	[smem:$0x3FAD] =	sst s1  }
0xa: {  	[smem:$0x3FAE] =	sst s2  }
0xb: {  	[smem:$0x3FAF] =	sst s3  }
0xc: {  	[smem:$0x3FB0] =	sst s4  }
0xd: {  	[smem:$0x3FB1] =	sst s5  }
0xe: {  	[smem:$0x3FB2] =	sst s6  }
0xf: {  	[smem:$0x3FB3] =	sst s7  }
0x10: {  	[smem:$0x3FB4] =	sst s8  }
0x11: {  	[smem:$0x3FB5] =	sst s9;
	s0 =	simm.s32 @!p0 $0x0  }
0x12: {  	s1 =	sld [smem:$0x3F9B];
	s0 =	simm.s32 @p0 $0x1  }
0x13: {  	[smem:$0x3FB6] =	sst s0;
	s0 =	simm.s32 @!p1 $0x0  }
0x14: {  	s2 =	sld [smem:$0x3F9A];
	s0 =	simm.s32 @p1 $0x1  }
0x15: {  	[smem:$0x3FB7] =	sst s0;
	s0 =	simm.s32 @!p2 $0x0  }
0x16: {  	s3 =	sld [smem:$0x3FDB];
	s0 =	simm.s32 @p2 $0x1  }
0x17: {  	s4 =	simm.s32 $0x1BF5;
	[smem:$0x3FB9] =	sst s0  }
0x18: {  	s0 =	sld [smem:$0x3F9C];
	_ =	swait.ge [sflag:s4], $0x0  }
0x19: {  	s7 =	sld [smem:$0x3F9D]  }
0x1a: {  	s8 =	sadd.s32 $0xFFFFE003, lr  }
0x1b: {  	s9 =	sadd.s32 $0xFFFFFEF7, lr;
	s5 =	simm.s32 $0xFFFFFFFF;
	p2 =	slt.u32 s8, $0xFFFFF086  }
0x1c: {  	p1 =	slt.u32 s9, $0xF7A;
	s5 =	simm.s32 @!p2 $0x0  }
0x1d: {  	s5 =	simm.s32 @p1 $0x1;
	p0 =	seq.s32 s7, s2  }
0x1e: {  	s7 =	smul.u32 @!p0 $0xF7A, s2;
	p2 =	seq.s32 @!p0 s5, $0x0  }
0x1f: {  	s9 =	smul.u32 $0xF7A, s1;
	s8 =	simm.s32 @!p0 $0x1BF5;
	p2 =	por !p2, p0  }
0x20: {  	[sflag:s8] =	ssyncset.s32 @!p0 $0xFFFFF086;
	s6 =	sadd.s32 @!p0 s3, s7;
	s7 =	simm.s32 @!p0 $0x108  }
0x21: {  	s3 =	sadd.s32 s3, s9;
	s6 =	sadd.s32 @!p0 $0x88, s6;
	s7 =	simm.s32 @p2 $0x1082  }
0x22: {  	[simem:s7], [sflag:s8] =	dma.local @!p0 [hbm:s6], $0xF7A  }
0x23: {  	s9 =	sor.u32 $0xD0000000, s2;
	s6 =	simm.s32 $0x108;
	_ =	swait.ge @!p0 [sflag:s8], $0x0  }
0x24: {  	s3 =	sadd.s32 $0x88, s3;
	s6 =	simm.s32 @!p1 $0x1082;
	[sflag:s4] =	ssyncset.s32 $0xFFFFF086  }
0x25: {  	[simem:s6], [sflag:s4] =	dma.local [hbm:s3], $0xF7A  }
0x26: {  	[smem:$0x3F9D] =	sst s1;
	(tag) =	ssettag s2;
	_ =	strace s9  }
0x27: {  	s1 =	sld [smem:$0x3FAD]  }
0x28: {  	s2 =	sld [smem:$0x3FAE]  }
0x29: {  	s4 =	sld [smem:$0x3FB0]  }
0x2a: {  	p0 =	seq.s32 s5, $0x0;
	s5 =	sld [smem:$0x3FB1]  }
0x2b: {  	s6 =	sld [smem:$0x3FB2]  }
0x2c: {  	s7 =	sld [smem:$0x3FB3]  }
0x2d: {  	s3 =	simm.s32 $0x108;
	s8 =	sld [smem:$0x3FB4]  }
0x2e: {  	s3 =	simm.s32 @!p0 $0x1082;
	s9 =	sld [smem:$0x3FB5]  }
0x2f: {  	lr =	sadd.s32 s0, s3;
	s0 =	sld [smem:$0x3FAC]  }
0x30: {  	s3 =	sld [smem:$0x3FAF]  }
0x31: {  	[smem:$0x3FB8] =	sst s10  }
0x32: {  	s10 =	sld [smem:$0x3FB6];
	_ =	sdelay $0x3  }
0x33: {  	p0 =	seq.s32 s10, $0x1;
	s10 =	sld [smem:$0x3FB8];
	_ =	sdelay $0x3  }
0x34: {  	[smem:$0x3FB8] =	sst s10  }
0x35: {  	s10 =	sld [smem:$0x3FB7];
	_ =	sdelay $0x3  }
0x36: {  	p1 =	seq.s32 s10, $0x1;
	s10 =	sld [smem:$0x3FB8];
	_ =	sdelay $0x3  }
0x37: {  	[smem:$0x3FB8] =	sst s10  }
0x38: {  	s10 =	sld [smem:$0x3FB9]  }
0x39: {  	_ = 	snop;
	(pc) =	sbr.ind lr, $3  }
0x3a: {  	_ = 	snop  }
0x3b: {  	_ = 	snop  }
0x3c: {  	p2 =	seq.s32 s10, $0x1;
	s10 =	sld [smem:$0x3FB8]  }
0x3d: {  	_ =	shalt  }
0x3e: {  	_ =	shalt  }
0x3f: {  	_ =	shalt  }
0x40: {  	_ =	shalt  }
0x41: {  	_ =	shalt  }
0x42: {  	_ =	shalt  }
0x43: {  	_ =	shalt  }
0x44: {  	_ =	shalt  }
0x45: {  	_ =	shalt  }
0x46: {  	_ =	shalt  }
0x47: {  	_ =	shalt  }
0x48: {  	_ =	shalt  }
0x49: {  	_ =	shalt  }
0x4a: {  	_ =	shalt  }
0x4b: {  	_ =	shalt  }
0x4c: {  	_ =	shalt  }
0x4d: {  	_ =	shalt  }
0x4e: {  	_ =	shalt  }
0x4f: {  	_ =	shalt  }
0x50: {  	_ =	shalt  }
0x51: {  	_ =	shalt  }
0x52: {  	_ =	shalt  }
0x53: {  	_ =	shalt  }
0x54: {  	_ =	shalt  }
0x55: {  	_ =	shalt  }
0x56: {  	_ =	shalt  }
0x57: {  	_ =	shalt  }
0x58: {  	_ =	shalt  }
0x59: {  	_ =	shalt  }
0x5a: {  	_ =	shalt  }
0x5b: {  	_ =	shalt  }
0x5c: {  	_ =	shalt  }
0x5d: {  	_ =	shalt  }
0x5e: {  	_ =	shalt  }
0x5f: {  	_ =	shalt  }
0x60: {  	_ =	shalt  }
0x61: {  	_ =	shalt  }
0x62: {  	_ =	shalt  }
0x63: {  	_ =	shalt  }
0x64: {  	_ =	shalt  }
0x65: {  	_ =	shalt  }
0x66: {  	_ =	shalt  }
0x67: {  	_ =	shalt  }
0x68: {  	_ =	shalt  }
0x69: {  	_ =	shalt  }
0x6a: {  	_ =	shalt  }
0x6b: {  	_ =	shalt  }
0x6c: {  	_ =	shalt  }
0x6d: {  	_ =	shalt  }
0x6e: {  	_ =	shalt  }
0x6f: {  	_ =	shalt  }
0x70: {  	_ =	shalt  }
0x71: {  	_ =	shalt  }
0x72: {  	_ =	shalt  }
0x73: {  	_ =	shalt  }
0x74: {  	_ =	shalt  }
0x75: {  	_ =	shalt  }
0x76: {  	_ =	shalt  }
0x77: {  	_ =	shalt  }
0x78: {  	_ =	shalt  }
0x79: {  	_ =	shalt  }
0x7a: {  	_ =	shalt  }
0x7b: {  	_ =	shalt  }
0x7c: {  	_ =	shalt  }
0x7d: {  	_ =	shalt  }
0x7e: {  	_ =	shalt  }
0x7f: {  	_ =	shalt  }
0x80: {  	_ =	shalt  }
0x81: {  	_ =	shalt  }
0x82: {  	_ =	shalt  }
0x83: {  	_ =	shalt  }
0x84: {  	_ =	shalt  }
0x85: {  	_ =	shalt  }
0x86: {  	_ =	shalt  }
0x87: {  	_ =	shalt  }
.Lfunc_end0:
.L_simem_size_0:
called_computation_lowered:
.L_overlay_start_0:
0x88: {  	s2 =	sld [smem:$0x3FD9]  }
0x89: {  	s3 =	sld [smem:$0x3FFE];
	_ =	sdelay $0x1  }
0x8a: {  	s1 =	srdreg.scid  }
0x8b: {  	s0 =	sand.u32 $0x1, s1  }
0x8c: {  	s15 =	sshll.u32 s0, $0xA;
	s2 =	sadd.s32 s3, s2  }
0x8d: {  	s2 =	sadd.s32 s2, s15  }
0x8e: {  	[smem:$0x3FC4] =	sst s2  }
0x8f: {  	_ = 	snop  }
0x90: {  	s2 =	sld [smem:$0x3FD0];
	_ =	sdelay $0x2  }
0x91: {  	s16 =	simm.s32 $0xB;
	s4 =	simm.s32 $0x10  }
0x92: {  	[smem:s4], [sflag:s16] =	dma.local [hbm:s2], $0x1  }
0x93: {  	_ =	swait.eq [sflag:s16], $0x1  }
0x94: {  	[sflag:s16] =	ssyncset.done $0x0  }
0x95: {  	[sflag:s16] =	ssyncadd.s32 $0xFFFFFFFF  }
0x96: {  	s17 =	sld [smem:$0x10];
	(tm) =	ssettm $0x1  }
0x97: {  	s18 =	sld [smem:$0x3FFB];
	_ =	sdelay $0x3  }
0x98: {  	_ =	strace s18  }
0x99: {  	s2 =	sld [smem:$0x3FFC];
	_ =	sdelay $0x3  }
0x9a: {  	_ =	strace s2  }
0x9b: {  	s2 =	sld [smem:$0x3FFD];
	_ =	sdelay $0x3  }
0x9c: {  	_ =	strace s2  }
0x9d: {  	_ =	strace $0x8FFFFFFF  }
0x9e: {  	s19 =	sld [smem:$0x3FDB];
	_ =	sdelay $0x1  }
0x9f: {  	s20 =	simm.s32 $_scs_section_size  }
0xa0: {  	s5 =	simm.s32 $_size__tile_overlayer_lowered;
	s6 =	simm.s32 $_tile_overlayer_lowered  }
0xa1: {  	s7 =	simm.s32 $0x1BFF;
	s21 =	sshll.u32 s6, $0x1;
	s4 =	sadd.s32 s20, s19  }
0xa2: {  	s22 =	simm.s32 $0x0;
	s5 =	sshll.u32 s5, $0x1;
	s6 =	sadd.s32 s21, s4  }
0xa3: {  	[timem:s22], [sflag:s7] =	dma.local [hbm:s6], s5  }
0xa4: {  	_ =	swait.ge [sflag:s7], s5  }
0xa5: {  	s5 =	ssub.s32 $0x0, s5;
	[sflag:s7] =	ssyncset.done $0x0  }
0xa6: {  	[sflag:s7] =	ssyncadd.s32 s5;
	_ =	sdelay $0x1  }
0xa7: {  	s23 =	simm.s32 $0x1B8B  }
0xa8: {  	_ =	swait.ge [sflag:s23], $0x1  }
0xa9: {  	[sflag:s23] =	ssyncset.done $0x0  }
0xaa: {  	[sflag:s23] =	ssyncadd.s32 $0xFFFFFFFF  }
0xab: {  	s5 =	sld [smem:$0x0]  }
0xac: {  	s6 =	sand.u32 $0xFFFFFFFE, s1  }
0xad: {  	p0 =	sne.s32 s1, s6  }
0xae: {  	s6 =	sshll.u32 @p0 s6, $0xE  }
0xaf: {  	s6 =	sadd.s32 @p0 $0x11B8D, s6;
	s7 =	sshll.u32 @p0 s5, $0x11  }
0xb0: {  	s6 =	sor.u32 @p0 s7, s6  }
0xb1: {  	[sflag:s6] =	ssyncadd.remote.s32 @p0 $0x1;
	_ =	sdelay $0x1  }
0xb2: {  	s6 =	simm.s32 @p0 $0x1B8D  }
0xb3: {  	_ =	swait.eq @p0 [sflag:s6], $0x1  }
0xb4: {  	[sflag:s6] =	ssyncadd.s32 @p0 $0xFFFFFFFF  }
0xb5: {  	s7 =	sshll.u32 @!p0 s1, $0xE  }
0xb6: {  	s7 =	sor.u32 @!p0 $0x4000, s7;
	s6 =	simm.s32 @!p0 $0x1B8D  }
0xb7: {  	s5 =	sshll.u32 @!p0 s5, $0x11;
	s7 =	sadd.s32 @!p0 $0x11B8D, s7;
	_ =	swait.eq @!p0 [sflag:s6], $0x1  }
0xb8: {  	s5 =	sor.u32 @!p0 s5, s7;
	[sflag:s6] =	ssyncadd.s32 @!p0 $0xFFFFFFFF  }
0xb9: {  	s25 =	simm.s32 $0x1B8E;
	s24 =	sld [smem:$0x3FFE];
	[sflag:s5] =	ssyncadd.remote.s32 @!p0 $0x1  }
0xba: {  	s26 =	simm.s32 $execute0_lowered;
	[smem:$0x3FD2] =	sst s25  }
0xbb: {  	s6 =	sshll.u32 s26, $0x1;
	_ =	strace $0x80000049;
	[dreg:$0x1] =	wrdreg $0xFFFFFFFF  }
0xbc: {  	s28 =	simm.s32 $_size_execute0_lowered;
	s4 =	sadd.s32 s4, s6;
	[dreg:$0x0] =	wrdreg $0x0  }
0xbd: {  	s6 =	sshll.u32 s28, $0x1;
	[dreg:$0x2] =	wrdreg s4  }
0xbe: {  	[dreg:$0x3] =	wrdreg s6  }
0xbf: {  	[dreg:$0x4] =	wrdreg $0xC0  }
0xc0: {  	_ =	task [dreg:s22], $0x5FFFF  }
0xc1: {  	[dreg:$0x1] =	wrdreg $0xFFFFFFFF  }
0xc2: {  	[dreg:$0x0] =	wrdreg $0x60  }
0xc3: {  	[dreg:$0x2] =	wrdreg s24  }
0xc4: {  	[dreg:$0x3] =	wrdreg s17  }
0xc5: {  	[dreg:$0x4] =	wrdreg $0x9  }
0xc6: {  	_ =	task.clear_ibuf [dreg:s22], $0x5FFFF;
	_ =	strace $0x90000049  }
0xc7: {  	s29 =	simm.s32 $0x9;
	_ =	strace $0x8000004B  }
0xc8: {  	_ =	swait.ge [sflag:s29], $0x1  }
0xc9: {  	[sflag:s29] =	ssyncadd.s32 $0xFFFFFFFF  }
0xca: {  	_ =	strace $0x9000004B  }
0xcb: {  	_ =	sfence  }
0xcc: {  	s30 =	sld [smem:$0x0];
	_ =	sdelay $0x2  }
0xcd: {  	s31 =	sshll.u32 s1, $0xD;
	s1 =	sshrl.u32 s1, $0x2  }
0xce: {  	s4 =	sand.u32 $0x4000, s31;
	s1 =	sadd.s32 s1, s30  }
0xcf: {  	s0 =	sor.u32 s4, s0;
	s1 =	sshll.u32 s1, $0x11  }
0xd0: {  	s0 =	sor.u32 s1, s0  }
0xd1: {  	s0 =	sadd.s32 $0x8F2B, s0  }
0xd2: {  	[sflag:s0] =	ssyncadd.remote.s32 $0x1  }
0xd3: {  	_ =	sfence.sel $0xFFFF  }
0xd4: {  	[dreg:$0x0] =	wrdreg $0xFFFFFFFF;
	(pc) =	sbr.abs _section_cstart, $3  }
0xd5: {  	[dreg:$0x1] =	wrdreg $0xFFFFFFFF  }
0xd6: {  	_ =	task.clear_ibuf [dreg:s22], $0x2FFFF;
	_ =	strace $0x9FFFFFFF  }
0xd7: {  	(tm) =	ssettm $0x7FFFFFFF  }
tec
execute0_lowered:
.L_overlay_start_1:
0x0: {  	(tag) =	ssettag $0x1  }
0x1: {  	s3 =	rddreg [dreg:$0x0]  }
0x2: {  	s4 =	rddreg [dreg:$0x1]  }
0x3: {  	s0 =	rddreg [dreg:$0x2];
	v0 =	vlaneseq.u32;
	s5 =	srdreg.scid  }
0x4: {  	s1 =	stileid.u32;
	s2 =	simm.s32 $0x0;
	v3 =	vimm.s32 $0x0;
	s9 =	simm.s32 $0x4000;
	v1 =	vmul.u32 $0x40, v0;
	v2 =	vor.u32 $0xFFFFFFC0, v0  }
0x5: {  	s10 =	simm.s32 $0x5;
	s11 =	simm.s32 $0x100;
	s12 =	simm.s32 $0x6400;
	v5 =	vor.u32 $0x10, v0;
	v7 =	vor.u32 $0x20, v0;
	v9 =	vor.u32 $0x30, v0  }
0x6: {  	s13 =	simm.s32 $0xA400;
	s14 =	simm.s32 $0x1;
	s15 =	simm.s32 $0xE400;
	v11 =	vor.u32 $0x40, v0;
	v13 =	vor.u32 $0x50, v0;
	v15 =	vor.u32 $0x60, v0  }
0x7: {  	s16 =	simm.s32 $0x800;
	s17 =	simm.s32 $0x20000;
	s18 =	simm.s32 $0x2;
	v17 =	vor.u32 $0x70, v0;
	v19 =	vor.u32 $0x400, v0;
	v21 =	vor.u32 $0x410, v0  }
0x8: {  	s19 =	simm.s32 $0x12400;
	s20 =	simm.s32 $0x3;
	s21 =	simm.s32 $0x4;
	v23 =	vor.u32 $0x420, v0;
	v25 =	vor.u32 $0x430, v0;
	v27 =	vor.u32 $0x440, v0  }
0x9: {  	s22 =	simm.s32 $0x0;
	s5 =	sand.u32 $0x1, s5;
	s6 =	sshll.u32 s1, $0x1;
	v29 =	vor.u32 $0x450, v0;
	v31 =	vor.u32 $0x460, v0;
	v33 =	vor.u32 $0x470, v0  }
0xa: {  	[smem:$0x7FF] =	sst s2;
	s6 =	sor.u32 s5, s6;
	s5 =	ssub.s32 $0x2, s5;
	v4 =	vor.u32 $0x400, v1;
	v6 =	vor.u32 $0x800, v1;
	v8 =	vor.u32 $0xC00, v1  }
0xb: {  	_ =	strace $0x8000004A;
	s7 =	sshll.u32 s6, $0x6;
	s8 =	sshrl.u32 s5, $0x1;
	v10 =	vor.u32 $0x1000, v1;
	v12 =	vor.u32 $0x1400, v1;
	v14 =	vor.u32 $0x1800, v1  }
0xc: {  	s6 =	sshll.u32 s6, $0x9;
	v16 =	vor.u32 $0x1C00, v1;
	v18 =	vor.u32 $0x2000, v1;
	v20 =	vor.u32 $0x2400, v1;
	s7 =	sadd.s32 s7, s3;
	s3 =	sadd.s32 $0x19E00, s3  }
0xd: {  	v22 =	vor.u32 $0x2800, v1;
	v24 =	vor.u32 $0x2C00, v1;
	v26 =	vor.u32 $0x3000, v1;
	s8 =	ssub.s32 s5, s8;
	s4 =	sadd.s32 s4, s6;
	s5 =	sadd.s32 $0xDD400, s7  }
0xe: {  	v28 =	vor.u32 $0x3400, v1;
	v30 =	vor.u32 $0x3800, v1;
	v32 =	vor.u32 $0x3C00, v1;
	s6 =	sadd.s32 $0x100, s4;
	s7 =	smax.u32 s8, $0x1;
	s8 =	simm.s32 $0x200  }
.LBB2_1:
0xf: {  	[tilespmem:s2], [sflag:$0x5] =	stream.strided.gather [hbm4b:s5+s8], $0x6400, s9, s8, $0x38;
	[tilespmem:$0x16400] =	vst v63  }
0x10: {  	_ =	swait.ge [sflag:s10], $0x6400  }
0x11: {  	[sflag:s10] =	ssyncset.done $0x0  }
0x12: {  	s23 =	simm.s32 $0x0;
	[sflag:s10] =	ssyncadd.s32 $0xFFFF9C00  }
0x13: {  	[tilespmem:s12], [sflag:$0x1] =	stream.indirect.gather [hbm4b:s3+s11], $0x40, s2, s11, $0xb8;
	[tilespmem:$0x16400] =	vst v63  }
.LBB2_2:
0x14: {  	s24 =	simm.s32 $0x0  }
0x15: {  	v34 =	vadd.s32 s24, v0  }
0x16: {  	v35 =	vadd.s32 s24, v2;
	vm0 =	vgt.u32 v34, $0x3F  }
0x17: {  	p0 =	seq.s32 s23, $0x0;
	v35 =	vsel vm0, v35, v34  }
0x18: {  	s25 =	simm.s32 @!p0 $0x4;
	v34 =	vshra.s32 v35, $0x1F;
	v36 =	vand.u32 $0x7, v35  }
0x19: {  	s30 =	sshll.u32 s23, $0x9;
	_ =	swait.ge @!p0 [sflag:s25], $0x4000;
	vm0 =	vlt.s32 v35, $0x1;
	v34 =	vshrl.u32 v34, $0x1D;
	vm1 =	vne.s32 v36, $0x0  }
0x1a: {  	s24 =	sand.u32 $0x3FFFFE00, s30;
	[sflag:s25] =	ssyncset.done @!p0 $0x0;
	v34 =	vadd.s32 v34, v35;
	vm0 =	vmand vm0, vm1  }
0x1b: {  	s31 =	sor.u32 $0x100, s24;
	[sflag:s25] =	ssyncadd.s32 @!p0 $0xFFFFC000;
	v60 =	vadd.s32 v1, v35;
	v34 =	vshra.s32 v34, $0x3;
	v37 =	vsel vm0, $0xFFFFFFFF, v3  }
0x1c: {  	[tilespmem:s13], [sflag:$0x2] =	stream.indirect.gather [hbm4b:s3+s11], $0x40, s31, s11, $0xb8;
	v34 =	vadd.s32 v37, v34;
	[tilespmem:$0x16400] =	vst v63  }
0x1d: {  	v38 =	vshll.u32 v35, $0x7;
	_ =	swait.ge [sflag:s14], $0x4000;
	v37 =	vshll.u32 v34, $0xA  }
0x1e: {  	[sflag:s14] =	ssyncset.done $0x0;
	v34 =	vshll.u32 v34, $0xB;
	v37 =	vsub.s32 v38, v37  }
0x1f: {  	[sflag:s14] =	ssyncadd.s32 $0xFFFFC000;
	v34 =	vadd.s32 v34, v37  }
0x20: {  	v36 =	vld.idx.msk [tilespmem:v60+s12+$0x0], $0xffff;
	v37 =	vor.u32 v0, v34  }
0x21: {  	v61 =	vadd.s32 v4, v35;
	_ =	sdelay $0x3  }
0x22: {  	[tilespmem:v37+s15+$0x0] =	vst.idx.msk $0xffff, v36  }
0x23: {  	v62 =	vor.u32 v5, v34;
	v36 =	vld.idx.msk [tilespmem:v61+s12+$0x0], $0xffff  }
0x24: {  	v63 =	vadd.s32 v6, v35;
	_ =	sdelay $0x3  }
0x25: {  	[tilespmem:v62+s15+$0x0] =	vst.idx.msk $0xffff, v36  }
0x26: {  	v40 =	vor.u32 v7, v34;
	v36 =	vld.idx.msk [tilespmem:v63+s12+$0x0], $0xffff  }
0x27: {  	v41 =	vadd.s32 v8, v35;
	_ =	sdelay $0x3  }
0x28: {  	[tilespmem:v40+s15+$0x0] =	vst.idx.msk $0xffff, v36  }
0x29: {  	v42 =	vor.u32 v9, v34;
	v36 =	vld.idx.msk [tilespmem:v41+s12+$0x0], $0xffff  }
0x2a: {  	v43 =	vadd.s32 v10, v35;
	_ =	sdelay $0x3  }
0x2b: {  	[tilespmem:v42+s15+$0x0] =	vst.idx.msk $0xffff, v36  }
0x2c: {  	v44 =	vor.u32 v11, v34;
	v36 =	vld.idx.msk [tilespmem:v43+s12+$0x0], $0xffff  }
0x2d: {  	v45 =	vadd.s32 v12, v35;
	_ =	sdelay $0x3  }
0x2e: {  	[tilespmem:v44+s15+$0x0] =	vst.idx.msk $0xffff, v36  }
0x2f: {  	v46 =	vor.u32 v13, v34;
	v36 =	vld.idx.msk [tilespmem:v45+s12+$0x0], $0xffff  }
0x30: {  	v47 =	vadd.s32 v14, v35;
	_ =	sdelay $0x3  }
0x31: {  	[tilespmem:v46+s15+$0x0] =	vst.idx.msk $0xffff, v36  }
0x32: {  	v48 =	vor.u32 v15, v34;
	v36 =	vld.idx.msk [tilespmem:v47+s12+$0x0], $0xffff  }
0x33: {  	v49 =	vadd.s32 v16, v35;
	_ =	sdelay $0x3  }
0x34: {  	[tilespmem:v48+s15+$0x0] =	vst.idx.msk $0xffff, v36  }
0x35: {  	v50 =	vor.u32 v17, v34;
	v36 =	vld.idx.msk [tilespmem:v49+s12+$0x0], $0xffff  }
0x36: {  	v51 =	vadd.s32 v18, v35;
	_ =	sdelay $0x3  }
0x37: {  	[tilespmem:v50+s15+$0x0] =	vst.idx.msk $0xffff, v36  }
0x38: {  	v52 =	vadd.s32 v19, v34;
	v36 =	vld.idx.msk [tilespmem:v51+s12+$0x0], $0xffff  }
0x39: {  	v53 =	vadd.s32 v20, v35;
	_ =	sdelay $0x3  }
0x3a: {  	[tilespmem:v52+s15+$0x0] =	vst.idx.msk $0xffff, v36  }
0x3b: {  	v54 =	vadd.s32 v21, v34;
	v36 =	vld.idx.msk [tilespmem:v53+s12+$0x0], $0xffff  }
0x3c: {  	v55 =	vadd.s32 v22, v35;
	_ =	sdelay $0x3  }
0x3d: {  	[tilespmem:v54+s15+$0x0] =	vst.idx.msk $0xffff, v36  }
0x3e: {  	v56 =	vadd.s32 v23, v34;
	v36 =	vld.idx.msk [tilespmem:v55+s12+$0x0], $0xffff  }
0x3f: {  	v57 =	vadd.s32 v24, v35;
	_ =	sdelay $0x3  }
0x40: {  	[tilespmem:v56+s15+$0x0] =	vst.idx.msk $0xffff, v36  }
0x41: {  	v58 =	vadd.s32 v25, v34;
	v36 =	vld.idx.msk [tilespmem:v57+s12+$0x0], $0xffff  }
0x42: {  	v59 =	vadd.s32 v26, v35;
	_ =	sdelay $0x3  }
0x43: {  	[tilespmem:v58+s15+$0x0] =	vst.idx.msk $0xffff, v36  }
0x44: {  	v60 =	vadd.s32 v27, v34;
	v36 =	vld.idx.msk [tilespmem:v59+s12+$0x0], $0xffff  }
0x45: {  	v61 =	vadd.s32 v28, v35;
	_ =	sdelay $0x3  }
0x46: {  	[tilespmem:v60+s15+$0x0] =	vst.idx.msk $0xffff, v36  }
0x47: {  	v62 =	vadd.s32 v29, v34;
	v36 =	vld.idx.msk [tilespmem:v61+s12+$0x0], $0xffff  }
0x48: {  	v63 =	vadd.s32 v30, v35;
	_ =	sdelay $0x3  }
0x49: {  	[tilespmem:v62+s15+$0x0] =	vst.idx.msk $0xffff, v36  }
0x4a: {  	v38 =	vadd.s32 v31, v34;
	v37 =	vld.idx.msk [tilespmem:v63+s12+$0x0], $0xffff  }
0x4b: {  	v36 =	vadd.s32 v32, v35  }
0x4c: {  	s25 =	simm.s32 $0x1  }
0x4d: {  	s26 =	simm.s32 $0x2;
	v35 =	vadd.s32 s25, v0  }
.LBB2_3:
0x4e: {  	p0 =	sne.s32 s26, $0x3F;
	vm0 =	vgt.u32 v35, $0x3F;
	v39 =	vadd.s32 s25, v2;
	s25 =	smov.u32 s26  }
0x4f: {  	v35 =	vsel vm0, v39, v35;
	[tilespmem:v38+s15+$0x0] =	vst.idx.msk $0xffff, v37  }
0x50: {  	v37 =	vshra.s32 v35, $0x1F;
	vm0 =	vlt.s32 v35, $0x1;
	v38 =	vand.u32 $0x7, v35;
	v36 =	vld.idx.msk [tilespmem:v36+s12+$0x0], $0xffff  }
0x51: {  	v34 =	vadd.s32 v33, v34;
	v37 =	vshrl.u32 v37, $0x1D;
	vm1 =	vne.s32 v38, $0x0  }
0x52: {  	v38 =	vadd.s32 v1, v35;
	v37 =	vadd.s32 v37, v35;
	vm0 =	vmand vm0, vm1  }
0x53: {  	v37 =	vshra.s32 v37, $0x3;
	v39 =	vsel vm0, $0xFFFFFFFF, v3  }
0x54: {  	v37 =	vadd.s32 v39, v37  }
0x55: {  	v40 =	vshll.u32 v35, $0x7;
	v39 =	vshll.u32 v37, $0xA  }
0x56: {  	v37 =	vshll.u32 v37, $0xB;
	v39 =	vsub.s32 v40, v39;
	[tilespmem:v34+s15+$0x0] =	vst.idx.msk $0xffff, v36  }
0x57: {  	v36 =	vld.idx.msk [tilespmem:v38+s12+$0x0], $0xffff;
	v34 =	vadd.s32 v37, v39  }
0x58: {  	v37 =	vor.u32 v0, v34  }
0x59: {  	v38 =	vadd.s32 v4, v35;
	_ =	sdelay $0x3  }
0x5a: {  	[tilespmem:v37+s15+$0x0] =	vst.idx.msk $0xffff, v36  }
0x5b: {  	v36 =	vld.idx.msk [tilespmem:v38+s12+$0x0], $0xffff  }
0x5c: {  	v37 =	vor.u32 v5, v34  }
0x5d: {  	v38 =	vadd.s32 v6, v35;
	_ =	sdelay $0x3  }
0x5e: {  	[tilespmem:v37+s15+$0x0] =	vst.idx.msk $0xffff, v36  }
0x5f: {  	v36 =	vld.idx.msk [tilespmem:v38+s12+$0x0], $0xffff  }
0x60: {  	v37 =	vor.u32 v7, v34  }
0x61: {  	v38 =	vadd.s32 v8, v35;
	_ =	sdelay $0x3  }
0x62: {  	[tilespmem:v37+s15+$0x0] =	vst.idx.msk $0xffff, v36  }
0x63: {  	v36 =	vld.idx.msk [tilespmem:v38+s12+$0x0], $0xffff  }
0x64: {  	v37 =	vor.u32 v9, v34  }
0x65: {  	v38 =	vadd.s32 v10, v35;
	_ =	sdelay $0x3  }
0x66: {  	[tilespmem:v37+s15+$0x0] =	vst.idx.msk $0xffff, v36  }
0x67: {  	v36 =	vld.idx.msk [tilespmem:v38+s12+$0x0], $0xffff  }
0x68: {  	v37 =	vor.u32 v11, v34  }
0x69: {  	v38 =	vadd.s32 v12, v35;
	_ =	sdelay $0x3  }
0x6a: {  	[tilespmem:v37+s15+$0x0] =	vst.idx.msk $0xffff, v36  }
0x6b: {  	v36 =	vld.idx.msk [tilespmem:v38+s12+$0x0], $0xffff  }
0x6c: {  	v37 =	vor.u32 v13, v34  }
0x6d: {  	v38 =	vadd.s32 v14, v35;
	_ =	sdelay $0x3  }
0x6e: {  	[tilespmem:v37+s15+$0x0] =	vst.idx.msk $0xffff, v36  }
0x6f: {  	v36 =	vld.idx.msk [tilespmem:v38+s12+$0x0], $0xffff  }
0x70: {  	v37 =	vor.u32 v15, v34  }
0x71: {  	v38 =	vadd.s32 v16, v35;
	_ =	sdelay $0x3  }
0x72: {  	[tilespmem:v37+s15+$0x0] =	vst.idx.msk $0xffff, v36  }
0x73: {  	v36 =	vld.idx.msk [tilespmem:v38+s12+$0x0], $0xffff  }
0x74: {  	v37 =	vor.u32 v17, v34  }
0x75: {  	v38 =	vadd.s32 v18, v35;
	_ =	sdelay $0x3  }
0x76: {  	[tilespmem:v37+s15+$0x0] =	vst.idx.msk $0xffff, v36  }
0x77: {  	v36 =	vld.idx.msk [tilespmem:v38+s12+$0x0], $0xffff  }
0x78: {  	v37 =	vadd.s32 v19, v34  }
0x79: {  	v38 =	vadd.s32 v20, v35;
	_ =	sdelay $0x3  }
0x7a: {  	[tilespmem:v37+s15+$0x0] =	vst.idx.msk $0xffff, v36  }
0x7b: {  	v36 =	vld.idx.msk [tilespmem:v38+s12+$0x0], $0xffff  }
0x7c: {  	v37 =	vadd.s32 v21, v34  }
0x7d: {  	v38 =	vadd.s32 v22, v35;
	_ =	sdelay $0x3  }
0x7e: {  	[tilespmem:v37+s15+$0x0] =	vst.idx.msk $0xffff, v36  }
0x7f: {  	v36 =	vld.idx.msk [tilespmem:v38+s12+$0x0], $0xffff  }
0x80: {  	v37 =	vadd.s32 v23, v34  }
0x81: {  	v38 =	vadd.s32 v24, v35;
	_ =	sdelay $0x3  }
0x82: {  	[tilespmem:v37+s15+$0x0] =	vst.idx.msk $0xffff, v36  }
0x83: {  	v36 =	vld.idx.msk [tilespmem:v38+s12+$0x0], $0xffff  }
0x84: {  	v37 =	vadd.s32 v25, v34  }
0x85: {  	v38 =	vadd.s32 v26, v35;
	_ =	sdelay $0x3  }
0x86: {  	[tilespmem:v37+s15+$0x0] =	vst.idx.msk $0xffff, v36  }
0x87: {  	v36 =	vld.idx.msk [tilespmem:v38+s12+$0x0], $0xffff  }
0x88: {  	v37 =	vadd.s32 v27, v34  }
0x89: {  	v38 =	vadd.s32 v28, v35;
	_ =	sdelay $0x3  }
0x8a: {  	[tilespmem:v37+s15+$0x0] =	vst.idx.msk $0xffff, v36  }
0x8b: {  	v36 =	vld.idx.msk [tilespmem:v38+s12+$0x0], $0xffff  }
0x8c: {  	v37 =	vadd.s32 v29, v34  }
0x8d: {  	v38 =	vadd.s32 v30, v35;
	_ =	sdelay $0x3  }
0x8e: {  	[tilespmem:v37+s15+$0x0] =	vst.idx.msk $0xffff, v36  }
.Ltmp0:
0x8f: {  	v37 =	vld.idx.msk [tilespmem:v38+s12+$0x0], $0xffff;
	(pc) =	sbr.rel @p0 .LBB2_3-.Ltmp0, $3  }
0x90: {  	v38 =	vadd.s32 v31, v34  }
0x91: {  	v36 =	vadd.s32 v32, v35;
	_ =	sdelay $0x1  }
0x92: {  	s26 =	sadd.s32 $0x1, s26;
	v35 =	vadd.s32 s25, v0  }
0x93: {  	_ = 	snop  }
0x94: {  	vm0 =	vgt.u32 v35, $0x3F;
	v39 =	vadd.s32 s25, v2  }
0x95: {  	v35 =	vsel vm0, v39, v35  }
0x96: {  	v39 =	vshra.s32 v35, $0x1F;
	v40 =	vand.u32 $0x7, v35  }
0x97: {  	[tilespmem:v38+s15+$0x0] =	vst.idx.msk $0xffff, v37;
	vm0 =	vlt.s32 v35, $0x1;
	v47 =	vshrl.u32 v39, $0x1D;
	vm1 =	vne.s32 v40, $0x0  }
0x98: {  	v34 =	vadd.s32 v33, v34;
	v36 =	vld.idx.msk [tilespmem:v36+s12+$0x0], $0xffff;
	v37 =	vadd.s32 v47, v35;
	vm0 =	vmand vm0, vm1  }
0x99: {  	v48 =	vadd.s32 v1, v35;
	v37 =	vshra.s32 v37, $0x3;
	v49 =	vsel vm0, $0xFFFFFFFF, v3  }
0x9a: {  	v37 =	vadd.s32 v49, v37  }
0x9b: {  	v50 =	vshll.u32 v35, $0x7;
	v39 =	vshll.u32 v37, $0xA  }
0x9c: {  	v37 =	vshll.u32 v37, $0xB;
	v39 =	vsub.s32 v50, v39  }
0x9d: {  	[tilespmem:v34+s15+$0x0] =	vst.idx.msk $0xffff, v36;
	v34 =	vadd.s32 v37, v39  }
0x9e: {  	v36 =	vld.idx.msk [tilespmem:v48+s12+$0x0], $0xffff;
	v37 =	vor.u32 v0, v34  }
0x9f: {  	v51 =	vadd.s32 v4, v35;
	_ =	sdelay $0x3  }
0xa0: {  	[tilespmem:v37+s15+$0x0] =	vst.idx.msk $0xffff, v36  }
0xa1: {  	v52 =	vor.u32 v5, v34;
	v36 =	vld.idx.msk [tilespmem:v51+s12+$0x0], $0xffff  }
0xa2: {  	v53 =	vadd.s32 v6, v35;
	_ =	sdelay $0x3  }
0xa3: {  	[tilespmem:v52+s15+$0x0] =	vst.idx.msk $0xffff, v36  }
0xa4: {  	v54 =	vor.u32 v7, v34;
	v36 =	vld.idx.msk [tilespmem:v53+s12+$0x0], $0xffff  }
0xa5: {  	v55 =	vadd.s32 v8, v35;
	_ =	sdelay $0x3  }
0xa6: {  	[tilespmem:v54+s15+$0x0] =	vst.idx.msk $0xffff, v36  }
0xa7: {  	v56 =	vor.u32 v9, v34;
	v36 =	vld.idx.msk [tilespmem:v55+s12+$0x0], $0xffff  }
0xa8: {  	v57 =	vadd.s32 v10, v35;
	_ =	sdelay $0x3  }
0xa9: {  	[tilespmem:v56+s15+$0x0] =	vst.idx.msk $0xffff, v36  }
0xaa: {  	v58 =	vor.u32 v11, v34;
	v36 =	vld.idx.msk [tilespmem:v57+s12+$0x0], $0xffff  }
0xab: {  	v59 =	vadd.s32 v12, v35;
	_ =	sdelay $0x3  }
0xac: {  	[tilespmem:v58+s15+$0x0] =	vst.idx.msk $0xffff, v36  }
0xad: {  	v60 =	vor.u32 v13, v34;
	v36 =	vld.idx.msk [tilespmem:v59+s12+$0x0], $0xffff  }
0xae: {  	v61 =	vadd.s32 v14, v35;
	_ =	sdelay $0x3  }
0xaf: {  	[tilespmem:v60+s15+$0x0] =	vst.idx.msk $0xffff, v36  }
0xb0: {  	v62 =	vor.u32 v15, v34;
	v36 =	vld.idx.msk [tilespmem:v61+s12+$0x0], $0xffff  }
0xb1: {  	v63 =	vadd.s32 v16, v35;
	_ =	sdelay $0x3  }
0xb2: {  	[tilespmem:v62+s15+$0x0] =	vst.idx.msk $0xffff, v36  }
0xb3: {  	v40 =	vor.u32 v17, v34;
	v36 =	vld.idx.msk [tilespmem:v63+s12+$0x0], $0xffff  }
0xb4: {  	v41 =	vadd.s32 v18, v35;
	_ =	sdelay $0x3  }
0xb5: {  	[tilespmem:v40+s15+$0x0] =	vst.idx.msk $0xffff, v36  }
0xb6: {  	v42 =	vadd.s32 v19, v34;
	v36 =	vld.idx.msk [tilespmem:v41+s12+$0x0], $0xffff  }
0xb7: {  	v43 =	vadd.s32 v20, v35;
	_ =	sdelay $0x3  }
0xb8: {  	[tilespmem:v42+s15+$0x0] =	vst.idx.msk $0xffff, v36  }
0xb9: {  	v44 =	vadd.s32 v21, v34;
	v36 =	vld.idx.msk [tilespmem:v43+s12+$0x0], $0xffff  }
0xba: {  	v45 =	vadd.s32 v22, v35;
	_ =	sdelay $0x3  }
0xbb: {  	[tilespmem:v44+s15+$0x0] =	vst.idx.msk $0xffff, v36  }
0xbc: {  	v46 =	vadd.s32 v23, v34;
	v36 =	vld.idx.msk [tilespmem:v45+s12+$0x0], $0xffff  }
0xbd: {  	v47 =	vadd.s32 v24, v35;
	_ =	sdelay $0x3  }
0xbe: {  	[tilespmem:v46+s15+$0x0] =	vst.idx.msk $0xffff, v36  }
0xbf: {  	v48 =	vadd.s32 v25, v34;
	v36 =	vld.idx.msk [tilespmem:v47+s12+$0x0], $0xffff  }
0xc0: {  	v49 =	vadd.s32 v26, v35;
	_ =	sdelay $0x3  }
0xc1: {  	[tilespmem:v48+s15+$0x0] =	vst.idx.msk $0xffff, v36  }
0xc2: {  	v50 =	vadd.s32 v27, v34;
	v36 =	vld.idx.msk [tilespmem:v49+s12+$0x0], $0xffff  }
0xc3: {  	v51 =	vadd.s32 v28, v35;
	_ =	sdelay $0x3  }
0xc4: {  	[tilespmem:v50+s15+$0x0] =	vst.idx.msk $0xffff, v36  }
0xc5: {  	v52 =	vadd.s32 v29, v34;
	v36 =	vld.idx.msk [tilespmem:v51+s12+$0x0], $0xffff  }
0xc6: {  	v53 =	vadd.s32 v30, v35;
	_ =	sdelay $0x3  }
0xc7: {  	[tilespmem:v52+s15+$0x0] =	vst.idx.msk $0xffff, v36  }
0xc8: {  	v54 =	vadd.s32 v31, v34;
	v36 =	vld.idx.msk [tilespmem:v53+s12+$0x0], $0xffff  }
0xc9: {  	v35 =	vadd.s32 v32, v35;
	_ =	sdelay $0x3  }
0xca: {  	[tilespmem:v54+s15+$0x0] =	vst.idx.msk $0xffff, v36  }
0xcb: {  	v34 =	vadd.s32 v33, v34;
	v35 =	vld.idx.msk [tilespmem:v35+s12+$0x0], $0xffff;
	_ =	sdelay $0x2  }
0xcc: {  	s28 =	simm.s32 $0x0  }
0xcd: {  	s25 =	sshll.u32 s23, $0x11;
	v55 =	vadd.s32 s28, v0  }
0xce: {  	p0 =	seq.s32 s23, $0x31;
	s26 =	sadd.s32 s25, s4;
	vm14 =	vgt.u32 v55, $0x3F;
	v56 =	vadd.s32 s28, v2;
	[tilespmem:v34+s15+$0x0] =	vst.idx.msk $0xffff, v35  }
0xcf: {  	v35 =	vsel vm14, v56, v55;
	[hbm4b:s26+s16] =	stream.strided.scatter [tilespmem:s15], [sflag:$0x3], $0x4000, s17, s16, $0x38;
	[tilespmem:$0x16400] =	vst v63  }
0xd0: {  	s26 =	simm.s32 @!p0 $0x3;
	v34 =	vshra.s32 v35, $0x1F;
	v57 =	vand.u32 $0x7, v35  }
0xd1: {  	vm0 =	vlt.s32 v35, $0x1;
	_ =	swait.ge @!p0 [sflag:s26], $0x4000;
	v34 =	vshrl.u32 v34, $0x1D;
	vm15 =	vne.s32 v57, $0x0  }
0xd2: {  	s24 =	sadd.s32 @!p0 $0x200, s24;
	[sflag:s26] =	ssyncset.done @!p0 $0x0;
	v34 =	vadd.s32 v34, v35;
	vm0 =	vmand vm0, vm15  }
0xd3: {  	s28 =	simm.s32 @!p0 $0x6400;
	v58 =	vadd.s32 v1, v35;
	[sflag:s26] =	ssyncadd.s32 @!p0 $0xFFFFC000;
	s26 =	simm.s32 @!p0 $0x100;
	v34 =	vshra.s32 v34, $0x3;
	v59 =	vsel vm0, $0xFFFFFFFF, v3  }
0xd4: {  	[tilespmem:s28], [sflag:$0x1] =	stream.indirect.gather @!p0 [hbm4b:s3+s26], $0x40, s24, s26, $0xb8;
	v34 =	vadd.s32 v59, v34;
	[tilespmem:$0x16400] =	vst v63  }
0xd5: {  	v60 =	vshll.u32 v35, $0x7;
	_ =	swait.ge [sflag:s18], $0x4000;
	v37 =	vshll.u32 v34, $0xA  }
0xd6: {  	v34 =	vshll.u32 v34, $0xB;
	[sflag:s18] =	ssyncset.done $0x0;
	v37 =	vsub.s32 v60, v37  }
0xd7: {  	[sflag:s18] =	ssyncadd.s32 $0xFFFFC000;
	v34 =	vadd.s32 v34, v37  }
0xd8: {  	v36 =	vld.idx.msk [tilespmem:v58+s13+$0x0], $0xffff;
	v37 =	vor.u32 v0, v34  }
0xd9: {  	v61 =	vadd.s32 v4, v35;
	_ =	sdelay $0x3  }
0xda: {  	[tilespmem:v37+s19+$0x0] =	vst.idx.msk $0xffff, v36  }
0xdb: {  	v62 =	vor.u32 v5, v34;
	v36 =	vld.idx.msk [tilespmem:v61+s13+$0x0], $0xffff  }
0xdc: {  	v63 =	vadd.s32 v6, v35;
	_ =	sdelay $0x3  }
0xdd: {  	[tilespmem:v62+s19+$0x0] =	vst.idx.msk $0xffff, v36  }
0xde: {  	v40 =	vor.u32 v7, v34;
	v36 =	vld.idx.msk [tilespmem:v63+s13+$0x0], $0xffff  }
0xdf: {  	v41 =	vadd.s32 v8, v35;
	_ =	sdelay $0x3  }
0xe0: {  	[tilespmem:v40+s19+$0x0] =	vst.idx.msk $0xffff, v36  }
0xe1: {  	v42 =	vor.u32 v9, v34;
	v36 =	vld.idx.msk [tilespmem:v41+s13+$0x0], $0xffff  }
0xe2: {  	v43 =	vadd.s32 v10, v35;
	_ =	sdelay $0x3  }
0xe3: {  	[tilespmem:v42+s19+$0x0] =	vst.idx.msk $0xffff, v36  }
0xe4: {  	v44 =	vor.u32 v11, v34;
	v36 =	vld.idx.msk [tilespmem:v43+s13+$0x0], $0xffff  }
0xe5: {  	v45 =	vadd.s32 v12, v35;
	_ =	sdelay $0x3  }
0xe6: {  	[tilespmem:v44+s19+$0x0] =	vst.idx.msk $0xffff, v36  }
0xe7: {  	v46 =	vor.u32 v13, v34;
	v36 =	vld.idx.msk [tilespmem:v45+s13+$0x0], $0xffff  }
0xe8: {  	v47 =	vadd.s32 v14, v35;
	_ =	sdelay $0x3  }
0xe9: {  	[tilespmem:v46+s19+$0x0] =	vst.idx.msk $0xffff, v36  }
0xea: {  	v48 =	vor.u32 v15, v34;
	v36 =	vld.idx.msk [tilespmem:v47+s13+$0x0], $0xffff  }
0xeb: {  	v49 =	vadd.s32 v16, v35;
	_ =	sdelay $0x3  }
0xec: {  	[tilespmem:v48+s19+$0x0] =	vst.idx.msk $0xffff, v36  }
0xed: {  	v50 =	vor.u32 v17, v34;
	v36 =	vld.idx.msk [tilespmem:v49+s13+$0x0], $0xffff  }
0xee: {  	v51 =	vadd.s32 v18, v35;
	_ =	sdelay $0x3  }
0xef: {  	[tilespmem:v50+s19+$0x0] =	vst.idx.msk $0xffff, v36  }
0xf0: {  	v52 =	vadd.s32 v19, v34;
	v36 =	vld.idx.msk [tilespmem:v51+s13+$0x0], $0xffff  }
0xf1: {  	v53 =	vadd.s32 v20, v35;
	_ =	sdelay $0x3  }
0xf2: {  	[tilespmem:v52+s19+$0x0] =	vst.idx.msk $0xffff, v36  }
0xf3: {  	v54 =	vadd.s32 v21, v34;
	v36 =	vld.idx.msk [tilespmem:v53+s13+$0x0], $0xffff  }
0xf4: {  	v55 =	vadd.s32 v22, v35;
	_ =	sdelay $0x3  }
0xf5: {  	[tilespmem:v54+s19+$0x0] =	vst.idx.msk $0xffff, v36  }
0xf6: {  	v56 =	vadd.s32 v23, v34;
	v36 =	vld.idx.msk [tilespmem:v55+s13+$0x0], $0xffff  }
0xf7: {  	v57 =	vadd.s32 v24, v35;
	_ =	sdelay $0x3  }
0xf8: {  	[tilespmem:v56+s19+$0x0] =	vst.idx.msk $0xffff, v36  }
0xf9: {  	v58 =	vadd.s32 v25, v34;
	v36 =	vld.idx.msk [tilespmem:v57+s13+$0x0], $0xffff  }
0xfa: {  	v59 =	vadd.s32 v26, v35;
	_ =	sdelay $0x3  }
0xfb: {  	[tilespmem:v58+s19+$0x0] =	vst.idx.msk $0xffff, v36  }
0xfc: {  	v60 =	vadd.s32 v27, v34;
	v36 =	vld.idx.msk [tilespmem:v59+s13+$0x0], $0xffff  }
0xfd: {  	v61 =	vadd.s32 v28, v35;
	_ =	sdelay $0x3  }
0xfe: {  	[tilespmem:v60+s19+$0x0] =	vst.idx.msk $0xffff, v36  }
0xff: {  	v62 =	vadd.s32 v29, v34;
	v36 =	vld.idx.msk [tilespmem:v61+s13+$0x0], $0xffff  }
0x100: {  	v63 =	vadd.s32 v30, v35;
	_ =	sdelay $0x3  }
0x101: {  	[tilespmem:v62+s19+$0x0] =	vst.idx.msk $0xffff, v36  }
0x102: {  	v38 =	vadd.s32 v31, v34;
	v37 =	vld.idx.msk [tilespmem:v63+s13+$0x0], $0xffff  }
0x103: {  	v36 =	vadd.s32 v32, v35  }
0x104: {  	s24 =	simm.s32 $0x1  }
0x105: {  	s23 =	sadd.s32 $0x1, s23;
	s26 =	simm.s32 $0x2;
	v35 =	vadd.s32 s24, v0  }
.LBB2_5:
0x106: {  	p0 =	sne.s32 s26, $0x3F;
	vm0 =	vgt.u32 v35, $0x3F;
	v39 =	vadd.s32 s24, v2;
	s24 =	smov.u32 s26  }
0x107: {  	v35 =	vsel vm0, v39, v35;
	[tilespmem:v38+s19+$0x0] =	vst.idx.msk $0xffff, v37  }
0x108: {  	v37 =	vshra.s32 v35, $0x1F;
	vm0 =	vlt.s32 v35, $0x1;
	v38 =	vand.u32 $0x7, v35;
	v36 =	vld.idx.msk [tilespmem:v36+s13+$0x0], $0xffff  }
0x109: {  	v34 =	vadd.s32 v33, v34;
	v37 =	vshrl.u32 v37, $0x1D;
	vm1 =	vne.s32 v38, $0x0  }
0x10a: {  	v38 =	vadd.s32 v1, v35;
	v37 =	vadd.s32 v37, v35;
	vm0 =	vmand vm0, vm1  }
0x10b: {  	v37 =	vshra.s32 v37, $0x3;
	v39 =	vsel vm0, $0xFFFFFFFF, v3  }
0x10c: {  	v37 =	vadd.s32 v39, v37  }
0x10d: {  	v40 =	vshll.u32 v35, $0x7;
	v39 =	vshll.u32 v37, $0xA  }
0x10e: {  	v37 =	vshll.u32 v37, $0xB;
	v39 =	vsub.s32 v40, v39;
	[tilespmem:v34+s19+$0x0] =	vst.idx.msk $0xffff, v36  }
0x10f: {  	v36 =	vld.idx.msk [tilespmem:v38+s13+$0x0], $0xffff;
	v34 =	vadd.s32 v37, v39  }
0x110: {  	v37 =	vor.u32 v0, v34  }
0x111: {  	v38 =	vadd.s32 v4, v35;
	_ =	sdelay $0x3  }
0x112: {  	[tilespmem:v37+s19+$0x0] =	vst.idx.msk $0xffff, v36  }
0x113: {  	v36 =	vld.idx.msk [tilespmem:v38+s13+$0x0], $0xffff  }
0x114: {  	v37 =	vor.u32 v5, v34  }
0x115: {  	v38 =	vadd.s32 v6, v35;
	_ =	sdelay $0x3  }
0x116: {  	[tilespmem:v37+s19+$0x0] =	vst.idx.msk $0xffff, v36  }
0x117: {  	v36 =	vld.idx.msk [tilespmem:v38+s13+$0x0], $0xffff  }
0x118: {  	v37 =	vor.u32 v7, v34  }
0x119: {  	v38 =	vadd.s32 v8, v35;
	_ =	sdelay $0x3  }
0x11a: {  	[tilespmem:v37+s19+$0x0] =	vst.idx.msk $0xffff, v36  }
0x11b: {  	v36 =	vld.idx.msk [tilespmem:v38+s13+$0x0], $0xffff  }
0x11c: {  	v37 =	vor.u32 v9, v34  }
0x11d: {  	v38 =	vadd.s32 v10, v35;
	_ =	sdelay $0x3  }
0x11e: {  	[tilespmem:v37+s19+$0x0] =	vst.idx.msk $0xffff, v36  }
0x11f: {  	v36 =	vld.idx.msk [tilespmem:v38+s13+$0x0], $0xffff  }
0x120: {  	v37 =	vor.u32 v11, v34  }
0x121: {  	v38 =	vadd.s32 v12, v35;
	_ =	sdelay $0x3  }
0x122: {  	[tilespmem:v37+s19+$0x0] =	vst.idx.msk $0xffff, v36  }
0x123: {  	v36 =	vld.idx.msk [tilespmem:v38+s13+$0x0], $0xffff  }
0x124: {  	v37 =	vor.u32 v13, v34  }
0x125: {  	v38 =	vadd.s32 v14, v35;
	_ =	sdelay $0x3  }
0x126: {  	[tilespmem:v37+s19+$0x0] =	vst.idx.msk $0xffff, v36  }
0x127: {  	v36 =	vld.idx.msk [tilespmem:v38+s13+$0x0], $0xffff  }
0x128: {  	v37 =	vor.u32 v15, v34  }
0x129: {  	v38 =	vadd.s32 v16, v35;
	_ =	sdelay $0x3  }
0x12a: {  	[tilespmem:v37+s19+$0x0] =	vst.idx.msk $0xffff, v36  }
0x12b: {  	v36 =	vld.idx.msk [tilespmem:v38+s13+$0x0], $0xffff  }
0x12c: {  	v37 =	vor.u32 v17, v34  }
0x12d: {  	v38 =	vadd.s32 v18, v35;
	_ =	sdelay $0x3  }
0x12e: {  	[tilespmem:v37+s19+$0x0] =	vst.idx.msk $0xffff, v36  }
0x12f: {  	v36 =	vld.idx.msk [tilespmem:v38+s13+$0x0], $0xffff  }
0x130: {  	v37 =	vadd.s32 v19, v34  }
0x131: {  	v38 =	vadd.s32 v20, v35;
	_ =	sdelay $0x3  }
0x132: {  	[tilespmem:v37+s19+$0x0] =	vst.idx.msk $0xffff, v36  }
0x133: {  	v36 =	vld.idx.msk [tilespmem:v38+s13+$0x0], $0xffff  }
0x134: {  	v37 =	vadd.s32 v21, v34  }
0x135: {  	v38 =	vadd.s32 v22, v35;
	_ =	sdelay $0x3  }
0x136: {  	[tilespmem:v37+s19+$0x0] =	vst.idx.msk $0xffff, v36  }
0x137: {  	v36 =	vld.idx.msk [tilespmem:v38+s13+$0x0], $0xffff  }
0x138: {  	v37 =	vadd.s32 v23, v34  }
0x139: {  	v38 =	vadd.s32 v24, v35;
	_ =	sdelay $0x3  }
0x13a: {  	[tilespmem:v37+s19+$0x0] =	vst.idx.msk $0xffff, v36  }
0x13b: {  	v36 =	vld.idx.msk [tilespmem:v38+s13+$0x0], $0xffff  }
0x13c: {  	v37 =	vadd.s32 v25, v34  }
0x13d: {  	v38 =	vadd.s32 v26, v35;
	_ =	sdelay $0x3  }
0x13e: {  	[tilespmem:v37+s19+$0x0] =	vst.idx.msk $0xffff, v36  }
0x13f: {  	v36 =	vld.idx.msk [tilespmem:v38+s13+$0x0], $0xffff  }
0x140: {  	v37 =	vadd.s32 v27, v34  }
0x141: {  	v38 =	vadd.s32 v28, v35;
	_ =	sdelay $0x3  }
0x142: {  	[tilespmem:v37+s19+$0x0] =	vst.idx.msk $0xffff, v36  }
0x143: {  	v36 =	vld.idx.msk [tilespmem:v38+s13+$0x0], $0xffff  }
0x144: {  	v37 =	vadd.s32 v29, v34  }
0x145: {  	v38 =	vadd.s32 v30, v35;
	_ =	sdelay $0x3  }
0x146: {  	[tilespmem:v37+s19+$0x0] =	vst.idx.msk $0xffff, v36  }
.Ltmp1:
0x147: {  	v37 =	vld.idx.msk [tilespmem:v38+s13+$0x0], $0xffff;
	(pc) =	sbr.rel @p0 .LBB2_5-.Ltmp1, $3  }
0x148: {  	v38 =	vadd.s32 v31, v34  }
0x149: {  	v36 =	vadd.s32 v32, v35;
	_ =	sdelay $0x1  }
0x14a: {  	s26 =	sadd.s32 $0x1, s26;
	v35 =	vadd.s32 s24, v0  }
0x14b: {  	_ = 	snop  }
0x14c: {  	vm0 =	vgt.u32 v35, $0x3F;
	v39 =	vadd.s32 s24, v2  }
0x14d: {  	v35 =	vsel vm0, v39, v35  }
0x14e: {  	v39 =	vshra.s32 v35, $0x1F;
	v40 =	vand.u32 $0x7, v35  }
0x14f: {  	[tilespmem:v38+s19+$0x0] =	vst.idx.msk $0xffff, v37;
	vm0 =	vlt.s32 v35, $0x1;
	v56 =	vshrl.u32 v39, $0x1D;
	vm1 =	vne.s32 v40, $0x0  }
0x150: {  	v34 =	vadd.s32 v33, v34;
	v36 =	vld.idx.msk [tilespmem:v36+s13+$0x0], $0xffff;
	v37 =	vadd.s32 v56, v35;
	vm0 =	vmand vm0, vm1  }
0x151: {  	v57 =	vadd.s32 v1, v35;
	v37 =	vshra.s32 v37, $0x3;
	v58 =	vsel vm0, $0xFFFFFFFF, v3  }
0x152: {  	v37 =	vadd.s32 v58, v37  }
0x153: {  	v59 =	vshll.u32 v35, $0x7;
	v39 =	vshll.u32 v37, $0xA  }
0x154: {  	v37 =	vshll.u32 v37, $0xB;
	v39 =	vsub.s32 v59, v39  }
0x155: {  	[tilespmem:v34+s19+$0x0] =	vst.idx.msk $0xffff, v36;
	v34 =	vadd.s32 v37, v39  }
0x156: {  	v36 =	vld.idx.msk [tilespmem:v57+s13+$0x0], $0xffff;
	v37 =	vor.u32 v0, v34  }
0x157: {  	v60 =	vadd.s32 v4, v35;
	_ =	sdelay $0x3  }
0x158: {  	[tilespmem:v37+s19+$0x0] =	vst.idx.msk $0xffff, v36  }
0x159: {  	v61 =	vor.u32 v5, v34;
	v36 =	vld.idx.msk [tilespmem:v60+s13+$0x0], $0xffff  }
0x15a: {  	v62 =	vadd.s32 v6, v35;
	_ =	sdelay $0x3  }
0x15b: {  	[tilespmem:v61+s19+$0x0] =	vst.idx.msk $0xffff, v36  }
0x15c: {  	v63 =	vor.u32 v7, v34;
	v36 =	vld.idx.msk [tilespmem:v62+s13+$0x0], $0xffff  }
0x15d: {  	v40 =	vadd.s32 v8, v35;
	_ =	sdelay $0x3  }
0x15e: {  	[tilespmem:v63+s19+$0x0] =	vst.idx.msk $0xffff, v36  }
0x15f: {  	v41 =	vor.u32 v9, v34;
	v36 =	vld.idx.msk [tilespmem:v40+s13+$0x0], $0xffff  }
0x160: {  	v42 =	vadd.s32 v10, v35;
	_ =	sdelay $0x3  }
0x161: {  	[tilespmem:v41+s19+$0x0] =	vst.idx.msk $0xffff, v36  }
0x162: {  	v43 =	vor.u32 v11, v34;
	v36 =	vld.idx.msk [tilespmem:v42+s13+$0x0], $0xffff  }
0x163: {  	v44 =	vadd.s32 v12, v35;
	_ =	sdelay $0x3  }
0x164: {  	[tilespmem:v43+s19+$0x0] =	vst.idx.msk $0xffff, v36  }
0x165: {  	v45 =	vor.u32 v13, v34;
	v36 =	vld.idx.msk [tilespmem:v44+s13+$0x0], $0xffff  }
0x166: {  	v46 =	vadd.s32 v14, v35;
	_ =	sdelay $0x3  }
0x167: {  	[tilespmem:v45+s19+$0x0] =	vst.idx.msk $0xffff, v36  }
0x168: {  	v47 =	vor.u32 v15, v34;
	v36 =	vld.idx.msk [tilespmem:v46+s13+$0x0], $0xffff  }
0x169: {  	v48 =	vadd.s32 v16, v35;
	_ =	sdelay $0x3  }
0x16a: {  	[tilespmem:v47+s19+$0x0] =	vst.idx.msk $0xffff, v36  }
0x16b: {  	v49 =	vor.u32 v17, v34;
	v36 =	vld.idx.msk [tilespmem:v48+s13+$0x0], $0xffff  }
0x16c: {  	v50 =	vadd.s32 v18, v35;
	_ =	sdelay $0x3  }
0x16d: {  	[tilespmem:v49+s19+$0x0] =	vst.idx.msk $0xffff, v36  }
0x16e: {  	v51 =	vadd.s32 v19, v34;
	v36 =	vld.idx.msk [tilespmem:v50+s13+$0x0], $0xffff  }
0x16f: {  	v52 =	vadd.s32 v20, v35;
	_ =	sdelay $0x3  }
0x170: {  	[tilespmem:v51+s19+$0x0] =	vst.idx.msk $0xffff, v36  }
0x171: {  	v53 =	vadd.s32 v21, v34;
	v36 =	vld.idx.msk [tilespmem:v52+s13+$0x0], $0xffff  }
0x172: {  	v54 =	vadd.s32 v22, v35;
	_ =	sdelay $0x3  }
0x173: {  	[tilespmem:v53+s19+$0x0] =	vst.idx.msk $0xffff, v36  }
0x174: {  	v55 =	vadd.s32 v23, v34;
	v36 =	vld.idx.msk [tilespmem:v54+s13+$0x0], $0xffff  }
0x175: {  	v56 =	vadd.s32 v24, v35;
	_ =	sdelay $0x3  }
0x176: {  	[tilespmem:v55+s19+$0x0] =	vst.idx.msk $0xffff, v36  }
0x177: {  	v57 =	vadd.s32 v25, v34;
	v36 =	vld.idx.msk [tilespmem:v56+s13+$0x0], $0xffff  }
0x178: {  	v58 =	vadd.s32 v26, v35;
	_ =	sdelay $0x3  }
0x179: {  	[tilespmem:v57+s19+$0x0] =	vst.idx.msk $0xffff, v36  }
0x17a: {  	v59 =	vadd.s32 v27, v34;
	v36 =	vld.idx.msk [tilespmem:v58+s13+$0x0], $0xffff  }
0x17b: {  	v60 =	vadd.s32 v28, v35;
	_ =	sdelay $0x3  }
0x17c: {  	[tilespmem:v59+s19+$0x0] =	vst.idx.msk $0xffff, v36  }
0x17d: {  	v61 =	vadd.s32 v29, v34;
	v36 =	vld.idx.msk [tilespmem:v60+s13+$0x0], $0xffff  }
0x17e: {  	v62 =	vadd.s32 v30, v35;
	_ =	sdelay $0x3  }
0x17f: {  	[tilespmem:v61+s19+$0x0] =	vst.idx.msk $0xffff, v36  }
0x180: {  	v63 =	vadd.s32 v31, v34;
	v36 =	vld.idx.msk [tilespmem:v62+s13+$0x0], $0xffff  }
0x181: {  	v35 =	vadd.s32 v32, v35;
	_ =	sdelay $0x3  }
0x182: {  	[tilespmem:v63+s19+$0x0] =	vst.idx.msk $0xffff, v36  }
0x183: {  	v34 =	vadd.s32 v33, v34;
	v35 =	vld.idx.msk [tilespmem:v35+s13+$0x0], $0xffff  }
0x184: {  	p0 =	sne.s32 s23, $0x32  }
.Ltmp2:
0x185: {  	_ = 	snop;
	(pc) =	sbr.rel @p0 .LBB2_2-.Ltmp2, $3  }
0x186: {  	_ =	sdelay $0x1  }
0x187: {  	s31 =	sadd.s32 s25, s6;
	[tilespmem:v34+s19+$0x0] =	vst.idx.msk $0xffff, v35  }
0x188: {  	[hbm4b:s31+s16] =	stream.strided.scatter [tilespmem:s19], [sflag:$0x4], $0x4000, s17, s16, $0x38;
	[tilespmem:$0x16400] =	vst v63  }
0x189: {  	s22 =	sadd.s32 $0x1, s22  }
0x18a: {  	_ =	swait.ge [sflag:s20], $0x4000;
	p0 =	sne.s32 s22, s7  }
.Ltmp3:
0x18b: {  	[sflag:s20] =	ssyncset.done $0x0;
	(pc) =	sbr.rel @p0 .LBB2_1-.Ltmp3, $4  }
0x18c: {  	[sflag:s20] =	ssyncadd.s32 $0xFFFFC000  }
0x18d: {  	_ =	swait.ge [sflag:s21], $0x4000  }
0x18e: {  	[sflag:s21] =	ssyncset.done $0x0  }
0x18f: {  	[sflag:s21] =	ssyncadd.s32 $0xFFFFC000  }
0x190: {  	_ =	sfence.sel $0x180000  }
0x191: {  	[bflag:$0x0] =	sbarrier.arrive $0xFFFF  }
0x192: {  	p0 =	sne.s32 s1, $0x0;
	_ =	strace $0x9000004A  }
0x193: {  	s0 =	sadd.s32 @!p0 $0x100000, s0;
	[bflag:$0x2] =	sbarrier.arrive $0xFFFF  }
0x194: {  	[sflag:s0] =	ssyncadd.tile.s32 @!p0 $0x1;
	_ =	shalt  }
.Lfunc_end2:
_tile_overlayer_lowered:
.L_overlay_start_2:
0x195: {  	(tag) =	ssettag $0x2  }
0x196: {  	s0 =	rddreg [dreg:$0x0];
	s2 =	stileid.u32  }
0x197: {  	s1 =	rddreg [dreg:$0x1];
	p0 =	sne.s32 s2, $0x0  }
0x198: {  	s3 =	rddreg [dreg:$0x2];
	[bflag:$0x3] =	sbarrier.arrive $0xFFFF;
	s2 =	simm.s32 @!p0 $0x1C05  }
0x199: {  	[timem:s3], [sflag:s2] =	dma.local @!p0 [hbm:s0], s1  }
0x19a: {  	s0 =	simm.s32 @!p0 $0x5  }
0x19b: {  	_ =	swait.ge @!p0 [sflag:s0], s1  }
0x19c: {  	s1 =	ssub.s32 @!p0 $0x0, s1;
	[sflag:s0] =	ssyncset.done @!p0 $0x0  }
0x19d: {  	[sflag:s0] =	ssyncadd.s32 @!p0 s1  }
0x19e: {  	[bflag:$0x3] =	sbarrier.arrive $0xFFFF  }
0x19f: {  	_ =	shalt  }

// kernel: _run.7.cloned.1.call-start
scs
__scs_entry_jumppad:
0x0: {  	(pc) =	sbr.rel $0x88, $3  }
0x1: {  	(tag) =	ssettag $0x0;
	lr =	simm.s32 $0x1  }
0x2: {  	[smem:$0x3F9D] =	sst lr;
	_ =	strace $0xD0000000  }
0x3: {  	_ = 	snop  }
0x4: {  	_ = 	snop  }
0x5: {  	_ = 	snop  }
0x6: {  	_ = 	snop  }
0x7: {  	_ = 	snop  }
__scs_overlays_trampoline_lowered:
0x8: {  	[smem:$0x3FAC] =	sst s0  }
0x9: {  	[smem:$0x3FAD] =	sst s1  }
0xa: {  	[smem:$0x3FAE] =	sst s2  }
0xb: {  	[smem:$0x3FAF] =	sst s3  }
0xc: {  	[smem:$0x3FB0] =	sst s4  }
0xd: {  	[smem:$0x3FB1] =	sst s5  }
0xe: {  	[smem:$0x3FB2] =	sst s6  }
0xf: {  	[smem:$0x3FB3] =	sst s7  }
0x10: {  	[smem:$0x3FB4] =	sst s8  }
0x11: {  	[smem:$0x3FB5] =	sst s9;
	s0 =	simm.s32 @!p0 $0x0  }
0x12: {  	s1 =	sld [smem:$0x3F9B];
	s0 =	simm.s32 @p0 $0x1  }
0x13: {  	[smem:$0x3FB6] =	sst s0;
	s0 =	simm.s32 @!p1 $0x0  }
0x14: {  	s2 =	sld [smem:$0x3F9A];
	s0 =	simm.s32 @p1 $0x1  }
0x15: {  	[smem:$0x3FB7] =	sst s0;
	s0 =	simm.s32 @!p2 $0x0  }
0x16: {  	s3 =	sld [smem:$0x3FDB];
	s0 =	simm.s32 @p2 $0x1  }
0x17: {  	s4 =	simm.s32 $0x1BF5;
	[smem:$0x3FB9] =	sst s0  }
0x18: {  	s0 =	sld [smem:$0x3F9C];
	_ =	swait.ge [sflag:s4], $0x0  }
0x19: {  	s7 =	sld [smem:$0x3F9D]  }
0x1a: {  	s8 =	sadd.s32 $0xFFFFE003, lr  }
0x1b: {  	s9 =	sadd.s32 $0xFFFFFEF7, lr;
	s5 =	simm.s32 $0xFFFFFFFF;
	p2 =	slt.u32 s8, $0xFFFFF086  }
0x1c: {  	p1 =	slt.u32 s9, $0xF7A;
	s5 =	simm.s32 @!p2 $0x0  }
0x1d: {  	s5 =	simm.s32 @p1 $0x1;
	p0 =	seq.s32 s7, s2  }
0x1e: {  	s7 =	smul.u32 @!p0 $0xF7A, s2;
	p2 =	seq.s32 @!p0 s5, $0x0  }
0x1f: {  	s9 =	smul.u32 $0xF7A, s1;
	s8 =	simm.s32 @!p0 $0x1BF5;
	p2 =	por !p2, p0  }
0x20: {  	[sflag:s8] =	ssyncset.s32 @!p0 $0xFFFFF086;
	s6 =	sadd.s32 @!p0 s3, s7;
	s7 =	simm.s32 @!p0 $0x108  }
0x21: {  	s3 =	sadd.s32 s3, s9;
	s6 =	sadd.s32 @!p0 $0x88, s6;
	s7 =	simm.s32 @p2 $0x1082  }
0x22: {  	[simem:s7], [sflag:s8] =	dma.local @!p0 [hbm:s6], $0xF7A  }
0x23: {  	s9 =	sor.u32 $0xD0000000, s2;
	s6 =	simm.s32 $0x108;
	_ =	swait.ge @!p0 [sflag:s8], $0x0  }
0x24: {  	s3 =	sadd.s32 $0x88, s3;
	s6 =	simm.s32 @!p1 $0x1082;
	[sflag:s4] =	ssyncset.s32 $0xFFFFF086  }
0x25: {  	[simem:s6], [sflag:s4] =	dma.local [hbm:s3], $0xF7A  }
0x26: {  	[smem:$0x3F9D] =	sst s1;
	(tag) =	ssettag s2;
	_ =	strace s9  }
0x27: {  	s1 =	sld [smem:$0x3FAD]  }
0x28: {  	s2 =	sld [smem:$0x3FAE]  }
0x29: {  	s4 =	sld [smem:$0x3FB0]  }
0x2a: {  	p0 =	seq.s32 s5, $0x0;
	s5 =	sld [smem:$0x3FB1]  }
0x2b: {  	s6 =	sld [smem:$0x3FB2]  }
0x2c: {  	s7 =	sld [smem:$0x3FB3]  }
0x2d: {  	s3 =	simm.s32 $0x108;
	s8 =	sld [smem:$0x3FB4]  }
0x2e: {  	s3 =	simm.s32 @!p0 $0x1082;
	s9 =	sld [smem:$0x3FB5]  }
0x2f: {  	lr =	sadd.s32 s0, s3;
	s0 =	sld [smem:$0x3FAC]  }
0x30: {  	s3 =	sld [smem:$0x3FAF]  }
0x31: {  	[smem:$0x3FB8] =	sst s10  }
0x32: {  	s10 =	sld [smem:$0x3FB6];
	_ =	sdelay $0x3  }
0x33: {  	p0 =	seq.s32 s10, $0x1;
	s10 =	sld [smem:$0x3FB8];
	_ =	sdelay $0x3  }
0x34: {  	[smem:$0x3FB8] =	sst s10  }
0x35: {  	s10 =	sld [smem:$0x3FB7];
	_ =	sdelay $0x3  }
0x36: {  	p1 =	seq.s32 s10, $0x1;
	s10 =	sld [smem:$0x3FB8];
	_ =	sdelay $0x3  }
0x37: {  	[smem:$0x3FB8] =	sst s10  }
0x38: {  	s10 =	sld [smem:$0x3FB9]  }
0x39: {  	_ = 	snop;
	(pc) =	sbr.ind lr, $3  }
0x3a: {  	_ = 	snop  }
0x3b: {  	_ = 	snop  }
0x3c: {  	p2 =	seq.s32 s10, $0x1;
	s10 =	sld [smem:$0x3FB8]  }
0x3d: {  	_ =	shalt  }
0x3e: {  	_ =	shalt  }
0x3f: {  	_ =	shalt  }
0x40: {  	_ =	shalt  }
0x41: {  	_ =	shalt  }
0x42: {  	_ =	shalt  }
0x43: {  	_ =	shalt  }
0x44: {  	_ =	shalt  }
0x45: {  	_ =	shalt  }
0x46: {  	_ =	shalt  }
0x47: {  	_ =	shalt  }
0x48: {  	_ =	shalt  }
0x49: {  	_ =	shalt  }
0x4a: {  	_ =	shalt  }
0x4b: {  	_ =	shalt  }
0x4c: {  	_ =	shalt  }
0x4d: {  	_ =	shalt  }
0x4e: {  	_ =	shalt  }
0x4f: {  	_ =	shalt  }
0x50: {  	_ =	shalt  }
0x51: {  	_ =	shalt  }
0x52: {  	_ =	shalt  }
0x53: {  	_ =	shalt  }
0x54: {  	_ =	shalt  }
0x55: {  	_ =	shalt  }
0x56: {  	_ =	shalt  }
0x57: {  	_ =	shalt  }
0x58: {  	_ =	shalt  }
0x59: {  	_ =	shalt  }
0x5a: {  	_ =	shalt  }
0x5b: {  	_ =	shalt  }
0x5c: {  	_ =	shalt  }
0x5d: {  	_ =	shalt  }
0x5e: {  	_ =	shalt  }
0x5f: {  	_ =	shalt  }
0x60: {  	_ =	shalt  }
0x61: {  	_ =	shalt  }
0x62: {  	_ =	shalt  }
0x63: {  	_ =	shalt  }
0x64: {  	_ =	shalt  }
0x65: {  	_ =	shalt  }
0x66: {  	_ =	shalt  }
0x67: {  	_ =	shalt  }
0x68: {  	_ =	shalt  }
0x69: {  	_ =	shalt  }
0x6a: {  	_ =	shalt  }
0x6b: {  	_ =	shalt  }
0x6c: {  	_ =	shalt  }
0x6d: {  	_ =	shalt  }
0x6e: {  	_ =	shalt  }
0x6f: {  	_ =	shalt  }
0x70: {  	_ =	shalt  }
0x71: {  	_ =	shalt  }
0x72: {  	_ =	shalt  }
0x73: {  	_ =	shalt  }
0x74: {  	_ =	shalt  }
0x75: {  	_ =	shalt  }
0x76: {  	_ =	shalt  }
0x77: {  	_ =	shalt  }
0x78: {  	_ =	shalt  }
0x79: {  	_ =	shalt  }
0x7a: {  	_ =	shalt  }
0x7b: {  	_ =	shalt  }
0x7c: {  	_ =	shalt  }
0x7d: {  	_ =	shalt  }
0x7e: {  	_ =	shalt  }
0x7f: {  	_ =	shalt  }
0x80: {  	_ =	shalt  }
0x81: {  	_ =	shalt  }
0x82: {  	_ =	shalt  }
0x83: {  	_ =	shalt  }
0x84: {  	_ =	shalt  }
0x85: {  	_ =	shalt  }
0x86: {  	_ =	shalt  }
0x87: {  	_ =	shalt  }
.Lfunc_end0:
.L_simem_size_0:
called_computation.1_lowered:
.L_overlay_start_0:
0x88: {  	s2 =	sld [smem:$0x3FD9]  }
0x89: {  	s3 =	sld [smem:$0x3FFE];
	_ =	sdelay $0x1  }
0x8a: {  	s1 =	srdreg.scid  }
0x8b: {  	s0 =	sand.u32 $0x1, s1  }
0x8c: {  	s14 =	sshll.u32 s0, $0xA;
	s2 =	sadd.s32 s3, s2  }
0x8d: {  	s2 =	sadd.s32 s2, s14  }
0x8e: {  	[smem:$0x3FC4] =	sst s2  }
0x8f: {  	_ = 	snop  }
0x90: {  	s2 =	sld [smem:$0x3FD0];
	_ =	sdelay $0x2  }
0x91: {  	s15 =	simm.s32 $0xB;
	s4 =	simm.s32 $0x10  }
0x92: {  	[smem:s4], [sflag:s15] =	dma.local [hbm:s2], $0x1  }
0x93: {  	_ =	swait.eq [sflag:s15], $0x1  }
0x94: {  	[sflag:s15] =	ssyncset.done $0x0  }
0x95: {  	[sflag:s15] =	ssyncadd.s32 $0xFFFFFFFF  }
0x96: {  	s16 =	sld [smem:$0x11];
	(tm) =	ssettm $0x1  }
0x97: {  	s17 =	sld [smem:$0x3FFB];
	_ =	sdelay $0x3  }
0x98: {  	_ =	strace s17  }
0x99: {  	s3 =	sld [smem:$0x3FFC];
	_ =	sdelay $0x3  }
0x9a: {  	_ =	strace s3  }
0x9b: {  	s3 =	sld [smem:$0x3FFD];
	_ =	sdelay $0x3  }
0x9c: {  	_ =	strace s3  }
0x9d: {  	_ =	strace $0x8FFFFFFF  }
0x9e: {  	s18 =	sld [smem:$0x3FDB];
	_ =	sdelay $0x1  }
0x9f: {  	s19 =	simm.s32 $_scs_section_size  }
0xa0: {  	s5 =	simm.s32 $_size__tile_overlayer_lowered;
	s6 =	simm.s32 $_tile_overlayer_lowered  }
0xa1: {  	s22 =	simm.s32 $0x1BFF;
	s21 =	sshll.u32 s6, $0x1;
	s3 =	sadd.s32 s19, s18  }
0xa2: {  	s7 =	simm.s32 $0x0;
	s20 =	sshll.u32 s5, $0x1;
	s5 =	sadd.s32 s21, s3  }
0xa3: {  	[timem:s7], [sflag:s22] =	dma.local [hbm:s5], s20  }
0xa4: {  	_ =	swait.ge [sflag:s22], s20  }
0xa5: {  	s4 =	ssub.s32 $0x0, s20;
	[sflag:s22] =	ssyncset.done $0x0  }
0xa6: {  	[sflag:s22] =	ssyncadd.s32 s4;
	_ =	sdelay $0x1  }
0xa7: {  	s23 =	simm.s32 $0x1B8B  }
0xa8: {  	_ =	swait.ge [sflag:s23], $0x1  }
0xa9: {  	[sflag:s23] =	ssyncset.done $0x0  }
0xaa: {  	s25 =	simm.s32 $0x1B8E;
	s24 =	sld [smem:$0x3FFE];
	[sflag:s23] =	ssyncadd.s32 $0xFFFFFFFF  }
0xab: {  	s26 =	simm.s32 $execute0_lowered;
	[smem:$0x3FD2] =	sst s25  }
0xac: {  	s5 =	sshll.u32 s26, $0x1;
	_ =	strace $0x80000046;
	[dreg:$0x1] =	wrdreg $0xFFFFFFFF  }
0xad: {  	s28 =	simm.s32 $_size_execute0_lowered;
	s3 =	sadd.s32 s3, s5;
	[dreg:$0x0] =	wrdreg $0x0  }
0xae: {  	s5 =	sshll.u32 s28, $0x1;
	[dreg:$0x2] =	wrdreg s3  }
0xaf: {  	[dreg:$0x3] =	wrdreg s5  }
0xb0: {  	[dreg:$0x4] =	wrdreg $0xC0  }
0xb1: {  	_ =	task [dreg:s7], $0x5FFFF  }
0xb2: {  	[dreg:$0x1] =	wrdreg $0xFFFFFFFF  }
0xb3: {  	[dreg:$0x0] =	wrdreg $0x60  }
0xb4: {  	[dreg:$0x2] =	wrdreg s24  }
0xb5: {  	[dreg:$0x3] =	wrdreg s16  }
0xb6: {  	[dreg:$0x4] =	wrdreg $0xA  }
0xb7: {  	_ =	task.clear_ibuf [dreg:s7], $0x5FFFF;
	_ =	strace $0x90000046  }
0xb8: {  	s29 =	simm.s32 $0xA;
	_ =	strace $0x80000048  }
0xb9: {  	_ =	swait.ge [sflag:s29], $0x1  }
0xba: {  	[sflag:s29] =	ssyncadd.s32 $0xFFFFFFFF  }
0xbb: {  	_ =	strace $0x90000048  }
0xbc: {  	_ =	sfence  }
0xbd: {  	s30 =	sld [smem:$0x0];
	_ =	sdelay $0x2  }
0xbe: {  	s31 =	sshll.u32 s1, $0xD;
	s1 =	sshrl.u32 s1, $0x2  }
0xbf: {  	s3 =	sand.u32 $0x4000, s31;
	s1 =	sadd.s32 s1, s30  }
0xc0: {  	s0 =	sor.u32 s3, s0;
	s1 =	sshll.u32 s1, $0x11  }
0xc1: {  	s0 =	sor.u32 s1, s0  }
0xc2: {  	s0 =	sadd.s32 $0x8F2B, s0  }
0xc3: {  	[sflag:s0] =	ssyncadd.remote.s32 $0x1  }
0xc4: {  	_ =	sfence.sel $0xFFFF  }
0xc5: {  	[dreg:$0x0] =	wrdreg $0xFFFFFFFF;
	(pc) =	sbr.abs _section_cstart, $3  }
0xc6: {  	[dreg:$0x1] =	wrdreg $0xFFFFFFFF  }
0xc7: {  	_ =	task.clear_ibuf [dreg:s7], $0x2FFFF;
	_ =	strace $0x9FFFFFFF  }
0xc8: {  	(tm) =	ssettm $0x7FFFFFFF  }
0xc9: {  	_ =	shalt  }
tec
execute0_lowered:
.L_overlay_start_1:
0x0: {  	(tag) =	ssettag $0x1  }
0x1: {  	s3 =	rddreg [dreg:$0x0]  }
0x2: {  	s4 =	rddreg [dreg:$0x1]  }
0x3: {  	s0 =	rddreg [dreg:$0x2];
	v0 =	vlaneseq.u32;
	s5 =	srdreg.scid  }
0x4: {  	s1 =	stileid.u32;
	s2 =	simm.s32 $0x0;
	v3 =	vimm.s32 $0x0;
	s9 =	simm.s32 $0x4000;
	v1 =	vmul.u32 $0x20, v0;
	v2 =	vor.u32 $0xFFFFFFE0, v0  }
0x5: {  	s10 =	simm.s32 $0x5;
	s11 =	simm.s32 $0x100;
	s12 =	simm.s32 $0x6400;
	v5 =	vor.u32 $0x10, v0;
	v7 =	vor.u32 $0x20, v0;
	v9 =	vor.u32 $0x30, v0  }
0x6: {  	s13 =	simm.s32 $0x8400;
	s14 =	simm.s32 $0x1;
	s15 =	simm.s32 $0xA400;
	v11 =	vor.u32 $0x40, v0;
	v13 =	vor.u32 $0x50, v0;
	v15 =	vor.u32 $0x60, v0  }
0x7: {  	s16 =	simm.s32 $0x800;
	s17 =	simm.s32 $0x20000;
	s18 =	simm.s32 $0x2;
	v17 =	vor.u32 $0x70, v0;
	v19 =	vor.u32 $0x400, v0;
	v21 =	vor.u32 $0x410, v0  }
0x8: {  	s19 =	simm.s32 $0xC400;
	s20 =	simm.s32 $0x3;
	s21 =	simm.s32 $0x4;
	v23 =	vor.u32 $0x420, v0;
	v25 =	vor.u32 $0x430, v0;
	v27 =	vor.u32 $0x440, v0  }
0x9: {  	s22 =	simm.s32 $0x0;
	s5 =	sand.u32 $0x1, s5;
	s6 =	sshll.u32 s1, $0x1;
	v29 =	vor.u32 $0x450, v0;
	v31 =	vor.u32 $0x460, v0;
	v33 =	vor.u32 $0x470, v0  }
0xa: {  	[smem:$0x7FF] =	sst s2;
	s6 =	sor.u32 s5, s6;
	s5 =	ssub.s32 $0x2, s5;
	v4 =	vor.u32 $0x200, v1;
	v6 =	vor.u32 $0x400, v1;
	v8 =	vor.u32 $0x600, v1  }
0xb: {  	_ =	strace $0x80000047;
	s7 =	sshll.u32 s6, $0x6;
	s8 =	sshrl.u32 s5, $0x1;
	v10 =	vor.u32 $0x800, v1;
	v12 =	vor.u32 $0xA00, v1;
	v14 =	vor.u32 $0xC00, v1  }
0xc: {  	s6 =	sshll.u32 s6, $0x9;
	v16 =	vor.u32 $0xE00, v1;
	v18 =	vor.u32 $0x1000, v1;
	v20 =	vor.u32 $0x1200, v1;
	s7 =	sadd.s32 s7, s3;
	s3 =	sadd.s32 $0xF43200, s3  }
0xd: {  	v22 =	vor.u32 $0x1400, v1;
	v24 =	vor.u32 $0x1600, v1;
	v26 =	vor.u32 $0x1800, v1;
	s8 =	ssub.s32 s5, s8;
	s4 =	sadd.s32 s4, s6;
	s5 =	sadd.s32 $0xE00, s7  }
0xe: {  	v28 =	vor.u32 $0x1A00, v1;
	v30 =	vor.u32 $0x1C00, v1;
	v32 =	vor.u32 $0x1E00, v1;
	s6 =	sadd.s32 $0x100, s4;
	s7 =	smax.u32 s8, $0x1;
	s8 =	simm.s32 $0x200  }
.LBB2_1:
0xf: {  	[tilespmem:s2], [sflag:$0x5] =	stream.strided.gather [hbm4b:s5+s8], $0x6400, s9, s8, $0x38;
	[tilespmem:$0xE400] =	vst v63  }
0x10: {  	_ =	swait.ge [sflag:s10], $0x6400  }
0x11: {  	[sflag:s10] =	ssyncset.done $0x0  }
0x12: {  	s23 =	simm.s32 $0x0;
	[sflag:s10] =	ssyncadd.s32 $0xFFFF9C00  }
0x13: {  	[tilespmem:s12], [sflag:$0x1] =	stream.indirect.gather [hbm4b:s3+s11], $0x20, s2, s11, $0xb8;
	[tilespmem:$0xE400] =	vst v63  }
.LBB2_2:
0x14: {  	s24 =	simm.s32 $0x0  }
0x15: {  	v34 =	vadd.s32 s24, v0  }
0x16: {  	v35 =	vadd.s32 s24, v2;
	vm0 =	vgt.u32 v34, $0x1F  }
0x17: {  	p0 =	seq.s32 s23, $0x0;
	v35 =	vsel vm0, v35, v34  }
0x18: {  	s25 =	simm.s32 @!p0 $0x4;
	v34 =	vshra.s32 v35, $0x1F;
	v36 =	vand.u32 $0x7, v35  }
0x19: {  	s30 =	sshll.u32 s23, $0x9;
	_ =	swait.ge @!p0 [sflag:s25], $0x2000;
	vm0 =	vlt.s32 v35, $0x1;
	v34 =	vshrl.u32 v34, $0x1D;
	vm1 =	vne.s32 v36, $0x0  }
0x1a: {  	s24 =	sand.u32 $0x3FFFFE00, s30;
	[sflag:s25] =	ssyncset.done @!p0 $0x0;
	v34 =	vadd.s32 v34, v35;
	vm0 =	vmand vm0, vm1  }
0x1b: {  	s31 =	sor.u32 $0x100, s24;
	[sflag:s25] =	ssyncadd.s32 @!p0 $0xFFFFE000;
	v60 =	vadd.s32 v1, v35;
	v34 =	vshra.s32 v34, $0x3;
	v37 =	vsel vm0, $0xFFFFFFFF, v3  }
0x1c: {  	[tilespmem:s13], [sflag:$0x2] =	stream.indirect.gather [hbm4b:s3+s11], $0x20, s31, s11, $0xb8;
	v34 =	vadd.s32 v37, v34;
	[tilespmem:$0xE400] =	vst v63  }
0x1d: {  	v38 =	vshll.u32 v35, $0x7;
	_ =	swait.ge [sflag:s14], $0x2000;
	v37 =	vshll.u32 v34, $0xA  }
0x1e: {  	[sflag:s14] =	ssyncset.done $0x0;
	v34 =	vshll.u32 v34, $0xB;
	v37 =	vsub.s32 v38, v37  }
0x1f: {  	[sflag:s14] =	ssyncadd.s32 $0xFFFFE000;
	v34 =	vadd.s32 v34, v37  }
0x20: {  	v36 =	vld.idx.msk [tilespmem:v60+s12+$0x0], $0xffff;
	v37 =	vor.u32 v0, v34  }
0x21: {  	v61 =	vadd.s32 v4, v35;
	_ =	sdelay $0x3  }
0x22: {  	[tilespmem:v37+s15+$0x0] =	vst.idx.msk $0xffff, v36  }
0x23: {  	v62 =	vor.u32 v5, v34;
	v36 =	vld.idx.msk [tilespmem:v61+s12+$0x0], $0xffff  }
0x24: {  	v63 =	vadd.s32 v6, v35;
	_ =	sdelay $0x3  }
0x25: {  	[tilespmem:v62+s15+$0x0] =	vst.idx.msk $0xffff, v36  }
0x26: {  	v40 =	vor.u32 v7, v34;
	v36 =	vld.idx.msk [tilespmem:v63+s12+$0x0], $0xffff  }
0x27: {  	v41 =	vadd.s32 v8, v35;
	_ =	sdelay $0x3  }
0x28: {  	[tilespmem:v40+s15+$0x0] =	vst.idx.msk $0xffff, v36  }
0x29: {  	v42 =	vor.u32 v9, v34;
	v36 =	vld.idx.msk [tilespmem:v41+s12+$0x0], $0xffff  }
0x2a: {  	v43 =	vadd.s32 v10, v35;
	_ =	sdelay $0x3  }
0x2b: {  	[tilespmem:v42+s15+$0x0] =	vst.idx.msk $0xffff, v36  }
0x2c: {  	v44 =	vor.u32 v11, v34;
	v36 =	vld.idx.msk [tilespmem:v43+s12+$0x0], $0xffff  }
0x2d: {  	v45 =	vadd.s32 v12, v35;
	_ =	sdelay $0x3  }
0x2e: {  	[tilespmem:v44+s15+$0x0] =	vst.idx.msk $0xffff, v36  }
0x2f: {  	v46 =	vor.u32 v13, v34;
	v36 =	vld.idx.msk [tilespmem:v45+s12+$0x0], $0xffff  }
0x30: {  	v47 =	vadd.s32 v14, v35;
	_ =	sdelay $0x3  }
0x31: {  	[tilespmem:v46+s15+$0x0] =	vst.idx.msk $0xffff, v36  }
0x32: {  	v48 =	vor.u32 v15, v34;
	v36 =	vld.idx.msk [tilespmem:v47+s12+$0x0], $0xffff  }
0x33: {  	v49 =	vadd.s32 v16, v35;
	_ =	sdelay $0x3  }
0x34: {  	[tilespmem:v48+s15+$0x0] =	vst.idx.msk $0xffff, v36  }
0x35: {  	v50 =	vor.u32 v17, v34;
	v36 =	vld.idx.msk [tilespmem:v49+s12+$0x0], $0xffff  }
0x36: {  	v51 =	vadd.s32 v18, v35;
	_ =	sdelay $0x3  }
0x37: {  	[tilespmem:v50+s15+$0x0] =	vst.idx.msk $0xffff, v36  }
0x38: {  	v52 =	vadd.s32 v19, v34;
	v36 =	vld.idx.msk [tilespmem:v51+s12+$0x0], $0xffff  }
0x39: {  	v53 =	vadd.s32 v20, v35;
	_ =	sdelay $0x3  }
0x3a: {  	[tilespmem:v52+s15+$0x0] =	vst.idx.msk $0xffff, v36  }
0x3b: {  	v54 =	vadd.s32 v21, v34;
	v36 =	vld.idx.msk [tilespmem:v53+s12+$0x0], $0xffff  }
0x3c: {  	v55 =	vadd.s32 v22, v35;
	_ =	sdelay $0x3  }
0x3d: {  	[tilespmem:v54+s15+$0x0] =	vst.idx.msk $0xffff, v36  }
0x3e: {  	v56 =	vadd.s32 v23, v34;
	v36 =	vld.idx.msk [tilespmem:v55+s12+$0x0], $0xffff  }
0x3f: {  	v57 =	vadd.s32 v24, v35;
	_ =	sdelay $0x3  }
0x40: {  	[tilespmem:v56+s15+$0x0] =	vst.idx.msk $0xffff, v36  }
0x41: {  	v58 =	vadd.s32 v25, v34;
	v36 =	vld.idx.msk [tilespmem:v57+s12+$0x0], $0xffff  }
0x42: {  	v59 =	vadd.s32 v26, v35;
	_ =	sdelay $0x3  }
0x43: {  	[tilespmem:v58+s15+$0x0] =	vst.idx.msk $0xffff, v36  }
0x44: {  	v60 =	vadd.s32 v27, v34;
	v36 =	vld.idx.msk [tilespmem:v59+s12+$0x0], $0xffff  }
0x45: {  	v61 =	vadd.s32 v28, v35;
	_ =	sdelay $0x3  }
0x46: {  	[tilespmem:v60+s15+$0x0] =	vst.idx.msk $0xffff, v36  }
0x47: {  	v62 =	vadd.s32 v29, v34;
	v36 =	vld.idx.msk [tilespmem:v61+s12+$0x0], $0xffff  }
0x48: {  	v63 =	vadd.s32 v30, v35;
	_ =	sdelay $0x3  }
0x49: {  	[tilespmem:v62+s15+$0x0] =	vst.idx.msk $0xffff, v36  }
0x4a: {  	v38 =	vadd.s32 v31, v34;
	v37 =	vld.idx.msk [tilespmem:v63+s12+$0x0], $0xffff  }
0x4b: {  	v36 =	vadd.s32 v32, v35  }
0x4c: {  	s25 =	simm.s32 $0x1  }
0x4d: {  	s26 =	simm.s32 $0x2;
	v35 =	vadd.s32 s25, v0  }
.LBB2_3:
0x4e: {  	p0 =	sne.s32 s26, $0x1F;
	vm0 =	vgt.u32 v35, $0x1F;
	v39 =	vadd.s32 s25, v2;
	s25 =	smov.u32 s26  }
0x4f: {  	v35 =	vsel vm0, v39, v35;
	[tilespmem:v38+s15+$0x0] =	vst.idx.msk $0xffff, v37  }
0x50: {  	v37 =	vshra.s32 v35, $0x1F;
	vm0 =	vlt.s32 v35, $0x1;
	v38 =	vand.u32 $0x7, v35;
	v36 =	vld.idx.msk [tilespmem:v36+s12+$0x0], $0xffff  }
0x51: {  	v34 =	vadd.s32 v33, v34;
	v37 =	vshrl.u32 v37, $0x1D;
	vm1 =	vne.s32 v38, $0x0  }
0x52: {  	v38 =	vadd.s32 v1, v35;
	v37 =	vadd.s32 v37, v35;
	vm0 =	vmand vm0, vm1  }
0x53: {  	v37 =	vshra.s32 v37, $0x3;
	v39 =	vsel vm0, $0xFFFFFFFF, v3  }
0x54: {  	v37 =	vadd.s32 v39, v37  }
0x55: {  	v40 =	vshll.u32 v35, $0x7;
	v39 =	vshll.u32 v37, $0xA  }
0x56: {  	v37 =	vshll.u32 v37, $0xB;
	v39 =	vsub.s32 v40, v39;
	[tilespmem:v34+s15+$0x0] =	vst.idx.msk $0xffff, v36  }
0x57: {  	v36 =	vld.idx.msk [tilespmem:v38+s12+$0x0], $0xffff;
	v34 =	vadd.s32 v37, v39  }
0x58: {  	v37 =	vor.u32 v0, v34  }
0x59: {  	v38 =	vadd.s32 v4, v35;
	_ =	sdelay $0x3  }
0x5a: {  	[tilespmem:v37+s15+$0x0] =	vst.idx.msk $0xffff, v36  }
0x5b: {  	v36 =	vld.idx.msk [tilespmem:v38+s12+$0x0], $0xffff  }
0x5c: {  	v37 =	vor.u32 v5, v34  }
0x5d: {  	v38 =	vadd.s32 v6, v35;
	_ =	sdelay $0x3  }
0x5e: {  	[tilespmem:v37+s15+$0x0] =	vst.idx.msk $0xffff, v36  }
0x5f: {  	v36 =	vld.idx.msk [tilespmem:v38+s12+$0x0], $0xffff  }
0x60: {  	v37 =	vor.u32 v7, v34  }
0x61: {  	v38 =	vadd.s32 v8, v35;
	_ =	sdelay $0x3  }
0x62: {  	[tilespmem:v37+s15+$0x0] =	vst.idx.msk $0xffff, v36  }
0x63: {  	v36 =	vld.idx.msk [tilespmem:v38+s12+$0x0], $0xffff  }
0x64: {  	v37 =	vor.u32 v9, v34  }
0x65: {  	v38 =	vadd.s32 v10, v35;
	_ =	sdelay $0x3  }
0x66: {  	[tilespmem:v37+s15+$0x0] =	vst.idx.msk $0xffff, v36  }
0x67: {  	v36 =	vld.idx.msk [tilespmem:v38+s12+$0x0], $0xffff  }
0x68: {  	v37 =	vor.u32 v11, v34  }
0x69: {  	v38 =	vadd.s32 v12, v35;
	_ =	sdelay $0x3  }
0x6a: {  	[tilespmem:v37+s15+$0x0] =	vst.idx.msk $0xffff, v36  }
0x6b: {  	v36 =	vld.idx.msk [tilespmem:v38+s12+$0x0], $0xffff  }
0x6c: {  	v37 =	vor.u32 v13, v34  }
0x6d: {  	v38 =	vadd.s32 v14, v35;
	_ =	sdelay $0x3  }
0x6e: {  	[tilespmem:v37+s15+$0x0] =	vst.idx.msk $0xffff, v36  }
0x6f: {  	v36 =	vld.idx.msk [tilespmem:v38+s12+$0x0], $0xffff  }
0x70: {  	v37 =	vor.u32 v15, v34  }
0x71: {  	v38 =	vadd.s32 v16, v35;
	_ =	sdelay $0x3  }
0x72: {  	[tilespmem:v37+s15+$0x0] =	vst.idx.msk $0xffff, v36  }
0x73: {  	v36 =	vld.idx.msk [tilespmem:v38+s12+$0x0], $0xffff  }
0x74: {  	v37 =	vor.u32 v17, v34  }
0x75: {  	v38 =	vadd.s32 v18, v35;
	_ =	sdelay $0x3  }
0x76: {  	[tilespmem:v37+s15+$0x0] =	vst.idx.msk $0xffff, v36  }
0x77: {  	v36 =	vld.idx.msk [tilespmem:v38+s12+$0x0], $0xffff  }
0x78: {  	v37 =	vadd.s32 v19, v34  }
0x79: {  	v38 =	vadd.s32 v20, v35;
	_ =	sdelay $0x3  }
0x7a: {  	[tilespmem:v37+s15+$0x0] =	vst.idx.msk $0xffff, v36  }
0x7b: {  	v36 =	vld.idx.msk [tilespmem:v38+s12+$0x0], $0xffff  }
0x7c: {  	v37 =	vadd.s32 v21, v34  }
0x7d: {  	v38 =	vadd.s32 v22, v35;
	_ =	sdelay $0x3  }
0x7e: {  	[tilespmem:v37+s15+$0x0] =	vst.idx.msk $0xffff, v36  }
0x7f: {  	v36 =	vld.idx.msk [tilespmem:v38+s12+$0x0], $0xffff  }
0x80: {  	v37 =	vadd.s32 v23, v34  }
0x81: {  	v38 =	vadd.s32 v24, v35;
	_ =	sdelay $0x3  }
0x82: {  	[tilespmem:v37+s15+$0x0] =	vst.idx.msk $0xffff, v36  }
0x83: {  	v36 =	vld.idx.msk [tilespmem:v38+s12+$0x0], $0xffff  }
0x84: {  	v37 =	vadd.s32 v25, v34  }
0x85: {  	v38 =	vadd.s32 v26, v35;
	_ =	sdelay $0x3  }
0x86: {  	[tilespmem:v37+s15+$0x0] =	vst.idx.msk $0xffff, v36  }
0x87: {  	v36 =	vld.idx.msk [tilespmem:v38+s12+$0x0], $0xffff  }
0x88: {  	v37 =	vadd.s32 v27, v34  }
0x89: {  	v38 =	vadd.s32 v28, v35;
	_ =	sdelay $0x3  }
0x8a: {  	[tilespmem:v37+s15+$0x0] =	vst.idx.msk $0xffff, v36  }
0x8b: {  	v36 =	vld.idx.msk [tilespmem:v38+s12+$0x0], $0xffff  }
0x8c: {  	v37 =	vadd.s32 v29, v34  }
0x8d: {  	v38 =	vadd.s32 v30, v35;
	_ =	sdelay $0x3  }
0x8e: {  	[tilespmem:v37+s15+$0x0] =	vst.idx.msk $0xffff, v36  }
.Ltmp0:
0x8f: {  	v37 =	vld.idx.msk [tilespmem:v38+s12+$0x0], $0xffff;
	(pc) =	sbr.rel @p0 .LBB2_3-.Ltmp0, $3  }
0x90: {  	v38 =	vadd.s32 v31, v34  }
0x91: {  	v36 =	vadd.s32 v32, v35;
	_ =	sdelay $0x1  }
0x92: {  	s26 =	sadd.s32 $0x1, s26;
	v35 =	vadd.s32 s25, v0  }
0x93: {  	_ = 	snop  }
0x94: {  	vm0 =	vgt.u32 v35, $0x1F;
	v39 =	vadd.s32 s25, v2  }
0x95: {  	v35 =	vsel vm0, v39, v35  }
0x96: {  	v39 =	vshra.s32 v35, $0x1F;
	v40 =	vand.u32 $0x7, v35  }
0x97: {  	[tilespmem:v38+s15+$0x0] =	vst.idx.msk $0xffff, v37;
	vm0 =	vlt.s32 v35, $0x1;
	v47 =	vshrl.u32 v39, $0x1D;
	vm1 =	vne.s32 v40, $0x0  }
0x98: {  	v34 =	vadd.s32 v33, v34;
	v36 =	vld.idx.msk [tilespmem:v36+s12+$0x0], $0xffff;
	v37 =	vadd.s32 v47, v35;
	vm0 =	vmand vm0, vm1  }
0x99: {  	v48 =	vadd.s32 v1, v35;
	v37 =	vshra.s32 v37, $0x3;
	v49 =	vsel vm0, $0xFFFFFFFF, v3  }
0x9a: {  	v37 =	vadd.s32 v49, v37  }
0x9b: {  	v50 =	vshll.u32 v35, $0x7;
	v39 =	vshll.u32 v37, $0xA  }
0x9c: {  	v37 =	vshll.u32 v37, $0xB;
	v39 =	vsub.s32 v50, v39  }
0x9d: {  	[tilespmem:v34+s15+$0x0] =	vst.idx.msk $0xffff, v36;
	v34 =	vadd.s32 v37, v39  }
0x9e: {  	v36 =	vld.idx.msk [tilespmem:v48+s12+$0x0], $0xffff;
	v37 =	vor.u32 v0, v34  }
0x9f: {  	v51 =	vadd.s32 v4, v35;
	_ =	sdelay $0x3  }
0xa0: {  	[tilespmem:v37+s15+$0x0] =	vst.idx.msk $0xffff, v36  }
0xa1: {  	v52 =	vor.u32 v5, v34;
	v36 =	vld.idx.msk [tilespmem:v51+s12+$0x0], $0xffff  }
0xa2: {  	v53 =	vadd.s32 v6, v35;
	_ =	sdelay $0x3  }
0xa3: {  	[tilespmem:v52+s15+$0x0] =	vst.idx.msk $0xffff, v36  }
0xa4: {  	v54 =	vor.u32 v7, v34;
	v36 =	vld.idx.msk [tilespmem:v53+s12+$0x0], $0xffff  }
0xa5: {  	v55 =	vadd.s32 v8, v35;
	_ =	sdelay $0x3  }
0xa6: {  	[tilespmem:v54+s15+$0x0] =	vst.idx.msk $0xffff, v36  }
0xa7: {  	v56 =	vor.u32 v9, v34;
	v36 =	vld.idx.msk [tilespmem:v55+s12+$0x0], $0xffff  }
0xa8: {  	v57 =	vadd.s32 v10, v35;
	_ =	sdelay $0x3  }
0xa9: {  	[tilespmem:v56+s15+$0x0] =	vst.idx.msk $0xffff, v36  }
0xaa: {  	v58 =	vor.u32 v11, v34;
	v36 =	vld.idx.msk [tilespmem:v57+s12+$0x0], $0xffff  }
0xab: {  	v59 =	vadd.s32 v12, v35;
	_ =	sdelay $0x3  }
0xac: {  	[tilespmem:v58+s15+$0x0] =	vst.idx.msk $0xffff, v36  }
0xad: {  	v60 =	vor.u32 v13, v34;
	v36 =	vld.idx.msk [tilespmem:v59+s12+$0x0], $0xffff  }
0xae: {  	v61 =	vadd.s32 v14, v35;
	_ =	sdelay $0x3  }
0xaf: {  	[tilespmem:v60+s15+$0x0] =	vst.idx.msk $0xffff, v36  }
0xb0: {  	v62 =	vor.u32 v15, v34;
	v36 =	vld.idx.msk [tilespmem:v61+s12+$0x0], $0xffff  }
0xb1: {  	v63 =	vadd.s32 v16, v35;
	_ =	sdelay $0x3  }
0xb2: {  	[tilespmem:v62+s15+$0x0] =	vst.idx.msk $0xffff, v36  }
0xb3: {  	v40 =	vor.u32 v17, v34;
	v36 =	vld.idx.msk [tilespmem:v63+s12+$0x0], $0xffff  }
0xb4: {  	v41 =	vadd.s32 v18, v35;
	_ =	sdelay $0x3  }
0xb5: {  	[tilespmem:v40+s15+$0x0] =	vst.idx.msk $0xffff, v36  }
0xb6: {  	v42 =	vadd.s32 v19, v34;
	v36 =	vld.idx.msk [tilespmem:v41+s12+$0x0], $0xffff  }
0xb7: {  	v43 =	vadd.s32 v20, v35;
	_ =	sdelay $0x3  }
0xb8: {  	[tilespmem:v42+s15+$0x0] =	vst.idx.msk $0xffff, v36  }
0xb9: {  	v44 =	vadd.s32 v21, v34;
	v36 =	vld.idx.msk [tilespmem:v43+s12+$0x0], $0xffff  }
0xba: {  	v45 =	vadd.s32 v22, v35;
	_ =	sdelay $0x3  }
0xbb: {  	[tilespmem:v44+s15+$0x0] =	vst.idx.msk $0xffff, v36  }
0xbc: {  	v46 =	vadd.s32 v23, v34;
	v36 =	vld.idx.msk [tilespmem:v45+s12+$0x0], $0xffff  }
0xbd: {  	v47 =	vadd.s32 v24, v35;
	_ =	sdelay $0x3  }
0xbe: {  	[tilespmem:v46+s15+$0x0] =	vst.idx.msk $0xffff, v36  }
0xbf: {  	v48 =	vadd.s32 v25, v34;
	v36 =	vld.idx.msk [tilespmem:v47+s12+$0x0], $0xffff  }
0xc0: {  	v49 =	vadd.s32 v26, v35;
	_ =	sdelay $0x3  }
0xc1: {  	[tilespmem:v48+s15+$0x0] =	vst.idx.msk $0xffff, v36  }
0xc2: {  	v50 =	vadd.s32 v27, v34;
	v36 =	vld.idx.msk [tilespmem:v49+s12+$0x0], $0xffff  }
0xc3: {  	v51 =	vadd.s32 v28, v35;
	_ =	sdelay $0x3  }
0xc4: {  	[tilespmem:v50+s15+$0x0] =	vst.idx.msk $0xffff, v36  }
0xc5: {  	v52 =	vadd.s32 v29, v34;
	v36 =	vld.idx.msk [tilespmem:v51+s12+$0x0], $0xffff  }
0xc6: {  	v53 =	vadd.s32 v30, v35;
	_ =	sdelay $0x3  }
0xc7: {  	[tilespmem:v52+s15+$0x0] =	vst.idx.msk $0xffff, v36  }
0xc8: {  	v54 =	vadd.s32 v31, v34;
	v36 =	vld.idx.msk [tilespmem:v53+s12+$0x0], $0xffff  }
0xc9: {  	v35 =	vadd.s32 v32, v35;
	_ =	sdelay $0x3  }
0xca: {  	[tilespmem:v54+s15+$0x0] =	vst.idx.msk $0xffff, v36  }
0xcb: {  	v34 =	vadd.s32 v33, v34;
	v35 =	vld.idx.msk [tilespmem:v35+s12+$0x0], $0xffff;
	_ =	sdelay $0x2  }
0xcc: {  	s28 =	simm.s32 $0x0  }
0xcd: {  	s25 =	sshll.u32 s23, $0x10;
	v55 =	vadd.s32 s28, v0  }
0xce: {  	p0 =	seq.s32 s23, $0x31;
	s26 =	sadd.s32 s25, s4;
	vm14 =	vgt.u32 v55, $0x1F;
	v56 =	vadd.s32 s28, v2;
	[tilespmem:v34+s15+$0x0] =	vst.idx.msk $0xffff, v35  }
0xcf: {  	v35 =	vsel vm14, v56, v55;
	[hbm4b:s26+s16] =	stream.strided.scatter [tilespmem:s15], [sflag:$0x3], $0x2000, s17, s16, $0x38;
	[tilespmem:$0xE400] =	vst v63  }
0xd0: {  	s26 =	simm.s32 @!p0 $0x3;
	v34 =	vshra.s32 v35, $0x1F;
	v57 =	vand.u32 $0x7, v35  }
0xd1: {  	vm0 =	vlt.s32 v35, $0x1;
	_ =	swait.ge @!p0 [sflag:s26], $0x2000;
	v34 =	vshrl.u32 v34, $0x1D;
	vm15 =	vne.s32 v57, $0x0  }
0xd2: {  	s24 =	sadd.s32 @!p0 $0x200, s24;
	[sflag:s26] =	ssyncset.done @!p0 $0x0;
	v34 =	vadd.s32 v34, v35;
	vm0 =	vmand vm0, vm15  }
0xd3: {  	s28 =	simm.s32 @!p0 $0x6400;
	v58 =	vadd.s32 v1, v35;
	[sflag:s26] =	ssyncadd.s32 @!p0 $0xFFFFE000;
	s26 =	simm.s32 @!p0 $0x100;
	v34 =	vshra.s32 v34, $0x3;
	v59 =	vsel vm0, $0xFFFFFFFF, v3  }
0xd4: {  	[tilespmem:s28], [sflag:$0x1] =	stream.indirect.gather @!p0 [hbm4b:s3+s26], $0x20, s24, s26, $0xb8;
	v34 =	vadd.s32 v59, v34;
	[tilespmem:$0xE400] =	vst v63  }
0xd5: {  	v60 =	vshll.u32 v35, $0x7;
	_ =	swait.ge [sflag:s18], $0x2000;
	v37 =	vshll.u32 v34, $0xA  }
0xd6: {  	v34 =	vshll.u32 v34, $0xB;
	[sflag:s18] =	ssyncset.done $0x0;
	v37 =	vsub.s32 v60, v37  }
0xd7: {  	[sflag:s18] =	ssyncadd.s32 $0xFFFFE000;
	v34 =	vadd.s32 v34, v37  }
0xd8: {  	v36 =	vld.idx.msk [tilespmem:v58+s13+$0x0], $0xffff;
	v37 =	vor.u32 v0, v34  }
0xd9: {  	v61 =	vadd.s32 v4, v35;
	_ =	sdelay $0x3  }
0xda: {  	[tilespmem:v37+s19+$0x0] =	vst.idx.msk $0xffff, v36  }
0xdb: {  	v62 =	vor.u32 v5, v34;
	v36 =	vld.idx.msk [tilespmem:v61+s13+$0x0], $0xffff  }
0xdc: {  	v63 =	vadd.s32 v6, v35;
	_ =	sdelay $0x3  }
0xdd: {  	[tilespmem:v62+s19+$0x0] =	vst.idx.msk $0xffff, v36  }
0xde: {  	v40 =	vor.u32 v7, v34;
	v36 =	vld.idx.msk [tilespmem:v63+s13+$0x0], $0xffff  }
0xdf: {  	v41 =	vadd.s32 v8, v35;
	_ =	sdelay $0x3  }
0xe0: {  	[tilespmem:v40+s19+$0x0] =	vst.idx.msk $0xffff, v36  }
0xe1: {  	v42 =	vor.u32 v9, v34;
	v36 =	vld.idx.msk [tilespmem:v41+s13+$0x0], $0xffff  }
0xe2: {  	v43 =	vadd.s32 v10, v35;
	_ =	sdelay $0x3  }
0xe3: {  	[tilespmem:v42+s19+$0x0] =	vst.idx.msk $0xffff, v36  }
0xe4: {  	v44 =	vor.u32 v11, v34;
	v36 =	vld.idx.msk [tilespmem:v43+s13+$0x0], $0xffff  }
0xe5: {  	v45 =	vadd.s32 v12, v35;
	_ =	sdelay $0x3  }
0xe6: {  	[tilespmem:v44+s19+$0x0] =	vst.idx.msk $0xffff, v36  }
0xe7: {  	v46 =	vor.u32 v13, v34;
	v36 =	vld.idx.msk [tilespmem:v45+s13+$0x0], $0xffff  }
0xe8: {  	v47 =	vadd.s32 v14, v35;
	_ =	sdelay $0x3  }
0xe9: {  	[tilespmem:v46+s19+$0x0] =	vst.idx.msk $0xffff, v36  }
0xea: {  	v48 =	vor.u32 v15, v34;
	v36 =	vld.idx.msk [tilespmem:v47+s13+$0x0], $0xffff  }
0xeb: {  	v49 =	vadd.s32 v16, v35;
	_ =	sdelay $0x3  }
0xec: {  	[tilespmem:v48+s19+$0x0] =	vst.idx.msk $0xffff, v36  }
0xed: {  	v50 =	vor.u32 v17, v34;
	v36 =	vld.idx.msk [tilespmem:v49+s13+$0x0], $0xffff  }
0xee: {  	v51 =	vadd.s32 v18, v35;
	_ =	sdelay $0x3  }
0xef: {  	[tilespmem:v50+s19+$0x0] =	vst.idx.msk $0xffff, v36  }
0xf0: {  	v52 =	vadd.s32 v19, v34;
	v36 =	vld.idx.msk [tilespmem:v51+s13+$0x0], $0xffff  }
0xf1: {  	v53 =	vadd.s32 v20, v35;
	_ =	sdelay $0x3  }
0xf2: {  	[tilespmem:v52+s19+$0x0] =	vst.idx.msk $0xffff, v36  }
0xf3: {  	v54 =	vadd.s32 v21, v34;
	v36 =	vld.idx.msk [tilespmem:v53+s13+$0x0], $0xffff  }
0xf4: {  	v55 =	vadd.s32 v22, v35;
	_ =	sdelay $0x3  }
0xf5: {  	[tilespmem:v54+s19+$0x0] =	vst.idx.msk $0xffff, v36  }
0xf6: {  	v56 =	vadd.s32 v23, v34;
	v36 =	vld.idx.msk [tilespmem:v55+s13+$0x0], $0xffff  }
0xf7: {  	v57 =	vadd.s32 v24, v35;
	_ =	sdelay $0x3  }
0xf8: {  	[tilespmem:v56+s19+$0x0] =	vst.idx.msk $0xffff, v36  }
0xf9: {  	v58 =	vadd.s32 v25, v34;
	v36 =	vld.idx.msk [tilespmem:v57+s13+$0x0], $0xffff  }
0xfa: {  	v59 =	vadd.s32 v26, v35;
	_ =	sdelay $0x3  }
0xfb: {  	[tilespmem:v58+s19+$0x0] =	vst.idx.msk $0xffff, v36  }
0xfc: {  	v60 =	vadd.s32 v27, v34;
	v36 =	vld.idx.msk [tilespmem:v59+s13+$0x0], $0xffff  }
0xfd: {  	v61 =	vadd.s32 v28, v35;
	_ =	sdelay $0x3  }
0xfe: {  	[tilespmem:v60+s19+$0x0] =	vst.idx.msk $0xffff, v36  }
0xff: {  	v62 =	vadd.s32 v29, v34;
	v36 =	vld.idx.msk [tilespmem:v61+s13+$0x0], $0xffff  }
0x100: {  	v63 =	vadd.s32 v30, v35;
	_ =	sdelay $0x3  }
0x101: {  	[tilespmem:v62+s19+$0x0] =	vst.idx.msk $0xffff, v36  }
0x102: {  	v38 =	vadd.s32 v31, v34;
	v37 =	vld.idx.msk [tilespmem:v63+s13+$0x0], $0xffff  }
0x103: {  	v36 =	vadd.s32 v32, v35  }
0x104: {  	s24 =	simm.s32 $0x1  }
0x105: {  	s23 =	sadd.s32 $0x1, s23;
	s26 =	simm.s32 $0x2;
	v35 =	vadd.s32 s24, v0  }
.LBB2_5:
0x106: {  	p0 =	sne.s32 s26, $0x1F;
	vm0 =	vgt.u32 v35, $0x1F;
	v39 =	vadd.s32 s24, v2;
	s24 =	smov.u32 s26  }
0x107: {  	v35 =	vsel vm0, v39, v35;
	[tilespmem:v38+s19+$0x0] =	vst.idx.msk $0xffff, v37  }
0x108: {  	v37 =	vshra.s32 v35, $0x1F;
	vm0 =	vlt.s32 v35, $0x1;
	v38 =	vand.u32 $0x7, v35;
	v36 =	vld.idx.msk [tilespmem:v36+s13+$0x0], $0xffff  }
0x109: {  	v34 =	vadd.s32 v33, v34;
	v37 =	vshrl.u32 v37, $0x1D;
	vm1 =	vne.s32 v38, $0x0  }
0x10a: {  	v38 =	vadd.s32 v1, v35;
	v37 =	vadd.s32 v37, v35;
	vm0 =	vmand vm0, vm1  }
0x10b: {  	v37 =	vshra.s32 v37, $0x3;
	v39 =	vsel vm0, $0xFFFFFFFF, v3  }
0x10c: {  	v37 =	vadd.s32 v39, v37  }
0x10d: {  	v40 =	vshll.u32 v35, $0x7;
	v39 =	vshll.u32 v37, $0xA  }
0x10e: {  	v37 =	vshll.u32 v37, $0xB;
	v39 =	vsub.s32 v40, v39;
	[tilespmem:v34+s19+$0x0] =	vst.idx.msk $0xffff, v36  }
0x10f: {  	v36 =	vld.idx.msk [tilespmem:v38+s13+$0x0], $0xffff;
	v34 =	vadd.s32 v37, v39  }
0x110: {  	v37 =	vor.u32 v0, v34  }
0x111: {  	v38 =	vadd.s32 v4, v35;
	_ =	sdelay $0x3  }
0x112: {  	[tilespmem:v37+s19+$0x0] =	vst.idx.msk $0xffff, v36  }
0x113: {  	v36 =	vld.idx.msk [tilespmem:v38+s13+$0x0], $0xffff  }
0x114: {  	v37 =	vor.u32 v5, v34  }
0x115: {  	v38 =	vadd.s32 v6, v35;
	_ =	sdelay $0x3  }
0x116: {  	[tilespmem:v37+s19+$0x0] =	vst.idx.msk $0xffff, v36  }
0x117: {  	v36 =	vld.idx.msk [tilespmem:v38+s13+$0x0], $0xffff  }
0x118: {  	v37 =	vor.u32 v7, v34  }
0x119: {  	v38 =	vadd.s32 v8, v35;
	_ =	sdelay $0x3  }
0x11a: {  	[tilespmem:v37+s19+$0x0] =	vst.idx.msk $0xffff, v36  }
0x11b: {  	v36 =	vld.idx.msk [tilespmem:v38+s13+$0x0], $0xffff  }
0x11c: {  	v37 =	vor.u32 v9, v34  }
0x11d: {  	v38 =	vadd.s32 v10, v35;
	_ =	sdelay $0x3  }
0x11e: {  	[tilespmem:v37+s19+$0x0] =	vst.idx.msk $0xffff, v36  }
0x11f: {  	v36 =	vld.idx.msk [tilespmem:v38+s13+$0x0], $0xffff  }
0x120: {  	v37 =	vor.u32 v11, v34  }
0x121: {  	v38 =	vadd.s32 v12, v35;
	_ =	sdelay $0x3  }
0x122: {  	[tilespmem:v37+s19+$0x0] =	vst.idx.msk $0xffff, v36  }
0x123: {  	v36 =	vld.idx.msk [tilespmem:v38+s13+$0x0], $0xffff  }
0x124: {  	v37 =	vor.u32 v13, v34  }
0x125: {  	v38 =	vadd.s32 v14, v35;
	_ =	sdelay $0x3  }
0x126: {  	[tilespmem:v37+s19+$0x0] =	vst.idx.msk $0xffff, v36  }
0x127: {  	v36 =	vld.idx.msk [tilespmem:v38+s13+$0x0], $0xffff  }
0x128: {  	v37 =	vor.u32 v15, v34  }
0x129: {  	v38 =	vadd.s32 v16, v35;
	_ =	sdelay $0x3  }
0x12a: {  	[tilespmem:v37+s19+$0x0] =	vst.idx.msk $0xffff, v36  }
0x12b: {  	v36 =	vld.idx.msk [tilespmem:v38+s13+$0x0], $0xffff  }
0x12c: {  	v37 =	vor.u32 v17, v34  }
0x12d: {  	v38 =	vadd.s32 v18, v35;
	_ =	sdelay $0x3  }
0x12e: {  	[tilespmem:v37+s19+$0x0] =	vst.idx.msk $0xffff, v36  }
0x12f: {  	v36 =	vld.idx.msk [tilespmem:v38+s13+$0x0], $0xffff  }
0x130: {  	v37 =	vadd.s32 v19, v34  }
0x131: {  	v38 =	vadd.s32 v20, v35;
	_ =	sdelay $0x3  }
0x132: {  	[tilespmem:v37+s19+$0x0] =	vst.idx.msk $0xffff, v36  }
0x133: {  	v36 =	vld.idx.msk [tilespmem:v38+s13+$0x0], $0xffff  }
0x134: {  	v37 =	vadd.s32 v21, v34  }
0x135: {  	v38 =	vadd.s32 v22, v35;
	_ =	sdelay $0x3  }
0x136: {  	[tilespmem:v37+s19+$0x0] =	vst.idx.msk $0xffff, v36  }
0x137: {  	v36 =	vld.idx.msk [tilespmem:v38+s13+$0x0], $0xffff  }
0x138: {  	v37 =	vadd.s32 v23, v34  }
0x139: {  	v38 =	vadd.s32 v24, v35;
	_ =	sdelay $0x3  }
0x13a: {  	[tilespmem:v37+s19+$0x0] =	vst.idx.msk $0xffff, v36  }
0x13b: {  	v36 =	vld.idx.msk [tilespmem:v38+s13+$0x0], $0xffff  }
0x13c: {  	v37 =	vadd.s32 v25, v34  }
0x13d: {  	v38 =	vadd.s32 v26, v35;
	_ =	sdelay $0x3  }
0x13e: {  	[tilespmem:v37+s19+$0x0] =	vst.idx.msk $0xffff, v36  }
0x13f: {  	v36 =	vld.idx.msk [tilespmem:v38+s13+$0x0], $0xffff  }
0x140: {  	v37 =	vadd.s32 v27, v34  }
0x141: {  	v38 =	vadd.s32 v28, v35;
	_ =	sdelay $0x3  }
0x142: {  	[tilespmem:v37+s19+$0x0] =	vst.idx.msk $0xffff, v36  }
0x143: {  	v36 =	vld.idx.msk [tilespmem:v38+s13+$0x0], $0xffff  }
0x144: {  	v37 =	vadd.s32 v29, v34  }
0x145: {  	v38 =	vadd.s32 v30, v35;
	_ =	sdelay $0x3  }
0x146: {  	[tilespmem:v37+s19+$0x0] =	vst.idx.msk $0xffff, v36  }
.Ltmp1:
0x147: {  	v37 =	vld.idx.msk [tilespmem:v38+s13+$0x0], $0xffff;
	(pc) =	sbr.rel @p0 .LBB2_5-.Ltmp1, $3  }
0x148: {  	v38 =	vadd.s32 v31, v34  }
0x149: {  	v36 =	vadd.s32 v32, v35;
	_ =	sdelay $0x1  }
0x14a: {  	s26 =	sadd.s32 $0x1, s26;
	v35 =	vadd.s32 s24, v0  }
0x14b: {  	_ = 	snop  }
0x14c: {  	vm0 =	vgt.u32 v35, $0x1F;
	v39 =	vadd.s32 s24, v2  }
0x14d: {  	v35 =	vsel vm0, v39, v35  }
0x14e: {  	v39 =	vshra.s32 v35, $0x1F;
	v40 =	vand.u32 $0x7, v35  }
0x14f: {  	[tilespmem:v38+s19+$0x0] =	vst.idx.msk $0xffff, v37;
	vm0 =	vlt.s32 v35, $0x1;
	v56 =	vshrl.u32 v39, $0x1D;
	vm1 =	vne.s32 v40, $0x0  }
0x150: {  	v34 =	vadd.s32 v33, v34;
	v36 =	vld.idx.msk [tilespmem:v36+s13+$0x0], $0xffff;
	v37 =	vadd.s32 v56, v35;
	vm0 =	vmand vm0, vm1  }
0x151: {  	v57 =	vadd.s32 v1, v35;
	v37 =	vshra.s32 v37, $0x3;
	v58 =	vsel vm0, $0xFFFFFFFF, v3  }
0x152: {  	v37 =	vadd.s32 v58, v37  }
0x153: {  	v59 =	vshll.u32 v35, $0x7;
	v39 =	vshll.u32 v37, $0xA  }
0x154: {  	v37 =	vshll.u32 v37, $0xB;
	v39 =	vsub.s32 v59, v39  }
0x155: {  	[tilespmem:v34+s19+$0x0] =	vst.idx.msk $0xffff, v36;
	v34 =	vadd.s32 v37, v39  }
0x156: {  	v36 =	vld.idx.msk [tilespmem:v57+s13+$0x0], $0xffff;
	v37 =	vor.u32 v0, v34  }
0x157: {  	v60 =	vadd.s32 v4, v35;
	_ =	sdelay $0x3  }
0x158: {  	[tilespmem:v37+s19+$0x0] =	vst.idx.msk $0xffff, v36  }
0x159: {  	v61 =	vor.u32 v5, v34;
	v36 =	vld.idx.msk [tilespmem:v60+s13+$0x0], $0xffff  }
0x15a: {  	v62 =	vadd.s32 v6, v35;
	_ =	sdelay $0x3  }
0x15b: {  	[tilespmem:v61+s19+$0x0] =	vst.idx.msk $0xffff, v36  }
0x15c: {  	v63 =	vor.u32 v7, v34;
	v36 =	vld.idx.msk [tilespmem:v62+s13+$0x0], $0xffff  }
0x15d: {  	v40 =	vadd.s32 v8, v35;
	_ =	sdelay $0x3  }
0x15e: {  	[tilespmem:v63+s19+$0x0] =	vst.idx.msk $0xffff, v36  }
0x15f: {  	v41 =	vor.u32 v9, v34;
	v36 =	vld.idx.msk [tilespmem:v40+s13+$0x0], $0xffff  }
0x160: {  	v42 =	vadd.s32 v10, v35;
	_ =	sdelay $0x3  }
0x161: {  	[tilespmem:v41+s19+$0x0] =	vst.idx.msk $0xffff, v36  }
0x162: {  	v43 =	vor.u32 v11, v34;
	v36 =	vld.idx.msk [tilespmem:v42+s13+$0x0], $0xffff  }
0x163: {  	v44 =	vadd.s32 v12, v35;
	_ =	sdelay $0x3  }
0x164: {  	[tilespmem:v43+s19+$0x0] =	vst.idx.msk $0xffff, v36  }
0x165: {  	v45 =	vor.u32 v13, v34;
	v36 =	vld.idx.msk [tilespmem:v44+s13+$0x0], $0xffff  }
0x166: {  	v46 =	vadd.s32 v14, v35;
	_ =	sdelay $0x3  }
0x167: {  	[tilespmem:v45+s19+$0x0] =	vst.idx.msk $0xffff, v36  }
0x168: {  	v47 =	vor.u32 v15, v34;
	v36 =	vld.idx.msk [tilespmem:v46+s13+$0x0], $0xffff  }
0x169: {  	v48 =	vadd.s32 v16, v35;
	_ =	sdelay $0x3  }
0x16a: {  	[tilespmem:v47+s19+$0x0] =	vst.idx.msk $0xffff, v36  }
0x16b: {  	v49 =	vor.u32 v17, v34;
	v36 =	vld.idx.msk [tilespmem:v48+s13+$0x0], $0xffff  }
0x16c: {  	v50 =	vadd.s32 v18, v35;
	_ =	sdelay $0x3  }
0x16d: {  	[tilespmem:v49+s19+$0x0] =	vst.idx.msk $0xffff, v36  }
0x16e: {  	v51 =	vadd.s32 v19, v34;
	v36 =	vld.idx.msk [tilespmem:v50+s13+$0x0], $0xffff  }
0x16f: {  	v52 =	vadd.s32 v20, v35;
	_ =	sdelay $0x3  }
0x170: {  	[tilespmem:v51+s19+$0x0] =	vst.idx.msk $0xffff, v36  }
0x171: {  	v53 =	vadd.s32 v21, v34;
	v36 =	vld.idx.msk [tilespmem:v52+s13+$0x0], $0xffff  }
0x172: {  	v54 =	vadd.s32 v22, v35;
	_ =	sdelay $0x3  }
0x173: {  	[tilespmem:v53+s19+$0x0] =	vst.idx.msk $0xffff, v36  }
0x174: {  	v55 =	vadd.s32 v23, v34;
	v36 =	vld.idx.msk [tilespmem:v54+s13+$0x0], $0xffff  }
0x175: {  	v56 =	vadd.s32 v24, v35;
	_ =	sdelay $0x3  }
0x176: {  	[tilespmem:v55+s19+$0x0] =	vst.idx.msk $0xffff, v36  }
0x177: {  	v57 =	vadd.s32 v25, v34;
	v36 =	vld.idx.msk [tilespmem:v56+s13+$0x0], $0xffff  }
0x178: {  	v58 =	vadd.s32 v26, v35;
	_ =	sdelay $0x3  }
0x179: {  	[tilespmem:v57+s19+$0x0] =	vst.idx.msk $0xffff, v36  }
0x17a: {  	v59 =	vadd.s32 v27, v34;
	v36 =	vld.idx.msk [tilespmem:v58+s13+$0x0], $0xffff  }
0x17b: {  	v60 =	vadd.s32 v28, v35;
	_ =	sdelay $0x3  }
0x17c: {  	[tilespmem:v59+s19+$0x0] =	vst.idx.msk $0xffff, v36  }
0x17d: {  	v61 =	vadd.s32 v29, v34;
	v36 =	vld.idx.msk [tilespmem:v60+s13+$0x0], $0xffff  }
0x17e: {  	v62 =	vadd.s32 v30, v35;
	_ =	sdelay $0x3  }
0x17f: {  	[tilespmem:v61+s19+$0x0] =	vst.idx.msk $0xffff, v36  }
0x180: {  	v63 =	vadd.s32 v31, v34;
	v36 =	vld.idx.msk [tilespmem:v62+s13+$0x0], $0xffff  }
0x181: {  	v35 =	vadd.s32 v32, v35;
	_ =	sdelay $0x3  }
0x182: {  	[tilespmem:v63+s19+$0x0] =	vst.idx.msk $0xffff, v36  }
0x183: {  	v34 =	vadd.s32 v33, v34;
	v35 =	vld.idx.msk [tilespmem:v35+s13+$0x0], $0xffff  }
0x184: {  	p0 =	sne.s32 s23, $0x32  }
.Ltmp2:
0x185: {  	_ = 	snop;
	(pc) =	sbr.rel @p0 .LBB2_2-.Ltmp2, $3  }
0x186: {  	_ =	sdelay $0x1  }
0x187: {  	s31 =	sadd.s32 s25, s6;
	[tilespmem:v34+s19+$0x0] =	vst.idx.msk $0xffff, v35  }
0x188: {  	[hbm4b:s31+s16] =	stream.strided.scatter [tilespmem:s19], [sflag:$0x4], $0x2000, s17, s16, $0x38;
	[tilespmem:$0xE400] =	vst v63  }
0x189: {  	s22 =	sadd.s32 $0x1, s22  }
0x18a: {  	_ =	swait.ge [sflag:s20], $0x2000;
	p0 =	sne.s32 s22, s7  }
.Ltmp3:
0x18b: {  	[sflag:s20] =	ssyncset.done $0x0;
	(pc) =	sbr.rel @p0 .LBB2_1-.Ltmp3, $4  }
0x18c: {  	[sflag:s20] =	ssyncadd.s32 $0xFFFFE000  }
0x18d: {  	_ =	swait.ge [sflag:s21], $0x2000  }
0x18e: {  	[sflag:s21] =	ssyncset.done $0x0  }
0x18f: {  	[sflag:s21] =	ssyncadd.s32 $0xFFFFE000  }
0x190: {  	_ =	sfence.sel $0x180000  }
0x191: {  	[bflag:$0x0] =	sbarrier.arrive $0xFFFF  }
0x192: {  	p0 =	sne.s32 s1, $0x0;
	_ =	strace $0x90000047  }
0x193: {  	s0 =	sadd.s32 @!p0 $0x100000, s0;
	[bflag:$0x2] =	sbarrier.arrive $0xFFFF  }
0x194: {  	[sflag:s0] =	ssyncadd.tile.s32 @!p0 $0x1;
	_ =	shalt  }
.Lfunc_end2:
_tile_overlayer_lowered:
.L_overlay_start_2:
0x195: {  	(tag) =	ssettag $0x2  }
0x196: {  	s0 =	rddreg [dreg:$0x0];
	s2 =	stileid.u32  }
0x197: {  	s1 =	rddreg [dreg:$0x1];
	p0 =	sne.s32 s2, $0x0  }
0x198: {  	s3 =	rddreg [dreg:$0x2];
	[bflag:$0x3] =	sbarrier.arrive $0xFFFF;
	s2 =	simm.s32 @!p0 $0x1C05  }
0x199: {  	[timem:s3], [sflag:s2] =	dma.local @!p0 [hbm:s0], s1  }
0x19a: {  	s0 =	simm.s32 @!p0 $0x5  }
0x19b: {  	_ =	swait.ge @!p0 [sflag:s0], s1  }
0x19c: {  	s1 =	ssub.s32 @!p0 $0x0, s1;
	[sflag:s0] =	ssyncset.done @!p0 $0x0  }
0x19d: {  	[sflag:s0] =	ssyncadd.s32 @!p0 s1  }
0x19e: {  	[bflag:$0x3] =	sbarrier.arrive $0xFFFF  }
0x19f: {  	_ =	shalt  }

</sc_bundles>
